<compile_context>
chip_gen: v7x
topology: tpu7x:2x2x1
jax: 0.10.2.dev20260603
libtpu: 0.0.44.dev20260713+nightly
codegen_flags: <defaults>
</compile_context>

<pallas_src>
import jax
import jax.numpy as jnp
from jax import lax
from jax.experimental import pallas as pl
from jax.experimental.pallas import tpu as pltpu
from jax.experimental.pallas import tpu_sc as plsc

DIM = 32
L = 16
NC = 2
NS = 16
NW = NC * NS
BATCH = 16384
BPW = BATCH // NW
STRIDE = 1024
NBUF = 14
BLK = 128
NGRP = BPW // L


def _mf_body(uid_hbm, iid_hbm, ut_hbm, it_hbm, out_hbm,
             uids_v, iids_v, ubuf_v, ibuf_v, out_v, sem):
    wid = lax.axis_index("s") * NC + lax.axis_index("c")

    pltpu.sync_copy(uid_hbm.at[pl.ds(wid * STRIDE, STRIDE)], uids_v)
    pltpu.sync_copy(iid_hbm.at[pl.ds(wid * STRIDE, STRIDE)], iids_v)

    def fire(slot, ru, ri):
        cu = pl.multiple_of((ru >> 7) * BLK, BLK)
        ci = pl.multiple_of((ri >> 7) * BLK, BLK)
        pltpu.async_copy(ut_hbm.at[:, pl.ds(cu, BLK)], ubuf_v.at[slot], sem)
        pltpu.async_copy(it_hbm.at[:, pl.ds(ci, BLK)], ibuf_v.at[slot], sem)

    def drain_one():
        pltpu.make_async_copy(ut_hbm.at[:, pl.ds(0, BLK)], ubuf_v.at[0], sem).wait()
        pltpu.make_async_copy(it_hbm.at[:, pl.ds(0, BLK)], ibuf_v.at[0], sem).wait()

    lane = lax.iota(jnp.int32, L)

    uv0 = uids_v[pl.ds(0, L)]
    iv0 = iids_v[pl.ds(0, L)]
    for p in range(NBUF):
        fire(p, uv0[p] - 1, iv0[p] - 1)

    def make_group(do_fire):
        def body(g, carry):
            base = g * L
            uv_g = uids_v[pl.ds(base, L)]
            iv_g = iids_v[pl.ds(base, L)]
            if do_fire:
                uv_n = uids_v[pl.ds(base + L, L)]
                iv_n = iids_v[pl.ds(base + L, L)]
            acc = jnp.zeros((L,), jnp.float32)
            for k in range(L):
                drain_one()
                e = base + k
                slot = jnp.full((L,), lax.rem(e, NBUF), jnp.int32)
                ru = uv_g[k] - 1
                ri = iv_g[k] - 1
                colu = jnp.full((L,), ru & 127, jnp.int32)
                coli = jnp.full((L,), ri & 127, jnp.int32)
                hi = lane + L
                u0 = plsc.load_gather(ubuf_v, [slot, lane, colu])
                u1 = plsc.load_gather(ubuf_v, [slot, hi, colu])
                i0 = plsc.load_gather(ibuf_v, [slot, lane, coli])
                i1 = plsc.load_gather(ibuf_v, [slot, hi, coli])
                acc = jnp.where(lane == k, jnp.sum(u0 * i0 + u1 * i1), acc)
                if do_fire:
                    ru2 = (uv_g[k + NBUF] if k + NBUF < L else uv_n[k + NBUF - L]) - 1
                    ri2 = (iv_g[k + NBUF] if k + NBUF < L else iv_n[k + NBUF - L]) - 1
                    fire(lax.rem(e + NBUF, NBUF), ru2, ri2)
            out_v[pl.ds(base, L)] = acc
            return carry
        return body

    lax.fori_loop(0, NGRP, make_group(True), 0)

    for _ in range(NBUF):
        drain_one()

    pltpu.sync_copy(out_v, out_hbm.at[pl.ds(wid * STRIDE, STRIDE)])


def kernel(user_id, item_id, user_table, item_table):
    pad = jnp.ones((NW, STRIDE - BPW), jnp.int32)
    uid_pad = jnp.concatenate([user_id.reshape(NW, BPW), pad], axis=1).reshape(-1)
    iid_pad = jnp.concatenate([item_id.reshape(NW, BPW), pad], axis=1).reshape(-1)
    mesh = plsc.VectorSubcoreMesh(core_axis_name="c", subcore_axis_name="s")
    f = pl.kernel(
        _mf_body,
        mesh=mesh,
        compiler_params=pltpu.CompilerParams(needs_layout_passes=False),
        out_type=jax.ShapeDtypeStruct((NW * STRIDE,), jnp.float32),
        scratch_types=[
            pltpu.VMEM((STRIDE,), jnp.int32),
            pltpu.VMEM((STRIDE,), jnp.int32),
            pltpu.VMEM((NBUF, DIM, BLK), jnp.float32),
            pltpu.VMEM((NBUF, DIM, BLK), jnp.float32),
            pltpu.VMEM((STRIDE,), jnp.float32),
            pltpu.SemaphoreType.DMA,
        ],
    )
    out = f(uid_pad, iid_pad, user_table.T, item_table.T)
    return out.reshape(NW, STRIDE)[:, :BPW].reshape(BATCH)

# --- scband reference (transcript-rebuilt; emitter-appended) ---
"""Pipeline reference for scband-mf-68375879352448 (READ-ONLY COPY).

The authoritative reference and input builder live on the scoring server;
editing this copy changes nothing except your own understanding.
"""

import jax, jax.numpy as jnp
import numpy as np

USER_NUM = 1000000
ITEM_NUM = 1000000
DIM = 32
BATCH = 16384

def setup_inputs(seed: int = 0) -> dict:
    key = jax.random.key(seed)
    k1, k2, k3, k4 = jax.random.split(key, 4)
    # IDs are 1-indexed in the original module (forward subtracts 1),
    # so sample in [1, NUM] to keep indices in range after the -1.
    user_id = jax.random.randint(k1, (BATCH,), 1, USER_NUM + 1, dtype=jnp.int64) if jax.config.jax_enable_x64 else jax.random.randint(k1, (BATCH,), 1, USER_NUM + 1, dtype=jnp.int32)
    item_id = jax.random.randint(k2, (BATCH,), 1, ITEM_NUM + 1, dtype=jnp.int32)
    user_id = jax.random.randint(k1, (BATCH,), 1, USER_NUM + 1, dtype=jnp.int32)
    user_table = jax.random.normal(k3, (USER_NUM, DIM), dtype=jnp.float32)
    item_table = jax.random.normal(k4, (ITEM_NUM, DIM), dtype=jnp.float32)
    return {"user_id": user_id, "item_id": item_id, "user_table": user_table, "item_table": item_table}

def reference(user_id, item_id, user_table, item_table):
    # MF.forward: embed (id - 1) in each table, elementwise multiply, sum over dim
    user_embed = jnp.take(user_table, user_id - 1, axis=0)
    item_embed = jnp.take(item_table, item_id - 1, axis=0)
    prediction = jnp.sum(user_embed * item_embed, axis=1)
    return prediction

if __name__ == "__main__":
    import jax
    _d = setup_inputs()
    print(jax.jit(kernel)(*tuple(_d.values())))

</pallas_src>

<mosaic_0001>
#map = affine_map<(d0, d1) -> (0)>
#map1 = affine_map<(d0, d1) -> (0, 0)>
module attributes {stable_mosaic.version = 14 : i64} {
  func.func @_mf_body(%arg0: i32, %arg1: i32, %arg2: memref<32768xi32, #tpu.memory_space<hbm>>, %arg3: memref<32768xi32, #tpu.memory_space<hbm>>, %arg4: memref<32x1000000xf32, #tpu.memory_space<hbm>>, %arg5: memref<32x1000000xf32, #tpu.memory_space<hbm>>, %arg6: memref<32768xf32, #tpu.memory_space<hbm>>, %arg7: memref<1024xi32, #tpu.memory_space<vmem>>, %arg8: memref<1024xi32, #tpu.memory_space<vmem>>, %arg9: memref<14x32x128xf32, #tpu.memory_space<vmem>>, %arg10: memref<14x32x128xf32, #tpu.memory_space<vmem>>, %arg11: memref<1024xf32, #tpu.memory_space<vmem>>, %arg12: memref<!tpu.dma_semaphore, #tpu.memory_space<semaphore_mem>>) attributes {dimension_semantics = [#tpu.dimension_semantics<core_parallel>, #tpu.dimension_semantics<subcore_parallel>], iteration_bounds = array<i64: 2, 16>, scalar_prefetch = 0 : i64, scratch_operands = 6 : i64, tpu.core_type = #tpu.core_type<sc_vector_subcore>, window_params = [{transform_indices = #map}, {transform_indices = #map}, {transform_indices = #map1}, {transform_indices = #map1}, {transform_indices = #map}]} {
    %mul3A = arith.constant 2 : i32
    %mul3A_0 = arith.muli %arg1, %mul3A : i32
    %add3A = arith.addi %mul3A_0, %arg0 : i32
    %mul3A_1 = arith.constant 1024 : i32
    %mul3A_2 = arith.muli %add3A, %mul3A_1 : i32
    "tpu.region"() ({
      %run_scoped3A = tpu.sem_alloc : memref<!tpu.dma_semaphore, #tpu.memory_space<semaphore_mem>>
      %dma_start3A_1044 = tpu.memref_slice %arg2[%mul3A_2] : memref<32768xi32, #tpu.memory_space<hbm>> -> memref<1024xi32, #tpu.memory_space<hbm>>
      %dma_start3A_1045 = tpu.memref_slice %arg2[%mul3A_2] : memref<32768xi32, #tpu.memory_space<hbm>> -> memref<1024xi32, #tpu.memory_space<hbm>>
      tpu.enqueue_dma source(%dma_start3A_1045 : memref<1024xi32, #tpu.memory_space<hbm>>) target(%arg7 : memref<1024xi32, #tpu.memory_space<vmem>>) target_semaphore(%run_scoped3A : memref<!tpu.dma_semaphore, #tpu.memory_space<semaphore_mem>>)
      %dma_wait3A_1046 = tpu.memref_slice %arg2[%mul3A_2] : memref<32768xi32, #tpu.memory_space<hbm>> -> memref<1024xi32, #tpu.memory_space<hbm>>
      %dma_wait3A_1047 = tpu.memref_slice %arg2[%mul3A_2] : memref<32768xi32, #tpu.memory_space<hbm>> -> memref<1024xi32, #tpu.memory_space<hbm>>
      tpu.wait_dma2 semaphore(%run_scoped3A : memref<!tpu.dma_semaphore, #tpu.memory_space<semaphore_mem>>) src(%dma_wait3A_1047 : memref<1024xi32, #tpu.memory_space<hbm>>) dst(%arg7 : memref<1024xi32, #tpu.memory_space<vmem>>)
      tpu.yield
    }) : () -> ()
    %mul3A_3 = arith.constant 1024 : i32
    %mul3A_4 = arith.muli %add3A, %mul3A_3 : i32
    "tpu.region"() ({
      %run_scoped3A = tpu.sem_alloc : memref<!tpu.dma_semaphore, #tpu.memory_space<semaphore_mem>>
      %dma_start3A_1044 = tpu.memref_slice %arg3[%mul3A_4] : memref<32768xi32, #tpu.memory_space<hbm>> -> memref<1024xi32, #tpu.memory_space<hbm>>
      %dma_start3A_1045 = tpu.memref_slice %arg3[%mul3A_4] : memref<32768xi32, #tpu.memory_space<hbm>> -> memref<1024xi32, #tpu.memory_space<hbm>>
      tpu.enqueue_dma source(%dma_start3A_1045 : memref<1024xi32, #tpu.memory_space<hbm>>) target(%arg8 : memref<1024xi32, #tpu.memory_space<vmem>>) target_semaphore(%run_scoped3A : memref<!tpu.dma_semaphore, #tpu.memory_space<semaphore_mem>>)
      %dma_wait3A_1046 = tpu.memref_slice %arg3[%mul3A_4] : memref<32768xi32, #tpu.memory_space<hbm>> -> memref<1024xi32, #tpu.memory_space<hbm>>
      %dma_wait3A_1047 = tpu.memref_slice %arg3[%mul3A_4] : memref<32768xi32, #tpu.memory_space<hbm>> -> memref<1024xi32, #tpu.memory_space<hbm>>
      tpu.wait_dma2 semaphore(%run_scoped3A : memref<!tpu.dma_semaphore, #tpu.memory_space<semaphore_mem>>) src(%dma_wait3A_1047 : memref<1024xi32, #tpu.memory_space<hbm>>) dst(%arg8 : memref<1024xi32, #tpu.memory_space<vmem>>)
      tpu.yield
    }) : () -> ()
    %iota3A = tpu.iota {dimensions = array<i32: 0>} : vector<16xi32>
    %get3A = arith.constant 0 : index
    %get3A_5 = tpu.vector_load %arg7[%get3A] {strides = array<i32>} : memref<1024xi32, #tpu.memory_space<vmem>>, vector<16xi32>,
    %get3A_6 = arith.constant 0 : index
    %get3A_7 = tpu.vector_load %arg8[%get3A_6] {strides = array<i32>} : memref<1024xi32, #tpu.memory_space<vmem>>, vector<16xi32>,
    %slice3A = vector.extract_strided_slice %get3A_5 {offsets = [0], sizes = [1], strides = [1]} : vector<16xi32> to vector<1xi32>
    %squeeze3A = vector.extract %slice3A[0] : i32 from vector<1xi32>
    %sub3A = arith.constant 1 : i32
    %sub3A_8 = arith.subi %squeeze3A, %sub3A : i32
    %slice3A_9 = vector.extract_strided_slice %get3A_7 {offsets = [0], sizes = [1], strides = [1]} : vector<16xi32> to vector<1xi32>
    %squeeze3A_10 = vector.extract %slice3A_9[0] : i32 from vector<1xi32>
    %sub3A_11 = arith.constant 1 : i32
    %sub3A_12 = arith.subi %squeeze3A_10, %sub3A_11 : i32
    %shift_right_arithmetic3A = arith.constant 7 : i32
    %shift_right_arithmetic3A_13 = arith.shrsi %sub3A_8, %shift_right_arithmetic3A : i32
    %mul3A_14 = arith.constant 128 : i32
    %mul3A_15 = arith.muli %shift_right_arithmetic3A_13, %mul3A_14 : i32
    %multiple_of3A = tpu.assume_multiple %mul3A_15, 128 : i32
    %shift_right_arithmetic3A_16 = arith.constant 7 : i32
    %shift_right_arithmetic3A_17 = arith.shrsi %sub3A_12, %shift_right_arithmetic3A_16 : i32
    %mul3A_18 = arith.constant 128 : i32
    %mul3A_19 = arith.muli %shift_right_arithmetic3A_17, %mul3A_18 : i32
    %multiple_of3A_20 = tpu.assume_multiple %mul3A_19, 128 : i32
    %dma_start3A = arith.constant 0 : i32
    %dma_start3A_21 = arith.constant 0 : i32
    %dma_start3A_22 = arith.constant 0 : i32
    %dma_start3A_23 = tpu.memref_slice %arg9[%dma_start3A, %dma_start3A_21, %dma_start3A_22] : memref<14x32x128xf32, #tpu.memory_space<vmem>> -> memref<1x32x128xf32, #tpu.memory_space<vmem>>
    %dma_start3A_24 = tpu.memref_squeeze %dma_start3A_23 : memref<1x32x128xf32, #tpu.memory_space<vmem>> -> memref<32x128xf32, #tpu.memory_space<vmem>>
    %dma_start3A_25 = arith.constant 0 : i32
    %dma_start3A_26 = tpu.memref_slice %arg4[%dma_start3A_25, %multiple_of3A] : memref<32x1000000xf32, #tpu.memory_space<hbm>> -> memref<32x128xf32, #tpu.memory_space<hbm>>
    %dma_start3A_27 = arith.constant 0 : i32
    %dma_start3A_28 = arith.constant 0 : i32
    %dma_start3A_29 = tpu.memref_slice %arg9[%dma_start3A, %dma_start3A_27, %dma_start3A_28] : memref<14x32x128xf32, #tpu.memory_space<vmem>> -> memref<1x32x128xf32, #tpu.memory_space<vmem>>
    %dma_start3A_30 = tpu.memref_squeeze %dma_start3A_29 : memref<1x32x128xf32, #tpu.memory_space<vmem>> -> memref<32x128xf32, #tpu.memory_space<vmem>>
    %dma_start3A_31 = arith.constant 0 : i32
    %dma_start3A_32 = tpu.memref_slice %arg4[%dma_start3A_31, %multiple_of3A] : memref<32x1000000xf32, #tpu.memory_space<hbm>> -> memref<32x128xf32, #tpu.memory_space<hbm>>
    tpu.enqueue_dma source(%dma_start3A_32 : memref<32x128xf32, #tpu.memory_space<hbm>>) target(%dma_start3A_30 : memref<32x128xf32, #tpu.memory_space<vmem>>) target_semaphore(%arg12 : memref<!tpu.dma_semaphore, #tpu.memory_space<semaphore_mem>>)
    %dma_start3A_33 = arith.constant 0 : i32
    %dma_start3A_34 = arith.constant 0 : i32
    %dma_start3A_35 = arith.constant 0 : i32
    %dma_start3A_36 = tpu.memref_slice %arg10[%dma_start3A_33, %dma_start3A_34, %dma_start3A_35] : memref<14x32x128xf32, #tpu.memory_space<vmem>> -> memref<1x32x128xf32, #tpu.memory_space<vmem>>
    %dma_start3A_37 = tpu.memref_squeeze %dma_start3A_36 : memref<1x32x128xf32, #tpu.memory_space<vmem>> -> memref<32x128xf32, #tpu.memory_space<vmem>>
    %dma_start3A_38 = arith.constant 0 : i32
    %dma_start3A_39 = tpu.memref_slice %arg5[%dma_start3A_38, %multiple_of3A_20] : memref<32x1000000xf32, #tpu.memory_space<hbm>> -> memref<32x128xf32, #tpu.memory_space<hbm>>
    %dma_start3A_40 = arith.constant 0 : i32
    %dma_start3A_41 = arith.constant 0 : i32
    %dma_start3A_42 = tpu.memref_slice %arg10[%dma_start3A_33, %dma_start3A_40, %dma_start3A_41] : memref<14x32x128xf32, #tpu.memory_space<vmem>> -> memref<1x32x128xf32, #tpu.memory_space<vmem>>
    %dma_start3A_43 = tpu.memref_squeeze %dma_start3A_42 : memref<1x32x128xf32, #tpu.memory_space<vmem>> -> memref<32x128xf32, #tpu.memory_space<vmem>>
    %dma_start3A_44 = arith.constant 0 : i32
    %dma_start3A_45 = tpu.memref_slice %arg5[%dma_start3A_44, %multiple_of3A_20] : memref<32x1000000xf32, #tpu.memory_space<hbm>> -> memref<32x128xf32, #tpu.memory_space<hbm>>
    tpu.enqueue_dma source(%dma_start3A_45 : memref<32x128xf32, #tpu.memory_space<hbm>>) target(%dma_start3A_43 : memref<32x128xf32, #tpu.memory_space<vmem>>) target_semaphore(%arg12 : memref<!tpu.dma_semaphore, #tpu.memory_space<semaphore_mem>>)
    %slice3A_46 = vector.extract_strided_slice %get3A_5 {offsets = [1], sizes = [1], strides = [1]} : vector<16xi32> to vector<1xi32>
    %squeeze3A_47 = vector.extract %slice3A_46[0] : i32 from vector<1xi32>
    %sub3A_48 = arith.constant 1 : i32
    %sub3A_49 = arith.subi %squeeze3A_47, %sub3A_48 : i32
    %slice3A_50 = vector.extract_strided_slice %get3A_7 {offsets = [1], sizes = [1], strides = [1]} : vector<16xi32> to vector<1xi32>
    %squeeze3A_51 = vector.extract %slice3A_50[0] : i32 from vector<1xi32>
    %sub3A_52 = arith.constant 1 : i32
    %sub3A_53 = arith.subi %squeeze3A_51, %sub3A_52 : i32
    %shift_right_arithmetic3A_54 = arith.constant 7 : i32
    %shift_right_arithmetic3A_55 = arith.shrsi %sub3A_49, %shift_right_arithmetic3A_54 : i32
    %mul3A_56 = arith.constant 128 : i32
    %mul3A_57 = arith.muli %shift_right_arithmetic3A_55, %mul3A_56 : i32
    %multiple_of3A_58 = tpu.assume_multiple %mul3A_57, 128 : i32
    %shift_right_arithmetic3A_59 = arith.constant 7 : i32
    %shift_right_arithmetic3A_60 = arith.shrsi %sub3A_53, %shift_right_arithmetic3A_59 : i32
    %mul3A_61 = arith.constant 128 : i32
    %mul3A_62 = arith.muli %shift_right_arithmetic3A_60, %mul3A_61 : i32
    %multiple_of3A_63 = tpu.assume_multiple %mul3A_62, 128 : i32
    %dma_start3A_64 = arith.constant 1 : i32
    %dma_start3A_65 = arith.constant 0 : i32
    %dma_start3A_66 = arith.constant 0 : i32
    %dma_start3A_67 = tpu.memref_slice %arg9[%dma_start3A_64, %dma_start3A_65, %dma_start3A_66] : memref<14x32x128xf32, #tpu.memory_space<vmem>> -> memref<1x32x128xf32, #tpu.memory_space<vmem>>
    %dma_start3A_68 = tpu.memref_squeeze %dma_start3A_67 : memref<1x32x128xf32, #tpu.memory_space<vmem>> -> memref<32x128xf32, #tpu.memory_space<vmem>>
    %dma_start3A_69 = arith.constant 0 : i32
    %dma_start3A_70 = tpu.memref_slice %arg4[%dma_start3A_69, %multiple_of3A_58] : memref<32x1000000xf32, #tpu.memory_space<hbm>> -> memref<32x128xf32, #tpu.memory_space<hbm>>
    %dma_start3A_71 = arith.constant 0 : i32
    %dma_start3A_72 = arith.constant 0 : i32
    %dma_start3A_73 = tpu.memref_slice %arg9[%dma_start3A_64, %dma_start3A_71, %dma_start3A_72] : memref<14x32x128xf32, #tpu.memory_space<vmem>> -> memref<1x32x128xf32, #tpu.memory_space<vmem>>
    %dma_start3A_74 = tpu.memref_squeeze %dma_start3A_73 : memref<1x32x128xf32, #tpu.memory_space<vmem>> -> memref<32x128xf32, #tpu.memory_space<vmem>>
    %dma_start3A_75 = arith.constant 0 : i32
    %dma_start3A_76 = tpu.memref_slice %arg4[%dma_start3A_75, %multiple_of3A_58] : memref<32x1000000xf32, #tpu.memory_space<hbm>> -> memref<32x128xf32, #tpu.memory_space<hbm>>
    tpu.enqueue_dma source(%dma_start3A_76 : memref<32x128xf32, #tpu.memory_space<hbm>>) target(%dma_start3A_74 : memref<32x128xf32, #tpu.memory_space<vmem>>) target_semaphore(%arg12 : memref<!tpu.dma_semaphore, #tpu.memory_space<semaphore_mem>>)
    %dma_start3A_77 = arith.constant 1 : i32
    %dma_start3A_78 = arith.constant 0 : i32
    %dma_start3A_79 = arith.constant 0 : i32
    %dma_start3A_80 = tpu.memref_slice %arg10[%dma_start3A_77, %dma_start3A_78, %dma_start3A_79] : memref<14x32x128xf32, #tpu.memory_space<vmem>> -> memref<1x32x128xf32, #tpu.memory_space<vmem>>
    %dma_start3A_81 = tpu.memref_squeeze %dma_start3A_80 : memref<1x32x128xf32, #tpu.memory_space<vmem>> -> memref<32x128xf32, #tpu.memory_space<vmem>>
    %dma_start3A_82 = arith.constant 0 : i32
    %dma_start3A_83 = tpu.memref_slice %arg5[%dma_start3A_82, %multiple_of3A_63] : memref<32x1000000xf32, #tpu.memory_space<hbm>> -> memref<32x128xf32, #tpu.memory_space<hbm>>
    %dma_start3A_84 = arith.constant 0 : i32
    %dma_start3A_85 = arith.constant 0 : i32
    %dma_start3A_86 = tpu.memref_slice %arg10[%dma_start3A_77, %dma_start3A_84, %dma_start3A_85] : memref<14x32x128xf32, #tpu.memory_space<vmem>> -> memref<1x32x128xf32, #tpu.memory_space<vmem>>
    %dma_start3A_87 = tpu.memref_squeeze %dma_start3A_86 : memref<1x32x128xf32, #tpu.memory_space<vmem>> -> memref<32x128xf32, #tpu.memory_space<vmem>>
    %dma_start3A_88 = arith.constant 0 : i32
    %dma_start3A_89 = tpu.memref_slice %arg5[%dma_start3A_88, %multiple_of3A_63] : memref<32x1000000xf32, #tpu.memory_space<hbm>> -> memref<32x128xf32, #tpu.memory_space<hbm>>
    tpu.enqueue_dma source(%dma_start3A_89 : memref<32x128xf32, #tpu.memory_space<hbm>>) target(%dma_start3A_87 : memref<32x128xf32, #tpu.memory_space<vmem>>) target_semaphore(%arg12 : memref<!tpu.dma_semaphore, #tpu.memory_space<semaphore_mem>>)
    %slice3A_90 = vector.extract_strided_slice %get3A_5 {offsets = [2], sizes = [1], strides = [1]} : vector<16xi32> to vector<1xi32>
    %squeeze3A_91 = vector.extract %slice3A_90[0] : i32 from vector<1xi32>
    %sub3A_92 = arith.constant 1 : i32
    %sub3A_93 = arith.subi %squeeze3A_91, %sub3A_92 : i32
    %slice3A_94 = vector.extract_strided_slice %get3A_7 {offsets = [2], sizes = [1], strides = [1]} : vector<16xi32> to vector<1xi32>
    %squeeze3A_95 = vector.extract %slice3A_94[0] : i32 from vector<1xi32>
    %sub3A_96 = arith.constant 1 : i32
    %sub3A_97 = arith.subi %squeeze3A_95, %sub3A_96 : i32
    %shift_right_arithmetic3A_98 = arith.constant 7 : i32
    %shift_right_arithmetic3A_99 = arith.shrsi %sub3A_93, %shift_right_arithmetic3A_98 : i32
    %mul3A_100 = arith.constant 128 : i32
    %mul3A_101 = arith.muli %shift_right_arithmetic3A_99, %mul3A_100 : i32
    %multiple_of3A_102 = tpu.assume_multiple %mul3A_101, 128 : i32
    %shift_right_arithmetic3A_103 = arith.constant 7 : i32
    %shift_right_arithmetic3A_104 = arith.shrsi %sub3A_97, %shift_right_arithmetic3A_103 : i32
    %mul3A_105 = arith.constant 128 : i32
    %mul3A_106 = arith.muli %shift_right_arithmetic3A_104, %mul3A_105 : i32
    %multiple_of3A_107 = tpu.assume_multiple %mul3A_106, 128 : i32
    %dma_start3A_108 = arith.constant 2 : i32
    %dma_start3A_109 = arith.constant 0 : i32
    %dma_start3A_110 = arith.constant 0 : i32
    %dma_start3A_111 = tpu.memref_slice %arg9[%dma_start3A_108, %dma_start3A_109, %dma_start3A_110] : memref<14x32x128xf32, #tpu.memory_space<vmem>> -> memref<1x32x128xf32, #tpu.memory_space<vmem>>
    %dma_start3A_112 = tpu.memref_squeeze %dma_start3A_111 : memref<1x32x128xf32, #tpu.memory_space<vmem>> -> memref<32x128xf32, #tpu.memory_space<vmem>>
    %dma_start3A_113 = arith.constant 0 : i32
    %dma_start3A_114 = tpu.memref_slice %arg4[%dma_start3A_113, %multiple_of3A_102] : memref<32x1000000xf32, #tpu.memory_space<hbm>> -> memref<32x128xf32, #tpu.memory_space<hbm>>
    %dma_start3A_115 = arith.constant 0 : i32
    %dma_start3A_116 = arith.constant 0 : i32
    %dma_start3A_117 = tpu.memref_slice %arg9[%dma_start3A_108, %dma_start3A_115, %dma_start3A_116] : memref<14x32x128xf32, #tpu.memory_space<vmem>> -> memref<1x32x128xf32, #tpu.memory_space<vmem>>
    %dma_start3A_118 = tpu.memref_squeeze %dma_start3A_117 : memref<1x32x128xf32, #tpu.memory_space<vmem>> -> memref<32x128xf32, #tpu.memory_space<vmem>>
    %dma_start3A_119 = arith.constant 0 : i32
    %dma_start3A_120 = tpu.memref_slice %arg4[%dma_start3A_119, %multiple_of3A_102] : memref<32x1000000xf32, #tpu.memory_space<hbm>> -> memref<32x128xf32, #tpu.memory_space<hbm>>
    tpu.enqueue_dma source(%dma_start3A_120 : memref<32x128xf32, #tpu.memory_space<hbm>>) target(%dma_start3A_118 : memref<32x128xf32, #tpu.memory_space<vmem>>) target_semaphore(%arg12 : memref<!tpu.dma_semaphore, #tpu.memory_space<semaphore_mem>>)
    %dma_start3A_121 = arith.constant 2 : i32
    %dma_start3A_122 = arith.constant 0 : i32
    %dma_start3A_123 = arith.constant 0 : i32
    %dma_start3A_124 = tpu.memref_slice %arg10[%dma_start3A_121, %dma_start3A_122, %dma_start3A_123] : memref<14x32x128xf32, #tpu.memory_space<vmem>> -> memref<1x32x128xf32, #tpu.memory_space<vmem>>
    %dma_start3A_125 = tpu.memref_squeeze %dma_start3A_124 : memref<1x32x128xf32, #tpu.memory_space<vmem>> -> memref<32x128xf32, #tpu.memory_space<vmem>>
    %dma_start3A_126 = arith.constant 0 : i32
    %dma_start3A_127 = tpu.memref_slice %arg5[%dma_start3A_126, %multiple_of3A_107] : memref<32x1000000xf32, #tpu.memory_space<hbm>> -> memref<32x128xf32, #tpu.memory_space<hbm>>
    %dma_start3A_128 = arith.constant 0 : i32
    %dma_start3A_129 = arith.constant 0 : i32
    %dma_start3A_130 = tpu.memref_slice %arg10[%dma_start3A_121, %dma_start3A_128, %dma_start3A_129] : memref<14x32x128xf32, #tpu.memory_space<vmem>> -> memref<1x32x128xf32, #tpu.memory_space<vmem>>
    %dma_start3A_131 = tpu.memref_squeeze %dma_start3A_130 : memref<1x32x128xf32, #tpu.memory_space<vmem>> -> memref<32x128xf32, #tpu.memory_space<vmem>>
    %dma_start3A_132 = arith.constant 0 : i32
    %dma_start3A_133 = tpu.memref_slice %arg5[%dma_start3A_132, %multiple_of3A_107] : memref<32x1000000xf32, #tpu.memory_space<hbm>> -> memref<32x128xf32, #tpu.memory_space<hbm>>
    tpu.enqueue_dma source(%dma_start3A_133 : memref<32x128xf32, #tpu.memory_space<hbm>>) target(%dma_start3A_131 : memref<32x128xf32, #tpu.memory_space<vmem>>) target_semaphore(%arg12 : memref<!tpu.dma_semaphore, #tpu.memory_space<semaphore_mem>>)
    %slice3A_134 = vector.extract_strided_slice %get3A_5 {offsets = [3], sizes = [1], strides = [1]} : vector<16xi32> to vector<1xi32>
    %squeeze3A_135 = vector.extract %slice3A_134[0] : i32 from vector<1xi32>
    %sub3A_136 = arith.constant 1 : i32
    %sub3A_137 = arith.subi %squeeze3A_135, %sub3A_136 : i32
    %slice3A_138 = vector.extract_strided_slice %get3A_7 {offsets = [3], sizes = [1], strides = [1]} : vector<16xi32> to vector<1xi32>
    %squeeze3A_139 = vector.extract %slice3A_138[0] : i32 from vector<1xi32>
    %sub3A_140 = arith.constant 1 : i32
    %sub3A_141 = arith.subi %squeeze3A_139, %sub3A_140 : i32
    %shift_right_arithmetic3A_142 = arith.constant 7 : i32
    %shift_right_arithmetic3A_143 = arith.shrsi %sub3A_137, %shift_right_arithmetic3A_142 : i32
    %mul3A_144 = arith.constant 128 : i32
    %mul3A_145 = arith.muli %shift_right_arithmetic3A_143, %mul3A_144 : i32
    %multiple_of3A_146 = tpu.assume_multiple %mul3A_145, 128 : i32
    %shift_right_arithmetic3A_147 = arith.constant 7 : i32
    %shift_right_arithmetic3A_148 = arith.shrsi %sub3A_141, %shift_right_arithmetic3A_147 : i32
    %mul3A_149 = arith.constant 128 : i32
    %mul3A_150 = arith.muli %shift_right_arithmetic3A_148, %mul3A_149 : i32
    %multiple_of3A_151 = tpu.assume_multiple %mul3A_150, 128 : i32
    %dma_start3A_152 = arith.constant 3 : i32
    %dma_start3A_153 = arith.constant 0 : i32
    %dma_start3A_154 = arith.constant 0 : i32
    %dma_start3A_155 = tpu.memref_slice %arg9[%dma_start3A_152, %dma_start3A_153, %dma_start3A_154] : memref<14x32x128xf32, #tpu.memory_space<vmem>> -> memref<1x32x128xf32, #tpu.memory_space<vmem>>
    %dma_start3A_156 = tpu.memref_squeeze %dma_start3A_155 : memref<1x32x128xf32, #tpu.memory_space<vmem>> -> memref<32x128xf32, #tpu.memory_space<vmem>>
    %dma_start3A_157 = arith.constant 0 : i32
    %dma_start3A_158 = tpu.memref_slice %arg4[%dma_start3A_157, %multiple_of3A_146] : memref<32x1000000xf32, #tpu.memory_space<hbm>> -> memref<32x128xf32, #tpu.memory_space<hbm>>
    %dma_start3A_159 = arith.constant 0 : i32
    %dma_start3A_160 = arith.constant 0 : i32
    %dma_start3A_161 = tpu.memref_slice %arg9[%dma_start3A_152, %dma_start3A_159, %dma_start3A_160] : memref<14x32x128xf32, #tpu.memory_space<vmem>> -> memref<1x32x128xf32, #tpu.memory_space<vmem>>
    %dma_start3A_162 = tpu.memref_squeeze %dma_start3A_161 : memref<1x32x128xf32, #tpu.memory_space<vmem>> -> memref<32x128xf32, #tpu.memory_space<vmem>>
    %dma_start3A_163 = arith.constant 0 : i32
    %dma_start3A_164 = tpu.memref_slice %arg4[%dma_start3A_163, %multiple_of3A_146] : memref<32x1000000xf32, #tpu.memory_space<hbm>> -> memref<32x128xf32, #tpu.memory_space<hbm>>
    tpu.enqueue_dma source(%dma_start3A_164 : memref<32x128xf32, #tpu.memory_space<hbm>>) target(%dma_start3A_162 : memref<32x128xf32, #tpu.memory_space<vmem>>) target_semaphore(%arg12 : memref<!tpu.dma_semaphore, #tpu.memory_space<semaphore_mem>>)
    %dma_start3A_165 = arith.constant 3 : i32
    %dma_start3A_166 = arith.constant 0 : i32
    %dma_start3A_167 = arith.constant 0 : i32
    %dma_start3A_168 = tpu.memref_slice %arg10[%dma_start3A_165, %dma_start3A_166, %dma_start3A_167] : memref<14x32x128xf32, #tpu.memory_space<vmem>> -> memref<1x32x128xf32, #tpu.memory_space<vmem>>
    %dma_start3A_169 = tpu.memref_squeeze %dma_start3A_168 : memref<1x32x128xf32, #tpu.memory_space<vmem>> -> memref<32x128xf32, #tpu.memory_space<vmem>>
    %dma_start3A_170 = arith.constant 0 : i32
    %dma_start3A_171 = tpu.memref_slice %arg5[%dma_start3A_170, %multiple_of3A_151] : memref<32x1000000xf32, #tpu.memory_space<hbm>> -> memref<32x128xf32, #tpu.memory_space<hbm>>
    %dma_start3A_172 = arith.constant 0 : i32
    %dma_start3A_173 = arith.constant 0 : i32
    %dma_start3A_174 = tpu.memref_slice %arg10[%dma_start3A_165, %dma_start3A_172, %dma_start3A_173] : memref<14x32x128xf32, #tpu.memory_space<vmem>> -> memref<1x32x128xf32, #tpu.memory_space<vmem>>
    %dma_start3A_175 = tpu.memref_squeeze %dma_start3A_174 : memref<1x32x128xf32, #tpu.memory_space<vmem>> -> memref<32x128xf32, #tpu.memory_space<vmem>>
    %dma_start3A_176 = arith.constant 0 : i32
    %dma_start3A_177 = tpu.memref_slice %arg5[%dma_start3A_176, %multiple_of3A_151] : memref<32x1000000xf32, #tpu.memory_space<hbm>> -> memref<32x128xf32, #tpu.memory_space<hbm>>
    tpu.enqueue_dma source(%dma_start3A_177 : memref<32x128xf32, #tpu.memory_space<hbm>>) target(%dma_start3A_175 : memref<32x128xf32, #tpu.memory_space<vmem>>) target_semaphore(%arg12 : memref<!tpu.dma_semaphore, #tpu.memory_space<semaphore_mem>>)
    %slice3A_178 = vector.extract_strided_slice %get3A_5 {offsets = [4], sizes = [1], strides = [1]} : vector<16xi32> to vector<1xi32>
    %squeeze3A_179 = vector.extract %slice3A_178[0] : i32 from vector<1xi32>
    %sub3A_180 = arith.constant 1 : i32
    %sub3A_181 = arith.subi %squeeze3A_179, %sub3A_180 : i32
    %slice3A_182 = vector.extract_strided_slice %get3A_7 {offsets = [4], sizes = [1], strides = [1]} : vector<16xi32> to vector<1xi32>
    %squeeze3A_183 = vector.extract %slice3A_182[0] : i32 from vector<1xi32>
    %sub3A_184 = arith.constant 1 : i32
    %sub3A_185 = arith.subi %squeeze3A_183, %sub3A_184 : i32
    %shift_right_arithmetic3A_186 = arith.constant 7 : i32
    %shift_right_arithmetic3A_187 = arith.shrsi %sub3A_181, %shift_right_arithmetic3A_186 : i32
    %mul3A_188 = arith.constant 128 : i32
    %mul3A_189 = arith.muli %shift_right_arithmetic3A_187, %mul3A_188 : i32
    %multiple_of3A_190 = tpu.assume_multiple %mul3A_189, 128 : i32
    %shift_right_arithmetic3A_191 = arith.constant 7 : i32
    %shift_right_arithmetic3A_192 = arith.shrsi %sub3A_185, %shift_right_arithmetic3A_191 : i32
    %mul3A_193 = arith.constant 128 : i32
    %mul3A_194 = arith.muli %shift_right_arithmetic3A_192, %mul3A_193 : i32
    %multiple_of3A_195 = tpu.assume_multiple %mul3A_194, 128 : i32
    %dma_start3A_196 = arith.constant 4 : i32
    %dma_start3A_197 = arith.constant 0 : i32
    %dma_start3A_198 = arith.constant 0 : i32
    %dma_start3A_199 = tpu.memref_slice %arg9[%dma_start3A_196, %dma_start3A_197, %dma_start3A_198] : memref<14x32x128xf32, #tpu.memory_space<vmem>> -> memref<1x32x128xf32, #tpu.memory_space<vmem>>
    %dma_start3A_200 = tpu.memref_squeeze %dma_start3A_199 : memref<1x32x128xf32, #tpu.memory_space<vmem>> -> memref<32x128xf32, #tpu.memory_space<vmem>>
    %dma_start3A_201 = arith.constant 0 : i32
    %dma_start3A_202 = tpu.memref_slice %arg4[%dma_start3A_201, %multiple_of3A_190] : memref<32x1000000xf32, #tpu.memory_space<hbm>> -> memref<32x128xf32, #tpu.memory_space<hbm>>
    %dma_start3A_203 = arith.constant 0 : i32
    %dma_start3A_204 = arith.constant 0 : i32
    %dma_start3A_205 = tpu.memref_slice %arg9[%dma_start3A_196, %dma_start3A_203, %dma_start3A_204] : memref<14x32x128xf32, #tpu.memory_space<vmem>> -> memref<1x32x128xf32, #tpu.memory_space<vmem>>
    %dma_start3A_206 = tpu.memref_squeeze %dma_start3A_205 : memref<1x32x128xf32, #tpu.memory_space<vmem>> -> memref<32x128xf32, #tpu.memory_space<vmem>>
    %dma_start3A_207 = arith.constant 0 : i32
    %dma_start3A_208 = tpu.memref_slice %arg4[%dma_start3A_207, %multiple_of3A_190] : memref<32x1000000xf32, #tpu.memory_space<hbm>> -> memref<32x128xf32, #tpu.memory_space<hbm>>
    tpu.enqueue_dma source(%dma_start3A_208 : memref<32x128xf32, #tpu.memory_space<hbm>>) target(%dma_start3A_206 : memref<32x128xf32, #tpu.memory_space<vmem>>) target_semaphore(%arg12 : memref<!tpu.dma_semaphore, #tpu.memory_space<semaphore_mem>>)
    %dma_start3A_209 = arith.constant 4 : i32
    %dma_start3A_210 = arith.constant 0 : i32
    %dma_start3A_211 = arith.constant 0 : i32
    %dma_start3A_212 = tpu.memref_slice %arg10[%dma_start3A_209, %dma_start3A_210, %dma_start3A_211] : memref<14x32x128xf32, #tpu.memory_space<vmem>> -> memref<1x32x128xf32, #tpu.memory_space<vmem>>
    %dma_start3A_213 = tpu.memref_squeeze %dma_start3A_212 : memref<1x32x128xf32, #tpu.memory_space<vmem>> -> memref<32x128xf32, #tpu.memory_space<vmem>>
    %dma_start3A_214 = arith.constant 0 : i32
    %dma_start3A_215 = tpu.memref_slice %arg5[%dma_start3A_214, %multiple_of3A_195] : memref<32x1000000xf32, #tpu.memory_space<hbm>> -> memref<32x128xf32, #tpu.memory_space<hbm>>
    %dma_start3A_216 = arith.constant 0 : i32
    %dma_start3A_217 = arith.constant 0 : i32
    %dma_start3A_218 = tpu.memref_slice %arg10[%dma_start3A_209, %dma_start3A_216, %dma_start3A_217] : memref<14x32x128xf32, #tpu.memory_space<vmem>> -> memref<1x32x128xf32, #tpu.memory_space<vmem>>
    %dma_start3A_219 = tpu.memref_squeeze %dma_start3A_218 : memref<1x32x128xf32, #tpu.memory_space<vmem>> -> memref<32x128xf32, #tpu.memory_space<vmem>>
    %dma_start3A_220 = arith.constant 0 : i32
    %dma_start3A_221 = tpu.memref_slice %arg5[%dma_start3A_220, %multiple_of3A_195] : memref<32x1000000xf32, #tpu.memory_space<hbm>> -> memref<32x128xf32, #tpu.memory_space<hbm>>
    tpu.enqueue_dma source(%dma_start3A_221 : memref<32x128xf32, #tpu.memory_space<hbm>>) target(%dma_start3A_219 : memref<32x128xf32, #tpu.memory_space<vmem>>) target_semaphore(%arg12 : memref<!tpu.dma_semaphore, #tpu.memory_space<semaphore_mem>>)
    %slice3A_222 = vector.extract_strided_slice %get3A_5 {offsets = [5], sizes = [1], strides = [1]} : vector<16xi32> to vector<1xi32>
    %squeeze3A_223 = vector.extract %slice3A_222[0] : i32 from vector<1xi32>
    %sub3A_224 = arith.constant 1 : i32
    %sub3A_225 = arith.subi %squeeze3A_223, %sub3A_224 : i32
    %slice3A_226 = vector.extract_strided_slice %get3A_7 {offsets = [5], sizes = [1], strides = [1]} : vector<16xi32> to vector<1xi32>
    %squeeze3A_227 = vector.extract %slice3A_226[0] : i32 from vector<1xi32>
    %sub3A_228 = arith.constant 1 : i32
    %sub3A_229 = arith.subi %squeeze3A_227, %sub3A_228 : i32
    %shift_right_arithmetic3A_230 = arith.constant 7 : i32
    %shift_right_arithmetic3A_231 = arith.shrsi %sub3A_225, %shift_right_arithmetic3A_230 : i32
    %mul3A_232 = arith.constant 128 : i32
    %mul3A_233 = arith.muli %shift_right_arithmetic3A_231, %mul3A_232 : i32
    %multiple_of3A_234 = tpu.assume_multiple %mul3A_233, 128 : i32
    %shift_right_arithmetic3A_235 = arith.constant 7 : i32
    %shift_right_arithmetic3A_236 = arith.shrsi %sub3A_229, %shift_right_arithmetic3A_235 : i32
    %mul3A_237 = arith.constant 128 : i32
    %mul3A_238 = arith.muli %shift_right_arithmetic3A_236, %mul3A_237 : i32
    %multiple_of3A_239 = tpu.assume_multiple %mul3A_238, 128 : i32
    %dma_start3A_240 = arith.constant 5 : i32
    %dma_start3A_241 = arith.constant 0 : i32
    %dma_start3A_242 = arith.constant 0 : i32
    %dma_start3A_243 = tpu.memref_slice %arg9[%dma_start3A_240, %dma_start3A_241, %dma_start3A_242] : memref<14x32x128xf32, #tpu.memory_space<vmem>> -> memref<1x32x128xf32, #tpu.memory_space<vmem>>
    %dma_start3A_244 = tpu.memref_squeeze %dma_start3A_243 : memref<1x32x128xf32, #tpu.memory_space<vmem>> -> memref<32x128xf32, #tpu.memory_space<vmem>>
    %dma_start3A_245 = arith.constant 0 : i32
    %dma_start3A_246 = tpu.memref_slice %arg4[%dma_start3A_245, %multiple_of3A_234] : memref<32x1000000xf32, #tpu.memory_space<hbm>> -> memref<32x128xf32, #tpu.memory_space<hbm>>
    %dma_start3A_247 = arith.constant 0 : i32
    %dma_start3A_248 = arith.constant 0 : i32
    %dma_start3A_249 = tpu.memref_slice %arg9[%dma_start3A_240, %dma_start3A_247, %dma_start3A_248] : memref<14x32x128xf32, #tpu.memory_space<vmem>> -> memref<1x32x128xf32, #tpu.memory_space<vmem>>
    %dma_start3A_250 = tpu.memref_squeeze %dma_start3A_249 : memref<1x32x128xf32, #tpu.memory_space<vmem>> -> memref<32x128xf32, #tpu.memory_space<vmem>>
    %dma_start3A_251 = arith.constant 0 : i32
    %dma_start3A_252 = tpu.memref_slice %arg4[%dma_start3A_251, %multiple_of3A_234] : memref<32x1000000xf32, #tpu.memory_space<hbm>> -> memref<32x128xf32, #tpu.memory_space<hbm>>
    tpu.enqueue_dma source(%dma_start3A_252 : memref<32x128xf32, #tpu.memory_space<hbm>>) target(%dma_start3A_250 : memref<32x128xf32, #tpu.memory_space<vmem>>) target_semaphore(%arg12 : memref<!tpu.dma_semaphore, #tpu.memory_space<semaphore_mem>>)
    %dma_start3A_253 = arith.constant 5 : i32
    %dma_start3A_254 = arith.constant 0 : i32
    %dma_start3A_255 = arith.constant 0 : i32
    %dma_start3A_256 = tpu.memref_slice %arg10[%dma_start3A_253, %dma_start3A_254, %dma_start3A_255] : memref<14x32x128xf32, #tpu.memory_space<vmem>> -> memref<1x32x128xf32, #tpu.memory_space<vmem>>
    %dma_start3A_257 = tpu.memref_squeeze %dma_start3A_256 : memref<1x32x128xf32, #tpu.memory_space<vmem>> -> memref<32x128xf32, #tpu.memory_space<vmem>>
    %dma_start3A_258 = arith.constant 0 : i32
    %dma_start3A_259 = tpu.memref_slice %arg5[%dma_start3A_258, %multiple_of3A_239] : memref<32x1000000xf32, #tpu.memory_space<hbm>> -> memref<32x128xf32, #tpu.memory_space<hbm>>
    %dma_start3A_260 = arith.constant 0 : i32
    %dma_start3A_261 = arith.constant 0 : i32
    %dma_start3A_262 = tpu.memref_slice %arg10[%dma_start3A_253, %dma_start3A_260, %dma_start3A_261] : memref<14x32x128xf32, #tpu.memory_space<vmem>> -> memref<1x32x128xf32, #tpu.memory_space<vmem>>
    %dma_start3A_263 = tpu.memref_squeeze %dma_start3A_262 : memref<1x32x128xf32, #tpu.memory_space<vmem>> -> memref<32x128xf32, #tpu.memory_space<vmem>>
    %dma_start3A_264 = arith.constant 0 : i32
    %dma_start3A_265 = tpu.memref_slice %arg5[%dma_start3A_264, %multiple_of3A_239] : memref<32x1000000xf32, #tpu.memory_space<hbm>> -> memref<32x128xf32, #tpu.memory_space<hbm>>
    tpu.enqueue_dma source(%dma_start3A_265 : memref<32x128xf32, #tpu.memory_space<hbm>>) target(%dma_start3A_263 : memref<32x128xf32, #tpu.memory_space<vmem>>) target_semaphore(%arg12 : memref<!tpu.dma_semaphore, #tpu.memory_space<semaphore_mem>>)
    %slice3A_266 = vector.extract_strided_slice %get3A_5 {offsets = [6], sizes = [1], strides = [1]} : vector<16xi32> to vector<1xi32>
    %squeeze3A_267 = vector.extract %slice3A_266[0] : i32 from vector<1xi32>
    %sub3A_268 = arith.constant 1 : i32
    %sub3A_269 = arith.subi %squeeze3A_267, %sub3A_268 : i32
    %slice3A_270 = vector.extract_strided_slice %get3A_7 {offsets = [6], sizes = [1], strides = [1]} : vector<16xi32> to vector<1xi32>
    %squeeze3A_271 = vector.extract %slice3A_270[0] : i32 from vector<1xi32>
    %sub3A_272 = arith.constant 1 : i32
    %sub3A_273 = arith.subi %squeeze3A_271, %sub3A_272 : i32
    %shift_right_arithmetic3A_274 = arith.constant 7 : i32
    %shift_right_arithmetic3A_275 = arith.shrsi %sub3A_269, %shift_right_arithmetic3A_274 : i32
    %mul3A_276 = arith.constant 128 : i32
    %mul3A_277 = arith.muli %shift_right_arithmetic3A_275, %mul3A_276 : i32
    %multiple_of3A_278 = tpu.assume_multiple %mul3A_277, 128 : i32
    %shift_right_arithmetic3A_279 = arith.constant 7 : i32
    %shift_right_arithmetic3A_280 = arith.shrsi %sub3A_273, %shift_right_arithmetic3A_279 : i32
    %mul3A_281 = arith.constant 128 : i32
    %mul3A_282 = arith.muli %shift_right_arithmetic3A_280, %mul3A_281 : i32
    %multiple_of3A_283 = tpu.assume_multiple %mul3A_282, 128 : i32
    %dma_start3A_284 = arith.constant 6 : i32
    %dma_start3A_285 = arith.constant 0 : i32
    %dma_start3A_286 = arith.constant 0 : i32
    %dma_start3A_287 = tpu.memref_slice %arg9[%dma_start3A_284, %dma_start3A_285, %dma_start3A_286] : memref<14x32x128xf32, #tpu.memory_space<vmem>> -> memref<1x32x128xf32, #tpu.memory_space<vmem>>
    %dma_start3A_288 = tpu.memref_squeeze %dma_start3A_287 : memref<1x32x128xf32, #tpu.memory_space<vmem>> -> memref<32x128xf32, #tpu.memory_space<vmem>>
    %dma_start3A_289 = arith.constant 0 : i32
    %dma_start3A_290 = tpu.memref_slice %arg4[%dma_start3A_289, %multiple_of3A_278] : memref<32x1000000xf32, #tpu.memory_space<hbm>> -> memref<32x128xf32, #tpu.memory_space<hbm>>
    %dma_start3A_291 = arith.constant 0 : i32
    %dma_start3A_292 = arith.constant 0 : i32
    %dma_start3A_293 = tpu.memref_slice %arg9[%dma_start3A_284, %dma_start3A_291, %dma_start3A_292] : memref<14x32x128xf32, #tpu.memory_space<vmem>> -> memref<1x32x128xf32, #tpu.memory_space<vmem>>
    %dma_start3A_294 = tpu.memref_squeeze %dma_start3A_293 : memref<1x32x128xf32, #tpu.memory_space<vmem>> -> memref<32x128xf32, #tpu.memory_space<vmem>>
    %dma_start3A_295 = arith.constant 0 : i32
    %dma_start3A_296 = tpu.memref_slice %arg4[%dma_start3A_295, %multiple_of3A_278] : memref<32x1000000xf32, #tpu.memory_space<hbm>> -> memref<32x128xf32, #tpu.memory_space<hbm>>
    tpu.enqueue_dma source(%dma_start3A_296 : memref<32x128xf32, #tpu.memory_space<hbm>>) target(%dma_start3A_294 : memref<32x128xf32, #tpu.memory_space<vmem>>) target_semaphore(%arg12 : memref<!tpu.dma_semaphore, #tpu.memory_space<semaphore_mem>>)
    %dma_start3A_297 = arith.constant 6 : i32
    %dma_start3A_298 = arith.constant 0 : i32
    %dma_start3A_299 = arith.constant 0 : i32
    %dma_start3A_300 = tpu.memref_slice %arg10[%dma_start3A_297, %dma_start3A_298, %dma_start3A_299] : memref<14x32x128xf32, #tpu.memory_space<vmem>> -> memref<1x32x128xf32, #tpu.memory_space<vmem>>
    %dma_start3A_301 = tpu.memref_squeeze %dma_start3A_300 : memref<1x32x128xf32, #tpu.memory_space<vmem>> -> memref<32x128xf32, #tpu.memory_space<vmem>>
    %dma_start3A_302 = arith.constant 0 : i32
    %dma_start3A_303 = tpu.memref_slice %arg5[%dma_start3A_302, %multiple_of3A_283] : memref<32x1000000xf32, #tpu.memory_space<hbm>> -> memref<32x128xf32, #tpu.memory_space<hbm>>
    %dma_start3A_304 = arith.constant 0 : i32
    %dma_start3A_305 = arith.constant 0 : i32
    %dma_start3A_306 = tpu.memref_slice %arg10[%dma_start3A_297, %dma_start3A_304, %dma_start3A_305] : memref<14x32x128xf32, #tpu.memory_space<vmem>> -> memref<1x32x128xf32, #tpu.memory_space<vmem>>
    %dma_start3A_307 = tpu.memref_squeeze %dma_start3A_306 : memref<1x32x128xf32, #tpu.memory_space<vmem>> -> memref<32x128xf32, #tpu.memory_space<vmem>>
    %dma_start3A_308 = arith.constant 0 : i32
    %dma_start3A_309 = tpu.memref_slice %arg5[%dma_start3A_308, %multiple_of3A_283] : memref<32x1000000xf32, #tpu.memory_space<hbm>> -> memref<32x128xf32, #tpu.memory_space<hbm>>
    tpu.enqueue_dma source(%dma_start3A_309 : memref<32x128xf32, #tpu.memory_space<hbm>>) target(%dma_start3A_307 : memref<32x128xf32, #tpu.memory_space<vmem>>) target_semaphore(%arg12 : memref<!tpu.dma_semaphore, #tpu.memory_space<semaphore_mem>>)
    %slice3A_310 = vector.extract_strided_slice %get3A_5 {offsets = [7], sizes = [1], strides = [1]} : vector<16xi32> to vector<1xi32>
    %squeeze3A_311 = vector.extract %slice3A_310[0] : i32 from vector<1xi32>
    %sub3A_312 = arith.constant 1 : i32
    %sub3A_313 = arith.subi %squeeze3A_311, %sub3A_312 : i32
    %slice3A_314 = vector.extract_strided_slice %get3A_7 {offsets = [7], sizes = [1], strides = [1]} : vector<16xi32> to vector<1xi32>
    %squeeze3A_315 = vector.extract %slice3A_314[0] : i32 from vector<1xi32>
    %sub3A_316 = arith.constant 1 : i32
    %sub3A_317 = arith.subi %squeeze3A_315, %sub3A_316 : i32
    %shift_right_arithmetic3A_318 = arith.constant 7 : i32
    %shift_right_arithmetic3A_319 = arith.shrsi %sub3A_313, %shift_right_arithmetic3A_318 : i32
    %mul3A_320 = arith.constant 128 : i32
    %mul3A_321 = arith.muli %shift_right_arithmetic3A_319, %mul3A_320 : i32
    %multiple_of3A_322 = tpu.assume_multiple %mul3A_321, 128 : i32
    %shift_right_arithmetic3A_323 = arith.constant 7 : i32
    %shift_right_arithmetic3A_324 = arith.shrsi %sub3A_317, %shift_right_arithmetic3A_323 : i32
    %mul3A_325 = arith.constant 128 : i32
    %mul3A_326 = arith.muli %shift_right_arithmetic3A_324, %mul3A_325 : i32
    %multiple_of3A_327 = tpu.assume_multiple %mul3A_326, 128 : i32
    %dma_start3A_328 = arith.constant 7 : i32
    %dma_start3A_329 = arith.constant 0 : i32
    %dma_start3A_330 = arith.constant 0 : i32
    %dma_start3A_331 = tpu.memref_slice %arg9[%dma_start3A_328, %dma_start3A_329, %dma_start3A_330] : memref<14x32x128xf32, #tpu.memory_space<vmem>> -> memref<1x32x128xf32, #tpu.memory_space<vmem>>
    %dma_start3A_332 = tpu.memref_squeeze %dma_start3A_331 : memref<1x32x128xf32, #tpu.memory_space<vmem>> -> memref<32x128xf32, #tpu.memory_space<vmem>>
    %dma_start3A_333 = arith.constant 0 : i32
    %dma_start3A_334 = tpu.memref_slice %arg4[%dma_start3A_333, %multiple_of3A_322] : memref<32x1000000xf32, #tpu.memory_space<hbm>> -> memref<32x128xf32, #tpu.memory_space<hbm>>
    %dma_start3A_335 = arith.constant 0 : i32
    %dma_start3A_336 = arith.constant 0 : i32
    %dma_start3A_337 = tpu.memref_slice %arg9[%dma_start3A_328, %dma_start3A_335, %dma_start3A_336] : memref<14x32x128xf32, #tpu.memory_space<vmem>> -> memref<1x32x128xf32, #tpu.memory_space<vmem>>
    %dma_start3A_338 = tpu.memref_squeeze %dma_start3A_337 : memref<1x32x128xf32, #tpu.memory_space<vmem>> -> memref<32x128xf32, #tpu.memory_space<vmem>>
    %dma_start3A_339 = arith.constant 0 : i32
    %dma_start3A_340 = tpu.memref_slice %arg4[%dma_start3A_339, %multiple_of3A_322] : memref<32x1000000xf32, #tpu.memory_space<hbm>> -> memref<32x128xf32, #tpu.memory_space<hbm>>
    tpu.enqueue_dma source(%dma_start3A_340 : memref<32x128xf32, #tpu.memory_space<hbm>>) target(%dma_start3A_338 : memref<32x128xf32, #tpu.memory_space<vmem>>) target_semaphore(%arg12 : memref<!tpu.dma_semaphore, #tpu.memory_space<semaphore_mem>>)
    %dma_start3A_341 = arith.constant 7 : i32
    %dma_start3A_342 = arith.constant 0 : i32
    %dma_start3A_343 = arith.constant 0 : i32
    %dma_start3A_344 = tpu.memref_slice %arg10[%dma_start3A_341, %dma_start3A_342, %dma_start3A_343] : memref<14x32x128xf32, #tpu.memory_space<vmem>> -> memref<1x32x128xf32, #tpu.memory_space<vmem>>
    %dma_start3A_345 = tpu.memref_squeeze %dma_start3A_344 : memref<1x32x128xf32, #tpu.memory_space<vmem>> -> memref<32x128xf32, #tpu.memory_space<vmem>>
    %dma_start3A_346 = arith.constant 0 : i32
    %dma_start3A_347 = tpu.memref_slice %arg5[%dma_start3A_346, %multiple_of3A_327] : memref<32x1000000xf32, #tpu.memory_space<hbm>> -> memref<32x128xf32, #tpu.memory_space<hbm>>
    %dma_start3A_348 = arith.constant 0 : i32
    %dma_start3A_349 = arith.constant 0 : i32
    %dma_start3A_350 = tpu.memref_slice %arg10[%dma_start3A_341, %dma_start3A_348, %dma_start3A_349] : memref<14x32x128xf32, #tpu.memory_space<vmem>> -> memref<1x32x128xf32, #tpu.memory_space<vmem>>
    %dma_start3A_351 = tpu.memref_squeeze %dma_start3A_350 : memref<1x32x128xf32, #tpu.memory_space<vmem>> -> memref<32x128xf32, #tpu.memory_space<vmem>>
    %dma_start3A_352 = arith.constant 0 : i32
    %dma_start3A_353 = tpu.memref_slice %arg5[%dma_start3A_352, %multiple_of3A_327] : memref<32x1000000xf32, #tpu.memory_space<hbm>> -> memref<32x128xf32, #tpu.memory_space<hbm>>
    tpu.enqueue_dma source(%dma_start3A_353 : memref<32x128xf32, #tpu.memory_space<hbm>>) target(%dma_start3A_351 : memref<32x128xf32, #tpu.memory_space<vmem>>) target_semaphore(%arg12 : memref<!tpu.dma_semaphore, #tpu.memory_space<semaphore_mem>>)
    %slice3A_354 = vector.extract_strided_slice %get3A_5 {offsets = [8], sizes = [1], strides = [1]} : vector<16xi32> to vector<1xi32>
    %squeeze3A_355 = vector.extract %slice3A_354[0] : i32 from vector<1xi32>
    %sub3A_356 = arith.constant 1 : i32
    %sub3A_357 = arith.subi %squeeze3A_355, %sub3A_356 : i32
    %slice3A_358 = vector.extract_strided_slice %get3A_7 {offsets = [8], sizes = [1], strides = [1]} : vector<16xi32> to vector<1xi32>
    %squeeze3A_359 = vector.extract %slice3A_358[0] : i32 from vector<1xi32>
    %sub3A_360 = arith.constant 1 : i32
    %sub3A_361 = arith.subi %squeeze3A_359, %sub3A_360 : i32
    %shift_right_arithmetic3A_362 = arith.constant 7 : i32
    %shift_right_arithmetic3A_363 = arith.shrsi %sub3A_357, %shift_right_arithmetic3A_362 : i32
    %mul3A_364 = arith.constant 128 : i32
    %mul3A_365 = arith.muli %shift_right_arithmetic3A_363, %mul3A_364 : i32
    %multiple_of3A_366 = tpu.assume_multiple %mul3A_365, 128 : i32
    %shift_right_arithmetic3A_367 = arith.constant 7 : i32
    %shift_right_arithmetic3A_368 = arith.shrsi %sub3A_361, %shift_right_arithmetic3A_367 : i32
    %mul3A_369 = arith.constant 128 : i32
    %mul3A_370 = arith.muli %shift_right_arithmetic3A_368, %mul3A_369 : i32
    %multiple_of3A_371 = tpu.assume_multiple %mul3A_370, 128 : i32
    %dma_start3A_372 = arith.constant 8 : i32
    %dma_start3A_373 = arith.constant 0 : i32
    %dma_start3A_374 = arith.constant 0 : i32
    %dma_start3A_375 = tpu.memref_slice %arg9[%dma_start3A_372, %dma_start3A_373, %dma_start3A_374] : memref<14x32x128xf32, #tpu.memory_space<vmem>> -> memref<1x32x128xf32, #tpu.memory_space<vmem>>
    %dma_start3A_376 = tpu.memref_squeeze %dma_start3A_375 : memref<1x32x128xf32, #tpu.memory_space<vmem>> -> memref<32x128xf32, #tpu.memory_space<vmem>>
    %dma_start3A_377 = arith.constant 0 : i32
    %dma_start3A_378 = tpu.memref_slice %arg4[%dma_start3A_377, %multiple_of3A_366] : memref<32x1000000xf32, #tpu.memory_space<hbm>> -> memref<32x128xf32, #tpu.memory_space<hbm>>
    %dma_start3A_379 = arith.constant 0 : i32
    %dma_start3A_380 = arith.constant 0 : i32
    %dma_start3A_381 = tpu.memref_slice %arg9[%dma_start3A_372, %dma_start3A_379, %dma_start3A_380] : memref<14x32x128xf32, #tpu.memory_space<vmem>> -> memref<1x32x128xf32, #tpu.memory_space<vmem>>
    %dma_start3A_382 = tpu.memref_squeeze %dma_start3A_381 : memref<1x32x128xf32, #tpu.memory_space<vmem>> -> memref<32x128xf32, #tpu.memory_space<vmem>>
    %dma_start3A_383 = arith.constant 0 : i32
    %dma_start3A_384 = tpu.memref_slice %arg4[%dma_start3A_383, %multiple_of3A_366] : memref<32x1000000xf32, #tpu.memory_space<hbm>> -> memref<32x128xf32, #tpu.memory_space<hbm>>
    tpu.enqueue_dma source(%dma_start3A_384 : memref<32x128xf32, #tpu.memory_space<hbm>>) target(%dma_start3A_382 : memref<32x128xf32, #tpu.memory_space<vmem>>) target_semaphore(%arg12 : memref<!tpu.dma_semaphore, #tpu.memory_space<semaphore_mem>>)
    %dma_start3A_385 = arith.constant 8 : i32
    %dma_start3A_386 = arith.constant 0 : i32
    %dma_start3A_387 = arith.constant 0 : i32
    %dma_start3A_388 = tpu.memref_slice %arg10[%dma_start3A_385, %dma_start3A_386, %dma_start3A_387] : memref<14x32x128xf32, #tpu.memory_space<vmem>> -> memref<1x32x128xf32, #tpu.memory_space<vmem>>
    %dma_start3A_389 = tpu.memref_squeeze %dma_start3A_388 : memref<1x32x128xf32, #tpu.memory_space<vmem>> -> memref<32x128xf32, #tpu.memory_space<vmem>>
    %dma_start3A_390 = arith.constant 0 : i32
    %dma_start3A_391 = tpu.memref_slice %arg5[%dma_start3A_390, %multiple_of3A_371] : memref<32x1000000xf32, #tpu.memory_space<hbm>> -> memref<32x128xf32, #tpu.memory_space<hbm>>
    %dma_start3A_392 = arith.constant 0 : i32
    %dma_start3A_393 = arith.constant 0 : i32
    %dma_start3A_394 = tpu.memref_slice %arg10[%dma_start3A_385, %dma_start3A_392, %dma_start3A_393] : memref<14x32x128xf32, #tpu.memory_space<vmem>> -> memref<1x32x128xf32, #tpu.memory_space<vmem>>
    %dma_start3A_395 = tpu.memref_squeeze %dma_start3A_394 : memref<1x32x128xf32, #tpu.memory_space<vmem>> -> memref<32x128xf32, #tpu.memory_space<vmem>>
    %dma_start3A_396 = arith.constant 0 : i32
    %dma_start3A_397 = tpu.memref_slice %arg5[%dma_start3A_396, %multiple_of3A_371] : memref<32x1000000xf32, #tpu.memory_space<hbm>> -> memref<32x128xf32, #tpu.memory_space<hbm>>
    tpu.enqueue_dma source(%dma_start3A_397 : memref<32x128xf32, #tpu.memory_space<hbm>>) target(%dma_start3A_395 : memref<32x128xf32, #tpu.memory_space<vmem>>) target_semaphore(%arg12 : memref<!tpu.dma_semaphore, #tpu.memory_space<semaphore_mem>>)
    %slice3A_398 = vector.extract_strided_slice %get3A_5 {offsets = [9], sizes = [1], strides = [1]} : vector<16xi32> to vector<1xi32>
    %squeeze3A_399 = vector.extract %slice3A_398[0] : i32 from vector<1xi32>
    %sub3A_400 = arith.constant 1 : i32
    %sub3A_401 = arith.subi %squeeze3A_399, %sub3A_400 : i32
    %slice3A_402 = vector.extract_strided_slice %get3A_7 {offsets = [9], sizes = [1], strides = [1]} : vector<16xi32> to vector<1xi32>
    %squeeze3A_403 = vector.extract %slice3A_402[0] : i32 from vector<1xi32>
    %sub3A_404 = arith.constant 1 : i32
    %sub3A_405 = arith.subi %squeeze3A_403, %sub3A_404 : i32
    %shift_right_arithmetic3A_406 = arith.constant 7 : i32
    %shift_right_arithmetic3A_407 = arith.shrsi %sub3A_401, %shift_right_arithmetic3A_406 : i32
    %mul3A_408 = arith.constant 128 : i32
    %mul3A_409 = arith.muli %shift_right_arithmetic3A_407, %mul3A_408 : i32
    %multiple_of3A_410 = tpu.assume_multiple %mul3A_409, 128 : i32
    %shift_right_arithmetic3A_411 = arith.constant 7 : i32
    %shift_right_arithmetic3A_412 = arith.shrsi %sub3A_405, %shift_right_arithmetic3A_411 : i32
    %mul3A_413 = arith.constant 128 : i32
    %mul3A_414 = arith.muli %shift_right_arithmetic3A_412, %mul3A_413 : i32
    %multiple_of3A_415 = tpu.assume_multiple %mul3A_414, 128 : i32
    %dma_start3A_416 = arith.constant 9 : i32
    %dma_start3A_417 = arith.constant 0 : i32
    %dma_start3A_418 = arith.constant 0 : i32
    %dma_start3A_419 = tpu.memref_slice %arg9[%dma_start3A_416, %dma_start3A_417, %dma_start3A_418] : memref<14x32x128xf32, #tpu.memory_space<vmem>> -> memref<1x32x128xf32, #tpu.memory_space<vmem>>
    %dma_start3A_420 = tpu.memref_squeeze %dma_start3A_419 : memref<1x32x128xf32, #tpu.memory_space<vmem>> -> memref<32x128xf32, #tpu.memory_space<vmem>>
    %dma_start3A_421 = arith.constant 0 : i32
    %dma_start3A_422 = tpu.memref_slice %arg4[%dma_start3A_421, %multiple_of3A_410] : memref<32x1000000xf32, #tpu.memory_space<hbm>> -> memref<32x128xf32, #tpu.memory_space<hbm>>
    %dma_start3A_423 = arith.constant 0 : i32
    %dma_start3A_424 = arith.constant 0 : i32
    %dma_start3A_425 = tpu.memref_slice %arg9[%dma_start3A_416, %dma_start3A_423, %dma_start3A_424] : memref<14x32x128xf32, #tpu.memory_space<vmem>> -> memref<1x32x128xf32, #tpu.memory_space<vmem>>
    %dma_start3A_426 = tpu.memref_squeeze %dma_start3A_425 : memref<1x32x128xf32, #tpu.memory_space<vmem>> -> memref<32x128xf32, #tpu.memory_space<vmem>>
    %dma_start3A_427 = arith.constant 0 : i32
    %dma_start3A_428 = tpu.memref_slice %arg4[%dma_start3A_427, %multiple_of3A_410] : memref<32x1000000xf32, #tpu.memory_space<hbm>> -> memref<32x128xf32, #tpu.memory_space<hbm>>
    tpu.enqueue_dma source(%dma_start3A_428 : memref<32x128xf32, #tpu.memory_space<hbm>>) target(%dma_start3A_426 : memref<32x128xf32, #tpu.memory_space<vmem>>) target_semaphore(%arg12 : memref<!tpu.dma_semaphore, #tpu.memory_space<semaphore_mem>>)
    %dma_start3A_429 = arith.constant 9 : i32
    %dma_start3A_430 = arith.constant 0 : i32
    %dma_start3A_431 = arith.constant 0 : i32
    %dma_start3A_432 = tpu.memref_slice %arg10[%dma_start3A_429, %dma_start3A_430, %dma_start3A_431] : memref<14x32x128xf32, #tpu.memory_space<vmem>> -> memref<1x32x128xf32, #tpu.memory_space<vmem>>
    %dma_start3A_433 = tpu.memref_squeeze %dma_start3A_432 : memref<1x32x128xf32, #tpu.memory_space<vmem>> -> memref<32x128xf32, #tpu.memory_space<vmem>>
    %dma_start3A_434 = arith.constant 0 : i32
    %dma_start3A_435 = tpu.memref_slice %arg5[%dma_start3A_434, %multiple_of3A_415] : memref<32x1000000xf32, #tpu.memory_space<hbm>> -> memref<32x128xf32, #tpu.memory_space<hbm>>
    %dma_start3A_436 = arith.constant 0 : i32
    %dma_start3A_437 = arith.constant 0 : i32
    %dma_start3A_438 = tpu.memref_slice %arg10[%dma_start3A_429, %dma_start3A_436, %dma_start3A_437] : memref<14x32x128xf32, #tpu.memory_space<vmem>> -> memref<1x32x128xf32, #tpu.memory_space<vmem>>
    %dma_start3A_439 = tpu.memref_squeeze %dma_start3A_438 : memref<1x32x128xf32, #tpu.memory_space<vmem>> -> memref<32x128xf32, #tpu.memory_space<vmem>>
    %dma_start3A_440 = arith.constant 0 : i32
    %dma_start3A_441 = tpu.memref_slice %arg5[%dma_start3A_440, %multiple_of3A_415] : memref<32x1000000xf32, #tpu.memory_space<hbm>> -> memref<32x128xf32, #tpu.memory_space<hbm>>
    tpu.enqueue_dma source(%dma_start3A_441 : memref<32x128xf32, #tpu.memory_space<hbm>>) target(%dma_start3A_439 : memref<32x128xf32, #tpu.memory_space<vmem>>) target_semaphore(%arg12 : memref<!tpu.dma_semaphore, #tpu.memory_space<semaphore_mem>>)
    %slice3A_442 = vector.extract_strided_slice %get3A_5 {offsets = [10], sizes = [1], strides = [1]} : vector<16xi32> to vector<1xi32>
    %squeeze3A_443 = vector.extract %slice3A_442[0] : i32 from vector<1xi32>
    %sub3A_444 = arith.constant 1 : i32
    %sub3A_445 = arith.subi %squeeze3A_443, %sub3A_444 : i32
    %slice3A_446 = vector.extract_strided_slice %get3A_7 {offsets = [10], sizes = [1], strides = [1]} : vector<16xi32> to vector<1xi32>
    %squeeze3A_447 = vector.extract %slice3A_446[0] : i32 from vector<1xi32>
    %sub3A_448 = arith.constant 1 : i32
    %sub3A_449 = arith.subi %squeeze3A_447, %sub3A_448 : i32
    %shift_right_arithmetic3A_450 = arith.constant 7 : i32
    %shift_right_arithmetic3A_451 = arith.shrsi %sub3A_445, %shift_right_arithmetic3A_450 : i32
    %mul3A_452 = arith.constant 128 : i32
    %mul3A_453 = arith.muli %shift_right_arithmetic3A_451, %mul3A_452 : i32
    %multiple_of3A_454 = tpu.assume_multiple %mul3A_453, 128 : i32
    %shift_right_arithmetic3A_455 = arith.constant 7 : i32
    %shift_right_arithmetic3A_456 = arith.shrsi %sub3A_449, %shift_right_arithmetic3A_455 : i32
    %mul3A_457 = arith.constant 128 : i32
    %mul3A_458 = arith.muli %shift_right_arithmetic3A_456, %mul3A_457 : i32
    %multiple_of3A_459 = tpu.assume_multiple %mul3A_458, 128 : i32
    %dma_start3A_460 = arith.constant 10 : i32
    %dma_start3A_461 = arith.constant 0 : i32
    %dma_start3A_462 = arith.constant 0 : i32
    %dma_start3A_463 = tpu.memref_slice %arg9[%dma_start3A_460, %dma_start3A_461, %dma_start3A_462] : memref<14x32x128xf32, #tpu.memory_space<vmem>> -> memref<1x32x128xf32, #tpu.memory_space<vmem>>
    %dma_start3A_464 = tpu.memref_squeeze %dma_start3A_463 : memref<1x32x128xf32, #tpu.memory_space<vmem>> -> memref<32x128xf32, #tpu.memory_space<vmem>>
    %dma_start3A_465 = arith.constant 0 : i32
    %dma_start3A_466 = tpu.memref_slice %arg4[%dma_start3A_465, %multiple_of3A_454] : memref<32x1000000xf32, #tpu.memory_space<hbm>> -> memref<32x128xf32, #tpu.memory_space<hbm>>
    %dma_start3A_467 = arith.constant 0 : i32
    %dma_start3A_468 = arith.constant 0 : i32
    %dma_start3A_469 = tpu.memref_slice %arg9[%dma_start3A_460, %dma_start3A_467, %dma_start3A_468] : memref<14x32x128xf32, #tpu.memory_space<vmem>> -> memref<1x32x128xf32, #tpu.memory_space<vmem>>
    %dma_start3A_470 = tpu.memref_squeeze %dma_start3A_469 : memref<1x32x128xf32, #tpu.memory_space<vmem>> -> memref<32x128xf32, #tpu.memory_space<vmem>>
    %dma_start3A_471 = arith.constant 0 : i32
    %dma_start3A_472 = tpu.memref_slice %arg4[%dma_start3A_471, %multiple_of3A_454] : memref<32x1000000xf32, #tpu.memory_space<hbm>> -> memref<32x128xf32, #tpu.memory_space<hbm>>
    tpu.enqueue_dma source(%dma_start3A_472 : memref<32x128xf32, #tpu.memory_space<hbm>>) target(%dma_start3A_470 : memref<32x128xf32, #tpu.memory_space<vmem>>) target_semaphore(%arg12 : memref<!tpu.dma_semaphore, #tpu.memory_space<semaphore_mem>>)
    %dma_start3A_473 = arith.constant 10 : i32
    %dma_start3A_474 = arith.constant 0 : i32
    %dma_start3A_475 = arith.constant 0 : i32
    %dma_start3A_476 = tpu.memref_slice %arg10[%dma_start3A_473, %dma_start3A_474, %dma_start3A_475] : memref<14x32x128xf32, #tpu.memory_space<vmem>> -> memref<1x32x128xf32, #tpu.memory_space<vmem>>
    %dma_start3A_477 = tpu.memref_squeeze %dma_start3A_476 : memref<1x32x128xf32, #tpu.memory_space<vmem>> -> memref<32x128xf32, #tpu.memory_space<vmem>>
    %dma_start3A_478 = arith.constant 0 : i32
    %dma_start3A_479 = tpu.memref_slice %arg5[%dma_start3A_478, %multiple_of3A_459] : memref<32x1000000xf32, #tpu.memory_space<hbm>> -> memref<32x128xf32, #tpu.memory_space<hbm>>
    %dma_start3A_480 = arith.constant 0 : i32
    %dma_start3A_481 = arith.constant 0 : i32
    %dma_start3A_482 = tpu.memref_slice %arg10[%dma_start3A_473, %dma_start3A_480, %dma_start3A_481] : memref<14x32x128xf32, #tpu.memory_space<vmem>> -> memref<1x32x128xf32, #tpu.memory_space<vmem>>
    %dma_start3A_483 = tpu.memref_squeeze %dma_start3A_482 : memref<1x32x128xf32, #tpu.memory_space<vmem>> -> memref<32x128xf32, #tpu.memory_space<vmem>>
    %dma_start3A_484 = arith.constant 0 : i32
    %dma_start3A_485 = tpu.memref_slice %arg5[%dma_start3A_484, %multiple_of3A_459] : memref<32x1000000xf32, #tpu.memory_space<hbm>> -> memref<32x128xf32, #tpu.memory_space<hbm>>
    tpu.enqueue_dma source(%dma_start3A_485 : memref<32x128xf32, #tpu.memory_space<hbm>>) target(%dma_start3A_483 : memref<32x128xf32, #tpu.memory_space<vmem>>) target_semaphore(%arg12 : memref<!tpu.dma_semaphore, #tpu.memory_space<semaphore_mem>>)
    %slice3A_486 = vector.extract_strided_slice %get3A_5 {offsets = [11], sizes = [1], strides = [1]} : vector<16xi32> to vector<1xi32>
    %squeeze3A_487 = vector.extract %slice3A_486[0] : i32 from vector<1xi32>
    %sub3A_488 = arith.constant 1 : i32
    %sub3A_489 = arith.subi %squeeze3A_487, %sub3A_488 : i32
    %slice3A_490 = vector.extract_strided_slice %get3A_7 {offsets = [11], sizes = [1], strides = [1]} : vector<16xi32> to vector<1xi32>
    %squeeze3A_491 = vector.extract %slice3A_490[0] : i32 from vector<1xi32>
    %sub3A_492 = arith.constant 1 : i32
    %sub3A_493 = arith.subi %squeeze3A_491, %sub3A_492 : i32
    %shift_right_arithmetic3A_494 = arith.constant 7 : i32
    %shift_right_arithmetic3A_495 = arith.shrsi %sub3A_489, %shift_right_arithmetic3A_494 : i32
    %mul3A_496 = arith.constant 128 : i32
    %mul3A_497 = arith.muli %shift_right_arithmetic3A_495, %mul3A_496 : i32
    %multiple_of3A_498 = tpu.assume_multiple %mul3A_497, 128 : i32
    %shift_right_arithmetic3A_499 = arith.constant 7 : i32
    %shift_right_arithmetic3A_500 = arith.shrsi %sub3A_493, %shift_right_arithmetic3A_499 : i32
    %mul3A_501 = arith.constant 128 : i32
    %mul3A_502 = arith.muli %shift_right_arithmetic3A_500, %mul3A_501 : i32
    %multiple_of3A_503 = tpu.assume_multiple %mul3A_502, 128 : i32
    %dma_start3A_504 = arith.constant 11 : i32
    %dma_start3A_505 = arith.constant 0 : i32
    %dma_start3A_506 = arith.constant 0 : i32
    %dma_start3A_507 = tpu.memref_slice %arg9[%dma_start3A_504, %dma_start3A_505, %dma_start3A_506] : memref<14x32x128xf32, #tpu.memory_space<vmem>> -> memref<1x32x128xf32, #tpu.memory_space<vmem>>
    %dma_start3A_508 = tpu.memref_squeeze %dma_start3A_507 : memref<1x32x128xf32, #tpu.memory_space<vmem>> -> memref<32x128xf32, #tpu.memory_space<vmem>>
    %dma_start3A_509 = arith.constant 0 : i32
    %dma_start3A_510 = tpu.memref_slice %arg4[%dma_start3A_509, %multiple_of3A_498] : memref<32x1000000xf32, #tpu.memory_space<hbm>> -> memref<32x128xf32, #tpu.memory_space<hbm>>
    %dma_start3A_511 = arith.constant 0 : i32
    %dma_start3A_512 = arith.constant 0 : i32
    %dma_start3A_513 = tpu.memref_slice %arg9[%dma_start3A_504, %dma_start3A_511, %dma_start3A_512] : memref<14x32x128xf32, #tpu.memory_space<vmem>> -> memref<1x32x128xf32, #tpu.memory_space<vmem>>
    %dma_start3A_514 = tpu.memref_squeeze %dma_start3A_513 : memref<1x32x128xf32, #tpu.memory_space<vmem>> -> memref<32x128xf32, #tpu.memory_space<vmem>>
    %dma_start3A_515 = arith.constant 0 : i32
    %dma_start3A_516 = tpu.memref_slice %arg4[%dma_start3A_515, %multiple_of3A_498] : memref<32x1000000xf32, #tpu.memory_space<hbm>> -> memref<32x128xf32, #tpu.memory_space<hbm>>
    tpu.enqueue_dma source(%dma_start3A_516 : memref<32x128xf32, #tpu.memory_space<hbm>>) target(%dma_start3A_514 : memref<32x128xf32, #tpu.memory_space<vmem>>) target_semaphore(%arg12 : memref<!tpu.dma_semaphore, #tpu.memory_space<semaphore_mem>>)
    %dma_start3A_517 = arith.constant 11 : i32
    %dma_start3A_518 = arith.constant 0 : i32
    %dma_start3A_519 = arith.constant 0 : i32
    %dma_start3A_520 = tpu.memref_slice %arg10[%dma_start3A_517, %dma_start3A_518, %dma_start3A_519] : memref<14x32x128xf32, #tpu.memory_space<vmem>> -> memref<1x32x128xf32, #tpu.memory_space<vmem>>
    %dma_start3A_521 = tpu.memref_squeeze %dma_start3A_520 : memref<1x32x128xf32, #tpu.memory_space<vmem>> -> memref<32x128xf32, #tpu.memory_space<vmem>>
    %dma_start3A_522 = arith.constant 0 : i32
    %dma_start3A_523 = tpu.memref_slice %arg5[%dma_start3A_522, %multiple_of3A_503] : memref<32x1000000xf32, #tpu.memory_space<hbm>> -> memref<32x128xf32, #tpu.memory_space<hbm>>
    %dma_start3A_524 = arith.constant 0 : i32
    %dma_start3A_525 = arith.constant 0 : i32
    %dma_start3A_526 = tpu.memref_slice %arg10[%dma_start3A_517, %dma_start3A_524, %dma_start3A_525] : memref<14x32x128xf32, #tpu.memory_space<vmem>> -> memref<1x32x128xf32, #tpu.memory_space<vmem>>
    %dma_start3A_527 = tpu.memref_squeeze %dma_start3A_526 : memref<1x32x128xf32, #tpu.memory_space<vmem>> -> memref<32x128xf32, #tpu.memory_space<vmem>>
    %dma_start3A_528 = arith.constant 0 : i32
    %dma_start3A_529 = tpu.memref_slice %arg5[%dma_start3A_528, %multiple_of3A_503] : memref<32x1000000xf32, #tpu.memory_space<hbm>> -> memref<32x128xf32, #tpu.memory_space<hbm>>
    tpu.enqueue_dma source(%dma_start3A_529 : memref<32x128xf32, #tpu.memory_space<hbm>>) target(%dma_start3A_527 : memref<32x128xf32, #tpu.memory_space<vmem>>) target_semaphore(%arg12 : memref<!tpu.dma_semaphore, #tpu.memory_space<semaphore_mem>>)
    %slice3A_530 = vector.extract_strided_slice %get3A_5 {offsets = [12], sizes = [1], strides = [1]} : vector<16xi32> to vector<1xi32>
    %squeeze3A_531 = vector.extract %slice3A_530[0] : i32 from vector<1xi32>
    %sub3A_532 = arith.constant 1 : i32
    %sub3A_533 = arith.subi %squeeze3A_531, %sub3A_532 : i32
    %slice3A_534 = vector.extract_strided_slice %get3A_7 {offsets = [12], sizes = [1], strides = [1]} : vector<16xi32> to vector<1xi32>
    %squeeze3A_535 = vector.extract %slice3A_534[0] : i32 from vector<1xi32>
    %sub3A_536 = arith.constant 1 : i32
    %sub3A_537 = arith.subi %squeeze3A_535, %sub3A_536 : i32
    %shift_right_arithmetic3A_538 = arith.constant 7 : i32
    %shift_right_arithmetic3A_539 = arith.shrsi %sub3A_533, %shift_right_arithmetic3A_538 : i32
    %mul3A_540 = arith.constant 128 : i32
    %mul3A_541 = arith.muli %shift_right_arithmetic3A_539, %mul3A_540 : i32
    %multiple_of3A_542 = tpu.assume_multiple %mul3A_541, 128 : i32
    %shift_right_arithmetic3A_543 = arith.constant 7 : i32
    %shift_right_arithmetic3A_544 = arith.shrsi %sub3A_537, %shift_right_arithmetic3A_543 : i32
    %mul3A_545 = arith.constant 128 : i32
    %mul3A_546 = arith.muli %shift_right_arithmetic3A_544, %mul3A_545 : i32
    %multiple_of3A_547 = tpu.assume_multiple %mul3A_546, 128 : i32
    %dma_start3A_548 = arith.constant 12 : i32
    %dma_start3A_549 = arith.constant 0 : i32
    %dma_start3A_550 = arith.constant 0 : i32
    %dma_start3A_551 = tpu.memref_slice %arg9[%dma_start3A_548, %dma_start3A_549, %dma_start3A_550] : memref<14x32x128xf32, #tpu.memory_space<vmem>> -> memref<1x32x128xf32, #tpu.memory_space<vmem>>
    %dma_start3A_552 = tpu.memref_squeeze %dma_start3A_551 : memref<1x32x128xf32, #tpu.memory_space<vmem>> -> memref<32x128xf32, #tpu.memory_space<vmem>>
    %dma_start3A_553 = arith.constant 0 : i32
    %dma_start3A_554 = tpu.memref_slice %arg4[%dma_start3A_553, %multiple_of3A_542] : memref<32x1000000xf32, #tpu.memory_space<hbm>> -> memref<32x128xf32, #tpu.memory_space<hbm>>
    %dma_start3A_555 = arith.constant 0 : i32
    %dma_start3A_556 = arith.constant 0 : i32
    %dma_start3A_557 = tpu.memref_slice %arg9[%dma_start3A_548, %dma_start3A_555, %dma_start3A_556] : memref<14x32x128xf32, #tpu.memory_space<vmem>> -> memref<1x32x128xf32, #tpu.memory_space<vmem>>
    %dma_start3A_558 = tpu.memref_squeeze %dma_start3A_557 : memref<1x32x128xf32, #tpu.memory_space<vmem>> -> memref<32x128xf32, #tpu.memory_space<vmem>>
    %dma_start3A_559 = arith.constant 0 : i32
    %dma_start3A_560 = tpu.memref_slice %arg4[%dma_start3A_559, %multiple_of3A_542] : memref<32x1000000xf32, #tpu.memory_space<hbm>> -> memref<32x128xf32, #tpu.memory_space<hbm>>
    tpu.enqueue_dma source(%dma_start3A_560 : memref<32x128xf32, #tpu.memory_space<hbm>>) target(%dma_start3A_558 : memref<32x128xf32, #tpu.memory_space<vmem>>) target_semaphore(%arg12 : memref<!tpu.dma_semaphore, #tpu.memory_space<semaphore_mem>>)
    %dma_start3A_561 = arith.constant 12 : i32
    %dma_start3A_562 = arith.constant 0 : i32
    %dma_start3A_563 = arith.constant 0 : i32
    %dma_start3A_564 = tpu.memref_slice %arg10[%dma_start3A_561, %dma_start3A_562, %dma_start3A_563] : memref<14x32x128xf32, #tpu.memory_space<vmem>> -> memref<1x32x128xf32, #tpu.memory_space<vmem>>
    %dma_start3A_565 = tpu.memref_squeeze %dma_start3A_564 : memref<1x32x128xf32, #tpu.memory_space<vmem>> -> memref<32x128xf32, #tpu.memory_space<vmem>>
    %dma_start3A_566 = arith.constant 0 : i32
    %dma_start3A_567 = tpu.memref_slice %arg5[%dma_start3A_566, %multiple_of3A_547] : memref<32x1000000xf32, #tpu.memory_space<hbm>> -> memref<32x128xf32, #tpu.memory_space<hbm>>
    %dma_start3A_568 = arith.constant 0 : i32
    %dma_start3A_569 = arith.constant 0 : i32
    %dma_start3A_570 = tpu.memref_slice %arg10[%dma_start3A_561, %dma_start3A_568, %dma_start3A_569] : memref<14x32x128xf32, #tpu.memory_space<vmem>> -> memref<1x32x128xf32, #tpu.memory_space<vmem>>
    %dma_start3A_571 = tpu.memref_squeeze %dma_start3A_570 : memref<1x32x128xf32, #tpu.memory_space<vmem>> -> memref<32x128xf32, #tpu.memory_space<vmem>>
    %dma_start3A_572 = arith.constant 0 : i32
    %dma_start3A_573 = tpu.memref_slice %arg5[%dma_start3A_572, %multiple_of3A_547] : memref<32x1000000xf32, #tpu.memory_space<hbm>> -> memref<32x128xf32, #tpu.memory_space<hbm>>
    tpu.enqueue_dma source(%dma_start3A_573 : memref<32x128xf32, #tpu.memory_space<hbm>>) target(%dma_start3A_571 : memref<32x128xf32, #tpu.memory_space<vmem>>) target_semaphore(%arg12 : memref<!tpu.dma_semaphore, #tpu.memory_space<semaphore_mem>>)
    %slice3A_574 = vector.extract_strided_slice %get3A_5 {offsets = [13], sizes = [1], strides = [1]} : vector<16xi32> to vector<1xi32>
    %squeeze3A_575 = vector.extract %slice3A_574[0] : i32 from vector<1xi32>
    %sub3A_576 = arith.constant 1 : i32
    %sub3A_577 = arith.subi %squeeze3A_575, %sub3A_576 : i32
    %slice3A_578 = vector.extract_strided_slice %get3A_7 {offsets = [13], sizes = [1], strides = [1]} : vector<16xi32> to vector<1xi32>
    %squeeze3A_579 = vector.extract %slice3A_578[0] : i32 from vector<1xi32>
    %sub3A_580 = arith.constant 1 : i32
    %sub3A_581 = arith.subi %squeeze3A_579, %sub3A_580 : i32
    %shift_right_arithmetic3A_582 = arith.constant 7 : i32
    %shift_right_arithmetic3A_583 = arith.shrsi %sub3A_577, %shift_right_arithmetic3A_582 : i32
    %mul3A_584 = arith.constant 128 : i32
    %mul3A_585 = arith.muli %shift_right_arithmetic3A_583, %mul3A_584 : i32
    %multiple_of3A_586 = tpu.assume_multiple %mul3A_585, 128 : i32
    %shift_right_arithmetic3A_587 = arith.constant 7 : i32
    %shift_right_arithmetic3A_588 = arith.shrsi %sub3A_581, %shift_right_arithmetic3A_587 : i32
    %mul3A_589 = arith.constant 128 : i32
    %mul3A_590 = arith.muli %shift_right_arithmetic3A_588, %mul3A_589 : i32
    %multiple_of3A_591 = tpu.assume_multiple %mul3A_590, 128 : i32
    %dma_start3A_592 = arith.constant 13 : i32
    %dma_start3A_593 = arith.constant 0 : i32
    %dma_start3A_594 = arith.constant 0 : i32
    %dma_start3A_595 = tpu.memref_slice %arg9[%dma_start3A_592, %dma_start3A_593, %dma_start3A_594] : memref<14x32x128xf32, #tpu.memory_space<vmem>> -> memref<1x32x128xf32, #tpu.memory_space<vmem>>
    %dma_start3A_596 = tpu.memref_squeeze %dma_start3A_595 : memref<1x32x128xf32, #tpu.memory_space<vmem>> -> memref<32x128xf32, #tpu.memory_space<vmem>>
    %dma_start3A_597 = arith.constant 0 : i32
    %dma_start3A_598 = tpu.memref_slice %arg4[%dma_start3A_597, %multiple_of3A_586] : memref<32x1000000xf32, #tpu.memory_space<hbm>> -> memref<32x128xf32, #tpu.memory_space<hbm>>
    %dma_start3A_599 = arith.constant 0 : i32
    %dma_start3A_600 = arith.constant 0 : i32
    %dma_start3A_601 = tpu.memref_slice %arg9[%dma_start3A_592, %dma_start3A_599, %dma_start3A_600] : memref<14x32x128xf32, #tpu.memory_space<vmem>> -> memref<1x32x128xf32, #tpu.memory_space<vmem>>
    %dma_start3A_602 = tpu.memref_squeeze %dma_start3A_601 : memref<1x32x128xf32, #tpu.memory_space<vmem>> -> memref<32x128xf32, #tpu.memory_space<vmem>>
    %dma_start3A_603 = arith.constant 0 : i32
    %dma_start3A_604 = tpu.memref_slice %arg4[%dma_start3A_603, %multiple_of3A_586] : memref<32x1000000xf32, #tpu.memory_space<hbm>> -> memref<32x128xf32, #tpu.memory_space<hbm>>
    tpu.enqueue_dma source(%dma_start3A_604 : memref<32x128xf32, #tpu.memory_space<hbm>>) target(%dma_start3A_602 : memref<32x128xf32, #tpu.memory_space<vmem>>) target_semaphore(%arg12 : memref<!tpu.dma_semaphore, #tpu.memory_space<semaphore_mem>>)
    %dma_start3A_605 = arith.constant 13 : i32
    %dma_start3A_606 = arith.constant 0 : i32
    %dma_start3A_607 = arith.constant 0 : i32
    %dma_start3A_608 = tpu.memref_slice %arg10[%dma_start3A_605, %dma_start3A_606, %dma_start3A_607] : memref<14x32x128xf32, #tpu.memory_space<vmem>> -> memref<1x32x128xf32, #tpu.memory_space<vmem>>
    %dma_start3A_609 = tpu.memref_squeeze %dma_start3A_608 : memref<1x32x128xf32, #tpu.memory_space<vmem>> -> memref<32x128xf32, #tpu.memory_space<vmem>>
    %dma_start3A_610 = arith.constant 0 : i32
    %dma_start3A_611 = tpu.memref_slice %arg5[%dma_start3A_610, %multiple_of3A_591] : memref<32x1000000xf32, #tpu.memory_space<hbm>> -> memref<32x128xf32, #tpu.memory_space<hbm>>
    %dma_start3A_612 = arith.constant 0 : i32
    %dma_start3A_613 = arith.constant 0 : i32
    %dma_start3A_614 = tpu.memref_slice %arg10[%dma_start3A_605, %dma_start3A_612, %dma_start3A_613] : memref<14x32x128xf32, #tpu.memory_space<vmem>> -> memref<1x32x128xf32, #tpu.memory_space<vmem>>
    %dma_start3A_615 = tpu.memref_squeeze %dma_start3A_614 : memref<1x32x128xf32, #tpu.memory_space<vmem>> -> memref<32x128xf32, #tpu.memory_space<vmem>>
    %dma_start3A_616 = arith.constant 0 : i32
    %dma_start3A_617 = tpu.memref_slice %arg5[%dma_start3A_616, %multiple_of3A_591] : memref<32x1000000xf32, #tpu.memory_space<hbm>> -> memref<32x128xf32, #tpu.memory_space<hbm>>
    tpu.enqueue_dma source(%dma_start3A_617 : memref<32x128xf32, #tpu.memory_space<hbm>>) target(%dma_start3A_615 : memref<32x128xf32, #tpu.memory_space<vmem>>) target_semaphore(%arg12 : memref<!tpu.dma_semaphore, #tpu.memory_space<semaphore_mem>>)
    %scan3A = arith.constant 0 : i32
    %scan3A_618 = arith.constant 0 : i32
    %scan3A_619 = arith.constant 32 : i32
    %scan3A_620 = arith.addi %scan3A_618, %scan3A_619 : i32
    %scan3A_621 = arith.constant 1 : i32
    scf.for %scan3A_1044 = %scan3A_618 to %scan3A_620 step %scan3A_621  : i32 {
      %mul3A_1045 = arith.constant 16 : i32
      %mul3A_1046 = arith.muli %scan3A_1044, %mul3A_1045 : i32
      %get3A_1047 = arith.index_cast %mul3A_1046 : i32 to index
      %get3A_1048 = tpu.vector_load %arg7[%get3A_1047] {strides = array<i32>} : memref<1024xi32, #tpu.memory_space<vmem>>, vector<16xi32>,
      %get3A_1049 = arith.index_cast %mul3A_1046 : i32 to index
      %get3A_1050 = tpu.vector_load %arg8[%get3A_1049] {strides = array<i32>} : memref<1024xi32, #tpu.memory_space<vmem>>, vector<16xi32>,
      %add3A_1051 = arith.constant 16 : i32
      %add3A_1052 = arith.addi %mul3A_1046, %add3A_1051 : i32
      %get3A_1053 = arith.index_cast %add3A_1052 : i32 to index
      %get3A_1054 = tpu.vector_load %arg7[%get3A_1053] {strides = array<i32>} : memref<1024xi32, #tpu.memory_space<vmem>>, vector<16xi32>,
      %add3A_1055 = arith.constant 16 : i32
      %add3A_1056 = arith.addi %mul3A_1046, %add3A_1055 : i32
      %get3A_1057 = arith.index_cast %add3A_1056 : i32 to index
      %get3A_1058 = tpu.vector_load %arg8[%get3A_1057] {strides = array<i32>} : memref<1024xi32, #tpu.memory_space<vmem>>, vector<16xi32>,
      %broadcast_in_dim3A = arith.constant 0.000000e+00 : f32
      %broadcast_in_dim3A_1059 = vector.broadcast %broadcast_in_dim3A : f32 to vector<16xf32>
      %dma_wait3A_1060 = arith.constant 0 : i32
      %dma_wait3A_1061 = arith.constant 0 : i32
      %dma_wait3A_1062 = arith.constant 0 : i32
      %dma_wait3A_1063 = tpu.memref_slice %arg9[%dma_wait3A_1060, %dma_wait3A_1061, %dma_wait3A_1062] : memref<14x32x128xf32, #tpu.memory_space<vmem>> -> memref<1x32x128xf32, #tpu.memory_space<vmem>>
      %dma_wait3A_1064 = tpu.memref_squeeze %dma_wait3A_1063 : memref<1x32x128xf32, #tpu.memory_space<vmem>> -> memref<32x128xf32, #tpu.memory_space<vmem>>
      %dma_wait3A_1065 = arith.constant 0 : i32
      %dma_wait3A_1066 = arith.constant 0 : i32
      %dma_wait3A_1067 = tpu.memref_slice %arg4[%dma_wait3A_1065, %dma_wait3A_1066] : memref<32x1000000xf32, #tpu.memory_space<hbm>> -> memref<32x128xf32, #tpu.memory_space<hbm>>
      %dma_wait3A_1068 = arith.constant 0 : i32
      %dma_wait3A_1069 = arith.constant 0 : i32
      %dma_wait3A_1070 = tpu.memref_slice %arg9[%dma_wait3A_1060, %dma_wait3A_1068, %dma_wait3A_1069] : memref<14x32x128xf32, #tpu.memory_space<vmem>> -> memref<1x32x128xf32, #tpu.memory_space<vmem>>
      %dma_wait3A_1071 = tpu.memref_squeeze %dma_wait3A_1070 : memref<1x32x128xf32, #tpu.memory_space<vmem>> -> memref<32x128xf32, #tpu.memory_space<vmem>>
      %dma_wait3A_1072 = arith.constant 0 : i32
      %dma_wait3A_1073 = arith.constant 0 : i32
      %dma_wait3A_1074 = tpu.memref_slice %arg4[%dma_wait3A_1072, %dma_wait3A_1073] : memref<32x1000000xf32, #tpu.memory_space<hbm>> -> memref<32x128xf32, #tpu.memory_space<hbm>>
      tpu.wait_dma2 semaphore(%arg12 : memref<!tpu.dma_semaphore, #tpu.memory_space<semaphore_mem>>) src(%dma_wait3A_1074 : memref<32x128xf32, #tpu.memory_space<hbm>>) dst(%dma_wait3A_1071 : memref<32x128xf32, #tpu.memory_space<vmem>>)
      %dma_wait3A_1075 = arith.constant 0 : i32
      %dma_wait3A_1076 = arith.constant 0 : i32
      %dma_wait3A_1077 = arith.constant 0 : i32
      %dma_wait3A_1078 = tpu.memref_slice %arg10[%dma_wait3A_1075, %dma_wait3A_1076, %dma_wait3A_1077] : memref<14x32x128xf32, #tpu.memory_space<vmem>> -> memref<1x32x128xf32, #tpu.memory_space<vmem>>
      %dma_wait3A_1079 = tpu.memref_squeeze %dma_wait3A_1078 : memref<1x32x128xf32, #tpu.memory_space<vmem>> -> memref<32x128xf32, #tpu.memory_space<vmem>>
      %dma_wait3A_1080 = arith.constant 0 : i32
      %dma_wait3A_1081 = arith.constant 0 : i32
      %dma_wait3A_1082 = tpu.memref_slice %arg5[%dma_wait3A_1080, %dma_wait3A_1081] : memref<32x1000000xf32, #tpu.memory_space<hbm>> -> memref<32x128xf32, #tpu.memory_space<hbm>>
      %dma_wait3A_1083 = arith.constant 0 : i32
      %dma_wait3A_1084 = arith.constant 0 : i32
      %dma_wait3A_1085 = tpu.memref_slice %arg10[%dma_wait3A_1075, %dma_wait3A_1083, %dma_wait3A_1084] : memref<14x32x128xf32, #tpu.memory_space<vmem>> -> memref<1x32x128xf32, #tpu.memory_space<vmem>>
      %dma_wait3A_1086 = tpu.memref_squeeze %dma_wait3A_1085 : memref<1x32x128xf32, #tpu.memory_space<vmem>> -> memref<32x128xf32, #tpu.memory_space<vmem>>
      %dma_wait3A_1087 = arith.constant 0 : i32
      %dma_wait3A_1088 = arith.constant 0 : i32
      %dma_wait3A_1089 = tpu.memref_slice %arg5[%dma_wait3A_1087, %dma_wait3A_1088] : memref<32x1000000xf32, #tpu.memory_space<hbm>> -> memref<32x128xf32, #tpu.memory_space<hbm>>
      tpu.wait_dma2 semaphore(%arg12 : memref<!tpu.dma_semaphore, #tpu.memory_space<semaphore_mem>>) src(%dma_wait3A_1089 : memref<32x128xf32, #tpu.memory_space<hbm>>) dst(%dma_wait3A_1086 : memref<32x128xf32, #tpu.memory_space<vmem>>)
      %add3A_1090 = arith.constant 0 : i32
      %add3A_1091 = arith.addi %mul3A_1046, %add3A_1090 : i32
      %rem3A = arith.constant 14 : i32
      %rem3A_1092 = arith.remsi %add3A_1091, %rem3A : i32
      %broadcast_in_dim3A_1093 = vector.broadcast %rem3A_1092 : i32 to vector<16xi32>
      %slice3A_1094 = vector.extract_strided_slice %get3A_1048 {offsets = [0], sizes = [1], strides = [1]} : vector<16xi32> to vector<1xi32>
      %squeeze3A_1095 = vector.extract %slice3A_1094[0] : i32 from vector<1xi32>
      %sub3A_1096 = arith.constant 1 : i32
      %sub3A_1097 = arith.subi %squeeze3A_1095, %sub3A_1096 : i32
      %slice3A_1098 = vector.extract_strided_slice %get3A_1050 {offsets = [0], sizes = [1], strides = [1]} : vector<16xi32> to vector<1xi32>
      %squeeze3A_1099 = vector.extract %slice3A_1098[0] : i32 from vector<1xi32>
      %sub3A_1100 = arith.constant 1 : i32
      %sub3A_1101 = arith.subi %squeeze3A_1099, %sub3A_1100 : i32
      %and3A = arith.constant 127 : i32
      %and3A_1102 = arith.andi %sub3A_1097, %and3A : i32
      %broadcast_in_dim3A_1103 = vector.broadcast %and3A_1102 : i32 to vector<16xi32>
      %and3A_1104 = arith.constant 127 : i32
      %and3A_1105 = arith.andi %sub3A_1101, %and3A_1104 : i32
      %broadcast_in_dim3A_1106 = vector.broadcast %and3A_1105 : i32 to vector<16xi32>
      %add3A_1107 = arith.constant 16 : i32
      %add3A_1108 = vector.broadcast %add3A_1107 : i32 to vector<16xi32>
      %add3A_1109 = arith.addi %iota3A, %add3A_1108 : vector<16xi32>
      %gather3A = tpu.vector_load_idx %arg9[%broadcast_in_dim3A_1093, %iota3A, %broadcast_in_dim3A_1103] : memref<14x32x128xf32, #tpu.memory_space<vmem>>[vector<16xi32>, vector<16xi32>, vector<16xi32>], vector<16xf32>,
      %gather3A_1110 = tpu.vector_load_idx %arg9[%broadcast_in_dim3A_1093, %add3A_1109, %broadcast_in_dim3A_1103] : memref<14x32x128xf32, #tpu.memory_space<vmem>>[vector<16xi32>, vector<16xi32>, vector<16xi32>], vector<16xf32>,
      %gather3A_1111 = tpu.vector_load_idx %arg10[%broadcast_in_dim3A_1093, %iota3A, %broadcast_in_dim3A_1106] : memref<14x32x128xf32, #tpu.memory_space<vmem>>[vector<16xi32>, vector<16xi32>, vector<16xi32>], vector<16xf32>,
      %gather3A_1112 = tpu.vector_load_idx %arg10[%broadcast_in_dim3A_1093, %add3A_1109, %broadcast_in_dim3A_1106] : memref<14x32x128xf32, #tpu.memory_space<vmem>>[vector<16xi32>, vector<16xi32>, vector<16xi32>], vector<16xf32>,
      %eq3A = arith.constant 0 : i32
      %eq3A_1113 = vector.broadcast %eq3A : i32 to vector<16xi32>
      %eq3A_1114 = arith.cmpi eq, %iota3A, %eq3A_1113 : vector<16xi32>
      %mul3A_1115 = arith.mulf %gather3A, %gather3A_1111 : vector<16xf32>
      %mul3A_1116 = arith.mulf %gather3A_1110, %gather3A_1112 : vector<16xf32>
      %add3A_1117 = arith.addf %mul3A_1115, %mul3A_1116 : vector<16xf32>
      %reduce_sum3A = arith.constant true
      %reduce_sum3A_1118 = vector.broadcast %reduce_sum3A : i1 to vector<16xi1>
      %reduce_sum3A_1119 = tpu.scan <sum>, %add3A_1117 masked %reduce_sum3A_1118 : vector<16xf32>, vector<16xi1> -> vector<16xf32>
      %reduce_sum3A_1120 = vector.extract %reduce_sum3A_1119[15] : f32 from vector<16xf32>
      %broadcast_in_dim3A_1121 = vector.broadcast %reduce_sum3A_1120 : f32 to vector<16xf32>
      %select_n3A = arith.select %eq3A_1114, %broadcast_in_dim3A_1121, %broadcast_in_dim3A_1059 : vector<16xi1>, vector<16xf32>
      %slice3A_1122 = vector.extract_strided_slice %get3A_1048 {offsets = [14], sizes = [1], strides = [1]} : vector<16xi32> to vector<1xi32>
      %squeeze3A_1123 = vector.extract %slice3A_1122[0] : i32 from vector<1xi32>
      %sub3A_1124 = arith.constant 1 : i32
      %sub3A_1125 = arith.subi %squeeze3A_1123, %sub3A_1124 : i32
      %slice3A_1126 = vector.extract_strided_slice %get3A_1050 {offsets = [14], sizes = [1], strides = [1]} : vector<16xi32> to vector<1xi32>
      %squeeze3A_1127 = vector.extract %slice3A_1126[0] : i32 from vector<1xi32>
      %sub3A_1128 = arith.constant 1 : i32
      %sub3A_1129 = arith.subi %squeeze3A_1127, %sub3A_1128 : i32
      %add3A_1130 = arith.constant 14 : i32
      %add3A_1131 = arith.addi %add3A_1091, %add3A_1130 : i32
      %rem3A_1132 = arith.constant 14 : i32
      %rem3A_1133 = arith.remsi %add3A_1131, %rem3A_1132 : i32
      %shift_right_arithmetic3A_1134 = arith.constant 7 : i32
      %shift_right_arithmetic3A_1135 = arith.shrsi %sub3A_1125, %shift_right_arithmetic3A_1134 : i32
      %mul3A_1136 = arith.constant 128 : i32
      %mul3A_1137 = arith.muli %shift_right_arithmetic3A_1135, %mul3A_1136 : i32
      %multiple_of3A_1138 = tpu.assume_multiple %mul3A_1137, 128 : i32
      %shift_right_arithmetic3A_1139 = arith.constant 7 : i32
      %shift_right_arithmetic3A_1140 = arith.shrsi %sub3A_1129, %shift_right_arithmetic3A_1139 : i32
      %mul3A_1141 = arith.constant 128 : i32
      %mul3A_1142 = arith.muli %shift_right_arithmetic3A_1140, %mul3A_1141 : i32
      %multiple_of3A_1143 = tpu.assume_multiple %mul3A_1142, 128 : i32
      %dma_start3A_1144 = arith.constant 0 : i32
      %dma_start3A_1145 = arith.constant 0 : i32
      %dma_start3A_1146 = tpu.memref_slice %arg9[%rem3A_1133, %dma_start3A_1144, %dma_start3A_1145] : memref<14x32x128xf32, #tpu.memory_space<vmem>> -> memref<1x32x128xf32, #tpu.memory_space<vmem>>
      %dma_start3A_1147 = tpu.memref_squeeze %dma_start3A_1146 : memref<1x32x128xf32, #tpu.memory_space<vmem>> -> memref<32x128xf32, #tpu.memory_space<vmem>>
      %dma_start3A_1148 = arith.constant 0 : i32
      %dma_start3A_1149 = tpu.memref_slice %arg4[%dma_start3A_1148, %multiple_of3A_1138] : memref<32x1000000xf32, #tpu.memory_space<hbm>> -> memref<32x128xf32, #tpu.memory_space<hbm>>
      %dma_start3A_1150 = arith.constant 0 : i32
      %dma_start3A_1151 = arith.constant 0 : i32
      %dma_start3A_1152 = tpu.memref_slice %arg9[%rem3A_1133, %dma_start3A_1150, %dma_start3A_1151] : memref<14x32x128xf32, #tpu.memory_space<vmem>> -> memref<1x32x128xf32, #tpu.memory_space<vmem>>
      %dma_start3A_1153 = tpu.memref_squeeze %dma_start3A_1152 : memref<1x32x128xf32, #tpu.memory_space<vmem>> -> memref<32x128xf32, #tpu.memory_space<vmem>>
      %dma_start3A_1154 = arith.constant 0 : i32
      %dma_start3A_1155 = tpu.memref_slice %arg4[%dma_start3A_1154, %multiple_of3A_1138] : memref<32x1000000xf32, #tpu.memory_space<hbm>> -> memref<32x128xf32, #tpu.memory_space<hbm>>
      tpu.enqueue_dma source(%dma_start3A_1155 : memref<32x128xf32, #tpu.memory_space<hbm>>) target(%dma_start3A_1153 : memref<32x128xf32, #tpu.memory_space<vmem>>) target_semaphore(%arg12 : memref<!tpu.dma_semaphore, #tpu.memory_space<semaphore_mem>>)
      %dma_start3A_1156 = arith.constant 0 : i32
      %dma_start3A_1157 = arith.constant 0 : i32
      %dma_start3A_1158 = tpu.memref_slice %arg10[%rem3A_1133, %dma_start3A_1156, %dma_start3A_1157] : memref<14x32x128xf32, #tpu.memory_space<vmem>> -> memref<1x32x128xf32, #tpu.memory_space<vmem>>
      %dma_start3A_1159 = tpu.memref_squeeze %dma_start3A_1158 : memref<1x32x128xf32, #tpu.memory_space<vmem>> -> memref<32x128xf32, #tpu.memory_space<vmem>>
      %dma_start3A_1160 = arith.constant 0 : i32
      %dma_start3A_1161 = tpu.memref_slice %arg5[%dma_start3A_1160, %multiple_of3A_1143] : memref<32x1000000xf32, #tpu.memory_space<hbm>> -> memref<32x128xf32, #tpu.memory_space<hbm>>
      %dma_start3A_1162 = arith.constant 0 : i32
      %dma_start3A_1163 = arith.constant 0 : i32
      %dma_start3A_1164 = tpu.memref_slice %arg10[%rem3A_1133, %dma_start3A_1162, %dma_start3A_1163] : memref<14x32x128xf32, #tpu.memory_space<vmem>> -> memref<1x32x128xf32, #tpu.memory_space<vmem>>
      %dma_start3A_1165 = tpu.memref_squeeze %dma_start3A_1164 : memref<1x32x128xf32, #tpu.memory_space<vmem>> -> memref<32x128xf32, #tpu.memory_space<vmem>>
      %dma_start3A_1166 = arith.constant 0 : i32
      %dma_start3A_1167 = tpu.memref_slice %arg5[%dma_start3A_1166, %multiple_of3A_1143] : memref<32x1000000xf32, #tpu.memory_space<hbm>> -> memref<32x128xf32, #tpu.memory_space<hbm>>
      tpu.enqueue_dma source(%dma_start3A_1167 : memref<32x128xf32, #tpu.memory_space<hbm>>) target(%dma_start3A_1165 : memref<32x128xf32, #tpu.memory_space<vmem>>) target_semaphore(%arg12 : memref<!tpu.dma_semaphore, #tpu.memory_space<semaphore_mem>>)
      %dma_wait3A_1168 = arith.constant 0 : i32
      %dma_wait3A_1169 = arith.constant 0 : i32
      %dma_wait3A_1170 = arith.constant 0 : i32
      %dma_wait3A_1171 = tpu.memref_slice %arg9[%dma_wait3A_1168, %dma_wait3A_1169, %dma_wait3A_1170] : memref<14x32x128xf32, #tpu.memory_space<vmem>> -> memref<1x32x128xf32, #tpu.memory_space<vmem>>
      %dma_wait3A_1172 = tpu.memref_squeeze %dma_wait3A_1171 : memref<1x32x128xf32, #tpu.memory_space<vmem>> -> memref<32x128xf32, #tpu.memory_space<vmem>>
      %dma_wait3A_1173 = arith.constant 0 : i32
      %dma_wait3A_1174 = arith.constant 0 : i32
      %dma_wait3A_1175 = tpu.memref_slice %arg4[%dma_wait3A_1173, %dma_wait3A_1174] : memref<32x1000000xf32, #tpu.memory_space<hbm>> -> memref<32x128xf32, #tpu.memory_space<hbm>>
      %dma_wait3A_1176 = arith.constant 0 : i32
      %dma_wait3A_1177 = arith.constant 0 : i32
      %dma_wait3A_1178 = tpu.memref_slice %arg9[%dma_wait3A_1168, %dma_wait3A_1176, %dma_wait3A_1177] : memref<14x32x128xf32, #tpu.memory_space<vmem>> -> memref<1x32x128xf32, #tpu.memory_space<vmem>>
      %dma_wait3A_1179 = tpu.memref_squeeze %dma_wait3A_1178 : memref<1x32x128xf32, #tpu.memory_space<vmem>> -> memref<32x128xf32, #tpu.memory_space<vmem>>
      %dma_wait3A_1180 = arith.constant 0 : i32
      %dma_wait3A_1181 = arith.constant 0 : i32
      %dma_wait3A_1182 = tpu.memref_slice %arg4[%dma_wait3A_1180, %dma_wait3A_1181] : memref<32x1000000xf32, #tpu.memory_space<hbm>> -> memref<32x128xf32, #tpu.memory_space<hbm>>
      tpu.wait_dma2 semaphore(%arg12 : memref<!tpu.dma_semaphore, #tpu.memory_space<semaphore_mem>>) src(%dma_wait3A_1182 : memref<32x128xf32, #tpu.memory_space<hbm>>) dst(%dma_wait3A_1179 : memref<32x128xf32, #tpu.memory_space<vmem>>)
      %dma_wait3A_1183 = arith.constant 0 : i32
      %dma_wait3A_1184 = arith.constant 0 : i32
      %dma_wait3A_1185 = arith.constant 0 : i32
      %dma_wait3A_1186 = tpu.memref_slice %arg10[%dma_wait3A_1183, %dma_wait3A_1184, %dma_wait3A_1185] : memref<14x32x128xf32, #tpu.memory_space<vmem>> -> memref<1x32x128xf32, #tpu.memory_space<vmem>>
      %dma_wait3A_1187 = tpu.memref_squeeze %dma_wait3A_1186 : memref<1x32x128xf32, #tpu.memory_space<vmem>> -> memref<32x128xf32, #tpu.memory_space<vmem>>
      %dma_wait3A_1188 = arith.constant 0 : i32
      %dma_wait3A_1189 = arith.constant 0 : i32
      %dma_wait3A_1190 = tpu.memref_slice %arg5[%dma_wait3A_1188, %dma_wait3A_1189] : memref<32x1000000xf32, #tpu.memory_space<hbm>> -> memref<32x128xf32, #tpu.memory_space<hbm>>
      %dma_wait3A_1191 = arith.constant 0 : i32
      %dma_wait3A_1192 = arith.constant 0 : i32
      %dma_wait3A_1193 = tpu.memref_slice %arg10[%dma_wait3A_1183, %dma_wait3A_1191, %dma_wait3A_1192] : memref<14x32x128xf32, #tpu.memory_space<vmem>> -> memref<1x32x128xf32, #tpu.memory_space<vmem>>
      %dma_wait3A_1194 = tpu.memref_squeeze %dma_wait3A_1193 : memref<1x32x128xf32, #tpu.memory_space<vmem>> -> memref<32x128xf32, #tpu.memory_space<vmem>>
      %dma_wait3A_1195 = arith.constant 0 : i32
      %dma_wait3A_1196 = arith.constant 0 : i32
      %dma_wait3A_1197 = tpu.memref_slice %arg5[%dma_wait3A_1195, %dma_wait3A_1196] : memref<32x1000000xf32, #tpu.memory_space<hbm>> -> memref<32x128xf32, #tpu.memory_space<hbm>>
      tpu.wait_dma2 semaphore(%arg12 : memref<!tpu.dma_semaphore, #tpu.memory_space<semaphore_mem>>) src(%dma_wait3A_1197 : memref<32x128xf32, #tpu.memory_space<hbm>>) dst(%dma_wait3A_1194 : memref<32x128xf32, #tpu.memory_space<vmem>>)
      %add3A_1198 = arith.constant 1 : i32
      %add3A_1199 = arith.addi %mul3A_1046, %add3A_1198 : i32
      %rem3A_1200 = arith.constant 14 : i32
      %rem3A_1201 = arith.remsi %add3A_1199, %rem3A_1200 : i32
      %broadcast_in_dim3A_1202 = vector.broadcast %rem3A_1201 : i32 to vector<16xi32>
      %slice3A_1203 = vector.extract_strided_slice %get3A_1048 {offsets = [1], sizes = [1], strides = [1]} : vector<16xi32> to vector<1xi32>
      %squeeze3A_1204 = vector.extract %slice3A_1203[0] : i32 from vector<1xi32>
      %sub3A_1205 = arith.constant 1 : i32
      %sub3A_1206 = arith.subi %squeeze3A_1204, %sub3A_1205 : i32
      %slice3A_1207 = vector.extract_strided_slice %get3A_1050 {offsets = [1], sizes = [1], strides = [1]} : vector<16xi32> to vector<1xi32>
      %squeeze3A_1208 = vector.extract %slice3A_1207[0] : i32 from vector<1xi32>
      %sub3A_1209 = arith.constant 1 : i32
      %sub3A_1210 = arith.subi %squeeze3A_1208, %sub3A_1209 : i32
      %and3A_1211 = arith.constant 127 : i32
      %and3A_1212 = arith.andi %sub3A_1206, %and3A_1211 : i32
      %broadcast_in_dim3A_1213 = vector.broadcast %and3A_1212 : i32 to vector<16xi32>
      %and3A_1214 = arith.constant 127 : i32
      %and3A_1215 = arith.andi %sub3A_1210, %and3A_1214 : i32
      %broadcast_in_dim3A_1216 = vector.broadcast %and3A_1215 : i32 to vector<16xi32>
      %add3A_1217 = arith.constant 16 : i32
      %add3A_1218 = vector.broadcast %add3A_1217 : i32 to vector<16xi32>
      %add3A_1219 = arith.addi %iota3A, %add3A_1218 : vector<16xi32>
      %gather3A_1220 = tpu.vector_load_idx %arg9[%broadcast_in_dim3A_1202, %iota3A, %broadcast_in_dim3A_1213] : memref<14x32x128xf32, #tpu.memory_space<vmem>>[vector<16xi32>, vector<16xi32>, vector<16xi32>], vector<16xf32>,
      %gather3A_1221 = tpu.vector_load_idx %arg9[%broadcast_in_dim3A_1202, %add3A_1219, %broadcast_in_dim3A_1213] : memref<14x32x128xf32, #tpu.memory_space<vmem>>[vector<16xi32>, vector<16xi32>, vector<16xi32>], vector<16xf32>,
      %gather3A_1222 = tpu.vector_load_idx %arg10[%broadcast_in_dim3A_1202, %iota3A, %broadcast_in_dim3A_1216] : memref<14x32x128xf32, #tpu.memory_space<vmem>>[vector<16xi32>, vector<16xi32>, vector<16xi32>], vector<16xf32>,
      %gather3A_1223 = tpu.vector_load_idx %arg10[%broadcast_in_dim3A_1202, %add3A_1219, %broadcast_in_dim3A_1216] : memref<14x32x128xf32, #tpu.memory_space<vmem>>[vector<16xi32>, vector<16xi32>, vector<16xi32>], vector<16xf32>,
      %eq3A_1224 = arith.constant 1 : i32
      %eq3A_1225 = vector.broadcast %eq3A_1224 : i32 to vector<16xi32>
      %eq3A_1226 = arith.cmpi eq, %iota3A, %eq3A_1225 : vector<16xi32>
      %mul3A_1227 = arith.mulf %gather3A_1220, %gather3A_1222 : vector<16xf32>
      %mul3A_1228 = arith.mulf %gather3A_1221, %gather3A_1223 : vector<16xf32>
      %add3A_1229 = arith.addf %mul3A_1227, %mul3A_1228 : vector<16xf32>
      %reduce_sum3A_1230 = arith.constant true
      %reduce_sum3A_1231 = vector.broadcast %reduce_sum3A_1230 : i1 to vector<16xi1>
      %reduce_sum3A_1232 = tpu.scan <sum>, %add3A_1229 masked %reduce_sum3A_1231 : vector<16xf32>, vector<16xi1> -> vector<16xf32>
      %reduce_sum3A_1233 = vector.extract %reduce_sum3A_1232[15] : f32 from vector<16xf32>
      %broadcast_in_dim3A_1234 = vector.broadcast %reduce_sum3A_1233 : f32 to vector<16xf32>
      %select_n3A_1235 = arith.select %eq3A_1226, %broadcast_in_dim3A_1234, %select_n3A : vector<16xi1>, vector<16xf32>
      %slice3A_1236 = vector.extract_strided_slice %get3A_1048 {offsets = [15], sizes = [1], strides = [1]} : vector<16xi32> to vector<1xi32>
      %squeeze3A_1237 = vector.extract %slice3A_1236[0] : i32 from vector<1xi32>
      %sub3A_1238 = arith.constant 1 : i32
      %sub3A_1239 = arith.subi %squeeze3A_1237, %sub3A_1238 : i32
      %slice3A_1240 = vector.extract_strided_slice %get3A_1050 {offsets = [15], sizes = [1], strides = [1]} : vector<16xi32> to vector<1xi32>
      %squeeze3A_1241 = vector.extract %slice3A_1240[0] : i32 from vector<1xi32>
      %sub3A_1242 = arith.constant 1 : i32
      %sub3A_1243 = arith.subi %squeeze3A_1241, %sub3A_1242 : i32
      %add3A_1244 = arith.constant 14 : i32
      %add3A_1245 = arith.addi %add3A_1199, %add3A_1244 : i32
      %rem3A_1246 = arith.constant 14 : i32
      %rem3A_1247 = arith.remsi %add3A_1245, %rem3A_1246 : i32
      %shift_right_arithmetic3A_1248 = arith.constant 7 : i32
      %shift_right_arithmetic3A_1249 = arith.shrsi %sub3A_1239, %shift_right_arithmetic3A_1248 : i32
      %mul3A_1250 = arith.constant 128 : i32
      %mul3A_1251 = arith.muli %shift_right_arithmetic3A_1249, %mul3A_1250 : i32
      %multiple_of3A_1252 = tpu.assume_multiple %mul3A_1251, 128 : i32
      %shift_right_arithmetic3A_1253 = arith.constant 7 : i32
      %shift_right_arithmetic3A_1254 = arith.shrsi %sub3A_1243, %shift_right_arithmetic3A_1253 : i32
      %mul3A_1255 = arith.constant 128 : i32
      %mul3A_1256 = arith.muli %shift_right_arithmetic3A_1254, %mul3A_1255 : i32
      %multiple_of3A_1257 = tpu.assume_multiple %mul3A_1256, 128 : i32
      %dma_start3A_1258 = arith.constant 0 : i32
      %dma_start3A_1259 = arith.constant 0 : i32
      %dma_start3A_1260 = tpu.memref_slice %arg9[%rem3A_1247, %dma_start3A_1258, %dma_start3A_1259] : memref<14x32x128xf32, #tpu.memory_space<vmem>> -> memref<1x32x128xf32, #tpu.memory_space<vmem>>
      %dma_start3A_1261 = tpu.memref_squeeze %dma_start3A_1260 : memref<1x32x128xf32, #tpu.memory_space<vmem>> -> memref<32x128xf32, #tpu.memory_space<vmem>>
      %dma_start3A_1262 = arith.constant 0 : i32
      %dma_start3A_1263 = tpu.memref_slice %arg4[%dma_start3A_1262, %multiple_of3A_1252] : memref<32x1000000xf32, #tpu.memory_space<hbm>> -> memref<32x128xf32, #tpu.memory_space<hbm>>
      %dma_start3A_1264 = arith.constant 0 : i32
      %dma_start3A_1265 = arith.constant 0 : i32
      %dma_start3A_1266 = tpu.memref_slice %arg9[%rem3A_1247, %dma_start3A_1264, %dma_start3A_1265] : memref<14x32x128xf32, #tpu.memory_space<vmem>> -> memref<1x32x128xf32, #tpu.memory_space<vmem>>
      %dma_start3A_1267 = tpu.memref_squeeze %dma_start3A_1266 : memref<1x32x128xf32, #tpu.memory_space<vmem>> -> memref<32x128xf32, #tpu.memory_space<vmem>>
      %dma_start3A_1268 = arith.constant 0 : i32
      %dma_start3A_1269 = tpu.memref_slice %arg4[%dma_start3A_1268, %multiple_of3A_1252] : memref<32x1000000xf32, #tpu.memory_space<hbm>> -> memref<32x128xf32, #tpu.memory_space<hbm>>
      tpu.enqueue_dma source(%dma_start3A_1269 : memref<32x128xf32, #tpu.memory_space<hbm>>) target(%dma_start3A_1267 : memref<32x128xf32, #tpu.memory_space<vmem>>) target_semaphore(%arg12 : memref<!tpu.dma_semaphore, #tpu.memory_space<semaphore_mem>>)
      %dma_start3A_1270 = arith.constant 0 : i32
      %dma_start3A_1271 = arith.constant 0 : i32
      %dma_start3A_1272 = tpu.memref_slice %arg10[%rem3A_1247, %dma_start3A_1270, %dma_start3A_1271] : memref<14x32x128xf32, #tpu.memory_space<vmem>> -> memref<1x32x128xf32, #tpu.memory_space<vmem>>
      %dma_start3A_1273 = tpu.memref_squeeze %dma_start3A_1272 : memref<1x32x128xf32, #tpu.memory_space<vmem>> -> memref<32x128xf32, #tpu.memory_space<vmem>>
      %dma_start3A_1274 = arith.constant 0 : i32
      %dma_start3A_1275 = tpu.memref_slice %arg5[%dma_start3A_1274, %multiple_of3A_1257] : memref<32x1000000xf32, #tpu.memory_space<hbm>> -> memref<32x128xf32, #tpu.memory_space<hbm>>
      %dma_start3A_1276 = arith.constant 0 : i32
      %dma_start3A_1277 = arith.constant 0 : i32
      %dma_start3A_1278 = tpu.memref_slice %arg10[%rem3A_1247, %dma_start3A_1276, %dma_start3A_1277] : memref<14x32x128xf32, #tpu.memory_space<vmem>> -> memref<1x32x128xf32, #tpu.memory_space<vmem>>
      %dma_start3A_1279 = tpu.memref_squeeze %dma_start3A_1278 : memref<1x32x128xf32, #tpu.memory_space<vmem>> -> memref<32x128xf32, #tpu.memory_space<vmem>>
      %dma_start3A_1280 = arith.constant 0 : i32
      %dma_start3A_1281 = tpu.memref_slice %arg5[%dma_start3A_1280, %multiple_of3A_1257] : memref<32x1000000xf32, #tpu.memory_space<hbm>> -> memref<32x128xf32, #tpu.memory_space<hbm>>
      tpu.enqueue_dma source(%dma_start3A_1281 : memref<32x128xf32, #tpu.memory_space<hbm>>) target(%dma_start3A_1279 : memref<32x128xf32, #tpu.memory_space<vmem>>) target_semaphore(%arg12 : memref<!tpu.dma_semaphore, #tpu.memory_space<semaphore_mem>>)
      %dma_wait3A_1282 = arith.constant 0 : i32
      %dma_wait3A_1283 = arith.constant 0 : i32
      %dma_wait3A_1284 = arith.constant 0 : i32
      %dma_wait3A_1285 = tpu.memref_slice %arg9[%dma_wait3A_1282, %dma_wait3A_1283, %dma_wait3A_1284] : memref<14x32x128xf32, #tpu.memory_space<vmem>> -> memref<1x32x128xf32, #tpu.memory_space<vmem>>
      %dma_wait3A_1286 = tpu.memref_squeeze %dma_wait3A_1285 : memref<1x32x128xf32, #tpu.memory_space<vmem>> -> memref<32x128xf32, #tpu.memory_space<vmem>>
      %dma_wait3A_1287 = arith.constant 0 : i32
      %dma_wait3A_1288 = arith.constant 0 : i32
      %dma_wait3A_1289 = tpu.memref_slice %arg4[%dma_wait3A_1287, %dma_wait3A_1288] : memref<32x1000000xf32, #tpu.memory_space<hbm>> -> memref<32x128xf32, #tpu.memory_space<hbm>>
      %dma_wait3A_1290 = arith.constant 0 : i32
      %dma_wait3A_1291 = arith.constant 0 : i32
      %dma_wait3A_1292 = tpu.memref_slice %arg9[%dma_wait3A_1282, %dma_wait3A_1290, %dma_wait3A_1291] : memref<14x32x128xf32, #tpu.memory_space<vmem>> -> memref<1x32x128xf32, #tpu.memory_space<vmem>>
      %dma_wait3A_1293 = tpu.memref_squeeze %dma_wait3A_1292 : memref<1x32x128xf32, #tpu.memory_space<vmem>> -> memref<32x128xf32, #tpu.memory_space<vmem>>
      %dma_wait3A_1294 = arith.constant 0 : i32
      %dma_wait3A_1295 = arith.constant 0 : i32
      %dma_wait3A_1296 = tpu.memref_slice %arg4[%dma_wait3A_1294, %dma_wait3A_1295] : memref<32x1000000xf32, #tpu.memory_space<hbm>> -> memref<32x128xf32, #tpu.memory_space<hbm>>
      tpu.wait_dma2 semaphore(%arg12 : memref<!tpu.dma_semaphore, #tpu.memory_space<semaphore_mem>>) src(%dma_wait3A_1296 : memref<32x128xf32, #tpu.memory_space<hbm>>) dst(%dma_wait3A_1293 : memref<32x128xf32, #tpu.memory_space<vmem>>)
      %dma_wait3A_1297 = arith.constant 0 : i32
      %dma_wait3A_1298 = arith.constant 0 : i32
      %dma_wait3A_1299 = arith.constant 0 : i32
      %dma_wait3A_1300 = tpu.memref_slice %arg10[%dma_wait3A_1297, %dma_wait3A_1298, %dma_wait3A_1299] : memref<14x32x128xf32, #tpu.memory_space<vmem>> -> memref<1x32x128xf32, #tpu.memory_space<vmem>>
      %dma_wait3A_1301 = tpu.memref_squeeze %dma_wait3A_1300 : memref<1x32x128xf32, #tpu.memory_space<vmem>> -> memref<32x128xf32, #tpu.memory_space<vmem>>
      %dma_wait3A_1302 = arith.constant 0 : i32
      %dma_wait3A_1303 = arith.constant 0 : i32
      %dma_wait3A_1304 = tpu.memref_slice %arg5[%dma_wait3A_1302, %dma_wait3A_1303] : memref<32x1000000xf32, #tpu.memory_space<hbm>> -> memref<32x128xf32, #tpu.memory_space<hbm>>
      %dma_wait3A_1305 = arith.constant 0 : i32
      %dma_wait3A_1306 = arith.constant 0 : i32
      %dma_wait3A_1307 = tpu.memref_slice %arg10[%dma_wait3A_1297, %dma_wait3A_1305, %dma_wait3A_1306] : memref<14x32x128xf32, #tpu.memory_space<vmem>> -> memref<1x32x128xf32, #tpu.memory_space<vmem>>
      %dma_wait3A_1308 = tpu.memref_squeeze %dma_wait3A_1307 : memref<1x32x128xf32, #tpu.memory_space<vmem>> -> memref<32x128xf32, #tpu.memory_space<vmem>>
      %dma_wait3A_1309 = arith.constant 0 : i32
      %dma_wait3A_1310 = arith.constant 0 : i32
      %dma_wait3A_1311 = tpu.memref_slice %arg5[%dma_wait3A_1309, %dma_wait3A_1310] : memref<32x1000000xf32, #tpu.memory_space<hbm>> -> memref<32x128xf32, #tpu.memory_space<hbm>>
      tpu.wait_dma2 semaphore(%arg12 : memref<!tpu.dma_semaphore, #tpu.memory_space<semaphore_mem>>) src(%dma_wait3A_1311 : memref<32x128xf32, #tpu.memory_space<hbm>>) dst(%dma_wait3A_1308 : memref<32x128xf32, #tpu.memory_space<vmem>>)
      %add3A_1312 = arith.constant 2 : i32
      %add3A_1313 = arith.addi %mul3A_1046, %add3A_1312 : i32
      %rem3A_1314 = arith.constant 14 : i32
      %rem3A_1315 = arith.remsi %add3A_1313, %rem3A_1314 : i32
      %broadcast_in_dim3A_1316 = vector.broadcast %rem3A_1315 : i32 to vector<16xi32>
      %slice3A_1317 = vector.extract_strided_slice %get3A_1048 {offsets = [2], sizes = [1], strides = [1]} : vector<16xi32> to vector<1xi32>
      %squeeze3A_1318 = vector.extract %slice3A_1317[0] : i32 from vector<1xi32>
      %sub3A_1319 = arith.constant 1 : i32
      %sub3A_1320 = arith.subi %squeeze3A_1318, %sub3A_1319 : i32
      %slice3A_1321 = vector.extract_strided_slice %get3A_1050 {offsets = [2], sizes = [1], strides = [1]} : vector<16xi32> to vector<1xi32>
      %squeeze3A_1322 = vector.extract %slice3A_1321[0] : i32 from vector<1xi32>
      %sub3A_1323 = arith.constant 1 : i32
      %sub3A_1324 = arith.subi %squeeze3A_1322, %sub3A_1323 : i32
      %and3A_1325 = arith.constant 127 : i32
      %and3A_1326 = arith.andi %sub3A_1320, %and3A_1325 : i32
      %broadcast_in_dim3A_1327 = vector.broadcast %and3A_1326 : i32 to vector<16xi32>
      %and3A_1328 = arith.constant 127 : i32
      %and3A_1329 = arith.andi %sub3A_1324, %and3A_1328 : i32
      %broadcast_in_dim3A_1330 = vector.broadcast %and3A_1329 : i32 to vector<16xi32>
      %add3A_1331 = arith.constant 16 : i32
      %add3A_1332 = vector.broadcast %add3A_1331 : i32 to vector<16xi32>
      %add3A_1333 = arith.addi %iota3A, %add3A_1332 : vector<16xi32>
      %gather3A_1334 = tpu.vector_load_idx %arg9[%broadcast_in_dim3A_1316, %iota3A, %broadcast_in_dim3A_1327] : memref<14x32x128xf32, #tpu.memory_space<vmem>>[vector<16xi32>, vector<16xi32>, vector<16xi32>], vector<16xf32>,
      %gather3A_1335 = tpu.vector_load_idx %arg9[%broadcast_in_dim3A_1316, %add3A_1333, %broadcast_in_dim3A_1327] : memref<14x32x128xf32, #tpu.memory_space<vmem>>[vector<16xi32>, vector<16xi32>, vector<16xi32>], vector<16xf32>,
      %gather3A_1336 = tpu.vector_load_idx %arg10[%broadcast_in_dim3A_1316, %iota3A, %broadcast_in_dim3A_1330] : memref<14x32x128xf32, #tpu.memory_space<vmem>>[vector<16xi32>, vector<16xi32>, vector<16xi32>], vector<16xf32>,
      %gather3A_1337 = tpu.vector_load_idx %arg10[%broadcast_in_dim3A_1316, %add3A_1333, %broadcast_in_dim3A_1330] : memref<14x32x128xf32, #tpu.memory_space<vmem>>[vector<16xi32>, vector<16xi32>, vector<16xi32>], vector<16xf32>,
      %eq3A_1338 = arith.constant 2 : i32
      %eq3A_1339 = vector.broadcast %eq3A_1338 : i32 to vector<16xi32>
      %eq3A_1340 = arith.cmpi eq, %iota3A, %eq3A_1339 : vector<16xi32>
      %mul3A_1341 = arith.mulf %gather3A_1334, %gather3A_1336 : vector<16xf32>
      %mul3A_1342 = arith.mulf %gather3A_1335, %gather3A_1337 : vector<16xf32>
      %add3A_1343 = arith.addf %mul3A_1341, %mul3A_1342 : vector<16xf32>
      %reduce_sum3A_1344 = arith.constant true
      %reduce_sum3A_1345 = vector.broadcast %reduce_sum3A_1344 : i1 to vector<16xi1>
      %reduce_sum3A_1346 = tpu.scan <sum>, %add3A_1343 masked %reduce_sum3A_1345 : vector<16xf32>, vector<16xi1> -> vector<16xf32>
      %reduce_sum3A_1347 = vector.extract %reduce_sum3A_1346[15] : f32 from vector<16xf32>
      %broadcast_in_dim3A_1348 = vector.broadcast %reduce_sum3A_1347 : f32 to vector<16xf32>
      %select_n3A_1349 = arith.select %eq3A_1340, %broadcast_in_dim3A_1348, %select_n3A_1235 : vector<16xi1>, vector<16xf32>
      %slice3A_1350 = vector.extract_strided_slice %get3A_1054 {offsets = [0], sizes = [1], strides = [1]} : vector<16xi32> to vector<1xi32>
      %squeeze3A_1351 = vector.extract %slice3A_1350[0] : i32 from vector<1xi32>
      %sub3A_1352 = arith.constant 1 : i32
      %sub3A_1353 = arith.subi %squeeze3A_1351, %sub3A_1352 : i32
      %slice3A_1354 = vector.extract_strided_slice %get3A_1058 {offsets = [0], sizes = [1], strides = [1]} : vector<16xi32> to vector<1xi32>
      %squeeze3A_1355 = vector.extract %slice3A_1354[0] : i32 from vector<1xi32>
      %sub3A_1356 = arith.constant 1 : i32
      %sub3A_1357 = arith.subi %squeeze3A_1355, %sub3A_1356 : i32
      %add3A_1358 = arith.constant 14 : i32
      %add3A_1359 = arith.addi %add3A_1313, %add3A_1358 : i32
      %rem3A_1360 = arith.constant 14 : i32
      %rem3A_1361 = arith.remsi %add3A_1359, %rem3A_1360 : i32
      %shift_right_arithmetic3A_1362 = arith.constant 7 : i32
      %shift_right_arithmetic3A_1363 = arith.shrsi %sub3A_1353, %shift_right_arithmetic3A_1362 : i32
      %mul3A_1364 = arith.constant 128 : i32
      %mul3A_1365 = arith.muli %shift_right_arithmetic3A_1363, %mul3A_1364 : i32
      %multiple_of3A_1366 = tpu.assume_multiple %mul3A_1365, 128 : i32
      %shift_right_arithmetic3A_1367 = arith.constant 7 : i32
      %shift_right_arithmetic3A_1368 = arith.shrsi %sub3A_1357, %shift_right_arithmetic3A_1367 : i32
      %mul3A_1369 = arith.constant 128 : i32
      %mul3A_1370 = arith.muli %shift_right_arithmetic3A_1368, %mul3A_1369 : i32
      %multiple_of3A_1371 = tpu.assume_multiple %mul3A_1370, 128 : i32
      %dma_start3A_1372 = arith.constant 0 : i32
      %dma_start3A_1373 = arith.constant 0 : i32
      %dma_start3A_1374 = tpu.memref_slice %arg9[%rem3A_1361, %dma_start3A_1372, %dma_start3A_1373] : memref<14x32x128xf32, #tpu.memory_space<vmem>> -> memref<1x32x128xf32, #tpu.memory_space<vmem>>
      %dma_start3A_1375 = tpu.memref_squeeze %dma_start3A_1374 : memref<1x32x128xf32, #tpu.memory_space<vmem>> -> memref<32x128xf32, #tpu.memory_space<vmem>>
      %dma_start3A_1376 = arith.constant 0 : i32
      %dma_start3A_1377 = tpu.memref_slice %arg4[%dma_start3A_1376, %multiple_of3A_1366] : memref<32x1000000xf32, #tpu.memory_space<hbm>> -> memref<32x128xf32, #tpu.memory_space<hbm>>
      %dma_start3A_1378 = arith.constant 0 : i32
      %dma_start3A_1379 = arith.constant 0 : i32
      %dma_start3A_1380 = tpu.memref_slice %arg9[%rem3A_1361, %dma_start3A_1378, %dma_start3A_1379] : memref<14x32x128xf32, #tpu.memory_space<vmem>> -> memref<1x32x128xf32, #tpu.memory_space<vmem>>
      %dma_start3A_1381 = tpu.memref_squeeze %dma_start3A_1380 : memref<1x32x128xf32, #tpu.memory_space<vmem>> -> memref<32x128xf32, #tpu.memory_space<vmem>>
      %dma_start3A_1382 = arith.constant 0 : i32
      %dma_start3A_1383 = tpu.memref_slice %arg4[%dma_start3A_1382, %multiple_of3A_1366] : memref<32x1000000xf32, #tpu.memory_space<hbm>> -> memref<32x128xf32, #tpu.memory_space<hbm>>
      tpu.enqueue_dma source(%dma_start3A_1383 : memref<32x128xf32, #tpu.memory_space<hbm>>) target(%dma_start3A_1381 : memref<32x128xf32, #tpu.memory_space<vmem>>) target_semaphore(%arg12 : memref<!tpu.dma_semaphore, #tpu.memory_space<semaphore_mem>>)
      %dma_start3A_1384 = arith.constant 0 : i32
      %dma_start3A_1385 = arith.constant 0 : i32
      %dma_start3A_1386 = tpu.memref_slice %arg10[%rem3A_1361, %dma_start3A_1384, %dma_start3A_1385] : memref<14x32x128xf32, #tpu.memory_space<vmem>> -> memref<1x32x128xf32, #tpu.memory_space<vmem>>
      %dma_start3A_1387 = tpu.memref_squeeze %dma_start3A_1386 : memref<1x32x128xf32, #tpu.memory_space<vmem>> -> memref<32x128xf32, #tpu.memory_space<vmem>>
      %dma_start3A_1388 = arith.constant 0 : i32
      %dma_start3A_1389 = tpu.memref_slice %arg5[%dma_start3A_1388, %multiple_of3A_1371] : memref<32x1000000xf32, #tpu.memory_space<hbm>> -> memref<32x128xf32, #tpu.memory_space<hbm>>
      %dma_start3A_1390 = arith.constant 0 : i32
      %dma_start3A_1391 = arith.constant 0 : i32
      %dma_start3A_1392 = tpu.memref_slice %arg10[%rem3A_1361, %dma_start3A_1390, %dma_start3A_1391] : memref<14x32x128xf32, #tpu.memory_space<vmem>> -> memref<1x32x128xf32, #tpu.memory_space<vmem>>
      %dma_start3A_1393 = tpu.memref_squeeze %dma_start3A_1392 : memref<1x32x128xf32, #tpu.memory_space<vmem>> -> memref<32x128xf32, #tpu.memory_space<vmem>>
      %dma_start3A_1394 = arith.constant 0 : i32
      %dma_start3A_1395 = tpu.memref_slice %arg5[%dma_start3A_1394, %multiple_of3A_1371] : memref<32x1000000xf32, #tpu.memory_space<hbm>> -> memref<32x128xf32, #tpu.memory_space<hbm>>
      tpu.enqueue_dma source(%dma_start3A_1395 : memref<32x128xf32, #tpu.memory_space<hbm>>) target(%dma_start3A_1393 : memref<32x128xf32, #tpu.memory_space<vmem>>) target_semaphore(%arg12 : memref<!tpu.dma_semaphore, #tpu.memory_space<semaphore_mem>>)
      %dma_wait3A_1396 = arith.constant 0 : i32
      %dma_wait3A_1397 = arith.constant 0 : i32
      %dma_wait3A_1398 = arith.constant 0 : i32
      %dma_wait3A_1399 = tpu.memref_slice %arg9[%dma_wait3A_1396, %dma_wait3A_1397, %dma_wait3A_1398] : memref<14x32x128xf32, #tpu.memory_space<vmem>> -> memref<1x32x128xf32, #tpu.memory_space<vmem>>
      %dma_wait3A_1400 = tpu.memref_squeeze %dma_wait3A_1399 : memref<1x32x128xf32, #tpu.memory_space<vmem>> -> memref<32x128xf32, #tpu.memory_space<vmem>>
      %dma_wait3A_1401 = arith.constant 0 : i32
      %dma_wait3A_1402 = arith.constant 0 : i32
      %dma_wait3A_1403 = tpu.memref_slice %arg4[%dma_wait3A_1401, %dma_wait3A_1402] : memref<32x1000000xf32, #tpu.memory_space<hbm>> -> memref<32x128xf32, #tpu.memory_space<hbm>>
      %dma_wait3A_1404 = arith.constant 0 : i32
      %dma_wait3A_1405 = arith.constant 0 : i32
      %dma_wait3A_1406 = tpu.memref_slice %arg9[%dma_wait3A_1396, %dma_wait3A_1404, %dma_wait3A_1405] : memref<14x32x128xf32, #tpu.memory_space<vmem>> -> memref<1x32x128xf32, #tpu.memory_space<vmem>>
      %dma_wait3A_1407 = tpu.memref_squeeze %dma_wait3A_1406 : memref<1x32x128xf32, #tpu.memory_space<vmem>> -> memref<32x128xf32, #tpu.memory_space<vmem>>
      %dma_wait3A_1408 = arith.constant 0 : i32
      %dma_wait3A_1409 = arith.constant 0 : i32
      %dma_wait3A_1410 = tpu.memref_slice %arg4[%dma_wait3A_1408, %dma_wait3A_1409] : memref<32x1000000xf32, #tpu.memory_space<hbm>> -> memref<32x128xf32, #tpu.memory_space<hbm>>
      tpu.wait_dma2 semaphore(%arg12 : memref<!tpu.dma_semaphore, #tpu.memory_space<semaphore_mem>>) src(%dma_wait3A_1410 : memref<32x128xf32, #tpu.memory_space<hbm>>) dst(%dma_wait3A_1407 : memref<32x128xf32, #tpu.memory_space<vmem>>)
      %dma_wait3A_1411 = arith.constant 0 : i32
      %dma_wait3A_1412 = arith.constant 0 : i32
      %dma_wait3A_1413 = arith.constant 0 : i32
      %dma_wait3A_1414 = tpu.memref_slice %arg10[%dma_wait3A_1411, %dma_wait3A_1412, %dma_wait3A_1413] : memref<14x32x128xf32, #tpu.memory_space<vmem>> -> memref<1x32x128xf32, #tpu.memory_space<vmem>>
      %dma_wait3A_1415 = tpu.memref_squeeze %dma_wait3A_1414 : memref<1x32x128xf32, #tpu.memory_space<vmem>> -> memref<32x128xf32, #tpu.memory_space<vmem>>
      %dma_wait3A_1416 = arith.constant 0 : i32
      %dma_wait3A_1417 = arith.constant 0 : i32
      %dma_wait3A_1418 = tpu.memref_slice %arg5[%dma_wait3A_1416, %dma_wait3A_1417] : memref<32x1000000xf32, #tpu.memory_space<hbm>> -> memref<32x128xf32, #tpu.memory_space<hbm>>
      %dma_wait3A_1419 = arith.constant 0 : i32
      %dma_wait3A_1420 = arith.constant 0 : i32
      %dma_wait3A_1421 = tpu.memref_slice %arg10[%dma_wait3A_1411, %dma_wait3A_1419, %dma_wait3A_1420] : memref<14x32x128xf32, #tpu.memory_space<vmem>> -> memref<1x32x128xf32, #tpu.memory_space<vmem>>
      %dma_wait3A_1422 = tpu.memref_squeeze %dma_wait3A_1421 : memref<1x32x128xf32, #tpu.memory_space<vmem>> -> memref<32x128xf32, #tpu.memory_space<vmem>>
      %dma_wait3A_1423 = arith.constant 0 : i32
      %dma_wait3A_1424 = arith.constant 0 : i32
      %dma_wait3A_1425 = tpu.memref_slice %arg5[%dma_wait3A_1423, %dma_wait3A_1424] : memref<32x1000000xf32, #tpu.memory_space<hbm>> -> memref<32x128xf32, #tpu.memory_space<hbm>>
      tpu.wait_dma2 semaphore(%arg12 : memref<!tpu.dma_semaphore, #tpu.memory_space<semaphore_mem>>) src(%dma_wait3A_1425 : memref<32x128xf32, #tpu.memory_space<hbm>>) dst(%dma_wait3A_1422 : memref<32x128xf32, #tpu.memory_space<vmem>>)
      %add3A_1426 = arith.constant 3 : i32
      %add3A_1427 = arith.addi %mul3A_1046, %add3A_1426 : i32
      %rem3A_1428 = arith.constant 14 : i32
      %rem3A_1429 = arith.remsi %add3A_1427, %rem3A_1428 : i32
      %broadcast_in_dim3A_1430 = vector.broadcast %rem3A_1429 : i32 to vector<16xi32>
      %slice3A_1431 = vector.extract_strided_slice %get3A_1048 {offsets = [3], sizes = [1], strides = [1]} : vector<16xi32> to vector<1xi32>
      %squeeze3A_1432 = vector.extract %slice3A_1431[0] : i32 from vector<1xi32>
      %sub3A_1433 = arith.constant 1 : i32
      %sub3A_1434 = arith.subi %squeeze3A_1432, %sub3A_1433 : i32
      %slice3A_1435 = vector.extract_strided_slice %get3A_1050 {offsets = [3], sizes = [1], strides = [1]} : vector<16xi32> to vector<1xi32>
      %squeeze3A_1436 = vector.extract %slice3A_1435[0] : i32 from vector<1xi32>
      %sub3A_1437 = arith.constant 1 : i32
      %sub3A_1438 = arith.subi %squeeze3A_1436, %sub3A_1437 : i32
      %and3A_1439 = arith.constant 127 : i32
      %and3A_1440 = arith.andi %sub3A_1434, %and3A_1439 : i32
      %broadcast_in_dim3A_1441 = vector.broadcast %and3A_1440 : i32 to vector<16xi32>
      %and3A_1442 = arith.constant 127 : i32
      %and3A_1443 = arith.andi %sub3A_1438, %and3A_1442 : i32
      %broadcast_in_dim3A_1444 = vector.broadcast %and3A_1443 : i32 to vector<16xi32>
      %add3A_1445 = arith.constant 16 : i32
      %add3A_1446 = vector.broadcast %add3A_1445 : i32 to vector<16xi32>
      %add3A_1447 = arith.addi %iota3A, %add3A_1446 : vector<16xi32>
      %gather3A_1448 = tpu.vector_load_idx %arg9[%broadcast_in_dim3A_1430, %iota3A, %broadcast_in_dim3A_1441] : memref<14x32x128xf32, #tpu.memory_space<vmem>>[vector<16xi32>, vector<16xi32>, vector<16xi32>], vector<16xf32>,
      %gather3A_1449 = tpu.vector_load_idx %arg9[%broadcast_in_dim3A_1430, %add3A_1447, %broadcast_in_dim3A_1441] : memref<14x32x128xf32, #tpu.memory_space<vmem>>[vector<16xi32>, vector<16xi32>, vector<16xi32>], vector<16xf32>,
      %gather3A_1450 = tpu.vector_load_idx %arg10[%broadcast_in_dim3A_1430, %iota3A, %broadcast_in_dim3A_1444] : memref<14x32x128xf32, #tpu.memory_space<vmem>>[vector<16xi32>, vector<16xi32>, vector<16xi32>], vector<16xf32>,
      %gather3A_1451 = tpu.vector_load_idx %arg10[%broadcast_in_dim3A_1430, %add3A_1447, %broadcast_in_dim3A_1444] : memref<14x32x128xf32, #tpu.memory_space<vmem>>[vector<16xi32>, vector<16xi32>, vector<16xi32>], vector<16xf32>,
      %eq3A_1452 = arith.constant 3 : i32
      %eq3A_1453 = vector.broadcast %eq3A_1452 : i32 to vector<16xi32>
      %eq3A_1454 = arith.cmpi eq, %iota3A, %eq3A_1453 : vector<16xi32>
      %mul3A_1455 = arith.mulf %gather3A_1448, %gather3A_1450 : vector<16xf32>
      %mul3A_1456 = arith.mulf %gather3A_1449, %gather3A_1451 : vector<16xf32>
      %add3A_1457 = arith.addf %mul3A_1455, %mul3A_1456 : vector<16xf32>
      %reduce_sum3A_1458 = arith.constant true
      %reduce_sum3A_1459 = vector.broadcast %reduce_sum3A_1458 : i1 to vector<16xi1>
      %reduce_sum3A_1460 = tpu.scan <sum>, %add3A_1457 masked %reduce_sum3A_1459 : vector<16xf32>, vector<16xi1> -> vector<16xf32>
      %reduce_sum3A_1461 = vector.extract %reduce_sum3A_1460[15] : f32 from vector<16xf32>
      %broadcast_in_dim3A_1462 = vector.broadcast %reduce_sum3A_1461 : f32 to vector<16xf32>
      %select_n3A_1463 = arith.select %eq3A_1454, %broadcast_in_dim3A_1462, %select_n3A_1349 : vector<16xi1>, vector<16xf32>
      %slice3A_1464 = vector.extract_strided_slice %get3A_1054 {offsets = [1], sizes = [1], strides = [1]} : vector<16xi32> to vector<1xi32>
      %squeeze3A_1465 = vector.extract %slice3A_1464[0] : i32 from vector<1xi32>
      %sub3A_1466 = arith.constant 1 : i32
      %sub3A_1467 = arith.subi %squeeze3A_1465, %sub3A_1466 : i32
      %slice3A_1468 = vector.extract_strided_slice %get3A_1058 {offsets = [1], sizes = [1], strides = [1]} : vector<16xi32> to vector<1xi32>
      %squeeze3A_1469 = vector.extract %slice3A_1468[0] : i32 from vector<1xi32>
      %sub3A_1470 = arith.constant 1 : i32
      %sub3A_1471 = arith.subi %squeeze3A_1469, %sub3A_1470 : i32
      %add3A_1472 = arith.constant 14 : i32
      %add3A_1473 = arith.addi %add3A_1427, %add3A_1472 : i32
      %rem3A_1474 = arith.constant 14 : i32
      %rem3A_1475 = arith.remsi %add3A_1473, %rem3A_1474 : i32
      %shift_right_arithmetic3A_1476 = arith.constant 7 : i32
      %shift_right_arithmetic3A_1477 = arith.shrsi %sub3A_1467, %shift_right_arithmetic3A_1476 : i32
      %mul3A_1478 = arith.constant 128 : i32
      %mul3A_1479 = arith.muli %shift_right_arithmetic3A_1477, %mul3A_1478 : i32
      %multiple_of3A_1480 = tpu.assume_multiple %mul3A_1479, 128 : i32
      %shift_right_arithmetic3A_1481 = arith.constant 7 : i32
      %shift_right_arithmetic3A_1482 = arith.shrsi %sub3A_1471, %shift_right_arithmetic3A_1481 : i32
      %mul3A_1483 = arith.constant 128 : i32
      %mul3A_1484 = arith.muli %shift_right_arithmetic3A_1482, %mul3A_1483 : i32
      %multiple_of3A_1485 = tpu.assume_multiple %mul3A_1484, 128 : i32
      %dma_start3A_1486 = arith.constant 0 : i32
      %dma_start3A_1487 = arith.constant 0 : i32
      %dma_start3A_1488 = tpu.memref_slice %arg9[%rem3A_1475, %dma_start3A_1486, %dma_start3A_1487] : memref<14x32x128xf32, #tpu.memory_space<vmem>> -> memref<1x32x128xf32, #tpu.memory_space<vmem>>
      %dma_start3A_1489 = tpu.memref_squeeze %dma_start3A_1488 : memref<1x32x128xf32, #tpu.memory_space<vmem>> -> memref<32x128xf32, #tpu.memory_space<vmem>>
      %dma_start3A_1490 = arith.constant 0 : i32
      %dma_start3A_1491 = tpu.memref_slice %arg4[%dma_start3A_1490, %multiple_of3A_1480] : memref<32x1000000xf32, #tpu.memory_space<hbm>> -> memref<32x128xf32, #tpu.memory_space<hbm>>
      %dma_start3A_1492 = arith.constant 0 : i32
      %dma_start3A_1493 = arith.constant 0 : i32
      %dma_start3A_1494 = tpu.memref_slice %arg9[%rem3A_1475, %dma_start3A_1492, %dma_start3A_1493] : memref<14x32x128xf32, #tpu.memory_space<vmem>> -> memref<1x32x128xf32, #tpu.memory_space<vmem>>
      %dma_start3A_1495 = tpu.memref_squeeze %dma_start3A_1494 : memref<1x32x128xf32, #tpu.memory_space<vmem>> -> memref<32x128xf32, #tpu.memory_space<vmem>>
      %dma_start3A_1496 = arith.constant 0 : i32
      %dma_start3A_1497 = tpu.memref_slice %arg4[%dma_start3A_1496, %multiple_of3A_1480] : memref<32x1000000xf32, #tpu.memory_space<hbm>> -> memref<32x128xf32, #tpu.memory_space<hbm>>
      tpu.enqueue_dma source(%dma_start3A_1497 : memref<32x128xf32, #tpu.memory_space<hbm>>) target(%dma_start3A_1495 : memref<32x128xf32, #tpu.memory_space<vmem>>) target_semaphore(%arg12 : memref<!tpu.dma_semaphore, #tpu.memory_space<semaphore_mem>>)
      %dma_start3A_1498 = arith.constant 0 : i32
      %dma_start3A_1499 = arith.constant 0 : i32
      %dma_start3A_1500 = tpu.memref_slice %arg10[%rem3A_1475, %dma_start3A_1498, %dma_start3A_1499] : memref<14x32x128xf32, #tpu.memory_space<vmem>> -> memref<1x32x128xf32, #tpu.memory_space<vmem>>
      %dma_start3A_1501 = tpu.memref_squeeze %dma_start3A_1500 : memref<1x32x128xf32, #tpu.memory_space<vmem>> -> memref<32x128xf32, #tpu.memory_space<vmem>>
      %dma_start3A_1502 = arith.constant 0 : i32
      %dma_start3A_1503 = tpu.memref_slice %arg5[%dma_start3A_1502, %multiple_of3A_1485] : memref<32x1000000xf32, #tpu.memory_space<hbm>> -> memref<32x128xf32, #tpu.memory_space<hbm>>
      %dma_start3A_1504 = arith.constant 0 : i32
      %dma_start3A_1505 = arith.constant 0 : i32
      %dma_start3A_1506 = tpu.memref_slice %arg10[%rem3A_1475, %dma_start3A_1504, %dma_start3A_1505] : memref<14x32x128xf32, #tpu.memory_space<vmem>> -> memref<1x32x128xf32, #tpu.memory_space<vmem>>
      %dma_start3A_1507 = tpu.memref_squeeze %dma_start3A_1506 : memref<1x32x128xf32, #tpu.memory_space<vmem>> -> memref<32x128xf32, #tpu.memory_space<vmem>>
      %dma_start3A_1508 = arith.constant 0 : i32
      %dma_start3A_1509 = tpu.memref_slice %arg5[%dma_start3A_1508, %multiple_of3A_1485] : memref<32x1000000xf32, #tpu.memory_space<hbm>> -> memref<32x128xf32, #tpu.memory_space<hbm>>
      tpu.enqueue_dma source(%dma_start3A_1509 : memref<32x128xf32, #tpu.memory_space<hbm>>) target(%dma_start3A_1507 : memref<32x128xf32, #tpu.memory_space<vmem>>) target_semaphore(%arg12 : memref<!tpu.dma_semaphore, #tpu.memory_space<semaphore_mem>>)
      %dma_wait3A_1510 = arith.constant 0 : i32
      %dma_wait3A_1511 = arith.constant 0 : i32
      %dma_wait3A_1512 = arith.constant 0 : i32
      %dma_wait3A_1513 = tpu.memref_slice %arg9[%dma_wait3A_1510, %dma_wait3A_1511, %dma_wait3A_1512] : memref<14x32x128xf32, #tpu.memory_space<vmem>> -> memref<1x32x128xf32, #tpu.memory_space<vmem>>
      %dma_wait3A_1514 = tpu.memref_squeeze %dma_wait3A_1513 : memref<1x32x128xf32, #tpu.memory_space<vmem>> -> memref<32x128xf32, #tpu.memory_space<vmem>>
      %dma_wait3A_1515 = arith.constant 0 : i32
      %dma_wait3A_1516 = arith.constant 0 : i32
      %dma_wait3A_1517 = tpu.memref_slice %arg4[%dma_wait3A_1515, %dma_wait3A_1516] : memref<32x1000000xf32, #tpu.memory_space<hbm>> -> memref<32x128xf32, #tpu.memory_space<hbm>>
      %dma_wait3A_1518 = arith.constant 0 : i32
      %dma_wait3A_1519 = arith.constant 0 : i32
      %dma_wait3A_1520 = tpu.memref_slice %arg9[%dma_wait3A_1510, %dma_wait3A_1518, %dma_wait3A_1519] : memref<14x32x128xf32, #tpu.memory_space<vmem>> -> memref<1x32x128xf32, #tpu.memory_space<vmem>>
      %dma_wait3A_1521 = tpu.memref_squeeze %dma_wait3A_1520 : memref<1x32x128xf32, #tpu.memory_space<vmem>> -> memref<32x128xf32, #tpu.memory_space<vmem>>
      %dma_wait3A_1522 = arith.constant 0 : i32
      %dma_wait3A_1523 = arith.constant 0 : i32
      %dma_wait3A_1524 = tpu.memref_slice %arg4[%dma_wait3A_1522, %dma_wait3A_1523] : memref<32x1000000xf32, #tpu.memory_space<hbm>> -> memref<32x128xf32, #tpu.memory_space<hbm>>
      tpu.wait_dma2 semaphore(%arg12 : memref<!tpu.dma_semaphore, #tpu.memory_space<semaphore_mem>>) src(%dma_wait3A_1524 : memref<32x128xf32, #tpu.memory_space<hbm>>) dst(%dma_wait3A_1521 : memref<32x128xf32, #tpu.memory_space<vmem>>)
      %dma_wait3A_1525 = arith.constant 0 : i32
      %dma_wait3A_1526 = arith.constant 0 : i32
      %dma_wait3A_1527 = arith.constant 0 : i32
      %dma_wait3A_1528 = tpu.memref_slice %arg10[%dma_wait3A_1525, %dma_wait3A_1526, %dma_wait3A_1527] : memref<14x32x128xf32, #tpu.memory_space<vmem>> -> memref<1x32x128xf32, #tpu.memory_space<vmem>>
      %dma_wait3A_1529 = tpu.memref_squeeze %dma_wait3A_1528 : memref<1x32x128xf32, #tpu.memory_space<vmem>> -> memref<32x128xf32, #tpu.memory_space<vmem>>
      %dma_wait3A_1530 = arith.constant 0 : i32
      %dma_wait3A_1531 = arith.constant 0 : i32
      %dma_wait3A_1532 = tpu.memref_slice %arg5[%dma_wait3A_1530, %dma_wait3A_1531] : memref<32x1000000xf32, #tpu.memory_space<hbm>> -> memref<32x128xf32, #tpu.memory_space<hbm>>
      %dma_wait3A_1533 = arith.constant 0 : i32
      %dma_wait3A_1534 = arith.constant 0 : i32
      %dma_wait3A_1535 = tpu.memref_slice %arg10[%dma_wait3A_1525, %dma_wait3A_1533, %dma_wait3A_1534] : memref<14x32x128xf32, #tpu.memory_space<vmem>> -> memref<1x32x128xf32, #tpu.memory_space<vmem>>
      %dma_wait3A_1536 = tpu.memref_squeeze %dma_wait3A_1535 : memref<1x32x128xf32, #tpu.memory_space<vmem>> -> memref<32x128xf32, #tpu.memory_space<vmem>>
      %dma_wait3A_1537 = arith.constant 0 : i32
      %dma_wait3A_1538 = arith.constant 0 : i32
      %dma_wait3A_1539 = tpu.memref_slice %arg5[%dma_wait3A_1537, %dma_wait3A_1538] : memref<32x1000000xf32, #tpu.memory_space<hbm>> -> memref<32x128xf32, #tpu.memory_space<hbm>>
      tpu.wait_dma2 semaphore(%arg12 : memref<!tpu.dma_semaphore, #tpu.memory_space<semaphore_mem>>) src(%dma_wait3A_1539 : memref<32x128xf32, #tpu.memory_space<hbm>>) dst(%dma_wait3A_1536 : memref<32x128xf32, #tpu.memory_space<vmem>>)
      %add3A_1540 = arith.constant 4 : i32
      %add3A_1541 = arith.addi %mul3A_1046, %add3A_1540 : i32
      %rem3A_1542 = arith.constant 14 : i32
      %rem3A_1543 = arith.remsi %add3A_1541, %rem3A_1542 : i32
      %broadcast_in_dim3A_1544 = vector.broadcast %rem3A_1543 : i32 to vector<16xi32>
      %slice3A_1545 = vector.extract_strided_slice %get3A_1048 {offsets = [4], sizes = [1], strides = [1]} : vector<16xi32> to vector<1xi32>
      %squeeze3A_1546 = vector.extract %slice3A_1545[0] : i32 from vector<1xi32>
      %sub3A_1547 = arith.constant 1 : i32
      %sub3A_1548 = arith.subi %squeeze3A_1546, %sub3A_1547 : i32
      %slice3A_1549 = vector.extract_strided_slice %get3A_1050 {offsets = [4], sizes = [1], strides = [1]} : vector<16xi32> to vector<1xi32>
      %squeeze3A_1550 = vector.extract %slice3A_1549[0] : i32 from vector<1xi32>
      %sub3A_1551 = arith.constant 1 : i32
      %sub3A_1552 = arith.subi %squeeze3A_1550, %sub3A_1551 : i32
      %and3A_1553 = arith.constant 127 : i32
      %and3A_1554 = arith.andi %sub3A_1548, %and3A_1553 : i32
      %broadcast_in_dim3A_1555 = vector.broadcast %and3A_1554 : i32 to vector<16xi32>
      %and3A_1556 = arith.constant 127 : i32
      %and3A_1557 = arith.andi %sub3A_1552, %and3A_1556 : i32
      %broadcast_in_dim3A_1558 = vector.broadcast %and3A_1557 : i32 to vector<16xi32>
      %add3A_1559 = arith.constant 16 : i32
      %add3A_1560 = vector.broadcast %add3A_1559 : i32 to vector<16xi32>
      %add3A_1561 = arith.addi %iota3A, %add3A_1560 : vector<16xi32>
      %gather3A_1562 = tpu.vector_load_idx %arg9[%broadcast_in_dim3A_1544, %iota3A, %broadcast_in_dim3A_1555] : memref<14x32x128xf32, #tpu.memory_space<vmem>>[vector<16xi32>, vector<16xi32>, vector<16xi32>], vector<16xf32>,
      %gather3A_1563 = tpu.vector_load_idx %arg9[%broadcast_in_dim3A_1544, %add3A_1561, %broadcast_in_dim3A_1555] : memref<14x32x128xf32, #tpu.memory_space<vmem>>[vector<16xi32>, vector<16xi32>, vector<16xi32>], vector<16xf32>,
      %gather3A_1564 = tpu.vector_load_idx %arg10[%broadcast_in_dim3A_1544, %iota3A, %broadcast_in_dim3A_1558] : memref<14x32x128xf32, #tpu.memory_space<vmem>>[vector<16xi32>, vector<16xi32>, vector<16xi32>], vector<16xf32>,
      %gather3A_1565 = tpu.vector_load_idx %arg10[%broadcast_in_dim3A_1544, %add3A_1561, %broadcast_in_dim3A_1558] : memref<14x32x128xf32, #tpu.memory_space<vmem>>[vector<16xi32>, vector<16xi32>, vector<16xi32>], vector<16xf32>,
      %eq3A_1566 = arith.constant 4 : i32
      %eq3A_1567 = vector.broadcast %eq3A_1566 : i32 to vector<16xi32>
      %eq3A_1568 = arith.cmpi eq, %iota3A, %eq3A_1567 : vector<16xi32>
      %mul3A_1569 = arith.mulf %gather3A_1562, %gather3A_1564 : vector<16xf32>
      %mul3A_1570 = arith.mulf %gather3A_1563, %gather3A_1565 : vector<16xf32>
      %add3A_1571 = arith.addf %mul3A_1569, %mul3A_1570 : vector<16xf32>
      %reduce_sum3A_1572 = arith.constant true
      %reduce_sum3A_1573 = vector.broadcast %reduce_sum3A_1572 : i1 to vector<16xi1>
      %reduce_sum3A_1574 = tpu.scan <sum>, %add3A_1571 masked %reduce_sum3A_1573 : vector<16xf32>, vector<16xi1> -> vector<16xf32>
      %reduce_sum3A_1575 = vector.extract %reduce_sum3A_1574[15] : f32 from vector<16xf32>
      %broadcast_in_dim3A_1576 = vector.broadcast %reduce_sum3A_1575 : f32 to vector<16xf32>
      %select_n3A_1577 = arith.select %eq3A_1568, %broadcast_in_dim3A_1576, %select_n3A_1463 : vector<16xi1>, vector<16xf32>
      %slice3A_1578 = vector.extract_strided_slice %get3A_1054 {offsets = [2], sizes = [1], strides = [1]} : vector<16xi32> to vector<1xi32>
      %squeeze3A_1579 = vector.extract %slice3A_1578[0] : i32 from vector<1xi32>
      %sub3A_1580 = arith.constant 1 : i32
      %sub3A_1581 = arith.subi %squeeze3A_1579, %sub3A_1580 : i32
      %slice3A_1582 = vector.extract_strided_slice %get3A_1058 {offsets = [2], sizes = [1], strides = [1]} : vector<16xi32> to vector<1xi32>
      %squeeze3A_1583 = vector.extract %slice3A_1582[0] : i32 from vector<1xi32>
      %sub3A_1584 = arith.constant 1 : i32
      %sub3A_1585 = arith.subi %squeeze3A_1583, %sub3A_1584 : i32
      %add3A_1586 = arith.constant 14 : i32
      %add3A_1587 = arith.addi %add3A_1541, %add3A_1586 : i32
      %rem3A_1588 = arith.constant 14 : i32
      %rem3A_1589 = arith.remsi %add3A_1587, %rem3A_1588 : i32
      %shift_right_arithmetic3A_1590 = arith.constant 7 : i32
      %shift_right_arithmetic3A_1591 = arith.shrsi %sub3A_1581, %shift_right_arithmetic3A_1590 : i32
      %mul3A_1592 = arith.constant 128 : i32
      %mul3A_1593 = arith.muli %shift_right_arithmetic3A_1591, %mul3A_1592 : i32
      %multiple_of3A_1594 = tpu.assume_multiple %mul3A_1593, 128 : i32
      %shift_right_arithmetic3A_1595 = arith.constant 7 : i32
      %shift_right_arithmetic3A_1596 = arith.shrsi %sub3A_1585, %shift_right_arithmetic3A_1595 : i32
      %mul3A_1597 = arith.constant 128 : i32
      %mul3A_1598 = arith.muli %shift_right_arithmetic3A_1596, %mul3A_1597 : i32
      %multiple_of3A_1599 = tpu.assume_multiple %mul3A_1598, 128 : i32
      %dma_start3A_1600 = arith.constant 0 : i32
      %dma_start3A_1601 = arith.constant 0 : i32
      %dma_start3A_1602 = tpu.memref_slice %arg9[%rem3A_1589, %dma_start3A_1600, %dma_start3A_1601] : memref<14x32x128xf32, #tpu.memory_space<vmem>> -> memref<1x32x128xf32, #tpu.memory_space<vmem>>
      %dma_start3A_1603 = tpu.memref_squeeze %dma_start3A_1602 : memref<1x32x128xf32, #tpu.memory_space<vmem>> -> memref<32x128xf32, #tpu.memory_space<vmem>>
      %dma_start3A_1604 = arith.constant 0 : i32
      %dma_start3A_1605 = tpu.memref_slice %arg4[%dma_start3A_1604, %multiple_of3A_1594] : memref<32x1000000xf32, #tpu.memory_space<hbm>> -> memref<32x128xf32, #tpu.memory_space<hbm>>
      %dma_start3A_1606 = arith.constant 0 : i32
      %dma_start3A_1607 = arith.constant 0 : i32
      %dma_start3A_1608 = tpu.memref_slice %arg9[%rem3A_1589, %dma_start3A_1606, %dma_start3A_1607] : memref<14x32x128xf32, #tpu.memory_space<vmem>> -> memref<1x32x128xf32, #tpu.memory_space<vmem>>
      %dma_start3A_1609 = tpu.memref_squeeze %dma_start3A_1608 : memref<1x32x128xf32, #tpu.memory_space<vmem>> -> memref<32x128xf32, #tpu.memory_space<vmem>>
      %dma_start3A_1610 = arith.constant 0 : i32
      %dma_start3A_1611 = tpu.memref_slice %arg4[%dma_start3A_1610, %multiple_of3A_1594] : memref<32x1000000xf32, #tpu.memory_space<hbm>> -> memref<32x128xf32, #tpu.memory_space<hbm>>
      tpu.enqueue_dma source(%dma_start3A_1611 : memref<32x128xf32, #tpu.memory_space<hbm>>) target(%dma_start3A_1609 : memref<32x128xf32, #tpu.memory_space<vmem>>) target_semaphore(%arg12 : memref<!tpu.dma_semaphore, #tpu.memory_space<semaphore_mem>>)
      %dma_start3A_1612 = arith.constant 0 : i32
      %dma_start3A_1613 = arith.constant 0 : i32
      %dma_start3A_1614 = tpu.memref_slice %arg10[%rem3A_1589, %dma_start3A_1612, %dma_start3A_1613] : memref<14x32x128xf32, #tpu.memory_space<vmem>> -> memref<1x32x128xf32, #tpu.memory_space<vmem>>
      %dma_start3A_1615 = tpu.memref_squeeze %dma_start3A_1614 : memref<1x32x128xf32, #tpu.memory_space<vmem>> -> memref<32x128xf32, #tpu.memory_space<vmem>>
      %dma_start3A_1616 = arith.constant 0 : i32
      %dma_start3A_1617 = tpu.memref_slice %arg5[%dma_start3A_1616, %multiple_of3A_1599] : memref<32x1000000xf32, #tpu.memory_space<hbm>> -> memref<32x128xf32, #tpu.memory_space<hbm>>
      %dma_start3A_1618 = arith.constant 0 : i32
      %dma_start3A_1619 = arith.constant 0 : i32
      %dma_start3A_1620 = tpu.memref_slice %arg10[%rem3A_1589, %dma_start3A_1618, %dma_start3A_1619] : memref<14x32x128xf32, #tpu.memory_space<vmem>> -> memref<1x32x128xf32, #tpu.memory_space<vmem>>
      %dma_start3A_1621 = tpu.memref_squeeze %dma_start3A_1620 : memref<1x32x128xf32, #tpu.memory_space<vmem>> -> memref<32x128xf32, #tpu.memory_space<vmem>>
      %dma_start3A_1622 = arith.constant 0 : i32
      %dma_start3A_1623 = tpu.memref_slice %arg5[%dma_start3A_1622, %multiple_of3A_1599] : memref<32x1000000xf32, #tpu.memory_space<hbm>> -> memref<32x128xf32, #tpu.memory_space<hbm>>
      tpu.enqueue_dma source(%dma_start3A_1623 : memref<32x128xf32, #tpu.memory_space<hbm>>) target(%dma_start3A_1621 : memref<32x128xf32, #tpu.memory_space<vmem>>) target_semaphore(%arg12 : memref<!tpu.dma_semaphore, #tpu.memory_space<semaphore_mem>>)
      %dma_wait3A_1624 = arith.constant 0 : i32
      %dma_wait3A_1625 = arith.constant 0 : i32
      %dma_wait3A_1626 = arith.constant 0 : i32
      %dma_wait3A_1627 = tpu.memref_slice %arg9[%dma_wait3A_1624, %dma_wait3A_1625, %dma_wait3A_1626] : memref<14x32x128xf32, #tpu.memory_space<vmem>> -> memref<1x32x128xf32, #tpu.memory_space<vmem>>
      %dma_wait3A_1628 = tpu.memref_squeeze %dma_wait3A_1627 : memref<1x32x128xf32, #tpu.memory_space<vmem>> -> memref<32x128xf32, #tpu.memory_space<vmem>>
      %dma_wait3A_1629 = arith.constant 0 : i32
      %dma_wait3A_1630 = arith.constant 0 : i32
      %dma_wait3A_1631 = tpu.memref_slice %arg4[%dma_wait3A_1629, %dma_wait3A_1630] : memref<32x1000000xf32, #tpu.memory_space<hbm>> -> memref<32x128xf32, #tpu.memory_space<hbm>>
      %dma_wait3A_1632 = arith.constant 0 : i32
      %dma_wait3A_1633 = arith.constant 0 : i32
      %dma_wait3A_1634 = tpu.memref_slice %arg9[%dma_wait3A_1624, %dma_wait3A_1632, %dma_wait3A_1633] : memref<14x32x128xf32, #tpu.memory_space<vmem>> -> memref<1x32x128xf32, #tpu.memory_space<vmem>>
      %dma_wait3A_1635 = tpu.memref_squeeze %dma_wait3A_1634 : memref<1x32x128xf32, #tpu.memory_space<vmem>> -> memref<32x128xf32, #tpu.memory_space<vmem>>
      %dma_wait3A_1636 = arith.constant 0 : i32
      %dma_wait3A_1637 = arith.constant 0 : i32
      %dma_wait3A_1638 = tpu.memref_slice %arg4[%dma_wait3A_1636, %dma_wait3A_1637] : memref<32x1000000xf32, #tpu.memory_space<hbm>> -> memref<32x128xf32, #tpu.memory_space<hbm>>
      tpu.wait_dma2 semaphore(%arg12 : memref<!tpu.dma_semaphore, #tpu.memory_space<semaphore_mem>>) src(%dma_wait3A_1638 : memref<32x128xf32, #tpu.memory_space<hbm>>) dst(%dma_wait3A_1635 : memref<32x128xf32, #tpu.memory_space<vmem>>)
      %dma_wait3A_1639 = arith.constant 0 : i32
      %dma_wait3A_1640 = arith.constant 0 : i32
      %dma_wait3A_1641 = arith.constant 0 : i32
      %dma_wait3A_1642 = tpu.memref_slice %arg10[%dma_wait3A_1639, %dma_wait3A_1640, %dma_wait3A_1641] : memref<14x32x128xf32, #tpu.memory_space<vmem>> -> memref<1x32x128xf32, #tpu.memory_space<vmem>>
      %dma_wait3A_1643 = tpu.memref_squeeze %dma_wait3A_1642 : memref<1x32x128xf32, #tpu.memory_space<vmem>> -> memref<32x128xf32, #tpu.memory_space<vmem>>
      %dma_wait3A_1644 = arith.constant 0 : i32
      %dma_wait3A_1645 = arith.constant 0 : i32
      %dma_wait3A_1646 = tpu.memref_slice %arg5[%dma_wait3A_1644, %dma_wait3A_1645] : memref<32x1000000xf32, #tpu.memory_space<hbm>> -> memref<32x128xf32, #tpu.memory_space<hbm>>
      %dma_wait3A_1647 = arith.constant 0 : i32
      %dma_wait3A_1648 = arith.constant 0 : i32
      %dma_wait3A_1649 = tpu.memref_slice %arg10[%dma_wait3A_1639, %dma_wait3A_1647, %dma_wait3A_1648] : memref<14x32x128xf32, #tpu.memory_space<vmem>> -> memref<1x32x128xf32, #tpu.memory_space<vmem>>
      %dma_wait3A_1650 = tpu.memref_squeeze %dma_wait3A_1649 : memref<1x32x128xf32, #tpu.memory_space<vmem>> -> memref<32x128xf32, #tpu.memory_space<vmem>>
      %dma_wait3A_1651 = arith.constant 0 : i32
      %dma_wait3A_1652 = arith.constant 0 : i32
      %dma_wait3A_1653 = tpu.memref_slice %arg5[%dma_wait3A_1651, %dma_wait3A_1652] : memref<32x1000000xf32, #tpu.memory_space<hbm>> -> memref<32x128xf32, #tpu.memory_space<hbm>>
      tpu.wait_dma2 semaphore(%arg12 : memref<!tpu.dma_semaphore, #tpu.memory_space<semaphore_mem>>) src(%dma_wait3A_1653 : memref<32x128xf32, #tpu.memory_space<hbm>>) dst(%dma_wait3A_1650 : memref<32x128xf32, #tpu.memory_space<vmem>>)
      %add3A_1654 = arith.constant 5 : i32
      %add3A_1655 = arith.addi %mul3A_1046, %add3A_1654 : i32
      %rem3A_1656 = arith.constant 14 : i32
      %rem3A_1657 = arith.remsi %add3A_1655, %rem3A_1656 : i32
      %broadcast_in_dim3A_1658 = vector.broadcast %rem3A_1657 : i32 to vector<16xi32>
      %slice3A_1659 = vector.extract_strided_slice %get3A_1048 {offsets = [5], sizes = [1], strides = [1]} : vector<16xi32> to vector<1xi32>
      %squeeze3A_1660 = vector.extract %slice3A_1659[0] : i32 from vector<1xi32>
      %sub3A_1661 = arith.constant 1 : i32
      %sub3A_1662 = arith.subi %squeeze3A_1660, %sub3A_1661 : i32
      %slice3A_1663 = vector.extract_strided_slice %get3A_1050 {offsets = [5], sizes = [1], strides = [1]} : vector<16xi32> to vector<1xi32>
      %squeeze3A_1664 = vector.extract %slice3A_1663[0] : i32 from vector<1xi32>
      %sub3A_1665 = arith.constant 1 : i32
      %sub3A_1666 = arith.subi %squeeze3A_1664, %sub3A_1665 : i32
      %and3A_1667 = arith.constant 127 : i32
      %and3A_1668 = arith.andi %sub3A_1662, %and3A_1667 : i32
      %broadcast_in_dim3A_1669 = vector.broadcast %and3A_1668 : i32 to vector<16xi32>
      %and3A_1670 = arith.constant 127 : i32
      %and3A_1671 = arith.andi %sub3A_1666, %and3A_1670 : i32
      %broadcast_in_dim3A_1672 = vector.broadcast %and3A_1671 : i32 to vector<16xi32>
      %add3A_1673 = arith.constant 16 : i32
      %add3A_1674 = vector.broadcast %add3A_1673 : i32 to vector<16xi32>
      %add3A_1675 = arith.addi %iota3A, %add3A_1674 : vector<16xi32>
      %gather3A_1676 = tpu.vector_load_idx %arg9[%broadcast_in_dim3A_1658, %iota3A, %broadcast_in_dim3A_1669] : memref<14x32x128xf32, #tpu.memory_space<vmem>>[vector<16xi32>, vector<16xi32>, vector<16xi32>], vector<16xf32>,
      %gather3A_1677 = tpu.vector_load_idx %arg9[%broadcast_in_dim3A_1658, %add3A_1675, %broadcast_in_dim3A_1669] : memref<14x32x128xf32, #tpu.memory_space<vmem>>[vector<16xi32>, vector<16xi32>, vector<16xi32>], vector<16xf32>,
      %gather3A_1678 = tpu.vector_load_idx %arg10[%broadcast_in_dim3A_1658, %iota3A, %broadcast_in_dim3A_1672] : memref<14x32x128xf32, #tpu.memory_space<vmem>>[vector<16xi32>, vector<16xi32>, vector<16xi32>], vector<16xf32>,
      %gather3A_1679 = tpu.vector_load_idx %arg10[%broadcast_in_dim3A_1658, %add3A_1675, %broadcast_in_dim3A_1672] : memref<14x32x128xf32, #tpu.memory_space<vmem>>[vector<16xi32>, vector<16xi32>, vector<16xi32>], vector<16xf32>,
      %eq3A_1680 = arith.constant 5 : i32
      %eq3A_1681 = vector.broadcast %eq3A_1680 : i32 to vector<16xi32>
      %eq3A_1682 = arith.cmpi eq, %iota3A, %eq3A_1681 : vector<16xi32>
      %mul3A_1683 = arith.mulf %gather3A_1676, %gather3A_1678 : vector<16xf32>
      %mul3A_1684 = arith.mulf %gather3A_1677, %gather3A_1679 : vector<16xf32>
      %add3A_1685 = arith.addf %mul3A_1683, %mul3A_1684 : vector<16xf32>
      %reduce_sum3A_1686 = arith.constant true
      %reduce_sum3A_1687 = vector.broadcast %reduce_sum3A_1686 : i1 to vector<16xi1>
      %reduce_sum3A_1688 = tpu.scan <sum>, %add3A_1685 masked %reduce_sum3A_1687 : vector<16xf32>, vector<16xi1> -> vector<16xf32>
      %reduce_sum3A_1689 = vector.extract %reduce_sum3A_1688[15] : f32 from vector<16xf32>
      %broadcast_in_dim3A_1690 = vector.broadcast %reduce_sum3A_1689 : f32 to vector<16xf32>
      %select_n3A_1691 = arith.select %eq3A_1682, %broadcast_in_dim3A_1690, %select_n3A_1577 : vector<16xi1>, vector<16xf32>
      %slice3A_1692 = vector.extract_strided_slice %get3A_1054 {offsets = [3], sizes = [1], strides = [1]} : vector<16xi32> to vector<1xi32>
      %squeeze3A_1693 = vector.extract %slice3A_1692[0] : i32 from vector<1xi32>
      %sub3A_1694 = arith.constant 1 : i32
      %sub3A_1695 = arith.subi %squeeze3A_1693, %sub3A_1694 : i32
      %slice3A_1696 = vector.extract_strided_slice %get3A_1058 {offsets = [3], sizes = [1], strides = [1]} : vector<16xi32> to vector<1xi32>
      %squeeze3A_1697 = vector.extract %slice3A_1696[0] : i32 from vector<1xi32>
      %sub3A_1698 = arith.constant 1 : i32
      %sub3A_1699 = arith.subi %squeeze3A_1697, %sub3A_1698 : i32
      %add3A_1700 = arith.constant 14 : i32
      %add3A_1701 = arith.addi %add3A_1655, %add3A_1700 : i32
      %rem3A_1702 = arith.constant 14 : i32
      %rem3A_1703 = arith.remsi %add3A_1701, %rem3A_1702 : i32
      %shift_right_arithmetic3A_1704 = arith.constant 7 : i32
      %shift_right_arithmetic3A_1705 = arith.shrsi %sub3A_1695, %shift_right_arithmetic3A_1704 : i32
      %mul3A_1706 = arith.constant 128 : i32
      %mul3A_1707 = arith.muli %shift_right_arithmetic3A_1705, %mul3A_1706 : i32
      %multiple_of3A_1708 = tpu.assume_multiple %mul3A_1707, 128 : i32
      %shift_right_arithmetic3A_1709 = arith.constant 7 : i32
      %shift_right_arithmetic3A_1710 = arith.shrsi %sub3A_1699, %shift_right_arithmetic3A_1709 : i32
      %mul3A_1711 = arith.constant 128 : i32
      %mul3A_1712 = arith.muli %shift_right_arithmetic3A_1710, %mul3A_1711 : i32
      %multiple_of3A_1713 = tpu.assume_multiple %mul3A_1712, 128 : i32
      %dma_start3A_1714 = arith.constant 0 : i32
      %dma_start3A_1715 = arith.constant 0 : i32
      %dma_start3A_1716 = tpu.memref_slice %arg9[%rem3A_1703, %dma_start3A_1714, %dma_start3A_1715] : memref<14x32x128xf32, #tpu.memory_space<vmem>> -> memref<1x32x128xf32, #tpu.memory_space<vmem>>
      %dma_start3A_1717 = tpu.memref_squeeze %dma_start3A_1716 : memref<1x32x128xf32, #tpu.memory_space<vmem>> -> memref<32x128xf32, #tpu.memory_space<vmem>>
      %dma_start3A_1718 = arith.constant 0 : i32
      %dma_start3A_1719 = tpu.memref_slice %arg4[%dma_start3A_1718, %multiple_of3A_1708] : memref<32x1000000xf32, #tpu.memory_space<hbm>> -> memref<32x128xf32, #tpu.memory_space<hbm>>
      %dma_start3A_1720 = arith.constant 0 : i32
      %dma_start3A_1721 = arith.constant 0 : i32
      %dma_start3A_1722 = tpu.memref_slice %arg9[%rem3A_1703, %dma_start3A_1720, %dma_start3A_1721] : memref<14x32x128xf32, #tpu.memory_space<vmem>> -> memref<1x32x128xf32, #tpu.memory_space<vmem>>
      %dma_start3A_1723 = tpu.memref_squeeze %dma_start3A_1722 : memref<1x32x128xf32, #tpu.memory_space<vmem>> -> memref<32x128xf32, #tpu.memory_space<vmem>>
      %dma_start3A_1724 = arith.constant 0 : i32
      %dma_start3A_1725 = tpu.memref_slice %arg4[%dma_start3A_1724, %multiple_of3A_1708] : memref<32x1000000xf32, #tpu.memory_space<hbm>> -> memref<32x128xf32, #tpu.memory_space<hbm>>
      tpu.enqueue_dma source(%dma_start3A_1725 : memref<32x128xf32, #tpu.memory_space<hbm>>) target(%dma_start3A_1723 : memref<32x128xf32, #tpu.memory_space<vmem>>) target_semaphore(%arg12 : memref<!tpu.dma_semaphore, #tpu.memory_space<semaphore_mem>>)
      %dma_start3A_1726 = arith.constant 0 : i32
      %dma_start3A_1727 = arith.constant 0 : i32
      %dma_start3A_1728 = tpu.memref_slice %arg10[%rem3A_1703, %dma_start3A_1726, %dma_start3A_1727] : memref<14x32x128xf32, #tpu.memory_space<vmem>> -> memref<1x32x128xf32, #tpu.memory_space<vmem>>
      %dma_start3A_1729 = tpu.memref_squeeze %dma_start3A_1728 : memref<1x32x128xf32, #tpu.memory_space<vmem>> -> memref<32x128xf32, #tpu.memory_space<vmem>>
      %dma_start3A_1730 = arith.constant 0 : i32
      %dma_start3A_1731 = tpu.memref_slice %arg5[%dma_start3A_1730, %multiple_of3A_1713] : memref<32x1000000xf32, #tpu.memory_space<hbm>> -> memref<32x128xf32, #tpu.memory_space<hbm>>
      %dma_start3A_1732 = arith.constant 0 : i32
      %dma_start3A_1733 = arith.constant 0 : i32
      %dma_start3A_1734 = tpu.memref_slice %arg10[%rem3A_1703, %dma_start3A_1732, %dma_start3A_1733] : memref<14x32x128xf32, #tpu.memory_space<vmem>> -> memref<1x32x128xf32, #tpu.memory_space<vmem>>
      %dma_start3A_1735 = tpu.memref_squeeze %dma_start3A_1734 : memref<1x32x128xf32, #tpu.memory_space<vmem>> -> memref<32x128xf32, #tpu.memory_space<vmem>>
      %dma_start3A_1736 = arith.constant 0 : i32
      %dma_start3A_1737 = tpu.memref_slice %arg5[%dma_start3A_1736, %multiple_of3A_1713] : memref<32x1000000xf32, #tpu.memory_space<hbm>> -> memref<32x128xf32, #tpu.memory_space<hbm>>
      tpu.enqueue_dma source(%dma_start3A_1737 : memref<32x128xf32, #tpu.memory_space<hbm>>) target(%dma_start3A_1735 : memref<32x128xf32, #tpu.memory_space<vmem>>) target_semaphore(%arg12 : memref<!tpu.dma_semaphore, #tpu.memory_space<semaphore_mem>>)
      %dma_wait3A_1738 = arith.constant 0 : i32
      %dma_wait3A_1739 = arith.constant 0 : i32
      %dma_wait3A_1740 = arith.constant 0 : i32
      %dma_wait3A_1741 = tpu.memref_slice %arg9[%dma_wait3A_1738, %dma_wait3A_1739, %dma_wait3A_1740] : memref<14x32x128xf32, #tpu.memory_space<vmem>> -> memref<1x32x128xf32, #tpu.memory_space<vmem>>
      %dma_wait3A_1742 = tpu.memref_squeeze %dma_wait3A_1741 : memref<1x32x128xf32, #tpu.memory_space<vmem>> -> memref<32x128xf32, #tpu.memory_space<vmem>>
      %dma_wait3A_1743 = arith.constant 0 : i32
      %dma_wait3A_1744 = arith.constant 0 : i32
      %dma_wait3A_1745 = tpu.memref_slice %arg4[%dma_wait3A_1743, %dma_wait3A_1744] : memref<32x1000000xf32, #tpu.memory_space<hbm>> -> memref<32x128xf32, #tpu.memory_space<hbm>>
      %dma_wait3A_1746 = arith.constant 0 : i32
      %dma_wait3A_1747 = arith.constant 0 : i32
      %dma_wait3A_1748 = tpu.memref_slice %arg9[%dma_wait3A_1738, %dma_wait3A_1746, %dma_wait3A_1747] : memref<14x32x128xf32, #tpu.memory_space<vmem>> -> memref<1x32x128xf32, #tpu.memory_space<vmem>>
      %dma_wait3A_1749 = tpu.memref_squeeze %dma_wait3A_1748 : memref<1x32x128xf32, #tpu.memory_space<vmem>> -> memref<32x128xf32, #tpu.memory_space<vmem>>
      %dma_wait3A_1750 = arith.constant 0 : i32
      %dma_wait3A_1751 = arith.constant 0 : i32
      %dma_wait3A_1752 = tpu.memref_slice %arg4[%dma_wait3A_1750, %dma_wait3A_1751] : memref<32x1000000xf32, #tpu.memory_space<hbm>> -> memref<32x128xf32, #tpu.memory_space<hbm>>
      tpu.wait_dma2 semaphore(%arg12 : memref<!tpu.dma_semaphore, #tpu.memory_space<semaphore_mem>>) src(%dma_wait3A_1752 : memref<32x128xf32, #tpu.memory_space<hbm>>) dst(%dma_wait3A_1749 : memref<32x128xf32, #tpu.memory_space<vmem>>)
      %dma_wait3A_1753 = arith.constant 0 : i32
      %dma_wait3A_1754 = arith.constant 0 : i32
      %dma_wait3A_1755 = arith.constant 0 : i32
      %dma_wait3A_1756 = tpu.memref_slice %arg10[%dma_wait3A_1753, %dma_wait3A_1754, %dma_wait3A_1755] : memref<14x32x128xf32, #tpu.memory_space<vmem>> -> memref<1x32x128xf32, #tpu.memory_space<vmem>>
      %dma_wait3A_1757 = tpu.memref_squeeze %dma_wait3A_1756 : memref<1x32x128xf32, #tpu.memory_space<vmem>> -> memref<32x128xf32, #tpu.memory_space<vmem>>
      %dma_wait3A_1758 = arith.constant 0 : i32
      %dma_wait3A_1759 = arith.constant 0 : i32
      %dma_wait3A_1760 = tpu.memref_slice %arg5[%dma_wait3A_1758, %dma_wait3A_1759] : memref<32x1000000xf32, #tpu.memory_space<hbm>> -> memref<32x128xf32, #tpu.memory_space<hbm>>
      %dma_wait3A_1761 = arith.constant 0 : i32
      %dma_wait3A_1762 = arith.constant 0 : i32
      %dma_wait3A_1763 = tpu.memref_slice %arg10[%dma_wait3A_1753, %dma_wait3A_1761, %dma_wait3A_1762] : memref<14x32x128xf32, #tpu.memory_space<vmem>> -> memref<1x32x128xf32, #tpu.memory_space<vmem>>
      %dma_wait3A_1764 = tpu.memref_squeeze %dma_wait3A_1763 : memref<1x32x128xf32, #tpu.memory_space<vmem>> -> memref<32x128xf32, #tpu.memory_space<vmem>>
      %dma_wait3A_1765 = arith.constant 0 : i32
      %dma_wait3A_1766 = arith.constant 0 : i32
      %dma_wait3A_1767 = tpu.memref_slice %arg5[%dma_wait3A_1765, %dma_wait3A_1766] : memref<32x1000000xf32, #tpu.memory_space<hbm>> -> memref<32x128xf32, #tpu.memory_space<hbm>>
      tpu.wait_dma2 semaphore(%arg12 : memref<!tpu.dma_semaphore, #tpu.memory_space<semaphore_mem>>) src(%dma_wait3A_1767 : memref<32x128xf32, #tpu.memory_space<hbm>>) dst(%dma_wait3A_1764 : memref<32x128xf32, #tpu.memory_space<vmem>>)
      %add3A_1768 = arith.constant 6 : i32
      %add3A_1769 = arith.addi %mul3A_1046, %add3A_1768 : i32
      %rem3A_1770 = arith.constant 14 : i32
      %rem3A_1771 = arith.remsi %add3A_1769, %rem3A_1770 : i32
      %broadcast_in_dim3A_1772 = vector.broadcast %rem3A_1771 : i32 to vector<16xi32>
      %slice3A_1773 = vector.extract_strided_slice %get3A_1048 {offsets = [6], sizes = [1], strides = [1]} : vector<16xi32> to vector<1xi32>
      %squeeze3A_1774 = vector.extract %slice3A_1773[0] : i32 from vector<1xi32>
      %sub3A_1775 = arith.constant 1 : i32
      %sub3A_1776 = arith.subi %squeeze3A_1774, %sub3A_1775 : i32
      %slice3A_1777 = vector.extract_strided_slice %get3A_1050 {offsets = [6], sizes = [1], strides = [1]} : vector<16xi32> to vector<1xi32>
      %squeeze3A_1778 = vector.extract %slice3A_1777[0] : i32 from vector<1xi32>
      %sub3A_1779 = arith.constant 1 : i32
      %sub3A_1780 = arith.subi %squeeze3A_1778, %sub3A_1779 : i32
      %and3A_1781 = arith.constant 127 : i32
      %and3A_1782 = arith.andi %sub3A_1776, %and3A_1781 : i32
      %broadcast_in_dim3A_1783 = vector.broadcast %and3A_1782 : i32 to vector<16xi32>
      %and3A_1784 = arith.constant 127 : i32
      %and3A_1785 = arith.andi %sub3A_1780, %and3A_1784 : i32
      %broadcast_in_dim3A_1786 = vector.broadcast %and3A_1785 : i32 to vector<16xi32>
      %add3A_1787 = arith.constant 16 : i32
      %add3A_1788 = vector.broadcast %add3A_1787 : i32 to vector<16xi32>
      %add3A_1789 = arith.addi %iota3A, %add3A_1788 : vector<16xi32>
      %gather3A_1790 = tpu.vector_load_idx %arg9[%broadcast_in_dim3A_1772, %iota3A, %broadcast_in_dim3A_1783] : memref<14x32x128xf32, #tpu.memory_space<vmem>>[vector<16xi32>, vector<16xi32>, vector<16xi32>], vector<16xf32>,
      %gather3A_1791 = tpu.vector_load_idx %arg9[%broadcast_in_dim3A_1772, %add3A_1789, %broadcast_in_dim3A_1783] : memref<14x32x128xf32, #tpu.memory_space<vmem>>[vector<16xi32>, vector<16xi32>, vector<16xi32>], vector<16xf32>,
      %gather3A_1792 = tpu.vector_load_idx %arg10[%broadcast_in_dim3A_1772, %iota3A, %broadcast_in_dim3A_1786] : memref<14x32x128xf32, #tpu.memory_space<vmem>>[vector<16xi32>, vector<16xi32>, vector<16xi32>], vector<16xf32>,
      %gather3A_1793 = tpu.vector_load_idx %arg10[%broadcast_in_dim3A_1772, %add3A_1789, %broadcast_in_dim3A_1786] : memref<14x32x128xf32, #tpu.memory_space<vmem>>[vector<16xi32>, vector<16xi32>, vector<16xi32>], vector<16xf32>,
      %eq3A_1794 = arith.constant 6 : i32
      %eq3A_1795 = vector.broadcast %eq3A_1794 : i32 to vector<16xi32>
      %eq3A_1796 = arith.cmpi eq, %iota3A, %eq3A_1795 : vector<16xi32>
      %mul3A_1797 = arith.mulf %gather3A_1790, %gather3A_1792 : vector<16xf32>
      %mul3A_1798 = arith.mulf %gather3A_1791, %gather3A_1793 : vector<16xf32>
      %add3A_1799 = arith.addf %mul3A_1797, %mul3A_1798 : vector<16xf32>
      %reduce_sum3A_1800 = arith.constant true
      %reduce_sum3A_1801 = vector.broadcast %reduce_sum3A_1800 : i1 to vector<16xi1>
      %reduce_sum3A_1802 = tpu.scan <sum>, %add3A_1799 masked %reduce_sum3A_1801 : vector<16xf32>, vector<16xi1> -> vector<16xf32>
      %reduce_sum3A_1803 = vector.extract %reduce_sum3A_1802[15] : f32 from vector<16xf32>
      %broadcast_in_dim3A_1804 = vector.broadcast %reduce_sum3A_1803 : f32 to vector<16xf32>
      %select_n3A_1805 = arith.select %eq3A_1796, %broadcast_in_dim3A_1804, %select_n3A_1691 : vector<16xi1>, vector<16xf32>
      %slice3A_1806 = vector.extract_strided_slice %get3A_1054 {offsets = [4], sizes = [1], strides = [1]} : vector<16xi32> to vector<1xi32>
      %squeeze3A_1807 = vector.extract %slice3A_1806[0] : i32 from vector<1xi32>
      %sub3A_1808 = arith.constant 1 : i32
      %sub3A_1809 = arith.subi %squeeze3A_1807, %sub3A_1808 : i32
      %slice3A_1810 = vector.extract_strided_slice %get3A_1058 {offsets = [4], sizes = [1], strides = [1]} : vector<16xi32> to vector<1xi32>
      %squeeze3A_1811 = vector.extract %slice3A_1810[0] : i32 from vector<1xi32>
      %sub3A_1812 = arith.constant 1 : i32
      %sub3A_1813 = arith.subi %squeeze3A_1811, %sub3A_1812 : i32
      %add3A_1814 = arith.constant 14 : i32
      %add3A_1815 = arith.addi %add3A_1769, %add3A_1814 : i32
      %rem3A_1816 = arith.constant 14 : i32
      %rem3A_1817 = arith.remsi %add3A_1815, %rem3A_1816 : i32
      %shift_right_arithmetic3A_1818 = arith.constant 7 : i32
      %shift_right_arithmetic3A_1819 = arith.shrsi %sub3A_1809, %shift_right_arithmetic3A_1818 : i32
      %mul3A_1820 = arith.constant 128 : i32
      %mul3A_1821 = arith.muli %shift_right_arithmetic3A_1819, %mul3A_1820 : i32
      %multiple_of3A_1822 = tpu.assume_multiple %mul3A_1821, 128 : i32
      %shift_right_arithmetic3A_1823 = arith.constant 7 : i32
      %shift_right_arithmetic3A_1824 = arith.shrsi %sub3A_1813, %shift_right_arithmetic3A_1823 : i32
      %mul3A_1825 = arith.constant 128 : i32
      %mul3A_1826 = arith.muli %shift_right_arithmetic3A_1824, %mul3A_1825 : i32
      %multiple_of3A_1827 = tpu.assume_multiple %mul3A_1826, 128 : i32
      %dma_start3A_1828 = arith.constant 0 : i32
      %dma_start3A_1829 = arith.constant 0 : i32
      %dma_start3A_1830 = tpu.memref_slice %arg9[%rem3A_1817, %dma_start3A_1828, %dma_start3A_1829] : memref<14x32x128xf32, #tpu.memory_space<vmem>> -> memref<1x32x128xf32, #tpu.memory_space<vmem>>
      %dma_start3A_1831 = tpu.memref_squeeze %dma_start3A_1830 : memref<1x32x128xf32, #tpu.memory_space<vmem>> -> memref<32x128xf32, #tpu.memory_space<vmem>>
      %dma_start3A_1832 = arith.constant 0 : i32
      %dma_start3A_1833 = tpu.memref_slice %arg4[%dma_start3A_1832, %multiple_of3A_1822] : memref<32x1000000xf32, #tpu.memory_space<hbm>> -> memref<32x128xf32, #tpu.memory_space<hbm>>
      %dma_start3A_1834 = arith.constant 0 : i32
      %dma_start3A_1835 = arith.constant 0 : i32
      %dma_start3A_1836 = tpu.memref_slice %arg9[%rem3A_1817, %dma_start3A_1834, %dma_start3A_1835] : memref<14x32x128xf32, #tpu.memory_space<vmem>> -> memref<1x32x128xf32, #tpu.memory_space<vmem>>
      %dma_start3A_1837 = tpu.memref_squeeze %dma_start3A_1836 : memref<1x32x128xf32, #tpu.memory_space<vmem>> -> memref<32x128xf32, #tpu.memory_space<vmem>>
      %dma_start3A_1838 = arith.constant 0 : i32
      %dma_start3A_1839 = tpu.memref_slice %arg4[%dma_start3A_1838, %multiple_of3A_1822] : memref<32x1000000xf32, #tpu.memory_space<hbm>> -> memref<32x128xf32, #tpu.memory_space<hbm>>
      tpu.enqueue_dma source(%dma_start3A_1839 : memref<32x128xf32, #tpu.memory_space<hbm>>) target(%dma_start3A_1837 : memref<32x128xf32, #tpu.memory_space<vmem>>) target_semaphore(%arg12 : memref<!tpu.dma_semaphore, #tpu.memory_space<semaphore_mem>>)
      %dma_start3A_1840 = arith.constant 0 : i32
      %dma_start3A_1841 = arith.constant 0 : i32
      %dma_start3A_1842 = tpu.memref_slice %arg10[%rem3A_1817, %dma_start3A_1840, %dma_start3A_1841] : memref<14x32x128xf32, #tpu.memory_space<vmem>> -> memref<1x32x128xf32, #tpu.memory_space<vmem>>
      %dma_start3A_1843 = tpu.memref_squeeze %dma_start3A_1842 : memref<1x32x128xf32, #tpu.memory_space<vmem>> -> memref<32x128xf32, #tpu.memory_space<vmem>>
      %dma_start3A_1844 = arith.constant 0 : i32
      %dma_start3A_1845 = tpu.memref_slice %arg5[%dma_start3A_1844, %multiple_of3A_1827] : memref<32x1000000xf32, #tpu.memory_space<hbm>> -> memref<32x128xf32, #tpu.memory_space<hbm>>
      %dma_start3A_1846 = arith.constant 0 : i32
      %dma_start3A_1847 = arith.constant 0 : i32
      %dma_start3A_1848 = tpu.memref_slice %arg10[%rem3A_1817, %dma_start3A_1846, %dma_start3A_1847] : memref<14x32x128xf32, #tpu.memory_space<vmem>> -> memref<1x32x128xf32, #tpu.memory_space<vmem>>
      %dma_start3A_1849 = tpu.memref_squeeze %dma_start3A_1848 : memref<1x32x128xf32, #tpu.memory_space<vmem>> -> memref<32x128xf32, #tpu.memory_space<vmem>>
      %dma_start3A_1850 = arith.constant 0 : i32
      %dma_start3A_1851 = tpu.memref_slice %arg5[%dma_start3A_1850, %multiple_of3A_1827] : memref<32x1000000xf32, #tpu.memory_space<hbm>> -> memref<32x128xf32, #tpu.memory_space<hbm>>
      tpu.enqueue_dma source(%dma_start3A_1851 : memref<32x128xf32, #tpu.memory_space<hbm>>) target(%dma_start3A_1849 : memref<32x128xf32, #tpu.memory_space<vmem>>) target_semaphore(%arg12 : memref<!tpu.dma_semaphore, #tpu.memory_space<semaphore_mem>>)
      %dma_wait3A_1852 = arith.constant 0 : i32
      %dma_wait3A_1853 = arith.constant 0 : i32
      %dma_wait3A_1854 = arith.constant 0 : i32
      %dma_wait3A_1855 = tpu.memref_slice %arg9[%dma_wait3A_1852, %dma_wait3A_1853, %dma_wait3A_1854] : memref<14x32x128xf32, #tpu.memory_space<vmem>> -> memref<1x32x128xf32, #tpu.memory_space<vmem>>
      %dma_wait3A_1856 = tpu.memref_squeeze %dma_wait3A_1855 : memref<1x32x128xf32, #tpu.memory_space<vmem>> -> memref<32x128xf32, #tpu.memory_space<vmem>>
      %dma_wait3A_1857 = arith.constant 0 : i32
      %dma_wait3A_1858 = arith.constant 0 : i32
      %dma_wait3A_1859 = tpu.memref_slice %arg4[%dma_wait3A_1857, %dma_wait3A_1858] : memref<32x1000000xf32, #tpu.memory_space<hbm>> -> memref<32x128xf32, #tpu.memory_space<hbm>>
      %dma_wait3A_1860 = arith.constant 0 : i32
      %dma_wait3A_1861 = arith.constant 0 : i32
      %dma_wait3A_1862 = tpu.memref_slice %arg9[%dma_wait3A_1852, %dma_wait3A_1860, %dma_wait3A_1861] : memref<14x32x128xf32, #tpu.memory_space<vmem>> -> memref<1x32x128xf32, #tpu.memory_space<vmem>>
      %dma_wait3A_1863 = tpu.memref_squeeze %dma_wait3A_1862 : memref<1x32x128xf32, #tpu.memory_space<vmem>> -> memref<32x128xf32, #tpu.memory_space<vmem>>
      %dma_wait3A_1864 = arith.constant 0 : i32
      %dma_wait3A_1865 = arith.constant 0 : i32
      %dma_wait3A_1866 = tpu.memref_slice %arg4[%dma_wait3A_1864, %dma_wait3A_1865] : memref<32x1000000xf32, #tpu.memory_space<hbm>> -> memref<32x128xf32, #tpu.memory_space<hbm>>
      tpu.wait_dma2 semaphore(%arg12 : memref<!tpu.dma_semaphore, #tpu.memory_space<semaphore_mem>>) src(%dma_wait3A_1866 : memref<32x128xf32, #tpu.memory_space<hbm>>) dst(%dma_wait3A_1863 : memref<32x128xf32, #tpu.memory_space<vmem>>)
      %dma_wait3A_1867 = arith.constant 0 : i32
      %dma_wait3A_1868 = arith.constant 0 : i32
      %dma_wait3A_1869 = arith.constant 0 : i32
      %dma_wait3A_1870 = tpu.memref_slice %arg10[%dma_wait3A_1867, %dma_wait3A_1868, %dma_wait3A_1869] : memref<14x32x128xf32, #tpu.memory_space<vmem>> -> memref<1x32x128xf32, #tpu.memory_space<vmem>>
      %dma_wait3A_1871 = tpu.memref_squeeze %dma_wait3A_1870 : memref<1x32x128xf32, #tpu.memory_space<vmem>> -> memref<32x128xf32, #tpu.memory_space<vmem>>
      %dma_wait3A_1872 = arith.constant 0 : i32
      %dma_wait3A_1873 = arith.constant 0 : i32
      %dma_wait3A_1874 = tpu.memref_slice %arg5[%dma_wait3A_1872, %dma_wait3A_1873] : memref<32x1000000xf32, #tpu.memory_space<hbm>> -> memref<32x128xf32, #tpu.memory_space<hbm>>
      %dma_wait3A_1875 = arith.constant 0 : i32
      %dma_wait3A_1876 = arith.constant 0 : i32
      %dma_wait3A_1877 = tpu.memref_slice %arg10[%dma_wait3A_1867, %dma_wait3A_1875, %dma_wait3A_1876] : memref<14x32x128xf32, #tpu.memory_space<vmem>> -> memref<1x32x128xf32, #tpu.memory_space<vmem>>
      %dma_wait3A_1878 = tpu.memref_squeeze %dma_wait3A_1877 : memref<1x32x128xf32, #tpu.memory_space<vmem>> -> memref<32x128xf32, #tpu.memory_space<vmem>>
      %dma_wait3A_1879 = arith.constant 0 : i32
      %dma_wait3A_1880 = arith.constant 0 : i32
      %dma_wait3A_1881 = tpu.memref_slice %arg5[%dma_wait3A_1879, %dma_wait3A_1880] : memref<32x1000000xf32, #tpu.memory_space<hbm>> -> memref<32x128xf32, #tpu.memory_space<hbm>>
      tpu.wait_dma2 semaphore(%arg12 : memref<!tpu.dma_semaphore, #tpu.memory_space<semaphore_mem>>) src(%dma_wait3A_1881 : memref<32x128xf32, #tpu.memory_space<hbm>>) dst(%dma_wait3A_1878 : memref<32x128xf32, #tpu.memory_space<vmem>>)
      %add3A_1882 = arith.constant 7 : i32
      %add3A_1883 = arith.addi %mul3A_1046, %add3A_1882 : i32
      %rem3A_1884 = arith.constant 14 : i32
      %rem3A_1885 = arith.remsi %add3A_1883, %rem3A_1884 : i32
      %broadcast_in_dim3A_1886 = vector.broadcast %rem3A_1885 : i32 to vector<16xi32>
      %slice3A_1887 = vector.extract_strided_slice %get3A_1048 {offsets = [7], sizes = [1], strides = [1]} : vector<16xi32> to vector<1xi32>
      %squeeze3A_1888 = vector.extract %slice3A_1887[0] : i32 from vector<1xi32>
      %sub3A_1889 = arith.constant 1 : i32
      %sub3A_1890 = arith.subi %squeeze3A_1888, %sub3A_1889 : i32
      %slice3A_1891 = vector.extract_strided_slice %get3A_1050 {offsets = [7], sizes = [1], strides = [1]} : vector<16xi32> to vector<1xi32>
      %squeeze3A_1892 = vector.extract %slice3A_1891[0] : i32 from vector<1xi32>
      %sub3A_1893 = arith.constant 1 : i32
      %sub3A_1894 = arith.subi %squeeze3A_1892, %sub3A_1893 : i32
      %and3A_1895 = arith.constant 127 : i32
      %and3A_1896 = arith.andi %sub3A_1890, %and3A_1895 : i32
      %broadcast_in_dim3A_1897 = vector.broadcast %and3A_1896 : i32 to vector<16xi32>
      %and3A_1898 = arith.constant 127 : i32
      %and3A_1899 = arith.andi %sub3A_1894, %and3A_1898 : i32
      %broadcast_in_dim3A_1900 = vector.broadcast %and3A_1899 : i32 to vector<16xi32>
      %add3A_1901 = arith.constant 16 : i32
      %add3A_1902 = vector.broadcast %add3A_1901 : i32 to vector<16xi32>
      %add3A_1903 = arith.addi %iota3A, %add3A_1902 : vector<16xi32>
      %gather3A_1904 = tpu.vector_load_idx %arg9[%broadcast_in_dim3A_1886, %iota3A, %broadcast_in_dim3A_1897] : memref<14x32x128xf32, #tpu.memory_space<vmem>>[vector<16xi32>, vector<16xi32>, vector<16xi32>], vector<16xf32>,
      %gather3A_1905 = tpu.vector_load_idx %arg9[%broadcast_in_dim3A_1886, %add3A_1903, %broadcast_in_dim3A_1897] : memref<14x32x128xf32, #tpu.memory_space<vmem>>[vector<16xi32>, vector<16xi32>, vector<16xi32>], vector<16xf32>,
      %gather3A_1906 = tpu.vector_load_idx %arg10[%broadcast_in_dim3A_1886, %iota3A, %broadcast_in_dim3A_1900] : memref<14x32x128xf32, #tpu.memory_space<vmem>>[vector<16xi32>, vector<16xi32>, vector<16xi32>], vector<16xf32>,
      %gather3A_1907 = tpu.vector_load_idx %arg10[%broadcast_in_dim3A_1886, %add3A_1903, %broadcast_in_dim3A_1900] : memref<14x32x128xf32, #tpu.memory_space<vmem>>[vector<16xi32>, vector<16xi32>, vector<16xi32>], vector<16xf32>,
      %eq3A_1908 = arith.constant 7 : i32
      %eq3A_1909 = vector.broadcast %eq3A_1908 : i32 to vector<16xi32>
      %eq3A_1910 = arith.cmpi eq, %iota3A, %eq3A_1909 : vector<16xi32>
      %mul3A_1911 = arith.mulf %gather3A_1904, %gather3A_1906 : vector<16xf32>
      %mul3A_1912 = arith.mulf %gather3A_1905, %gather3A_1907 : vector<16xf32>
      %add3A_1913 = arith.addf %mul3A_1911, %mul3A_1912 : vector<16xf32>
      %reduce_sum3A_1914 = arith.constant true
      %reduce_sum3A_1915 = vector.broadcast %reduce_sum3A_1914 : i1 to vector<16xi1>
      %reduce_sum3A_1916 = tpu.scan <sum>, %add3A_1913 masked %reduce_sum3A_1915 : vector<16xf32>, vector<16xi1> -> vector<16xf32>
      %reduce_sum3A_1917 = vector.extract %reduce_sum3A_1916[15] : f32 from vector<16xf32>
      %broadcast_in_dim3A_1918 = vector.broadcast %reduce_sum3A_1917 : f32 to vector<16xf32>
      %select_n3A_1919 = arith.select %eq3A_1910, %broadcast_in_dim3A_1918, %select_n3A_1805 : vector<16xi1>, vector<16xf32>
      %slice3A_1920 = vector.extract_strided_slice %get3A_1054 {offsets = [5], sizes = [1], strides = [1]} : vector<16xi32> to vector<1xi32>
      %squeeze3A_1921 = vector.extract %slice3A_1920[0] : i32 from vector<1xi32>
      %sub3A_1922 = arith.constant 1 : i32
      %sub3A_1923 = arith.subi %squeeze3A_1921, %sub3A_1922 : i32
      %slice3A_1924 = vector.extract_strided_slice %get3A_1058 {offsets = [5], sizes = [1], strides = [1]} : vector<16xi32> to vector<1xi32>
      %squeeze3A_1925 = vector.extract %slice3A_1924[0] : i32 from vector<1xi32>
      %sub3A_1926 = arith.constant 1 : i32
      %sub3A_1927 = arith.subi %squeeze3A_1925, %sub3A_1926 : i32
      %add3A_1928 = arith.constant 14 : i32
      %add3A_1929 = arith.addi %add3A_1883, %add3A_1928 : i32
      %rem3A_1930 = arith.constant 14 : i32
      %rem3A_1931 = arith.remsi %add3A_1929, %rem3A_1930 : i32
      %shift_right_arithmetic3A_1932 = arith.constant 7 : i32
      %shift_right_arithmetic3A_1933 = arith.shrsi %sub3A_1923, %shift_right_arithmetic3A_1932 : i32
      %mul3A_1934 = arith.constant 128 : i32
      %mul3A_1935 = arith.muli %shift_right_arithmetic3A_1933, %mul3A_1934 : i32
      %multiple_of3A_1936 = tpu.assume_multiple %mul3A_1935, 128 : i32
      %shift_right_arithmetic3A_1937 = arith.constant 7 : i32
      %shift_right_arithmetic3A_1938 = arith.shrsi %sub3A_1927, %shift_right_arithmetic3A_1937 : i32
      %mul3A_1939 = arith.constant 128 : i32
      %mul3A_1940 = arith.muli %shift_right_arithmetic3A_1938, %mul3A_1939 : i32
      %multiple_of3A_1941 = tpu.assume_multiple %mul3A_1940, 128 : i32
      %dma_start3A_1942 = arith.constant 0 : i32
      %dma_start3A_1943 = arith.constant 0 : i32
      %dma_start3A_1944 = tpu.memref_slice %arg9[%rem3A_1931, %dma_start3A_1942, %dma_start3A_1943] : memref<14x32x128xf32, #tpu.memory_space<vmem>> -> memref<1x32x128xf32, #tpu.memory_space<vmem>>
      %dma_start3A_1945 = tpu.memref_squeeze %dma_start3A_1944 : memref<1x32x128xf32, #tpu.memory_space<vmem>> -> memref<32x128xf32, #tpu.memory_space<vmem>>
      %dma_start3A_1946 = arith.constant 0 : i32
      %dma_start3A_1947 = tpu.memref_slice %arg4[%dma_start3A_1946, %multiple_of3A_1936] : memref<32x1000000xf32, #tpu.memory_space<hbm>> -> memref<32x128xf32, #tpu.memory_space<hbm>>
      %dma_start3A_1948 = arith.constant 0 : i32
      %dma_start3A_1949 = arith.constant 0 : i32
      %dma_start3A_1950 = tpu.memref_slice %arg9[%rem3A_1931, %dma_start3A_1948, %dma_start3A_1949] : memref<14x32x128xf32, #tpu.memory_space<vmem>> -> memref<1x32x128xf32, #tpu.memory_space<vmem>>
      %dma_start3A_1951 = tpu.memref_squeeze %dma_start3A_1950 : memref<1x32x128xf32, #tpu.memory_space<vmem>> -> memref<32x128xf32, #tpu.memory_space<vmem>>
      %dma_start3A_1952 = arith.constant 0 : i32
      %dma_start3A_1953 = tpu.memref_slice %arg4[%dma_start3A_1952, %multiple_of3A_1936] : memref<32x1000000xf32, #tpu.memory_space<hbm>> -> memref<32x128xf32, #tpu.memory_space<hbm>>
      tpu.enqueue_dma source(%dma_start3A_1953 : memref<32x128xf32, #tpu.memory_space<hbm>>) target(%dma_start3A_1951 : memref<32x128xf32, #tpu.memory_space<vmem>>) target_semaphore(%arg12 : memref<!tpu.dma_semaphore, #tpu.memory_space<semaphore_mem>>)
      %dma_start3A_1954 = arith.constant 0 : i32
      %dma_start3A_1955 = arith.constant 0 : i32
      %dma_start3A_1956 = tpu.memref_slice %arg10[%rem3A_1931, %dma_start3A_1954, %dma_start3A_1955] : memref<14x32x128xf32, #tpu.memory_space<vmem>> -> memref<1x32x128xf32, #tpu.memory_space<vmem>>
      %dma_start3A_1957 = tpu.memref_squeeze %dma_start3A_1956 : memref<1x32x128xf32, #tpu.memory_space<vmem>> -> memref<32x128xf32, #tpu.memory_space<vmem>>
      %dma_start3A_1958 = arith.constant 0 : i32
      %dma_start3A_1959 = tpu.memref_slice %arg5[%dma_start3A_1958, %multiple_of3A_1941] : memref<32x1000000xf32, #tpu.memory_space<hbm>> -> memref<32x128xf32, #tpu.memory_space<hbm>>
      %dma_start3A_1960 = arith.constant 0 : i32
      %dma_start3A_1961 = arith.constant 0 : i32
      %dma_start3A_1962 = tpu.memref_slice %arg10[%rem3A_1931, %dma_start3A_1960, %dma_start3A_1961] : memref<14x32x128xf32, #tpu.memory_space<vmem>> -> memref<1x32x128xf32, #tpu.memory_space<vmem>>
      %dma_start3A_1963 = tpu.memref_squeeze %dma_start3A_1962 : memref<1x32x128xf32, #tpu.memory_space<vmem>> -> memref<32x128xf32, #tpu.memory_space<vmem>>
      %dma_start3A_1964 = arith.constant 0 : i32
      %dma_start3A_1965 = tpu.memref_slice %arg5[%dma_start3A_1964, %multiple_of3A_1941] : memref<32x1000000xf32, #tpu.memory_space<hbm>> -> memref<32x128xf32, #tpu.memory_space<hbm>>
      tpu.enqueue_dma source(%dma_start3A_1965 : memref<32x128xf32, #tpu.memory_space<hbm>>) target(%dma_start3A_1963 : memref<32x128xf32, #tpu.memory_space<vmem>>) target_semaphore(%arg12 : memref<!tpu.dma_semaphore, #tpu.memory_space<semaphore_mem>>)
      %dma_wait3A_1966 = arith.constant 0 : i32
      %dma_wait3A_1967 = arith.constant 0 : i32
      %dma_wait3A_1968 = arith.constant 0 : i32
      %dma_wait3A_1969 = tpu.memref_slice %arg9[%dma_wait3A_1966, %dma_wait3A_1967, %dma_wait3A_1968] : memref<14x32x128xf32, #tpu.memory_space<vmem>> -> memref<1x32x128xf32, #tpu.memory_space<vmem>>
      %dma_wait3A_1970 = tpu.memref_squeeze %dma_wait3A_1969 : memref<1x32x128xf32, #tpu.memory_space<vmem>> -> memref<32x128xf32, #tpu.memory_space<vmem>>
      %dma_wait3A_1971 = arith.constant 0 : i32
      %dma_wait3A_1972 = arith.constant 0 : i32
      %dma_wait3A_1973 = tpu.memref_slice %arg4[%dma_wait3A_1971, %dma_wait3A_1972] : memref<32x1000000xf32, #tpu.memory_space<hbm>> -> memref<32x128xf32, #tpu.memory_space<hbm>>
      %dma_wait3A_1974 = arith.constant 0 : i32
      %dma_wait3A_1975 = arith.constant 0 : i32
      %dma_wait3A_1976 = tpu.memref_slice %arg9[%dma_wait3A_1966, %dma_wait3A_1974, %dma_wait3A_1975] : memref<14x32x128xf32, #tpu.memory_space<vmem>> -> memref<1x32x128xf32, #tpu.memory_space<vmem>>
      %dma_wait3A_1977 = tpu.memref_squeeze %dma_wait3A_1976 : memref<1x32x128xf32, #tpu.memory_space<vmem>> -> memref<32x128xf32, #tpu.memory_space<vmem>>
      %dma_wait3A_1978 = arith.constant 0 : i32
      %dma_wait3A_1979 = arith.constant 0 : i32
      %dma_wait3A_1980 = tpu.memref_slice %arg4[%dma_wait3A_1978, %dma_wait3A_1979] : memref<32x1000000xf32, #tpu.memory_space<hbm>> -> memref<32x128xf32, #tpu.memory_space<hbm>>
      tpu.wait_dma2 semaphore(%arg12 : memref<!tpu.dma_semaphore, #tpu.memory_space<semaphore_mem>>) src(%dma_wait3A_1980 : memref<32x128xf32, #tpu.memory_space<hbm>>) dst(%dma_wait3A_1977 : memref<32x128xf32, #tpu.memory_space<vmem>>)
      %dma_wait3A_1981 = arith.constant 0 : i32
      %dma_wait3A_1982 = arith.constant 0 : i32
      %dma_wait3A_1983 = arith.constant 0 : i32
      %dma_wait3A_1984 = tpu.memref_slice %arg10[%dma_wait3A_1981, %dma_wait3A_1982, %dma_wait3A_1983] : memref<14x32x128xf32, #tpu.memory_space<vmem>> -> memref<1x32x128xf32, #tpu.memory_space<vmem>>
      %dma_wait3A_1985 = tpu.memref_squeeze %dma_wait3A_1984 : memref<1x32x128xf32, #tpu.memory_space<vmem>> -> memref<32x128xf32, #tpu.memory_space<vmem>>
      %dma_wait3A_1986 = arith.constant 0 : i32
      %dma_wait3A_1987 = arith.constant 0 : i32
      %dma_wait3A_1988 = tpu.memref_slice %arg5[%dma_wait3A_1986, %dma_wait3A_1987] : memref<32x1000000xf32, #tpu.memory_space<hbm>> -> memref<32x128xf32, #tpu.memory_space<hbm>>
      %dma_wait3A_1989 = arith.constant 0 : i32
      %dma_wait3A_1990 = arith.constant 0 : i32
      %dma_wait3A_1991 = tpu.memref_slice %arg10[%dma_wait3A_1981, %dma_wait3A_1989, %dma_wait3A_1990] : memref<14x32x128xf32, #tpu.memory_space<vmem>> -> memref<1x32x128xf32, #tpu.memory_space<vmem>>
      %dma_wait3A_1992 = tpu.memref_squeeze %dma_wait3A_1991 : memref<1x32x128xf32, #tpu.memory_space<vmem>> -> memref<32x128xf32, #tpu.memory_space<vmem>>
      %dma_wait3A_1993 = arith.constant 0 : i32
      %dma_wait3A_1994 = arith.constant 0 : i32
      %dma_wait3A_1995 = tpu.memref_slice %arg5[%dma_wait3A_1993, %dma_wait3A_1994] : memref<32x1000000xf32, #tpu.memory_space<hbm>> -> memref<32x128xf32, #tpu.memory_space<hbm>>
      tpu.wait_dma2 semaphore(%arg12 : memref<!tpu.dma_semaphore, #tpu.memory_space<semaphore_mem>>) src(%dma_wait3A_1995 : memref<32x128xf32, #tpu.memory_space<hbm>>) dst(%dma_wait3A_1992 : memref<32x128xf32, #tpu.memory_space<vmem>>)
      %add3A_1996 = arith.constant 8 : i32
      %add3A_1997 = arith.addi %mul3A_1046, %add3A_1996 : i32
      %rem3A_1998 = arith.constant 14 : i32
      %rem3A_1999 = arith.remsi %add3A_1997, %rem3A_1998 : i32
      %broadcast_in_dim3A_2000 = vector.broadcast %rem3A_1999 : i32 to vector<16xi32>
      %slice3A_2001 = vector.extract_strided_slice %get3A_1048 {offsets = [8], sizes = [1], strides = [1]} : vector<16xi32> to vector<1xi32>
      %squeeze3A_2002 = vector.extract %slice3A_2001[0] : i32 from vector<1xi32>
      %sub3A_2003 = arith.constant 1 : i32
      %sub3A_2004 = arith.subi %squeeze3A_2002, %sub3A_2003 : i32
      %slice3A_2005 = vector.extract_strided_slice %get3A_1050 {offsets = [8], sizes = [1], strides = [1]} : vector<16xi32> to vector<1xi32>
      %squeeze3A_2006 = vector.extract %slice3A_2005[0] : i32 from vector<1xi32>
      %sub3A_2007 = arith.constant 1 : i32
      %sub3A_2008 = arith.subi %squeeze3A_2006, %sub3A_2007 : i32
      %and3A_2009 = arith.constant 127 : i32
      %and3A_2010 = arith.andi %sub3A_2004, %and3A_2009 : i32
      %broadcast_in_dim3A_2011 = vector.broadcast %and3A_2010 : i32 to vector<16xi32>
      %and3A_2012 = arith.constant 127 : i32
      %and3A_2013 = arith.andi %sub3A_2008, %and3A_2012 : i32
      %broadcast_in_dim3A_2014 = vector.broadcast %and3A_2013 : i32 to vector<16xi32>
      %add3A_2015 = arith.constant 16 : i32
      %add3A_2016 = vector.broadcast %add3A_2015 : i32 to vector<16xi32>
      %add3A_2017 = arith.addi %iota3A, %add3A_2016 : vector<16xi32>
      %gather3A_2018 = tpu.vector_load_idx %arg9[%broadcast_in_dim3A_2000, %iota3A, %broadcast_in_dim3A_2011] : memref<14x32x128xf32, #tpu.memory_space<vmem>>[vector<16xi32>, vector<16xi32>, vector<16xi32>], vector<16xf32>,
      %gather3A_2019 = tpu.vector_load_idx %arg9[%broadcast_in_dim3A_2000, %add3A_2017, %broadcast_in_dim3A_2011] : memref<14x32x128xf32, #tpu.memory_space<vmem>>[vector<16xi32>, vector<16xi32>, vector<16xi32>], vector<16xf32>,
      %gather3A_2020 = tpu.vector_load_idx %arg10[%broadcast_in_dim3A_2000, %iota3A, %broadcast_in_dim3A_2014] : memref<14x32x128xf32, #tpu.memory_space<vmem>>[vector<16xi32>, vector<16xi32>, vector<16xi32>], vector<16xf32>,
      %gather3A_2021 = tpu.vector_load_idx %arg10[%broadcast_in_dim3A_2000, %add3A_2017, %broadcast_in_dim3A_2014] : memref<14x32x128xf32, #tpu.memory_space<vmem>>[vector<16xi32>, vector<16xi32>, vector<16xi32>], vector<16xf32>,
      %eq3A_2022 = arith.constant 8 : i32
      %eq3A_2023 = vector.broadcast %eq3A_2022 : i32 to vector<16xi32>
      %eq3A_2024 = arith.cmpi eq, %iota3A, %eq3A_2023 : vector<16xi32>
      %mul3A_2025 = arith.mulf %gather3A_2018, %gather3A_2020 : vector<16xf32>
      %mul3A_2026 = arith.mulf %gather3A_2019, %gather3A_2021 : vector<16xf32>
      %add3A_2027 = arith.addf %mul3A_2025, %mul3A_2026 : vector<16xf32>
      %reduce_sum3A_2028 = arith.constant true
      %reduce_sum3A_2029 = vector.broadcast %reduce_sum3A_2028 : i1 to vector<16xi1>
      %reduce_sum3A_2030 = tpu.scan <sum>, %add3A_2027 masked %reduce_sum3A_2029 : vector<16xf32>, vector<16xi1> -> vector<16xf32>
      %reduce_sum3A_2031 = vector.extract %reduce_sum3A_2030[15] : f32 from vector<16xf32>
      %broadcast_in_dim3A_2032 = vector.broadcast %reduce_sum3A_2031 : f32 to vector<16xf32>
      %select_n3A_2033 = arith.select %eq3A_2024, %broadcast_in_dim3A_2032, %select_n3A_1919 : vector<16xi1>, vector<16xf32>
      %slice3A_2034 = vector.extract_strided_slice %get3A_1054 {offsets = [6], sizes = [1], strides = [1]} : vector<16xi32> to vector<1xi32>
      %squeeze3A_2035 = vector.extract %slice3A_2034[0] : i32 from vector<1xi32>
      %sub3A_2036 = arith.constant 1 : i32
      %sub3A_2037 = arith.subi %squeeze3A_2035, %sub3A_2036 : i32
      %slice3A_2038 = vector.extract_strided_slice %get3A_1058 {offsets = [6], sizes = [1], strides = [1]} : vector<16xi32> to vector<1xi32>
      %squeeze3A_2039 = vector.extract %slice3A_2038[0] : i32 from vector<1xi32>
      %sub3A_2040 = arith.constant 1 : i32
      %sub3A_2041 = arith.subi %squeeze3A_2039, %sub3A_2040 : i32
      %add3A_2042 = arith.constant 14 : i32
      %add3A_2043 = arith.addi %add3A_1997, %add3A_2042 : i32
      %rem3A_2044 = arith.constant 14 : i32
      %rem3A_2045 = arith.remsi %add3A_2043, %rem3A_2044 : i32
      %shift_right_arithmetic3A_2046 = arith.constant 7 : i32
      %shift_right_arithmetic3A_2047 = arith.shrsi %sub3A_2037, %shift_right_arithmetic3A_2046 : i32
      %mul3A_2048 = arith.constant 128 : i32
      %mul3A_2049 = arith.muli %shift_right_arithmetic3A_2047, %mul3A_2048 : i32
      %multiple_of3A_2050 = tpu.assume_multiple %mul3A_2049, 128 : i32
      %shift_right_arithmetic3A_2051 = arith.constant 7 : i32
      %shift_right_arithmetic3A_2052 = arith.shrsi %sub3A_2041, %shift_right_arithmetic3A_2051 : i32
      %mul3A_2053 = arith.constant 128 : i32
      %mul3A_2054 = arith.muli %shift_right_arithmetic3A_2052, %mul3A_2053 : i32
      %multiple_of3A_2055 = tpu.assume_multiple %mul3A_2054, 128 : i32
      %dma_start3A_2056 = arith.constant 0 : i32
      %dma_start3A_2057 = arith.constant 0 : i32
      %dma_start3A_2058 = tpu.memref_slice %arg9[%rem3A_2045, %dma_start3A_2056, %dma_start3A_2057] : memref<14x32x128xf32, #tpu.memory_space<vmem>> -> memref<1x32x128xf32, #tpu.memory_space<vmem>>
      %dma_start3A_2059 = tpu.memref_squeeze %dma_start3A_2058 : memref<1x32x128xf32, #tpu.memory_space<vmem>> -> memref<32x128xf32, #tpu.memory_space<vmem>>
      %dma_start3A_2060 = arith.constant 0 : i32
      %dma_start3A_2061 = tpu.memref_slice %arg4[%dma_start3A_2060, %multiple_of3A_2050] : memref<32x1000000xf32, #tpu.memory_space<hbm>> -> memref<32x128xf32, #tpu.memory_space<hbm>>
      %dma_start3A_2062 = arith.constant 0 : i32
      %dma_start3A_2063 = arith.constant 0 : i32
      %dma_start3A_2064 = tpu.memref_slice %arg9[%rem3A_2045, %dma_start3A_2062, %dma_start3A_2063] : memref<14x32x128xf32, #tpu.memory_space<vmem>> -> memref<1x32x128xf32, #tpu.memory_space<vmem>>
      %dma_start3A_2065 = tpu.memref_squeeze %dma_start3A_2064 : memref<1x32x128xf32, #tpu.memory_space<vmem>> -> memref<32x128xf32, #tpu.memory_space<vmem>>
      %dma_start3A_2066 = arith.constant 0 : i32
      %dma_start3A_2067 = tpu.memref_slice %arg4[%dma_start3A_2066, %multiple_of3A_2050] : memref<32x1000000xf32, #tpu.memory_space<hbm>> -> memref<32x128xf32, #tpu.memory_space<hbm>>
      tpu.enqueue_dma source(%dma_start3A_2067 : memref<32x128xf32, #tpu.memory_space<hbm>>) target(%dma_start3A_2065 : memref<32x128xf32, #tpu.memory_space<vmem>>) target_semaphore(%arg12 : memref<!tpu.dma_semaphore, #tpu.memory_space<semaphore_mem>>)
      %dma_start3A_2068 = arith.constant 0 : i32
      %dma_start3A_2069 = arith.constant 0 : i32
      %dma_start3A_2070 = tpu.memref_slice %arg10[%rem3A_2045, %dma_start3A_2068, %dma_start3A_2069] : memref<14x32x128xf32, #tpu.memory_space<vmem>> -> memref<1x32x128xf32, #tpu.memory_space<vmem>>
      %dma_start3A_2071 = tpu.memref_squeeze %dma_start3A_2070 : memref<1x32x128xf32, #tpu.memory_space<vmem>> -> memref<32x128xf32, #tpu.memory_space<vmem>>
      %dma_start3A_2072 = arith.constant 0 : i32
      %dma_start3A_2073 = tpu.memref_slice %arg5[%dma_start3A_2072, %multiple_of3A_2055] : memref<32x1000000xf32, #tpu.memory_space<hbm>> -> memref<32x128xf32, #tpu.memory_space<hbm>>
      %dma_start3A_2074 = arith.constant 0 : i32
      %dma_start3A_2075 = arith.constant 0 : i32
      %dma_start3A_2076 = tpu.memref_slice %arg10[%rem3A_2045, %dma_start3A_2074, %dma_start3A_2075] : memref<14x32x128xf32, #tpu.memory_space<vmem>> -> memref<1x32x128xf32, #tpu.memory_space<vmem>>
      %dma_start3A_2077 = tpu.memref_squeeze %dma_start3A_2076 : memref<1x32x128xf32, #tpu.memory_space<vmem>> -> memref<32x128xf32, #tpu.memory_space<vmem>>
      %dma_start3A_2078 = arith.constant 0 : i32
      %dma_start3A_2079 = tpu.memref_slice %arg5[%dma_start3A_2078, %multiple_of3A_2055] : memref<32x1000000xf32, #tpu.memory_space<hbm>> -> memref<32x128xf32, #tpu.memory_space<hbm>>
      tpu.enqueue_dma source(%dma_start3A_2079 : memref<32x128xf32, #tpu.memory_space<hbm>>) target(%dma_start3A_2077 : memref<32x128xf32, #tpu.memory_space<vmem>>) target_semaphore(%arg12 : memref<!tpu.dma_semaphore, #tpu.memory_space<semaphore_mem>>)
      %dma_wait3A_2080 = arith.constant 0 : i32
      %dma_wait3A_2081 = arith.constant 0 : i32
      %dma_wait3A_2082 = arith.constant 0 : i32
      %dma_wait3A_2083 = tpu.memref_slice %arg9[%dma_wait3A_2080, %dma_wait3A_2081, %dma_wait3A_2082] : memref<14x32x128xf32, #tpu.memory_space<vmem>> -> memref<1x32x128xf32, #tpu.memory_space<vmem>>
      %dma_wait3A_2084 = tpu.memref_squeeze %dma_wait3A_2083 : memref<1x32x128xf32, #tpu.memory_space<vmem>> -> memref<32x128xf32, #tpu.memory_space<vmem>>
      %dma_wait3A_2085 = arith.constant 0 : i32
      %dma_wait3A_2086 = arith.constant 0 : i32
      %dma_wait3A_2087 = tpu.memref_slice %arg4[%dma_wait3A_2085, %dma_wait3A_2086] : memref<32x1000000xf32, #tpu.memory_space<hbm>> -> memref<32x128xf32, #tpu.memory_space<hbm>>
      %dma_wait3A_2088 = arith.constant 0 : i32
      %dma_wait3A_2089 = arith.constant 0 : i32
      %dma_wait3A_2090 = tpu.memref_slice %arg9[%dma_wait3A_2080, %dma_wait3A_2088, %dma_wait3A_2089] : memref<14x32x128xf32, #tpu.memory_space<vmem>> -> memref<1x32x128xf32, #tpu.memory_space<vmem>>
      %dma_wait3A_2091 = tpu.memref_squeeze %dma_wait3A_2090 : memref<1x32x128xf32, #tpu.memory_space<vmem>> -> memref<32x128xf32, #tpu.memory_space<vmem>>
      %dma_wait3A_2092 = arith.constant 0 : i32
      %dma_wait3A_2093 = arith.constant 0 : i32
      %dma_wait3A_2094 = tpu.memref_slice %arg4[%dma_wait3A_2092, %dma_wait3A_2093] : memref<32x1000000xf32, #tpu.memory_space<hbm>> -> memref<32x128xf32, #tpu.memory_space<hbm>>
      tpu.wait_dma2 semaphore(%arg12 : memref<!tpu.dma_semaphore, #tpu.memory_space<semaphore_mem>>) src(%dma_wait3A_2094 : memref<32x128xf32, #tpu.memory_space<hbm>>) dst(%dma_wait3A_2091 : memref<32x128xf32, #tpu.memory_space<vmem>>)
      %dma_wait3A_2095 = arith.constant 0 : i32
      %dma_wait3A_2096 = arith.constant 0 : i32
      %dma_wait3A_2097 = arith.constant 0 : i32
      %dma_wait3A_2098 = tpu.memref_slice %arg10[%dma_wait3A_2095, %dma_wait3A_2096, %dma_wait3A_2097] : memref<14x32x128xf32, #tpu.memory_space<vmem>> -> memref<1x32x128xf32, #tpu.memory_space<vmem>>
      %dma_wait3A_2099 = tpu.memref_squeeze %dma_wait3A_2098 : memref<1x32x128xf32, #tpu.memory_space<vmem>> -> memref<32x128xf32, #tpu.memory_space<vmem>>
      %dma_wait3A_2100 = arith.constant 0 : i32
      %dma_wait3A_2101 = arith.constant 0 : i32
      %dma_wait3A_2102 = tpu.memref_slice %arg5[%dma_wait3A_2100, %dma_wait3A_2101] : memref<32x1000000xf32, #tpu.memory_space<hbm>> -> memref<32x128xf32, #tpu.memory_space<hbm>>
      %dma_wait3A_2103 = arith.constant 0 : i32
      %dma_wait3A_2104 = arith.constant 0 : i32
      %dma_wait3A_2105 = tpu.memref_slice %arg10[%dma_wait3A_2095, %dma_wait3A_2103, %dma_wait3A_2104] : memref<14x32x128xf32, #tpu.memory_space<vmem>> -> memref<1x32x128xf32, #tpu.memory_space<vmem>>
      %dma_wait3A_2106 = tpu.memref_squeeze %dma_wait3A_2105 : memref<1x32x128xf32, #tpu.memory_space<vmem>> -> memref<32x128xf32, #tpu.memory_space<vmem>>
      %dma_wait3A_2107 = arith.constant 0 : i32
      %dma_wait3A_2108 = arith.constant 0 : i32
      %dma_wait3A_2109 = tpu.memref_slice %arg5[%dma_wait3A_2107, %dma_wait3A_2108] : memref<32x1000000xf32, #tpu.memory_space<hbm>> -> memref<32x128xf32, #tpu.memory_space<hbm>>
      tpu.wait_dma2 semaphore(%arg12 : memref<!tpu.dma_semaphore, #tpu.memory_space<semaphore_mem>>) src(%dma_wait3A_2109 : memref<32x128xf32, #tpu.memory_space<hbm>>) dst(%dma_wait3A_2106 : memref<32x128xf32, #tpu.memory_space<vmem>>)
      %add3A_2110 = arith.constant 9 : i32
      %add3A_2111 = arith.addi %mul3A_1046, %add3A_2110 : i32
      %rem3A_2112 = arith.constant 14 : i32
      %rem3A_2113 = arith.remsi %add3A_2111, %rem3A_2112 : i32
      %broadcast_in_dim3A_2114 = vector.broadcast %rem3A_2113 : i32 to vector<16xi32>
      %slice3A_2115 = vector.extract_strided_slice %get3A_1048 {offsets = [9], sizes = [1], strides = [1]} : vector<16xi32> to vector<1xi32>
      %squeeze3A_2116 = vector.extract %slice3A_2115[0] : i32 from vector<1xi32>
      %sub3A_2117 = arith.constant 1 : i32
      %sub3A_2118 = arith.subi %squeeze3A_2116, %sub3A_2117 : i32
      %slice3A_2119 = vector.extract_strided_slice %get3A_1050 {offsets = [9], sizes = [1], strides = [1]} : vector<16xi32> to vector<1xi32>
      %squeeze3A_2120 = vector.extract %slice3A_2119[0] : i32 from vector<1xi32>
      %sub3A_2121 = arith.constant 1 : i32
      %sub3A_2122 = arith.subi %squeeze3A_2120, %sub3A_2121 : i32
      %and3A_2123 = arith.constant 127 : i32
      %and3A_2124 = arith.andi %sub3A_2118, %and3A_2123 : i32
      %broadcast_in_dim3A_2125 = vector.broadcast %and3A_2124 : i32 to vector<16xi32>
      %and3A_2126 = arith.constant 127 : i32
      %and3A_2127 = arith.andi %sub3A_2122, %and3A_2126 : i32
      %broadcast_in_dim3A_2128 = vector.broadcast %and3A_2127 : i32 to vector<16xi32>
      %add3A_2129 = arith.constant 16 : i32
      %add3A_2130 = vector.broadcast %add3A_2129 : i32 to vector<16xi32>
      %add3A_2131 = arith.addi %iota3A, %add3A_2130 : vector<16xi32>
      %gather3A_2132 = tpu.vector_load_idx %arg9[%broadcast_in_dim3A_2114, %iota3A, %broadcast_in_dim3A_2125] : memref<14x32x128xf32, #tpu.memory_space<vmem>>[vector<16xi32>, vector<16xi32>, vector<16xi32>], vector<16xf32>,
      %gather3A_2133 = tpu.vector_load_idx %arg9[%broadcast_in_dim3A_2114, %add3A_2131, %broadcast_in_dim3A_2125] : memref<14x32x128xf32, #tpu.memory_space<vmem>>[vector<16xi32>, vector<16xi32>, vector<16xi32>], vector<16xf32>,
      %gather3A_2134 = tpu.vector_load_idx %arg10[%broadcast_in_dim3A_2114, %iota3A, %broadcast_in_dim3A_2128] : memref<14x32x128xf32, #tpu.memory_space<vmem>>[vector<16xi32>, vector<16xi32>, vector<16xi32>], vector<16xf32>,
      %gather3A_2135 = tpu.vector_load_idx %arg10[%broadcast_in_dim3A_2114, %add3A_2131, %broadcast_in_dim3A_2128] : memref<14x32x128xf32, #tpu.memory_space<vmem>>[vector<16xi32>, vector<16xi32>, vector<16xi32>], vector<16xf32>,
      %eq3A_2136 = arith.constant 9 : i32
      %eq3A_2137 = vector.broadcast %eq3A_2136 : i32 to vector<16xi32>
      %eq3A_2138 = arith.cmpi eq, %iota3A, %eq3A_2137 : vector<16xi32>
      %mul3A_2139 = arith.mulf %gather3A_2132, %gather3A_2134 : vector<16xf32>
      %mul3A_2140 = arith.mulf %gather3A_2133, %gather3A_2135 : vector<16xf32>
      %add3A_2141 = arith.addf %mul3A_2139, %mul3A_2140 : vector<16xf32>
      %reduce_sum3A_2142 = arith.constant true
      %reduce_sum3A_2143 = vector.broadcast %reduce_sum3A_2142 : i1 to vector<16xi1>
      %reduce_sum3A_2144 = tpu.scan <sum>, %add3A_2141 masked %reduce_sum3A_2143 : vector<16xf32>, vector<16xi1> -> vector<16xf32>
      %reduce_sum3A_2145 = vector.extract %reduce_sum3A_2144[15] : f32 from vector<16xf32>
      %broadcast_in_dim3A_2146 = vector.broadcast %reduce_sum3A_2145 : f32 to vector<16xf32>
      %select_n3A_2147 = arith.select %eq3A_2138, %broadcast_in_dim3A_2146, %select_n3A_2033 : vector<16xi1>, vector<16xf32>
      %slice3A_2148 = vector.extract_strided_slice %get3A_1054 {offsets = [7], sizes = [1], strides = [1]} : vector<16xi32> to vector<1xi32>
      %squeeze3A_2149 = vector.extract %slice3A_2148[0] : i32 from vector<1xi32>
      %sub3A_2150 = arith.constant 1 : i32
      %sub3A_2151 = arith.subi %squeeze3A_2149, %sub3A_2150 : i32
      %slice3A_2152 = vector.extract_strided_slice %get3A_1058 {offsets = [7], sizes = [1], strides = [1]} : vector<16xi32> to vector<1xi32>
      %squeeze3A_2153 = vector.extract %slice3A_2152[0] : i32 from vector<1xi32>
      %sub3A_2154 = arith.constant 1 : i32
      %sub3A_2155 = arith.subi %squeeze3A_2153, %sub3A_2154 : i32
      %add3A_2156 = arith.constant 14 : i32
      %add3A_2157 = arith.addi %add3A_2111, %add3A_2156 : i32
      %rem3A_2158 = arith.constant 14 : i32
      %rem3A_2159 = arith.remsi %add3A_2157, %rem3A_2158 : i32
      %shift_right_arithmetic3A_2160 = arith.constant 7 : i32
      %shift_right_arithmetic3A_2161 = arith.shrsi %sub3A_2151, %shift_right_arithmetic3A_2160 : i32
      %mul3A_2162 = arith.constant 128 : i32
      %mul3A_2163 = arith.muli %shift_right_arithmetic3A_2161, %mul3A_2162 : i32
      %multiple_of3A_2164 = tpu.assume_multiple %mul3A_2163, 128 : i32
      %shift_right_arithmetic3A_2165 = arith.constant 7 : i32
      %shift_right_arithmetic3A_2166 = arith.shrsi %sub3A_2155, %shift_right_arithmetic3A_2165 : i32
      %mul3A_2167 = arith.constant 128 : i32
      %mul3A_2168 = arith.muli %shift_right_arithmetic3A_2166, %mul3A_2167 : i32
      %multiple_of3A_2169 = tpu.assume_multiple %mul3A_2168, 128 : i32
      %dma_start3A_2170 = arith.constant 0 : i32
      %dma_start3A_2171 = arith.constant 0 : i32
      %dma_start3A_2172 = tpu.memref_slice %arg9[%rem3A_2159, %dma_start3A_2170, %dma_start3A_2171] : memref<14x32x128xf32, #tpu.memory_space<vmem>> -> memref<1x32x128xf32, #tpu.memory_space<vmem>>
      %dma_start3A_2173 = tpu.memref_squeeze %dma_start3A_2172 : memref<1x32x128xf32, #tpu.memory_space<vmem>> -> memref<32x128xf32, #tpu.memory_space<vmem>>
      %dma_start3A_2174 = arith.constant 0 : i32
      %dma_start3A_2175 = tpu.memref_slice %arg4[%dma_start3A_2174, %multiple_of3A_2164] : memref<32x1000000xf32, #tpu.memory_space<hbm>> -> memref<32x128xf32, #tpu.memory_space<hbm>>
      %dma_start3A_2176 = arith.constant 0 : i32
      %dma_start3A_2177 = arith.constant 0 : i32
      %dma_start3A_2178 = tpu.memref_slice %arg9[%rem3A_2159, %dma_start3A_2176, %dma_start3A_2177] : memref<14x32x128xf32, #tpu.memory_space<vmem>> -> memref<1x32x128xf32, #tpu.memory_space<vmem>>
      %dma_start3A_2179 = tpu.memref_squeeze %dma_start3A_2178 : memref<1x32x128xf32, #tpu.memory_space<vmem>> -> memref<32x128xf32, #tpu.memory_space<vmem>>
      %dma_start3A_2180 = arith.constant 0 : i32
      %dma_start3A_2181 = tpu.memref_slice %arg4[%dma_start3A_2180, %multiple_of3A_2164] : memref<32x1000000xf32, #tpu.memory_space<hbm>> -> memref<32x128xf32, #tpu.memory_space<hbm>>
      tpu.enqueue_dma source(%dma_start3A_2181 : memref<32x128xf32, #tpu.memory_space<hbm>>) target(%dma_start3A_2179 : memref<32x128xf32, #tpu.memory_space<vmem>>) target_semaphore(%arg12 : memref<!tpu.dma_semaphore, #tpu.memory_space<semaphore_mem>>)
      %dma_start3A_2182 = arith.constant 0 : i32
      %dma_start3A_2183 = arith.constant 0 : i32
      %dma_start3A_2184 = tpu.memref_slice %arg10[%rem3A_2159, %dma_start3A_2182, %dma_start3A_2183] : memref<14x32x128xf32, #tpu.memory_space<vmem>> -> memref<1x32x128xf32, #tpu.memory_space<vmem>>
      %dma_start3A_2185 = tpu.memref_squeeze %dma_start3A_2184 : memref<1x32x128xf32, #tpu.memory_space<vmem>> -> memref<32x128xf32, #tpu.memory_space<vmem>>
      %dma_start3A_2186 = arith.constant 0 : i32
      %dma_start3A_2187 = tpu.memref_slice %arg5[%dma_start3A_2186, %multiple_of3A_2169] : memref<32x1000000xf32, #tpu.memory_space<hbm>> -> memref<32x128xf32, #tpu.memory_space<hbm>>
      %dma_start3A_2188 = arith.constant 0 : i32
      %dma_start3A_2189 = arith.constant 0 : i32
      %dma_start3A_2190 = tpu.memref_slice %arg10[%rem3A_2159, %dma_start3A_2188, %dma_start3A_2189] : memref<14x32x128xf32, #tpu.memory_space<vmem>> -> memref<1x32x128xf32, #tpu.memory_space<vmem>>
      %dma_start3A_2191 = tpu.memref_squeeze %dma_start3A_2190 : memref<1x32x128xf32, #tpu.memory_space<vmem>> -> memref<32x128xf32, #tpu.memory_space<vmem>>
      %dma_start3A_2192 = arith.constant 0 : i32
      %dma_start3A_2193 = tpu.memref_slice %arg5[%dma_start3A_2192, %multiple_of3A_2169] : memref<32x1000000xf32, #tpu.memory_space<hbm>> -> memref<32x128xf32, #tpu.memory_space<hbm>>
      tpu.enqueue_dma source(%dma_start3A_2193 : memref<32x128xf32, #tpu.memory_space<hbm>>) target(%dma_start3A_2191 : memref<32x128xf32, #tpu.memory_space<vmem>>) target_semaphore(%arg12 : memref<!tpu.dma_semaphore, #tpu.memory_space<semaphore_mem>>)
      %dma_wait3A_2194 = arith.constant 0 : i32
      %dma_wait3A_2195 = arith.constant 0 : i32
      %dma_wait3A_2196 = arith.constant 0 : i32
      %dma_wait3A_2197 = tpu.memref_slice %arg9[%dma_wait3A_2194, %dma_wait3A_2195, %dma_wait3A_2196] : memref<14x32x128xf32, #tpu.memory_space<vmem>> -> memref<1x32x128xf32, #tpu.memory_space<vmem>>
      %dma_wait3A_2198 = tpu.memref_squeeze %dma_wait3A_2197 : memref<1x32x128xf32, #tpu.memory_space<vmem>> -> memref<32x128xf32, #tpu.memory_space<vmem>>
      %dma_wait3A_2199 = arith.constant 0 : i32
      %dma_wait3A_2200 = arith.constant 0 : i32
      %dma_wait3A_2201 = tpu.memref_slice %arg4[%dma_wait3A_2199, %dma_wait3A_2200] : memref<32x1000000xf32, #tpu.memory_space<hbm>> -> memref<32x128xf32, #tpu.memory_space<hbm>>
      %dma_wait3A_2202 = arith.constant 0 : i32
      %dma_wait3A_2203 = arith.constant 0 : i32
      %dma_wait3A_2204 = tpu.memref_slice %arg9[%dma_wait3A_2194, %dma_wait3A_2202, %dma_wait3A_2203] : memref<14x32x128xf32, #tpu.memory_space<vmem>> -> memref<1x32x128xf32, #tpu.memory_space<vmem>>
      %dma_wait3A_2205 = tpu.memref_squeeze %dma_wait3A_2204 : memref<1x32x128xf32, #tpu.memory_space<vmem>> -> memref<32x128xf32, #tpu.memory_space<vmem>>
      %dma_wait3A_2206 = arith.constant 0 : i32
      %dma_wait3A_2207 = arith.constant 0 : i32
      %dma_wait3A_2208 = tpu.memref_slice %arg4[%dma_wait3A_2206, %dma_wait3A_2207] : memref<32x1000000xf32, #tpu.memory_space<hbm>> -> memref<32x128xf32, #tpu.memory_space<hbm>>
      tpu.wait_dma2 semaphore(%arg12 : memref<!tpu.dma_semaphore, #tpu.memory_space<semaphore_mem>>) src(%dma_wait3A_2208 : memref<32x128xf32, #tpu.memory_space<hbm>>) dst(%dma_wait3A_2205 : memref<32x128xf32, #tpu.memory_space<vmem>>)
      %dma_wait3A_2209 = arith.constant 0 : i32
      %dma_wait3A_2210 = arith.constant 0 : i32
      %dma_wait3A_2211 = arith.constant 0 : i32
      %dma_wait3A_2212 = tpu.memref_slice %arg10[%dma_wait3A_2209, %dma_wait3A_2210, %dma_wait3A_2211] : memref<14x32x128xf32, #tpu.memory_space<vmem>> -> memref<1x32x128xf32, #tpu.memory_space<vmem>>
      %dma_wait3A_2213 = tpu.memref_squeeze %dma_wait3A_2212 : memref<1x32x128xf32, #tpu.memory_space<vmem>> -> memref<32x128xf32, #tpu.memory_space<vmem>>
      %dma_wait3A_2214 = arith.constant 0 : i32
      %dma_wait3A_2215 = arith.constant 0 : i32
      %dma_wait3A_2216 = tpu.memref_slice %arg5[%dma_wait3A_2214, %dma_wait3A_2215] : memref<32x1000000xf32, #tpu.memory_space<hbm>> -> memref<32x128xf32, #tpu.memory_space<hbm>>
      %dma_wait3A_2217 = arith.constant 0 : i32
      %dma_wait3A_2218 = arith.constant 0 : i32
      %dma_wait3A_2219 = tpu.memref_slice %arg10[%dma_wait3A_2209, %dma_wait3A_2217, %dma_wait3A_2218] : memref<14x32x128xf32, #tpu.memory_space<vmem>> -> memref<1x32x128xf32, #tpu.memory_space<vmem>>
      %dma_wait3A_2220 = tpu.memref_squeeze %dma_wait3A_2219 : memref<1x32x128xf32, #tpu.memory_space<vmem>> -> memref<32x128xf32, #tpu.memory_space<vmem>>
      %dma_wait3A_2221 = arith.constant 0 : i32
      %dma_wait3A_2222 = arith.constant 0 : i32
      %dma_wait3A_2223 = tpu.memref_slice %arg5[%dma_wait3A_2221, %dma_wait3A_2222] : memref<32x1000000xf32, #tpu.memory_space<hbm>> -> memref<32x128xf32, #tpu.memory_space<hbm>>
      tpu.wait_dma2 semaphore(%arg12 : memref<!tpu.dma_semaphore, #tpu.memory_space<semaphore_mem>>) src(%dma_wait3A_2223 : memref<32x128xf32, #tpu.memory_space<hbm>>) dst(%dma_wait3A_2220 : memref<32x128xf32, #tpu.memory_space<vmem>>)
      %add3A_2224 = arith.constant 10 : i32
      %add3A_2225 = arith.addi %mul3A_1046, %add3A_2224 : i32
      %rem3A_2226 = arith.constant 14 : i32
      %rem3A_2227 = arith.remsi %add3A_2225, %rem3A_2226 : i32
      %broadcast_in_dim3A_2228 = vector.broadcast %rem3A_2227 : i32 to vector<16xi32>
      %slice3A_2229 = vector.extract_strided_slice %get3A_1048 {offsets = [10], sizes = [1], strides = [1]} : vector<16xi32> to vector<1xi32>
      %squeeze3A_2230 = vector.extract %slice3A_2229[0] : i32 from vector<1xi32>
      %sub3A_2231 = arith.constant 1 : i32
      %sub3A_2232 = arith.subi %squeeze3A_2230, %sub3A_2231 : i32
      %slice3A_2233 = vector.extract_strided_slice %get3A_1050 {offsets = [10], sizes = [1], strides = [1]} : vector<16xi32> to vector<1xi32>
      %squeeze3A_2234 = vector.extract %slice3A_2233[0] : i32 from vector<1xi32>
      %sub3A_2235 = arith.constant 1 : i32
      %sub3A_2236 = arith.subi %squeeze3A_2234, %sub3A_2235 : i32
      %and3A_2237 = arith.constant 127 : i32
      %and3A_2238 = arith.andi %sub3A_2232, %and3A_2237 : i32
      %broadcast_in_dim3A_2239 = vector.broadcast %and3A_2238 : i32 to vector<16xi32>
      %and3A_2240 = arith.constant 127 : i32
      %and3A_2241 = arith.andi %sub3A_2236, %and3A_2240 : i32
      %broadcast_in_dim3A_2242 = vector.broadcast %and3A_2241 : i32 to vector<16xi32>
      %add3A_2243 = arith.constant 16 : i32
      %add3A_2244 = vector.broadcast %add3A_2243 : i32 to vector<16xi32>
      %add3A_2245 = arith.addi %iota3A, %add3A_2244 : vector<16xi32>
      %gather3A_2246 = tpu.vector_load_idx %arg9[%broadcast_in_dim3A_2228, %iota3A, %broadcast_in_dim3A_2239] : memref<14x32x128xf32, #tpu.memory_space<vmem>>[vector<16xi32>, vector<16xi32>, vector<16xi32>], vector<16xf32>,
      %gather3A_2247 = tpu.vector_load_idx %arg9[%broadcast_in_dim3A_2228, %add3A_2245, %broadcast_in_dim3A_2239] : memref<14x32x128xf32, #tpu.memory_space<vmem>>[vector<16xi32>, vector<16xi32>, vector<16xi32>], vector<16xf32>,
      %gather3A_2248 = tpu.vector_load_idx %arg10[%broadcast_in_dim3A_2228, %iota3A, %broadcast_in_dim3A_2242] : memref<14x32x128xf32, #tpu.memory_space<vmem>>[vector<16xi32>, vector<16xi32>, vector<16xi32>], vector<16xf32>,
      %gather3A_2249 = tpu.vector_load_idx %arg10[%broadcast_in_dim3A_2228, %add3A_2245, %broadcast_in_dim3A_2242] : memref<14x32x128xf32, #tpu.memory_space<vmem>>[vector<16xi32>, vector<16xi32>, vector<16xi32>], vector<16xf32>,
      %eq3A_2250 = arith.constant 10 : i32
      %eq3A_2251 = vector.broadcast %eq3A_2250 : i32 to vector<16xi32>
      %eq3A_2252 = arith.cmpi eq, %iota3A, %eq3A_2251 : vector<16xi32>
      %mul3A_2253 = arith.mulf %gather3A_2246, %gather3A_2248 : vector<16xf32>
      %mul3A_2254 = arith.mulf %gather3A_2247, %gather3A_2249 : vector<16xf32>
      %add3A_2255 = arith.addf %mul3A_2253, %mul3A_2254 : vector<16xf32>
      %reduce_sum3A_2256 = arith.constant true
      %reduce_sum3A_2257 = vector.broadcast %reduce_sum3A_2256 : i1 to vector<16xi1>
      %reduce_sum3A_2258 = tpu.scan <sum>, %add3A_2255 masked %reduce_sum3A_2257 : vector<16xf32>, vector<16xi1> -> vector<16xf32>
      %reduce_sum3A_2259 = vector.extract %reduce_sum3A_2258[15] : f32 from vector<16xf32>
      %broadcast_in_dim3A_2260 = vector.broadcast %reduce_sum3A_2259 : f32 to vector<16xf32>
      %select_n3A_2261 = arith.select %eq3A_2252, %broadcast_in_dim3A_2260, %select_n3A_2147 : vector<16xi1>, vector<16xf32>
      %slice3A_2262 = vector.extract_strided_slice %get3A_1054 {offsets = [8], sizes = [1], strides = [1]} : vector<16xi32> to vector<1xi32>
      %squeeze3A_2263 = vector.extract %slice3A_2262[0] : i32 from vector<1xi32>
      %sub3A_2264 = arith.constant 1 : i32
      %sub3A_2265 = arith.subi %squeeze3A_2263, %sub3A_2264 : i32
      %slice3A_2266 = vector.extract_strided_slice %get3A_1058 {offsets = [8], sizes = [1], strides = [1]} : vector<16xi32> to vector<1xi32>
      %squeeze3A_2267 = vector.extract %slice3A_2266[0] : i32 from vector<1xi32>
      %sub3A_2268 = arith.constant 1 : i32
      %sub3A_2269 = arith.subi %squeeze3A_2267, %sub3A_2268 : i32
      %add3A_2270 = arith.constant 14 : i32
      %add3A_2271 = arith.addi %add3A_2225, %add3A_2270 : i32
      %rem3A_2272 = arith.constant 14 : i32
      %rem3A_2273 = arith.remsi %add3A_2271, %rem3A_2272 : i32
      %shift_right_arithmetic3A_2274 = arith.constant 7 : i32
      %shift_right_arithmetic3A_2275 = arith.shrsi %sub3A_2265, %shift_right_arithmetic3A_2274 : i32
      %mul3A_2276 = arith.constant 128 : i32
      %mul3A_2277 = arith.muli %shift_right_arithmetic3A_2275, %mul3A_2276 : i32
      %multiple_of3A_2278 = tpu.assume_multiple %mul3A_2277, 128 : i32
      %shift_right_arithmetic3A_2279 = arith.constant 7 : i32
      %shift_right_arithmetic3A_2280 = arith.shrsi %sub3A_2269, %shift_right_arithmetic3A_2279 : i32
      %mul3A_2281 = arith.constant 128 : i32
      %mul3A_2282 = arith.muli %shift_right_arithmetic3A_2280, %mul3A_2281 : i32
      %multiple_of3A_2283 = tpu.assume_multiple %mul3A_2282, 128 : i32
      %dma_start3A_2284 = arith.constant 0 : i32
      %dma_start3A_2285 = arith.constant 0 : i32
      %dma_start3A_2286 = tpu.memref_slice %arg9[%rem3A_2273, %dma_start3A_2284, %dma_start3A_2285] : memref<14x32x128xf32, #tpu.memory_space<vmem>> -> memref<1x32x128xf32, #tpu.memory_space<vmem>>
      %dma_start3A_2287 = tpu.memref_squeeze %dma_start3A_2286 : memref<1x32x128xf32, #tpu.memory_space<vmem>> -> memref<32x128xf32, #tpu.memory_space<vmem>>
      %dma_start3A_2288 = arith.constant 0 : i32
      %dma_start3A_2289 = tpu.memref_slice %arg4[%dma_start3A_2288, %multiple_of3A_2278] : memref<32x1000000xf32, #tpu.memory_space<hbm>> -> memref<32x128xf32, #tpu.memory_space<hbm>>
      %dma_start3A_2290 = arith.constant 0 : i32
      %dma_start3A_2291 = arith.constant 0 : i32
      %dma_start3A_2292 = tpu.memref_slice %arg9[%rem3A_2273, %dma_start3A_2290, %dma_start3A_2291] : memref<14x32x128xf32, #tpu.memory_space<vmem>> -> memref<1x32x128xf32, #tpu.memory_space<vmem>>
      %dma_start3A_2293 = tpu.memref_squeeze %dma_start3A_2292 : memref<1x32x128xf32, #tpu.memory_space<vmem>> -> memref<32x128xf32, #tpu.memory_space<vmem>>
      %dma_start3A_2294 = arith.constant 0 : i32
      %dma_start3A_2295 = tpu.memref_slice %arg4[%dma_start3A_2294, %multiple_of3A_2278] : memref<32x1000000xf32, #tpu.memory_space<hbm>> -> memref<32x128xf32, #tpu.memory_space<hbm>>
      tpu.enqueue_dma source(%dma_start3A_2295 : memref<32x128xf32, #tpu.memory_space<hbm>>) target(%dma_start3A_2293 : memref<32x128xf32, #tpu.memory_space<vmem>>) target_semaphore(%arg12 : memref<!tpu.dma_semaphore, #tpu.memory_space<semaphore_mem>>)
      %dma_start3A_2296 = arith.constant 0 : i32
      %dma_start3A_2297 = arith.constant 0 : i32
      %dma_start3A_2298 = tpu.memref_slice %arg10[%rem3A_2273, %dma_start3A_2296, %dma_start3A_2297] : memref<14x32x128xf32, #tpu.memory_space<vmem>> -> memref<1x32x128xf32, #tpu.memory_space<vmem>>
      %dma_start3A_2299 = tpu.memref_squeeze %dma_start3A_2298 : memref<1x32x128xf32, #tpu.memory_space<vmem>> -> memref<32x128xf32, #tpu.memory_space<vmem>>
      %dma_start3A_2300 = arith.constant 0 : i32
      %dma_start3A_2301 = tpu.memref_slice %arg5[%dma_start3A_2300, %multiple_of3A_2283] : memref<32x1000000xf32, #tpu.memory_space<hbm>> -> memref<32x128xf32, #tpu.memory_space<hbm>>
      %dma_start3A_2302 = arith.constant 0 : i32
      %dma_start3A_2303 = arith.constant 0 : i32
      %dma_start3A_2304 = tpu.memref_slice %arg10[%rem3A_2273, %dma_start3A_2302, %dma_start3A_2303] : memref<14x32x128xf32, #tpu.memory_space<vmem>> -> memref<1x32x128xf32, #tpu.memory_space<vmem>>
      %dma_start3A_2305 = tpu.memref_squeeze %dma_start3A_2304 : memref<1x32x128xf32, #tpu.memory_space<vmem>> -> memref<32x128xf32, #tpu.memory_space<vmem>>
      %dma_start3A_2306 = arith.constant 0 : i32
      %dma_start3A_2307 = tpu.memref_slice %arg5[%dma_start3A_2306, %multiple_of3A_2283] : memref<32x1000000xf32, #tpu.memory_space<hbm>> -> memref<32x128xf32, #tpu.memory_space<hbm>>
      tpu.enqueue_dma source(%dma_start3A_2307 : memref<32x128xf32, #tpu.memory_space<hbm>>) target(%dma_start3A_2305 : memref<32x128xf32, #tpu.memory_space<vmem>>) target_semaphore(%arg12 : memref<!tpu.dma_semaphore, #tpu.memory_space<semaphore_mem>>)
      %dma_wait3A_2308 = arith.constant 0 : i32
      %dma_wait3A_2309 = arith.constant 0 : i32
      %dma_wait3A_2310 = arith.constant 0 : i32
      %dma_wait3A_2311 = tpu.memref_slice %arg9[%dma_wait3A_2308, %dma_wait3A_2309, %dma_wait3A_2310] : memref<14x32x128xf32, #tpu.memory_space<vmem>> -> memref<1x32x128xf32, #tpu.memory_space<vmem>>
      %dma_wait3A_2312 = tpu.memref_squeeze %dma_wait3A_2311 : memref<1x32x128xf32, #tpu.memory_space<vmem>> -> memref<32x128xf32, #tpu.memory_space<vmem>>
      %dma_wait3A_2313 = arith.constant 0 : i32
      %dma_wait3A_2314 = arith.constant 0 : i32
      %dma_wait3A_2315 = tpu.memref_slice %arg4[%dma_wait3A_2313, %dma_wait3A_2314] : memref<32x1000000xf32, #tpu.memory_space<hbm>> -> memref<32x128xf32, #tpu.memory_space<hbm>>
      %dma_wait3A_2316 = arith.constant 0 : i32
      %dma_wait3A_2317 = arith.constant 0 : i32
      %dma_wait3A_2318 = tpu.memref_slice %arg9[%dma_wait3A_2308, %dma_wait3A_2316, %dma_wait3A_2317] : memref<14x32x128xf32, #tpu.memory_space<vmem>> -> memref<1x32x128xf32, #tpu.memory_space<vmem>>
      %dma_wait3A_2319 = tpu.memref_squeeze %dma_wait3A_2318 : memref<1x32x128xf32, #tpu.memory_space<vmem>> -> memref<32x128xf32, #tpu.memory_space<vmem>>
      %dma_wait3A_2320 = arith.constant 0 : i32
      %dma_wait3A_2321 = arith.constant 0 : i32
      %dma_wait3A_2322 = tpu.memref_slice %arg4[%dma_wait3A_2320, %dma_wait3A_2321] : memref<32x1000000xf32, #tpu.memory_space<hbm>> -> memref<32x128xf32, #tpu.memory_space<hbm>>
      tpu.wait_dma2 semaphore(%arg12 : memref<!tpu.dma_semaphore, #tpu.memory_space<semaphore_mem>>) src(%dma_wait3A_2322 : memref<32x128xf32, #tpu.memory_space<hbm>>) dst(%dma_wait3A_2319 : memref<32x128xf32, #tpu.memory_space<vmem>>)
      %dma_wait3A_2323 = arith.constant 0 : i32
      %dma_wait3A_2324 = arith.constant 0 : i32
      %dma_wait3A_2325 = arith.constant 0 : i32
      %dma_wait3A_2326 = tpu.memref_slice %arg10[%dma_wait3A_2323, %dma_wait3A_2324, %dma_wait3A_2325] : memref<14x32x128xf32, #tpu.memory_space<vmem>> -> memref<1x32x128xf32, #tpu.memory_space<vmem>>
      %dma_wait3A_2327 = tpu.memref_squeeze %dma_wait3A_2326 : memref<1x32x128xf32, #tpu.memory_space<vmem>> -> memref<32x128xf32, #tpu.memory_space<vmem>>
      %dma_wait3A_2328 = arith.constant 0 : i32
      %dma_wait3A_2329 = arith.constant 0 : i32
      %dma_wait3A_2330 = tpu.memref_slice %arg5[%dma_wait3A_2328, %dma_wait3A_2329] : memref<32x1000000xf32, #tpu.memory_space<hbm>> -> memref<32x128xf32, #tpu.memory_space<hbm>>
      %dma_wait3A_2331 = arith.constant 0 : i32
      %dma_wait3A_2332 = arith.constant 0 : i32
      %dma_wait3A_2333 = tpu.memref_slice %arg10[%dma_wait3A_2323, %dma_wait3A_2331, %dma_wait3A_2332] : memref<14x32x128xf32, #tpu.memory_space<vmem>> -> memref<1x32x128xf32, #tpu.memory_space<vmem>>
      %dma_wait3A_2334 = tpu.memref_squeeze %dma_wait3A_2333 : memref<1x32x128xf32, #tpu.memory_space<vmem>> -> memref<32x128xf32, #tpu.memory_space<vmem>>
      %dma_wait3A_2335 = arith.constant 0 : i32
      %dma_wait3A_2336 = arith.constant 0 : i32
      %dma_wait3A_2337 = tpu.memref_slice %arg5[%dma_wait3A_2335, %dma_wait3A_2336] : memref<32x1000000xf32, #tpu.memory_space<hbm>> -> memref<32x128xf32, #tpu.memory_space<hbm>>
      tpu.wait_dma2 semaphore(%arg12 : memref<!tpu.dma_semaphore, #tpu.memory_space<semaphore_mem>>) src(%dma_wait3A_2337 : memref<32x128xf32, #tpu.memory_space<hbm>>) dst(%dma_wait3A_2334 : memref<32x128xf32, #tpu.memory_space<vmem>>)
      %add3A_2338 = arith.constant 11 : i32
      %add3A_2339 = arith.addi %mul3A_1046, %add3A_2338 : i32
      %rem3A_2340 = arith.constant 14 : i32
      %rem3A_2341 = arith.remsi %add3A_2339, %rem3A_2340 : i32
      %broadcast_in_dim3A_2342 = vector.broadcast %rem3A_2341 : i32 to vector<16xi32>
      %slice3A_2343 = vector.extract_strided_slice %get3A_1048 {offsets = [11], sizes = [1], strides = [1]} : vector<16xi32> to vector<1xi32>
      %squeeze3A_2344 = vector.extract %slice3A_2343[0] : i32 from vector<1xi32>
      %sub3A_2345 = arith.constant 1 : i32
      %sub3A_2346 = arith.subi %squeeze3A_2344, %sub3A_2345 : i32
      %slice3A_2347 = vector.extract_strided_slice %get3A_1050 {offsets = [11], sizes = [1], strides = [1]} : vector<16xi32> to vector<1xi32>
      %squeeze3A_2348 = vector.extract %slice3A_2347[0] : i32 from vector<1xi32>
      %sub3A_2349 = arith.constant 1 : i32
      %sub3A_2350 = arith.subi %squeeze3A_2348, %sub3A_2349 : i32
      %and3A_2351 = arith.constant 127 : i32
      %and3A_2352 = arith.andi %sub3A_2346, %and3A_2351 : i32
      %broadcast_in_dim3A_2353 = vector.broadcast %and3A_2352 : i32 to vector<16xi32>
      %and3A_2354 = arith.constant 127 : i32
      %and3A_2355 = arith.andi %sub3A_2350, %and3A_2354 : i32
      %broadcast_in_dim3A_2356 = vector.broadcast %and3A_2355 : i32 to vector<16xi32>
      %add3A_2357 = arith.constant 16 : i32
      %add3A_2358 = vector.broadcast %add3A_2357 : i32 to vector<16xi32>
      %add3A_2359 = arith.addi %iota3A, %add3A_2358 : vector<16xi32>
      %gather3A_2360 = tpu.vector_load_idx %arg9[%broadcast_in_dim3A_2342, %iota3A, %broadcast_in_dim3A_2353] : memref<14x32x128xf32, #tpu.memory_space<vmem>>[vector<16xi32>, vector<16xi32>, vector<16xi32>], vector<16xf32>,
      %gather3A_2361 = tpu.vector_load_idx %arg9[%broadcast_in_dim3A_2342, %add3A_2359, %broadcast_in_dim3A_2353] : memref<14x32x128xf32, #tpu.memory_space<vmem>>[vector<16xi32>, vector<16xi32>, vector<16xi32>], vector<16xf32>,
      %gather3A_2362 = tpu.vector_load_idx %arg10[%broadcast_in_dim3A_2342, %iota3A, %broadcast_in_dim3A_2356] : memref<14x32x128xf32, #tpu.memory_space<vmem>>[vector<16xi32>, vector<16xi32>, vector<16xi32>], vector<16xf32>,
      %gather3A_2363 = tpu.vector_load_idx %arg10[%broadcast_in_dim3A_2342, %add3A_2359, %broadcast_in_dim3A_2356] : memref<14x32x128xf32, #tpu.memory_space<vmem>>[vector<16xi32>, vector<16xi32>, vector<16xi32>], vector<16xf32>,
      %eq3A_2364 = arith.constant 11 : i32
      %eq3A_2365 = vector.broadcast %eq3A_2364 : i32 to vector<16xi32>
      %eq3A_2366 = arith.cmpi eq, %iota3A, %eq3A_2365 : vector<16xi32>
      %mul3A_2367 = arith.mulf %gather3A_2360, %gather3A_2362 : vector<16xf32>
      %mul3A_2368 = arith.mulf %gather3A_2361, %gather3A_2363 : vector<16xf32>
      %add3A_2369 = arith.addf %mul3A_2367, %mul3A_2368 : vector<16xf32>
      %reduce_sum3A_2370 = arith.constant true
      %reduce_sum3A_2371 = vector.broadcast %reduce_sum3A_2370 : i1 to vector<16xi1>
      %reduce_sum3A_2372 = tpu.scan <sum>, %add3A_2369 masked %reduce_sum3A_2371 : vector<16xf32>, vector<16xi1> -> vector<16xf32>
      %reduce_sum3A_2373 = vector.extract %reduce_sum3A_2372[15] : f32 from vector<16xf32>
      %broadcast_in_dim3A_2374 = vector.broadcast %reduce_sum3A_2373 : f32 to vector<16xf32>
      %select_n3A_2375 = arith.select %eq3A_2366, %broadcast_in_dim3A_2374, %select_n3A_2261 : vector<16xi1>, vector<16xf32>
      %slice3A_2376 = vector.extract_strided_slice %get3A_1054 {offsets = [9], sizes = [1], strides = [1]} : vector<16xi32> to vector<1xi32>
      %squeeze3A_2377 = vector.extract %slice3A_2376[0] : i32 from vector<1xi32>
      %sub3A_2378 = arith.constant 1 : i32
      %sub3A_2379 = arith.subi %squeeze3A_2377, %sub3A_2378 : i32
      %slice3A_2380 = vector.extract_strided_slice %get3A_1058 {offsets = [9], sizes = [1], strides = [1]} : vector<16xi32> to vector<1xi32>
      %squeeze3A_2381 = vector.extract %slice3A_2380[0] : i32 from vector<1xi32>
      %sub3A_2382 = arith.constant 1 : i32
      %sub3A_2383 = arith.subi %squeeze3A_2381, %sub3A_2382 : i32
      %add3A_2384 = arith.constant 14 : i32
      %add3A_2385 = arith.addi %add3A_2339, %add3A_2384 : i32
      %rem3A_2386 = arith.constant 14 : i32
      %rem3A_2387 = arith.remsi %add3A_2385, %rem3A_2386 : i32
      %shift_right_arithmetic3A_2388 = arith.constant 7 : i32
      %shift_right_arithmetic3A_2389 = arith.shrsi %sub3A_2379, %shift_right_arithmetic3A_2388 : i32
      %mul3A_2390 = arith.constant 128 : i32
      %mul3A_2391 = arith.muli %shift_right_arithmetic3A_2389, %mul3A_2390 : i32
      %multiple_of3A_2392 = tpu.assume_multiple %mul3A_2391, 128 : i32
      %shift_right_arithmetic3A_2393 = arith.constant 7 : i32
      %shift_right_arithmetic3A_2394 = arith.shrsi %sub3A_2383, %shift_right_arithmetic3A_2393 : i32
      %mul3A_2395 = arith.constant 128 : i32
      %mul3A_2396 = arith.muli %shift_right_arithmetic3A_2394, %mul3A_2395 : i32
      %multiple_of3A_2397 = tpu.assume_multiple %mul3A_2396, 128 : i32
      %dma_start3A_2398 = arith.constant 0 : i32
      %dma_start3A_2399 = arith.constant 0 : i32
      %dma_start3A_2400 = tpu.memref_slice %arg9[%rem3A_2387, %dma_start3A_2398, %dma_start3A_2399] : memref<14x32x128xf32, #tpu.memory_space<vmem>> -> memref<1x32x128xf32, #tpu.memory_space<vmem>>
      %dma_start3A_2401 = tpu.memref_squeeze %dma_start3A_2400 : memref<1x32x128xf32, #tpu.memory_space<vmem>> -> memref<32x128xf32, #tpu.memory_space<vmem>>
      %dma_start3A_2402 = arith.constant 0 : i32
      %dma_start3A_2403 = tpu.memref_slice %arg4[%dma_start3A_2402, %multiple_of3A_2392] : memref<32x1000000xf32, #tpu.memory_space<hbm>> -> memref<32x128xf32, #tpu.memory_space<hbm>>
      %dma_start3A_2404 = arith.constant 0 : i32
      %dma_start3A_2405 = arith.constant 0 : i32
      %dma_start3A_2406 = tpu.memref_slice %arg9[%rem3A_2387, %dma_start3A_2404, %dma_start3A_2405] : memref<14x32x128xf32, #tpu.memory_space<vmem>> -> memref<1x32x128xf32, #tpu.memory_space<vmem>>
      %dma_start3A_2407 = tpu.memref_squeeze %dma_start3A_2406 : memref<1x32x128xf32, #tpu.memory_space<vmem>> -> memref<32x128xf32, #tpu.memory_space<vmem>>
      %dma_start3A_2408 = arith.constant 0 : i32
      %dma_start3A_2409 = tpu.memref_slice %arg4[%dma_start3A_2408, %multiple_of3A_2392] : memref<32x1000000xf32, #tpu.memory_space<hbm>> -> memref<32x128xf32, #tpu.memory_space<hbm>>
      tpu.enqueue_dma source(%dma_start3A_2409 : memref<32x128xf32, #tpu.memory_space<hbm>>) target(%dma_start3A_2407 : memref<32x128xf32, #tpu.memory_space<vmem>>) target_semaphore(%arg12 : memref<!tpu.dma_semaphore, #tpu.memory_space<semaphore_mem>>)
      %dma_start3A_2410 = arith.constant 0 : i32
      %dma_start3A_2411 = arith.constant 0 : i32
      %dma_start3A_2412 = tpu.memref_slice %arg10[%rem3A_2387, %dma_start3A_2410, %dma_start3A_2411] : memref<14x32x128xf32, #tpu.memory_space<vmem>> -> memref<1x32x128xf32, #tpu.memory_space<vmem>>
      %dma_start3A_2413 = tpu.memref_squeeze %dma_start3A_2412 : memref<1x32x128xf32, #tpu.memory_space<vmem>> -> memref<32x128xf32, #tpu.memory_space<vmem>>
      %dma_start3A_2414 = arith.constant 0 : i32
      %dma_start3A_2415 = tpu.memref_slice %arg5[%dma_start3A_2414, %multiple_of3A_2397] : memref<32x1000000xf32, #tpu.memory_space<hbm>> -> memref<32x128xf32, #tpu.memory_space<hbm>>
      %dma_start3A_2416 = arith.constant 0 : i32
      %dma_start3A_2417 = arith.constant 0 : i32
      %dma_start3A_2418 = tpu.memref_slice %arg10[%rem3A_2387, %dma_start3A_2416, %dma_start3A_2417] : memref<14x32x128xf32, #tpu.memory_space<vmem>> -> memref<1x32x128xf32, #tpu.memory_space<vmem>>
      %dma_start3A_2419 = tpu.memref_squeeze %dma_start3A_2418 : memref<1x32x128xf32, #tpu.memory_space<vmem>> -> memref<32x128xf32, #tpu.memory_space<vmem>>
      %dma_start3A_2420 = arith.constant 0 : i32
      %dma_start3A_2421 = tpu.memref_slice %arg5[%dma_start3A_2420, %multiple_of3A_2397] : memref<32x1000000xf32, #tpu.memory_space<hbm>> -> memref<32x128xf32, #tpu.memory_space<hbm>>
      tpu.enqueue_dma source(%dma_start3A_2421 : memref<32x128xf32, #tpu.memory_space<hbm>>) target(%dma_start3A_2419 : memref<32x128xf32, #tpu.memory_space<vmem>>) target_semaphore(%arg12 : memref<!tpu.dma_semaphore, #tpu.memory_space<semaphore_mem>>)
      %dma_wait3A_2422 = arith.constant 0 : i32
      %dma_wait3A_2423 = arith.constant 0 : i32
      %dma_wait3A_2424 = arith.constant 0 : i32
      %dma_wait3A_2425 = tpu.memref_slice %arg9[%dma_wait3A_2422, %dma_wait3A_2423, %dma_wait3A_2424] : memref<14x32x128xf32, #tpu.memory_space<vmem>> -> memref<1x32x128xf32, #tpu.memory_space<vmem>>
      %dma_wait3A_2426 = tpu.memref_squeeze %dma_wait3A_2425 : memref<1x32x128xf32, #tpu.memory_space<vmem>> -> memref<32x128xf32, #tpu.memory_space<vmem>>
      %dma_wait3A_2427 = arith.constant 0 : i32
      %dma_wait3A_2428 = arith.constant 0 : i32
      %dma_wait3A_2429 = tpu.memref_slice %arg4[%dma_wait3A_2427, %dma_wait3A_2428] : memref<32x1000000xf32, #tpu.memory_space<hbm>> -> memref<32x128xf32, #tpu.memory_space<hbm>>
      %dma_wait3A_2430 = arith.constant 0 : i32
      %dma_wait3A_2431 = arith.constant 0 : i32
      %dma_wait3A_2432 = tpu.memref_slice %arg9[%dma_wait3A_2422, %dma_wait3A_2430, %dma_wait3A_2431] : memref<14x32x128xf32, #tpu.memory_space<vmem>> -> memref<1x32x128xf32, #tpu.memory_space<vmem>>
      %dma_wait3A_2433 = tpu.memref_squeeze %dma_wait3A_2432 : memref<1x32x128xf32, #tpu.memory_space<vmem>> -> memref<32x128xf32, #tpu.memory_space<vmem>>
      %dma_wait3A_2434 = arith.constant 0 : i32
      %dma_wait3A_2435 = arith.constant 0 : i32
      %dma_wait3A_2436 = tpu.memref_slice %arg4[%dma_wait3A_2434, %dma_wait3A_2435] : memref<32x1000000xf32, #tpu.memory_space<hbm>> -> memref<32x128xf32, #tpu.memory_space<hbm>>
      tpu.wait_dma2 semaphore(%arg12 : memref<!tpu.dma_semaphore, #tpu.memory_space<semaphore_mem>>) src(%dma_wait3A_2436 : memref<32x128xf32, #tpu.memory_space<hbm>>) dst(%dma_wait3A_2433 : memref<32x128xf32, #tpu.memory_space<vmem>>)
      %dma_wait3A_2437 = arith.constant 0 : i32
      %dma_wait3A_2438 = arith.constant 0 : i32
      %dma_wait3A_2439 = arith.constant 0 : i32
      %dma_wait3A_2440 = tpu.memref_slice %arg10[%dma_wait3A_2437, %dma_wait3A_2438, %dma_wait3A_2439] : memref<14x32x128xf32, #tpu.memory_space<vmem>> -> memref<1x32x128xf32, #tpu.memory_space<vmem>>
      %dma_wait3A_2441 = tpu.memref_squeeze %dma_wait3A_2440 : memref<1x32x128xf32, #tpu.memory_space<vmem>> -> memref<32x128xf32, #tpu.memory_space<vmem>>
      %dma_wait3A_2442 = arith.constant 0 : i32
      %dma_wait3A_2443 = arith.constant 0 : i32
      %dma_wait3A_2444 = tpu.memref_slice %arg5[%dma_wait3A_2442, %dma_wait3A_2443] : memref<32x1000000xf32, #tpu.memory_space<hbm>> -> memref<32x128xf32, #tpu.memory_space<hbm>>
      %dma_wait3A_2445 = arith.constant 0 : i32
      %dma_wait3A_2446 = arith.constant 0 : i32
      %dma_wait3A_2447 = tpu.memref_slice %arg10[%dma_wait3A_2437, %dma_wait3A_2445, %dma_wait3A_2446] : memref<14x32x128xf32, #tpu.memory_space<vmem>> -> memref<1x32x128xf32, #tpu.memory_space<vmem>>
      %dma_wait3A_2448 = tpu.memref_squeeze %dma_wait3A_2447 : memref<1x32x128xf32, #tpu.memory_space<vmem>> -> memref<32x128xf32, #tpu.memory_space<vmem>>
      %dma_wait3A_2449 = arith.constant 0 : i32
      %dma_wait3A_2450 = arith.constant 0 : i32
      %dma_wait3A_2451 = tpu.memref_slice %arg5[%dma_wait3A_2449, %dma_wait3A_2450] : memref<32x1000000xf32, #tpu.memory_space<hbm>> -> memref<32x128xf32, #tpu.memory_space<hbm>>
      tpu.wait_dma2 semaphore(%arg12 : memref<!tpu.dma_semaphore, #tpu.memory_space<semaphore_mem>>) src(%dma_wait3A_2451 : memref<32x128xf32, #tpu.memory_space<hbm>>) dst(%dma_wait3A_2448 : memref<32x128xf32, #tpu.memory_space<vmem>>)
      %add3A_2452 = arith.constant 12 : i32
      %add3A_2453 = arith.addi %mul3A_1046, %add3A_2452 : i32
      %rem3A_2454 = arith.constant 14 : i32
      %rem3A_2455 = arith.remsi %add3A_2453, %rem3A_2454 : i32
      %broadcast_in_dim3A_2456 = vector.broadcast %rem3A_2455 : i32 to vector<16xi32>
      %slice3A_2457 = vector.extract_strided_slice %get3A_1048 {offsets = [12], sizes = [1], strides = [1]} : vector<16xi32> to vector<1xi32>
      %squeeze3A_2458 = vector.extract %slice3A_2457[0] : i32 from vector<1xi32>
      %sub3A_2459 = arith.constant 1 : i32
      %sub3A_2460 = arith.subi %squeeze3A_2458, %sub3A_2459 : i32
      %slice3A_2461 = vector.extract_strided_slice %get3A_1050 {offsets = [12], sizes = [1], strides = [1]} : vector<16xi32> to vector<1xi32>
      %squeeze3A_2462 = vector.extract %slice3A_2461[0] : i32 from vector<1xi32>
      %sub3A_2463 = arith.constant 1 : i32
      %sub3A_2464 = arith.subi %squeeze3A_2462, %sub3A_2463 : i32
      %and3A_2465 = arith.constant 127 : i32
      %and3A_2466 = arith.andi %sub3A_2460, %and3A_2465 : i32
      %broadcast_in_dim3A_2467 = vector.broadcast %and3A_2466 : i32 to vector<16xi32>
      %and3A_2468 = arith.constant 127 : i32
      %and3A_2469 = arith.andi %sub3A_2464, %and3A_2468 : i32
      %broadcast_in_dim3A_2470 = vector.broadcast %and3A_2469 : i32 to vector<16xi32>
      %add3A_2471 = arith.constant 16 : i32
      %add3A_2472 = vector.broadcast %add3A_2471 : i32 to vector<16xi32>
      %add3A_2473 = arith.addi %iota3A, %add3A_2472 : vector<16xi32>
      %gather3A_2474 = tpu.vector_load_idx %arg9[%broadcast_in_dim3A_2456, %iota3A, %broadcast_in_dim3A_2467] : memref<14x32x128xf32, #tpu.memory_space<vmem>>[vector<16xi32>, vector<16xi32>, vector<16xi32>], vector<16xf32>,
      %gather3A_2475 = tpu.vector_load_idx %arg9[%broadcast_in_dim3A_2456, %add3A_2473, %broadcast_in_dim3A_2467] : memref<14x32x128xf32, #tpu.memory_space<vmem>>[vector<16xi32>, vector<16xi32>, vector<16xi32>], vector<16xf32>,
      %gather3A_2476 = tpu.vector_load_idx %arg10[%broadcast_in_dim3A_2456, %iota3A, %broadcast_in_dim3A_2470] : memref<14x32x128xf32, #tpu.memory_space<vmem>>[vector<16xi32>, vector<16xi32>, vector<16xi32>], vector<16xf32>,
      %gather3A_2477 = tpu.vector_load_idx %arg10[%broadcast_in_dim3A_2456, %add3A_2473, %broadcast_in_dim3A_2470] : memref<14x32x128xf32, #tpu.memory_space<vmem>>[vector<16xi32>, vector<16xi32>, vector<16xi32>], vector<16xf32>,
      %eq3A_2478 = arith.constant 12 : i32
      %eq3A_2479 = vector.broadcast %eq3A_2478 : i32 to vector<16xi32>
      %eq3A_2480 = arith.cmpi eq, %iota3A, %eq3A_2479 : vector<16xi32>
      %mul3A_2481 = arith.mulf %gather3A_2474, %gather3A_2476 : vector<16xf32>
      %mul3A_2482 = arith.mulf %gather3A_2475, %gather3A_2477 : vector<16xf32>
      %add3A_2483 = arith.addf %mul3A_2481, %mul3A_2482 : vector<16xf32>
      %reduce_sum3A_2484 = arith.constant true
      %reduce_sum3A_2485 = vector.broadcast %reduce_sum3A_2484 : i1 to vector<16xi1>
      %reduce_sum3A_2486 = tpu.scan <sum>, %add3A_2483 masked %reduce_sum3A_2485 : vector<16xf32>, vector<16xi1> -> vector<16xf32>
      %reduce_sum3A_2487 = vector.extract %reduce_sum3A_2486[15] : f32 from vector<16xf32>
      %broadcast_in_dim3A_2488 = vector.broadcast %reduce_sum3A_2487 : f32 to vector<16xf32>
      %select_n3A_2489 = arith.select %eq3A_2480, %broadcast_in_dim3A_2488, %select_n3A_2375 : vector<16xi1>, vector<16xf32>
      %slice3A_2490 = vector.extract_strided_slice %get3A_1054 {offsets = [10], sizes = [1], strides = [1]} : vector<16xi32> to vector<1xi32>
      %squeeze3A_2491 = vector.extract %slice3A_2490[0] : i32 from vector<1xi32>
      %sub3A_2492 = arith.constant 1 : i32
      %sub3A_2493 = arith.subi %squeeze3A_2491, %sub3A_2492 : i32
      %slice3A_2494 = vector.extract_strided_slice %get3A_1058 {offsets = [10], sizes = [1], strides = [1]} : vector<16xi32> to vector<1xi32>
      %squeeze3A_2495 = vector.extract %slice3A_2494[0] : i32 from vector<1xi32>
      %sub3A_2496 = arith.constant 1 : i32
      %sub3A_2497 = arith.subi %squeeze3A_2495, %sub3A_2496 : i32
      %add3A_2498 = arith.constant 14 : i32
      %add3A_2499 = arith.addi %add3A_2453, %add3A_2498 : i32
      %rem3A_2500 = arith.constant 14 : i32
      %rem3A_2501 = arith.remsi %add3A_2499, %rem3A_2500 : i32
      %shift_right_arithmetic3A_2502 = arith.constant 7 : i32
      %shift_right_arithmetic3A_2503 = arith.shrsi %sub3A_2493, %shift_right_arithmetic3A_2502 : i32
      %mul3A_2504 = arith.constant 128 : i32
      %mul3A_2505 = arith.muli %shift_right_arithmetic3A_2503, %mul3A_2504 : i32
      %multiple_of3A_2506 = tpu.assume_multiple %mul3A_2505, 128 : i32
      %shift_right_arithmetic3A_2507 = arith.constant 7 : i32
      %shift_right_arithmetic3A_2508 = arith.shrsi %sub3A_2497, %shift_right_arithmetic3A_2507 : i32
      %mul3A_2509 = arith.constant 128 : i32
      %mul3A_2510 = arith.muli %shift_right_arithmetic3A_2508, %mul3A_2509 : i32
      %multiple_of3A_2511 = tpu.assume_multiple %mul3A_2510, 128 : i32
      %dma_start3A_2512 = arith.constant 0 : i32
      %dma_start3A_2513 = arith.constant 0 : i32
      %dma_start3A_2514 = tpu.memref_slice %arg9[%rem3A_2501, %dma_start3A_2512, %dma_start3A_2513] : memref<14x32x128xf32, #tpu.memory_space<vmem>> -> memref<1x32x128xf32, #tpu.memory_space<vmem>>
      %dma_start3A_2515 = tpu.memref_squeeze %dma_start3A_2514 : memref<1x32x128xf32, #tpu.memory_space<vmem>> -> memref<32x128xf32, #tpu.memory_space<vmem>>
      %dma_start3A_2516 = arith.constant 0 : i32
      %dma_start3A_2517 = tpu.memref_slice %arg4[%dma_start3A_2516, %multiple_of3A_2506] : memref<32x1000000xf32, #tpu.memory_space<hbm>> -> memref<32x128xf32, #tpu.memory_space<hbm>>
      %dma_start3A_2518 = arith.constant 0 : i32
      %dma_start3A_2519 = arith.constant 0 : i32
      %dma_start3A_2520 = tpu.memref_slice %arg9[%rem3A_2501, %dma_start3A_2518, %dma_start3A_2519] : memref<14x32x128xf32, #tpu.memory_space<vmem>> -> memref<1x32x128xf32, #tpu.memory_space<vmem>>
      %dma_start3A_2521 = tpu.memref_squeeze %dma_start3A_2520 : memref<1x32x128xf32, #tpu.memory_space<vmem>> -> memref<32x128xf32, #tpu.memory_space<vmem>>
      %dma_start3A_2522 = arith.constant 0 : i32
      %dma_start3A_2523 = tpu.memref_slice %arg4[%dma_start3A_2522, %multiple_of3A_2506] : memref<32x1000000xf32, #tpu.memory_space<hbm>> -> memref<32x128xf32, #tpu.memory_space<hbm>>
      tpu.enqueue_dma source(%dma_start3A_2523 : memref<32x128xf32, #tpu.memory_space<hbm>>) target(%dma_start3A_2521 : memref<32x128xf32, #tpu.memory_space<vmem>>) target_semaphore(%arg12 : memref<!tpu.dma_semaphore, #tpu.memory_space<semaphore_mem>>)
      %dma_start3A_2524 = arith.constant 0 : i32
      %dma_start3A_2525 = arith.constant 0 : i32
      %dma_start3A_2526 = tpu.memref_slice %arg10[%rem3A_2501, %dma_start3A_2524, %dma_start3A_2525] : memref<14x32x128xf32, #tpu.memory_space<vmem>> -> memref<1x32x128xf32, #tpu.memory_space<vmem>>
      %dma_start3A_2527 = tpu.memref_squeeze %dma_start3A_2526 : memref<1x32x128xf32, #tpu.memory_space<vmem>> -> memref<32x128xf32, #tpu.memory_space<vmem>>
      %dma_start3A_2528 = arith.constant 0 : i32
      %dma_start3A_2529 = tpu.memref_slice %arg5[%dma_start3A_2528, %multiple_of3A_2511] : memref<32x1000000xf32, #tpu.memory_space<hbm>> -> memref<32x128xf32, #tpu.memory_space<hbm>>
      %dma_start3A_2530 = arith.constant 0 : i32
      %dma_start3A_2531 = arith.constant 0 : i32
      %dma_start3A_2532 = tpu.memref_slice %arg10[%rem3A_2501, %dma_start3A_2530, %dma_start3A_2531] : memref<14x32x128xf32, #tpu.memory_space<vmem>> -> memref<1x32x128xf32, #tpu.memory_space<vmem>>
      %dma_start3A_2533 = tpu.memref_squeeze %dma_start3A_2532 : memref<1x32x128xf32, #tpu.memory_space<vmem>> -> memref<32x128xf32, #tpu.memory_space<vmem>>
      %dma_start3A_2534 = arith.constant 0 : i32
      %dma_start3A_2535 = tpu.memref_slice %arg5[%dma_start3A_2534, %multiple_of3A_2511] : memref<32x1000000xf32, #tpu.memory_space<hbm>> -> memref<32x128xf32, #tpu.memory_space<hbm>>
      tpu.enqueue_dma source(%dma_start3A_2535 : memref<32x128xf32, #tpu.memory_space<hbm>>) target(%dma_start3A_2533 : memref<32x128xf32, #tpu.memory_space<vmem>>) target_semaphore(%arg12 : memref<!tpu.dma_semaphore, #tpu.memory_space<semaphore_mem>>)
      %dma_wait3A_2536 = arith.constant 0 : i32
      %dma_wait3A_2537 = arith.constant 0 : i32
      %dma_wait3A_2538 = arith.constant 0 : i32
      %dma_wait3A_2539 = tpu.memref_slice %arg9[%dma_wait3A_2536, %dma_wait3A_2537, %dma_wait3A_2538] : memref<14x32x128xf32, #tpu.memory_space<vmem>> -> memref<1x32x128xf32, #tpu.memory_space<vmem>>
      %dma_wait3A_2540 = tpu.memref_squeeze %dma_wait3A_2539 : memref<1x32x128xf32, #tpu.memory_space<vmem>> -> memref<32x128xf32, #tpu.memory_space<vmem>>
      %dma_wait3A_2541 = arith.constant 0 : i32
      %dma_wait3A_2542 = arith.constant 0 : i32
      %dma_wait3A_2543 = tpu.memref_slice %arg4[%dma_wait3A_2541, %dma_wait3A_2542] : memref<32x1000000xf32, #tpu.memory_space<hbm>> -> memref<32x128xf32, #tpu.memory_space<hbm>>
      %dma_wait3A_2544 = arith.constant 0 : i32
      %dma_wait3A_2545 = arith.constant 0 : i32
      %dma_wait3A_2546 = tpu.memref_slice %arg9[%dma_wait3A_2536, %dma_wait3A_2544, %dma_wait3A_2545] : memref<14x32x128xf32, #tpu.memory_space<vmem>> -> memref<1x32x128xf32, #tpu.memory_space<vmem>>
      %dma_wait3A_2547 = tpu.memref_squeeze %dma_wait3A_2546 : memref<1x32x128xf32, #tpu.memory_space<vmem>> -> memref<32x128xf32, #tpu.memory_space<vmem>>
      %dma_wait3A_2548 = arith.constant 0 : i32
      %dma_wait3A_2549 = arith.constant 0 : i32
      %dma_wait3A_2550 = tpu.memref_slice %arg4[%dma_wait3A_2548, %dma_wait3A_2549] : memref<32x1000000xf32, #tpu.memory_space<hbm>> -> memref<32x128xf32, #tpu.memory_space<hbm>>
      tpu.wait_dma2 semaphore(%arg12 : memref<!tpu.dma_semaphore, #tpu.memory_space<semaphore_mem>>) src(%dma_wait3A_2550 : memref<32x128xf32, #tpu.memory_space<hbm>>) dst(%dma_wait3A_2547 : memref<32x128xf32, #tpu.memory_space<vmem>>)
      %dma_wait3A_2551 = arith.constant 0 : i32
      %dma_wait3A_2552 = arith.constant 0 : i32
      %dma_wait3A_2553 = arith.constant 0 : i32
      %dma_wait3A_2554 = tpu.memref_slice %arg10[%dma_wait3A_2551, %dma_wait3A_2552, %dma_wait3A_2553] : memref<14x32x128xf32, #tpu.memory_space<vmem>> -> memref<1x32x128xf32, #tpu.memory_space<vmem>>
      %dma_wait3A_2555 = tpu.memref_squeeze %dma_wait3A_2554 : memref<1x32x128xf32, #tpu.memory_space<vmem>> -> memref<32x128xf32, #tpu.memory_space<vmem>>
      %dma_wait3A_2556 = arith.constant 0 : i32
      %dma_wait3A_2557 = arith.constant 0 : i32
      %dma_wait3A_2558 = tpu.memref_slice %arg5[%dma_wait3A_2556, %dma_wait3A_2557] : memref<32x1000000xf32, #tpu.memory_space<hbm>> -> memref<32x128xf32, #tpu.memory_space<hbm>>
      %dma_wait3A_2559 = arith.constant 0 : i32
      %dma_wait3A_2560 = arith.constant 0 : i32
      %dma_wait3A_2561 = tpu.memref_slice %arg10[%dma_wait3A_2551, %dma_wait3A_2559, %dma_wait3A_2560] : memref<14x32x128xf32, #tpu.memory_space<vmem>> -> memref<1x32x128xf32, #tpu.memory_space<vmem>>
      %dma_wait3A_2562 = tpu.memref_squeeze %dma_wait3A_2561 : memref<1x32x128xf32, #tpu.memory_space<vmem>> -> memref<32x128xf32, #tpu.memory_space<vmem>>
      %dma_wait3A_2563 = arith.constant 0 : i32
      %dma_wait3A_2564 = arith.constant 0 : i32
      %dma_wait3A_2565 = tpu.memref_slice %arg5[%dma_wait3A_2563, %dma_wait3A_2564] : memref<32x1000000xf32, #tpu.memory_space<hbm>> -> memref<32x128xf32, #tpu.memory_space<hbm>>
      tpu.wait_dma2 semaphore(%arg12 : memref<!tpu.dma_semaphore, #tpu.memory_space<semaphore_mem>>) src(%dma_wait3A_2565 : memref<32x128xf32, #tpu.memory_space<hbm>>) dst(%dma_wait3A_2562 : memref<32x128xf32, #tpu.memory_space<vmem>>)
      %add3A_2566 = arith.constant 13 : i32
      %add3A_2567 = arith.addi %mul3A_1046, %add3A_2566 : i32
      %rem3A_2568 = arith.constant 14 : i32
      %rem3A_2569 = arith.remsi %add3A_2567, %rem3A_2568 : i32
      %broadcast_in_dim3A_2570 = vector.broadcast %rem3A_2569 : i32 to vector<16xi32>
      %slice3A_2571 = vector.extract_strided_slice %get3A_1048 {offsets = [13], sizes = [1], strides = [1]} : vector<16xi32> to vector<1xi32>
      %squeeze3A_2572 = vector.extract %slice3A_2571[0] : i32 from vector<1xi32>
      %sub3A_2573 = arith.constant 1 : i32
      %sub3A_2574 = arith.subi %squeeze3A_2572, %sub3A_2573 : i32
      %slice3A_2575 = vector.extract_strided_slice %get3A_1050 {offsets = [13], sizes = [1], strides = [1]} : vector<16xi32> to vector<1xi32>
      %squeeze3A_2576 = vector.extract %slice3A_2575[0] : i32 from vector<1xi32>
      %sub3A_2577 = arith.constant 1 : i32
      %sub3A_2578 = arith.subi %squeeze3A_2576, %sub3A_2577 : i32
      %and3A_2579 = arith.constant 127 : i32
      %and3A_2580 = arith.andi %sub3A_2574, %and3A_2579 : i32
      %broadcast_in_dim3A_2581 = vector.broadcast %and3A_2580 : i32 to vector<16xi32>
      %and3A_2582 = arith.constant 127 : i32
      %and3A_2583 = arith.andi %sub3A_2578, %and3A_2582 : i32
      %broadcast_in_dim3A_2584 = vector.broadcast %and3A_2583 : i32 to vector<16xi32>
      %add3A_2585 = arith.constant 16 : i32
      %add3A_2586 = vector.broadcast %add3A_2585 : i32 to vector<16xi32>
      %add3A_2587 = arith.addi %iota3A, %add3A_2586 : vector<16xi32>
      %gather3A_2588 = tpu.vector_load_idx %arg9[%broadcast_in_dim3A_2570, %iota3A, %broadcast_in_dim3A_2581] : memref<14x32x128xf32, #tpu.memory_space<vmem>>[vector<16xi32>, vector<16xi32>, vector<16xi32>], vector<16xf32>,
      %gather3A_2589 = tpu.vector_load_idx %arg9[%broadcast_in_dim3A_2570, %add3A_2587, %broadcast_in_dim3A_2581] : memref<14x32x128xf32, #tpu.memory_space<vmem>>[vector<16xi32>, vector<16xi32>, vector<16xi32>], vector<16xf32>,
      %gather3A_2590 = tpu.vector_load_idx %arg10[%broadcast_in_dim3A_2570, %iota3A, %broadcast_in_dim3A_2584] : memref<14x32x128xf32, #tpu.memory_space<vmem>>[vector<16xi32>, vector<16xi32>, vector<16xi32>], vector<16xf32>,
      %gather3A_2591 = tpu.vector_load_idx %arg10[%broadcast_in_dim3A_2570, %add3A_2587, %broadcast_in_dim3A_2584] : memref<14x32x128xf32, #tpu.memory_space<vmem>>[vector<16xi32>, vector<16xi32>, vector<16xi32>], vector<16xf32>,
      %eq3A_2592 = arith.constant 13 : i32
      %eq3A_2593 = vector.broadcast %eq3A_2592 : i32 to vector<16xi32>
      %eq3A_2594 = arith.cmpi eq, %iota3A, %eq3A_2593 : vector<16xi32>
      %mul3A_2595 = arith.mulf %gather3A_2588, %gather3A_2590 : vector<16xf32>
      %mul3A_2596 = arith.mulf %gather3A_2589, %gather3A_2591 : vector<16xf32>
      %add3A_2597 = arith.addf %mul3A_2595, %mul3A_2596 : vector<16xf32>
      %reduce_sum3A_2598 = arith.constant true
      %reduce_sum3A_2599 = vector.broadcast %reduce_sum3A_2598 : i1 to vector<16xi1>
      %reduce_sum3A_2600 = tpu.scan <sum>, %add3A_2597 masked %reduce_sum3A_2599 : vector<16xf32>, vector<16xi1> -> vector<16xf32>
      %reduce_sum3A_2601 = vector.extract %reduce_sum3A_2600[15] : f32 from vector<16xf32>
      %broadcast_in_dim3A_2602 = vector.broadcast %reduce_sum3A_2601 : f32 to vector<16xf32>
      %select_n3A_2603 = arith.select %eq3A_2594, %broadcast_in_dim3A_2602, %select_n3A_2489 : vector<16xi1>, vector<16xf32>
      %slice3A_2604 = vector.extract_strided_slice %get3A_1054 {offsets = [11], sizes = [1], strides = [1]} : vector<16xi32> to vector<1xi32>
      %squeeze3A_2605 = vector.extract %slice3A_2604[0] : i32 from vector<1xi32>
      %sub3A_2606 = arith.constant 1 : i32
      %sub3A_2607 = arith.subi %squeeze3A_2605, %sub3A_2606 : i32
      %slice3A_2608 = vector.extract_strided_slice %get3A_1058 {offsets = [11], sizes = [1], strides = [1]} : vector<16xi32> to vector<1xi32>
      %squeeze3A_2609 = vector.extract %slice3A_2608[0] : i32 from vector<1xi32>
      %sub3A_2610 = arith.constant 1 : i32
      %sub3A_2611 = arith.subi %squeeze3A_2609, %sub3A_2610 : i32
      %add3A_2612 = arith.constant 14 : i32
      %add3A_2613 = arith.addi %add3A_2567, %add3A_2612 : i32
      %rem3A_2614 = arith.constant 14 : i32
      %rem3A_2615 = arith.remsi %add3A_2613, %rem3A_2614 : i32
      %shift_right_arithmetic3A_2616 = arith.constant 7 : i32
      %shift_right_arithmetic3A_2617 = arith.shrsi %sub3A_2607, %shift_right_arithmetic3A_2616 : i32
      %mul3A_2618 = arith.constant 128 : i32
      %mul3A_2619 = arith.muli %shift_right_arithmetic3A_2617, %mul3A_2618 : i32
      %multiple_of3A_2620 = tpu.assume_multiple %mul3A_2619, 128 : i32
      %shift_right_arithmetic3A_2621 = arith.constant 7 : i32
      %shift_right_arithmetic3A_2622 = arith.shrsi %sub3A_2611, %shift_right_arithmetic3A_2621 : i32
      %mul3A_2623 = arith.constant 128 : i32
      %mul3A_2624 = arith.muli %shift_right_arithmetic3A_2622, %mul3A_2623 : i32
      %multiple_of3A_2625 = tpu.assume_multiple %mul3A_2624, 128 : i32
      %dma_start3A_2626 = arith.constant 0 : i32
      %dma_start3A_2627 = arith.constant 0 : i32
      %dma_start3A_2628 = tpu.memref_slice %arg9[%rem3A_2615, %dma_start3A_2626, %dma_start3A_2627] : memref<14x32x128xf32, #tpu.memory_space<vmem>> -> memref<1x32x128xf32, #tpu.memory_space<vmem>>
      %dma_start3A_2629 = tpu.memref_squeeze %dma_start3A_2628 : memref<1x32x128xf32, #tpu.memory_space<vmem>> -> memref<32x128xf32, #tpu.memory_space<vmem>>
      %dma_start3A_2630 = arith.constant 0 : i32
      %dma_start3A_2631 = tpu.memref_slice %arg4[%dma_start3A_2630, %multiple_of3A_2620] : memref<32x1000000xf32, #tpu.memory_space<hbm>> -> memref<32x128xf32, #tpu.memory_space<hbm>>
      %dma_start3A_2632 = arith.constant 0 : i32
      %dma_start3A_2633 = arith.constant 0 : i32
      %dma_start3A_2634 = tpu.memref_slice %arg9[%rem3A_2615, %dma_start3A_2632, %dma_start3A_2633] : memref<14x32x128xf32, #tpu.memory_space<vmem>> -> memref<1x32x128xf32, #tpu.memory_space<vmem>>
      %dma_start3A_2635 = tpu.memref_squeeze %dma_start3A_2634 : memref<1x32x128xf32, #tpu.memory_space<vmem>> -> memref<32x128xf32, #tpu.memory_space<vmem>>
      %dma_start3A_2636 = arith.constant 0 : i32
      %dma_start3A_2637 = tpu.memref_slice %arg4[%dma_start3A_2636, %multiple_of3A_2620] : memref<32x1000000xf32, #tpu.memory_space<hbm>> -> memref<32x128xf32, #tpu.memory_space<hbm>>
      tpu.enqueue_dma source(%dma_start3A_2637 : memref<32x128xf32, #tpu.memory_space<hbm>>) target(%dma_start3A_2635 : memref<32x128xf32, #tpu.memory_space<vmem>>) target_semaphore(%arg12 : memref<!tpu.dma_semaphore, #tpu.memory_space<semaphore_mem>>)
      %dma_start3A_2638 = arith.constant 0 : i32
      %dma_start3A_2639 = arith.constant 0 : i32
      %dma_start3A_2640 = tpu.memref_slice %arg10[%rem3A_2615, %dma_start3A_2638, %dma_start3A_2639] : memref<14x32x128xf32, #tpu.memory_space<vmem>> -> memref<1x32x128xf32, #tpu.memory_space<vmem>>
      %dma_start3A_2641 = tpu.memref_squeeze %dma_start3A_2640 : memref<1x32x128xf32, #tpu.memory_space<vmem>> -> memref<32x128xf32, #tpu.memory_space<vmem>>
      %dma_start3A_2642 = arith.constant 0 : i32
      %dma_start3A_2643 = tpu.memref_slice %arg5[%dma_start3A_2642, %multiple_of3A_2625] : memref<32x1000000xf32, #tpu.memory_space<hbm>> -> memref<32x128xf32, #tpu.memory_space<hbm>>
      %dma_start3A_2644 = arith.constant 0 : i32
      %dma_start3A_2645 = arith.constant 0 : i32
      %dma_start3A_2646 = tpu.memref_slice %arg10[%rem3A_2615, %dma_start3A_2644, %dma_start3A_2645] : memref<14x32x128xf32, #tpu.memory_space<vmem>> -> memref<1x32x128xf32, #tpu.memory_space<vmem>>
      %dma_start3A_2647 = tpu.memref_squeeze %dma_start3A_2646 : memref<1x32x128xf32, #tpu.memory_space<vmem>> -> memref<32x128xf32, #tpu.memory_space<vmem>>
      %dma_start3A_2648 = arith.constant 0 : i32
      %dma_start3A_2649 = tpu.memref_slice %arg5[%dma_start3A_2648, %multiple_of3A_2625] : memref<32x1000000xf32, #tpu.memory_space<hbm>> -> memref<32x128xf32, #tpu.memory_space<hbm>>
      tpu.enqueue_dma source(%dma_start3A_2649 : memref<32x128xf32, #tpu.memory_space<hbm>>) target(%dma_start3A_2647 : memref<32x128xf32, #tpu.memory_space<vmem>>) target_semaphore(%arg12 : memref<!tpu.dma_semaphore, #tpu.memory_space<semaphore_mem>>)
      %dma_wait3A_2650 = arith.constant 0 : i32
      %dma_wait3A_2651 = arith.constant 0 : i32
      %dma_wait3A_2652 = arith.constant 0 : i32
      %dma_wait3A_2653 = tpu.memref_slice %arg9[%dma_wait3A_2650, %dma_wait3A_2651, %dma_wait3A_2652] : memref<14x32x128xf32, #tpu.memory_space<vmem>> -> memref<1x32x128xf32, #tpu.memory_space<vmem>>
      %dma_wait3A_2654 = tpu.memref_squeeze %dma_wait3A_2653 : memref<1x32x128xf32, #tpu.memory_space<vmem>> -> memref<32x128xf32, #tpu.memory_space<vmem>>
      %dma_wait3A_2655 = arith.constant 0 : i32
      %dma_wait3A_2656 = arith.constant 0 : i32
      %dma_wait3A_2657 = tpu.memref_slice %arg4[%dma_wait3A_2655, %dma_wait3A_2656] : memref<32x1000000xf32, #tpu.memory_space<hbm>> -> memref<32x128xf32, #tpu.memory_space<hbm>>
      %dma_wait3A_2658 = arith.constant 0 : i32
      %dma_wait3A_2659 = arith.constant 0 : i32
      %dma_wait3A_2660 = tpu.memref_slice %arg9[%dma_wait3A_2650, %dma_wait3A_2658, %dma_wait3A_2659] : memref<14x32x128xf32, #tpu.memory_space<vmem>> -> memref<1x32x128xf32, #tpu.memory_space<vmem>>
      %dma_wait3A_2661 = tpu.memref_squeeze %dma_wait3A_2660 : memref<1x32x128xf32, #tpu.memory_space<vmem>> -> memref<32x128xf32, #tpu.memory_space<vmem>>
      %dma_wait3A_2662 = arith.constant 0 : i32
      %dma_wait3A_2663 = arith.constant 0 : i32
      %dma_wait3A_2664 = tpu.memref_slice %arg4[%dma_wait3A_2662, %dma_wait3A_2663] : memref<32x1000000xf32, #tpu.memory_space<hbm>> -> memref<32x128xf32, #tpu.memory_space<hbm>>
      tpu.wait_dma2 semaphore(%arg12 : memref<!tpu.dma_semaphore, #tpu.memory_space<semaphore_mem>>) src(%dma_wait3A_2664 : memref<32x128xf32, #tpu.memory_space<hbm>>) dst(%dma_wait3A_2661 : memref<32x128xf32, #tpu.memory_space<vmem>>)
      %dma_wait3A_2665 = arith.constant 0 : i32
      %dma_wait3A_2666 = arith.constant 0 : i32
      %dma_wait3A_2667 = arith.constant 0 : i32
      %dma_wait3A_2668 = tpu.memref_slice %arg10[%dma_wait3A_2665, %dma_wait3A_2666, %dma_wait3A_2667] : memref<14x32x128xf32, #tpu.memory_space<vmem>> -> memref<1x32x128xf32, #tpu.memory_space<vmem>>
      %dma_wait3A_2669 = tpu.memref_squeeze %dma_wait3A_2668 : memref<1x32x128xf32, #tpu.memory_space<vmem>> -> memref<32x128xf32, #tpu.memory_space<vmem>>
      %dma_wait3A_2670 = arith.constant 0 : i32
      %dma_wait3A_2671 = arith.constant 0 : i32
      %dma_wait3A_2672 = tpu.memref_slice %arg5[%dma_wait3A_2670, %dma_wait3A_2671] : memref<32x1000000xf32, #tpu.memory_space<hbm>> -> memref<32x128xf32, #tpu.memory_space<hbm>>
      %dma_wait3A_2673 = arith.constant 0 : i32
      %dma_wait3A_2674 = arith.constant 0 : i32
      %dma_wait3A_2675 = tpu.memref_slice %arg10[%dma_wait3A_2665, %dma_wait3A_2673, %dma_wait3A_2674] : memref<14x32x128xf32, #tpu.memory_space<vmem>> -> memref<1x32x128xf32, #tpu.memory_space<vmem>>
      %dma_wait3A_2676 = tpu.memref_squeeze %dma_wait3A_2675 : memref<1x32x128xf32, #tpu.memory_space<vmem>> -> memref<32x128xf32, #tpu.memory_space<vmem>>
      %dma_wait3A_2677 = arith.constant 0 : i32
      %dma_wait3A_2678 = arith.constant 0 : i32
      %dma_wait3A_2679 = tpu.memref_slice %arg5[%dma_wait3A_2677, %dma_wait3A_2678] : memref<32x1000000xf32, #tpu.memory_space<hbm>> -> memref<32x128xf32, #tpu.memory_space<hbm>>
      tpu.wait_dma2 semaphore(%arg12 : memref<!tpu.dma_semaphore, #tpu.memory_space<semaphore_mem>>) src(%dma_wait3A_2679 : memref<32x128xf32, #tpu.memory_space<hbm>>) dst(%dma_wait3A_2676 : memref<32x128xf32, #tpu.memory_space<vmem>>)
      %add3A_2680 = arith.constant 14 : i32
      %add3A_2681 = arith.addi %mul3A_1046, %add3A_2680 : i32
      %rem3A_2682 = arith.constant 14 : i32
      %rem3A_2683 = arith.remsi %add3A_2681, %rem3A_2682 : i32
      %broadcast_in_dim3A_2684 = vector.broadcast %rem3A_2683 : i32 to vector<16xi32>
      %slice3A_2685 = vector.extract_strided_slice %get3A_1048 {offsets = [14], sizes = [1], strides = [1]} : vector<16xi32> to vector<1xi32>
      %squeeze3A_2686 = vector.extract %slice3A_2685[0] : i32 from vector<1xi32>
      %sub3A_2687 = arith.constant 1 : i32
      %sub3A_2688 = arith.subi %squeeze3A_2686, %sub3A_2687 : i32
      %slice3A_2689 = vector.extract_strided_slice %get3A_1050 {offsets = [14], sizes = [1], strides = [1]} : vector<16xi32> to vector<1xi32>
      %squeeze3A_2690 = vector.extract %slice3A_2689[0] : i32 from vector<1xi32>
      %sub3A_2691 = arith.constant 1 : i32
      %sub3A_2692 = arith.subi %squeeze3A_2690, %sub3A_2691 : i32
      %and3A_2693 = arith.constant 127 : i32
      %and3A_2694 = arith.andi %sub3A_2688, %and3A_2693 : i32
      %broadcast_in_dim3A_2695 = vector.broadcast %and3A_2694 : i32 to vector<16xi32>
      %and3A_2696 = arith.constant 127 : i32
      %and3A_2697 = arith.andi %sub3A_2692, %and3A_2696 : i32
      %broadcast_in_dim3A_2698 = vector.broadcast %and3A_2697 : i32 to vector<16xi32>
      %add3A_2699 = arith.constant 16 : i32
      %add3A_2700 = vector.broadcast %add3A_2699 : i32 to vector<16xi32>
      %add3A_2701 = arith.addi %iota3A, %add3A_2700 : vector<16xi32>
      %gather3A_2702 = tpu.vector_load_idx %arg9[%broadcast_in_dim3A_2684, %iota3A, %broadcast_in_dim3A_2695] : memref<14x32x128xf32, #tpu.memory_space<vmem>>[vector<16xi32>, vector<16xi32>, vector<16xi32>], vector<16xf32>,
      %gather3A_2703 = tpu.vector_load_idx %arg9[%broadcast_in_dim3A_2684, %add3A_2701, %broadcast_in_dim3A_2695] : memref<14x32x128xf32, #tpu.memory_space<vmem>>[vector<16xi32>, vector<16xi32>, vector<16xi32>], vector<16xf32>,
      %gather3A_2704 = tpu.vector_load_idx %arg10[%broadcast_in_dim3A_2684, %iota3A, %broadcast_in_dim3A_2698] : memref<14x32x128xf32, #tpu.memory_space<vmem>>[vector<16xi32>, vector<16xi32>, vector<16xi32>], vector<16xf32>,
      %gather3A_2705 = tpu.vector_load_idx %arg10[%broadcast_in_dim3A_2684, %add3A_2701, %broadcast_in_dim3A_2698] : memref<14x32x128xf32, #tpu.memory_space<vmem>>[vector<16xi32>, vector<16xi32>, vector<16xi32>], vector<16xf32>,
      %eq3A_2706 = arith.constant 14 : i32
      %eq3A_2707 = vector.broadcast %eq3A_2706 : i32 to vector<16xi32>
      %eq3A_2708 = arith.cmpi eq, %iota3A, %eq3A_2707 : vector<16xi32>
      %mul3A_2709 = arith.mulf %gather3A_2702, %gather3A_2704 : vector<16xf32>
      %mul3A_2710 = arith.mulf %gather3A_2703, %gather3A_2705 : vector<16xf32>
      %add3A_2711 = arith.addf %mul3A_2709, %mul3A_2710 : vector<16xf32>
      %reduce_sum3A_2712 = arith.constant true
      %reduce_sum3A_2713 = vector.broadcast %reduce_sum3A_2712 : i1 to vector<16xi1>
      %reduce_sum3A_2714 = tpu.scan <sum>, %add3A_2711 masked %reduce_sum3A_2713 : vector<16xf32>, vector<16xi1> -> vector<16xf32>
      %reduce_sum3A_2715 = vector.extract %reduce_sum3A_2714[15] : f32 from vector<16xf32>
      %broadcast_in_dim3A_2716 = vector.broadcast %reduce_sum3A_2715 : f32 to vector<16xf32>
      %select_n3A_2717 = arith.select %eq3A_2708, %broadcast_in_dim3A_2716, %select_n3A_2603 : vector<16xi1>, vector<16xf32>
      %slice3A_2718 = vector.extract_strided_slice %get3A_1054 {offsets = [12], sizes = [1], strides = [1]} : vector<16xi32> to vector<1xi32>
      %squeeze3A_2719 = vector.extract %slice3A_2718[0] : i32 from vector<1xi32>
      %sub3A_2720 = arith.constant 1 : i32
      %sub3A_2721 = arith.subi %squeeze3A_2719, %sub3A_2720 : i32
      %slice3A_2722 = vector.extract_strided_slice %get3A_1058 {offsets = [12], sizes = [1], strides = [1]} : vector<16xi32> to vector<1xi32>
      %squeeze3A_2723 = vector.extract %slice3A_2722[0] : i32 from vector<1xi32>
      %sub3A_2724 = arith.constant 1 : i32
      %sub3A_2725 = arith.subi %squeeze3A_2723, %sub3A_2724 : i32
      %add3A_2726 = arith.constant 14 : i32
      %add3A_2727 = arith.addi %add3A_2681, %add3A_2726 : i32
      %rem3A_2728 = arith.constant 14 : i32
      %rem3A_2729 = arith.remsi %add3A_2727, %rem3A_2728 : i32
      %shift_right_arithmetic3A_2730 = arith.constant 7 : i32
      %shift_right_arithmetic3A_2731 = arith.shrsi %sub3A_2721, %shift_right_arithmetic3A_2730 : i32
      %mul3A_2732 = arith.constant 128 : i32
      %mul3A_2733 = arith.muli %shift_right_arithmetic3A_2731, %mul3A_2732 : i32
      %multiple_of3A_2734 = tpu.assume_multiple %mul3A_2733, 128 : i32
      %shift_right_arithmetic3A_2735 = arith.constant 7 : i32
      %shift_right_arithmetic3A_2736 = arith.shrsi %sub3A_2725, %shift_right_arithmetic3A_2735 : i32
      %mul3A_2737 = arith.constant 128 : i32
      %mul3A_2738 = arith.muli %shift_right_arithmetic3A_2736, %mul3A_2737 : i32
      %multiple_of3A_2739 = tpu.assume_multiple %mul3A_2738, 128 : i32
      %dma_start3A_2740 = arith.constant 0 : i32
      %dma_start3A_2741 = arith.constant 0 : i32
      %dma_start3A_2742 = tpu.memref_slice %arg9[%rem3A_2729, %dma_start3A_2740, %dma_start3A_2741] : memref<14x32x128xf32, #tpu.memory_space<vmem>> -> memref<1x32x128xf32, #tpu.memory_space<vmem>>
      %dma_start3A_2743 = tpu.memref_squeeze %dma_start3A_2742 : memref<1x32x128xf32, #tpu.memory_space<vmem>> -> memref<32x128xf32, #tpu.memory_space<vmem>>
      %dma_start3A_2744 = arith.constant 0 : i32
      %dma_start3A_2745 = tpu.memref_slice %arg4[%dma_start3A_2744, %multiple_of3A_2734] : memref<32x1000000xf32, #tpu.memory_space<hbm>> -> memref<32x128xf32, #tpu.memory_space<hbm>>
      %dma_start3A_2746 = arith.constant 0 : i32
      %dma_start3A_2747 = arith.constant 0 : i32
      %dma_start3A_2748 = tpu.memref_slice %arg9[%rem3A_2729, %dma_start3A_2746, %dma_start3A_2747] : memref<14x32x128xf32, #tpu.memory_space<vmem>> -> memref<1x32x128xf32, #tpu.memory_space<vmem>>
      %dma_start3A_2749 = tpu.memref_squeeze %dma_start3A_2748 : memref<1x32x128xf32, #tpu.memory_space<vmem>> -> memref<32x128xf32, #tpu.memory_space<vmem>>
      %dma_start3A_2750 = arith.constant 0 : i32
      %dma_start3A_2751 = tpu.memref_slice %arg4[%dma_start3A_2750, %multiple_of3A_2734] : memref<32x1000000xf32, #tpu.memory_space<hbm>> -> memref<32x128xf32, #tpu.memory_space<hbm>>
      tpu.enqueue_dma source(%dma_start3A_2751 : memref<32x128xf32, #tpu.memory_space<hbm>>) target(%dma_start3A_2749 : memref<32x128xf32, #tpu.memory_space<vmem>>) target_semaphore(%arg12 : memref<!tpu.dma_semaphore, #tpu.memory_space<semaphore_mem>>)
      %dma_start3A_2752 = arith.constant 0 : i32
      %dma_start3A_2753 = arith.constant 0 : i32
      %dma_start3A_2754 = tpu.memref_slice %arg10[%rem3A_2729, %dma_start3A_2752, %dma_start3A_2753] : memref<14x32x128xf32, #tpu.memory_space<vmem>> -> memref<1x32x128xf32, #tpu.memory_space<vmem>>
      %dma_start3A_2755 = tpu.memref_squeeze %dma_start3A_2754 : memref<1x32x128xf32, #tpu.memory_space<vmem>> -> memref<32x128xf32, #tpu.memory_space<vmem>>
      %dma_start3A_2756 = arith.constant 0 : i32
      %dma_start3A_2757 = tpu.memref_slice %arg5[%dma_start3A_2756, %multiple_of3A_2739] : memref<32x1000000xf32, #tpu.memory_space<hbm>> -> memref<32x128xf32, #tpu.memory_space<hbm>>
      %dma_start3A_2758 = arith.constant 0 : i32
      %dma_start3A_2759 = arith.constant 0 : i32
      %dma_start3A_2760 = tpu.memref_slice %arg10[%rem3A_2729, %dma_start3A_2758, %dma_start3A_2759] : memref<14x32x128xf32, #tpu.memory_space<vmem>> -> memref<1x32x128xf32, #tpu.memory_space<vmem>>
      %dma_start3A_2761 = tpu.memref_squeeze %dma_start3A_2760 : memref<1x32x128xf32, #tpu.memory_space<vmem>> -> memref<32x128xf32, #tpu.memory_space<vmem>>
      %dma_start3A_2762 = arith.constant 0 : i32
      %dma_start3A_2763 = tpu.memref_slice %arg5[%dma_start3A_2762, %multiple_of3A_2739] : memref<32x1000000xf32, #tpu.memory_space<hbm>> -> memref<32x128xf32, #tpu.memory_space<hbm>>
      tpu.enqueue_dma source(%dma_start3A_2763 : memref<32x128xf32, #tpu.memory_space<hbm>>) target(%dma_start3A_2761 : memref<32x128xf32, #tpu.memory_space<vmem>>) target_semaphore(%arg12 : memref<!tpu.dma_semaphore, #tpu.memory_space<semaphore_mem>>)
      %dma_wait3A_2764 = arith.constant 0 : i32
      %dma_wait3A_2765 = arith.constant 0 : i32
      %dma_wait3A_2766 = arith.constant 0 : i32
      %dma_wait3A_2767 = tpu.memref_slice %arg9[%dma_wait3A_2764, %dma_wait3A_2765, %dma_wait3A_2766] : memref<14x32x128xf32, #tpu.memory_space<vmem>> -> memref<1x32x128xf32, #tpu.memory_space<vmem>>
      %dma_wait3A_2768 = tpu.memref_squeeze %dma_wait3A_2767 : memref<1x32x128xf32, #tpu.memory_space<vmem>> -> memref<32x128xf32, #tpu.memory_space<vmem>>
      %dma_wait3A_2769 = arith.constant 0 : i32
      %dma_wait3A_2770 = arith.constant 0 : i32
      %dma_wait3A_2771 = tpu.memref_slice %arg4[%dma_wait3A_2769, %dma_wait3A_2770] : memref<32x1000000xf32, #tpu.memory_space<hbm>> -> memref<32x128xf32, #tpu.memory_space<hbm>>
      %dma_wait3A_2772 = arith.constant 0 : i32
      %dma_wait3A_2773 = arith.constant 0 : i32
      %dma_wait3A_2774 = tpu.memref_slice %arg9[%dma_wait3A_2764, %dma_wait3A_2772, %dma_wait3A_2773] : memref<14x32x128xf32, #tpu.memory_space<vmem>> -> memref<1x32x128xf32, #tpu.memory_space<vmem>>
      %dma_wait3A_2775 = tpu.memref_squeeze %dma_wait3A_2774 : memref<1x32x128xf32, #tpu.memory_space<vmem>> -> memref<32x128xf32, #tpu.memory_space<vmem>>
      %dma_wait3A_2776 = arith.constant 0 : i32
      %dma_wait3A_2777 = arith.constant 0 : i32
      %dma_wait3A_2778 = tpu.memref_slice %arg4[%dma_wait3A_2776, %dma_wait3A_2777] : memref<32x1000000xf32, #tpu.memory_space<hbm>> -> memref<32x128xf32, #tpu.memory_space<hbm>>
      tpu.wait_dma2 semaphore(%arg12 : memref<!tpu.dma_semaphore, #tpu.memory_space<semaphore_mem>>) src(%dma_wait3A_2778 : memref<32x128xf32, #tpu.memory_space<hbm>>) dst(%dma_wait3A_2775 : memref<32x128xf32, #tpu.memory_space<vmem>>)
      %dma_wait3A_2779 = arith.constant 0 : i32
      %dma_wait3A_2780 = arith.constant 0 : i32
      %dma_wait3A_2781 = arith.constant 0 : i32
      %dma_wait3A_2782 = tpu.memref_slice %arg10[%dma_wait3A_2779, %dma_wait3A_2780, %dma_wait3A_2781] : memref<14x32x128xf32, #tpu.memory_space<vmem>> -> memref<1x32x128xf32, #tpu.memory_space<vmem>>
      %dma_wait3A_2783 = tpu.memref_squeeze %dma_wait3A_2782 : memref<1x32x128xf32, #tpu.memory_space<vmem>> -> memref<32x128xf32, #tpu.memory_space<vmem>>
      %dma_wait3A_2784 = arith.constant 0 : i32
      %dma_wait3A_2785 = arith.constant 0 : i32
      %dma_wait3A_2786 = tpu.memref_slice %arg5[%dma_wait3A_2784, %dma_wait3A_2785] : memref<32x1000000xf32, #tpu.memory_space<hbm>> -> memref<32x128xf32, #tpu.memory_space<hbm>>
      %dma_wait3A_2787 = arith.constant 0 : i32
      %dma_wait3A_2788 = arith.constant 0 : i32
      %dma_wait3A_2789 = tpu.memref_slice %arg10[%dma_wait3A_2779, %dma_wait3A_2787, %dma_wait3A_2788] : memref<14x32x128xf32, #tpu.memory_space<vmem>> -> memref<1x32x128xf32, #tpu.memory_space<vmem>>
      %dma_wait3A_2790 = tpu.memref_squeeze %dma_wait3A_2789 : memref<1x32x128xf32, #tpu.memory_space<vmem>> -> memref<32x128xf32, #tpu.memory_space<vmem>>
      %dma_wait3A_2791 = arith.constant 0 : i32
      %dma_wait3A_2792 = arith.constant 0 : i32
      %dma_wait3A_2793 = tpu.memref_slice %arg5[%dma_wait3A_2791, %dma_wait3A_2792] : memref<32x1000000xf32, #tpu.memory_space<hbm>> -> memref<32x128xf32, #tpu.memory_space<hbm>>
      tpu.wait_dma2 semaphore(%arg12 : memref<!tpu.dma_semaphore, #tpu.memory_space<semaphore_mem>>) src(%dma_wait3A_2793 : memref<32x128xf32, #tpu.memory_space<hbm>>) dst(%dma_wait3A_2790 : memref<32x128xf32, #tpu.memory_space<vmem>>)
      %add3A_2794 = arith.constant 15 : i32
      %add3A_2795 = arith.addi %mul3A_1046, %add3A_2794 : i32
      %rem3A_2796 = arith.constant 14 : i32
      %rem3A_2797 = arith.remsi %add3A_2795, %rem3A_2796 : i32
      %broadcast_in_dim3A_2798 = vector.broadcast %rem3A_2797 : i32 to vector<16xi32>
      %slice3A_2799 = vector.extract_strided_slice %get3A_1048 {offsets = [15], sizes = [1], strides = [1]} : vector<16xi32> to vector<1xi32>
      %squeeze3A_2800 = vector.extract %slice3A_2799[0] : i32 from vector<1xi32>
      %sub3A_2801 = arith.constant 1 : i32
      %sub3A_2802 = arith.subi %squeeze3A_2800, %sub3A_2801 : i32
      %slice3A_2803 = vector.extract_strided_slice %get3A_1050 {offsets = [15], sizes = [1], strides = [1]} : vector<16xi32> to vector<1xi32>
      %squeeze3A_2804 = vector.extract %slice3A_2803[0] : i32 from vector<1xi32>
      %sub3A_2805 = arith.constant 1 : i32
      %sub3A_2806 = arith.subi %squeeze3A_2804, %sub3A_2805 : i32
      %and3A_2807 = arith.constant 127 : i32
      %and3A_2808 = arith.andi %sub3A_2802, %and3A_2807 : i32
      %broadcast_in_dim3A_2809 = vector.broadcast %and3A_2808 : i32 to vector<16xi32>
      %and3A_2810 = arith.constant 127 : i32
      %and3A_2811 = arith.andi %sub3A_2806, %and3A_2810 : i32
      %broadcast_in_dim3A_2812 = vector.broadcast %and3A_2811 : i32 to vector<16xi32>
      %add3A_2813 = arith.constant 16 : i32
      %add3A_2814 = vector.broadcast %add3A_2813 : i32 to vector<16xi32>
      %add3A_2815 = arith.addi %iota3A, %add3A_2814 : vector<16xi32>
      %gather3A_2816 = tpu.vector_load_idx %arg9[%broadcast_in_dim3A_2798, %iota3A, %broadcast_in_dim3A_2809] : memref<14x32x128xf32, #tpu.memory_space<vmem>>[vector<16xi32>, vector<16xi32>, vector<16xi32>], vector<16xf32>,
      %gather3A_2817 = tpu.vector_load_idx %arg9[%broadcast_in_dim3A_2798, %add3A_2815, %broadcast_in_dim3A_2809] : memref<14x32x128xf32, #tpu.memory_space<vmem>>[vector<16xi32>, vector<16xi32>, vector<16xi32>], vector<16xf32>,
      %gather3A_2818 = tpu.vector_load_idx %arg10[%broadcast_in_dim3A_2798, %iota3A, %broadcast_in_dim3A_2812] : memref<14x32x128xf32, #tpu.memory_space<vmem>>[vector<16xi32>, vector<16xi32>, vector<16xi32>], vector<16xf32>,
      %gather3A_2819 = tpu.vector_load_idx %arg10[%broadcast_in_dim3A_2798, %add3A_2815, %broadcast_in_dim3A_2812] : memref<14x32x128xf32, #tpu.memory_space<vmem>>[vector<16xi32>, vector<16xi32>, vector<16xi32>], vector<16xf32>,
      %eq3A_2820 = arith.constant 15 : i32
      %eq3A_2821 = vector.broadcast %eq3A_2820 : i32 to vector<16xi32>
      %eq3A_2822 = arith.cmpi eq, %iota3A, %eq3A_2821 : vector<16xi32>
      %mul3A_2823 = arith.mulf %gather3A_2816, %gather3A_2818 : vector<16xf32>
      %mul3A_2824 = arith.mulf %gather3A_2817, %gather3A_2819 : vector<16xf32>
      %add3A_2825 = arith.addf %mul3A_2823, %mul3A_2824 : vector<16xf32>
      %reduce_sum3A_2826 = arith.constant true
      %reduce_sum3A_2827 = vector.broadcast %reduce_sum3A_2826 : i1 to vector<16xi1>
      %reduce_sum3A_2828 = tpu.scan <sum>, %add3A_2825 masked %reduce_sum3A_2827 : vector<16xf32>, vector<16xi1> -> vector<16xf32>
      %reduce_sum3A_2829 = vector.extract %reduce_sum3A_2828[15] : f32 from vector<16xf32>
      %broadcast_in_dim3A_2830 = vector.broadcast %reduce_sum3A_2829 : f32 to vector<16xf32>
      %select_n3A_2831 = arith.select %eq3A_2822, %broadcast_in_dim3A_2830, %select_n3A_2717 : vector<16xi1>, vector<16xf32>
      %slice3A_2832 = vector.extract_strided_slice %get3A_1054 {offsets = [13], sizes = [1], strides = [1]} : vector<16xi32> to vector<1xi32>
      %squeeze3A_2833 = vector.extract %slice3A_2832[0] : i32 from vector<1xi32>
      %sub3A_2834 = arith.constant 1 : i32
      %sub3A_2835 = arith.subi %squeeze3A_2833, %sub3A_2834 : i32
      %slice3A_2836 = vector.extract_strided_slice %get3A_1058 {offsets = [13], sizes = [1], strides = [1]} : vector<16xi32> to vector<1xi32>
      %squeeze3A_2837 = vector.extract %slice3A_2836[0] : i32 from vector<1xi32>
      %sub3A_2838 = arith.constant 1 : i32
      %sub3A_2839 = arith.subi %squeeze3A_2837, %sub3A_2838 : i32
      %add3A_2840 = arith.constant 14 : i32
      %add3A_2841 = arith.addi %add3A_2795, %add3A_2840 : i32
      %rem3A_2842 = arith.constant 14 : i32
      %rem3A_2843 = arith.remsi %add3A_2841, %rem3A_2842 : i32
      %shift_right_arithmetic3A_2844 = arith.constant 7 : i32
      %shift_right_arithmetic3A_2845 = arith.shrsi %sub3A_2835, %shift_right_arithmetic3A_2844 : i32
      %mul3A_2846 = arith.constant 128 : i32
      %mul3A_2847 = arith.muli %shift_right_arithmetic3A_2845, %mul3A_2846 : i32
      %multiple_of3A_2848 = tpu.assume_multiple %mul3A_2847, 128 : i32
      %shift_right_arithmetic3A_2849 = arith.constant 7 : i32
      %shift_right_arithmetic3A_2850 = arith.shrsi %sub3A_2839, %shift_right_arithmetic3A_2849 : i32
      %mul3A_2851 = arith.constant 128 : i32
      %mul3A_2852 = arith.muli %shift_right_arithmetic3A_2850, %mul3A_2851 : i32
      %multiple_of3A_2853 = tpu.assume_multiple %mul3A_2852, 128 : i32
      %dma_start3A_2854 = arith.constant 0 : i32
      %dma_start3A_2855 = arith.constant 0 : i32
      %dma_start3A_2856 = tpu.memref_slice %arg9[%rem3A_2843, %dma_start3A_2854, %dma_start3A_2855] : memref<14x32x128xf32, #tpu.memory_space<vmem>> -> memref<1x32x128xf32, #tpu.memory_space<vmem>>
      %dma_start3A_2857 = tpu.memref_squeeze %dma_start3A_2856 : memref<1x32x128xf32, #tpu.memory_space<vmem>> -> memref<32x128xf32, #tpu.memory_space<vmem>>
      %dma_start3A_2858 = arith.constant 0 : i32
      %dma_start3A_2859 = tpu.memref_slice %arg4[%dma_start3A_2858, %multiple_of3A_2848] : memref<32x1000000xf32, #tpu.memory_space<hbm>> -> memref<32x128xf32, #tpu.memory_space<hbm>>
      %dma_start3A_2860 = arith.constant 0 : i32
      %dma_start3A_2861 = arith.constant 0 : i32
      %dma_start3A_2862 = tpu.memref_slice %arg9[%rem3A_2843, %dma_start3A_2860, %dma_start3A_2861] : memref<14x32x128xf32, #tpu.memory_space<vmem>> -> memref<1x32x128xf32, #tpu.memory_space<vmem>>
      %dma_start3A_2863 = tpu.memref_squeeze %dma_start3A_2862 : memref<1x32x128xf32, #tpu.memory_space<vmem>> -> memref<32x128xf32, #tpu.memory_space<vmem>>
      %dma_start3A_2864 = arith.constant 0 : i32
      %dma_start3A_2865 = tpu.memref_slice %arg4[%dma_start3A_2864, %multiple_of3A_2848] : memref<32x1000000xf32, #tpu.memory_space<hbm>> -> memref<32x128xf32, #tpu.memory_space<hbm>>
      tpu.enqueue_dma source(%dma_start3A_2865 : memref<32x128xf32, #tpu.memory_space<hbm>>) target(%dma_start3A_2863 : memref<32x128xf32, #tpu.memory_space<vmem>>) target_semaphore(%arg12 : memref<!tpu.dma_semaphore, #tpu.memory_space<semaphore_mem>>)
      %dma_start3A_2866 = arith.constant 0 : i32
      %dma_start3A_2867 = arith.constant 0 : i32
      %dma_start3A_2868 = tpu.memref_slice %arg10[%rem3A_2843, %dma_start3A_2866, %dma_start3A_2867] : memref<14x32x128xf32, #tpu.memory_space<vmem>> -> memref<1x32x128xf32, #tpu.memory_space<vmem>>
      %dma_start3A_2869 = tpu.memref_squeeze %dma_start3A_2868 : memref<1x32x128xf32, #tpu.memory_space<vmem>> -> memref<32x128xf32, #tpu.memory_space<vmem>>
      %dma_start3A_2870 = arith.constant 0 : i32
      %dma_start3A_2871 = tpu.memref_slice %arg5[%dma_start3A_2870, %multiple_of3A_2853] : memref<32x1000000xf32, #tpu.memory_space<hbm>> -> memref<32x128xf32, #tpu.memory_space<hbm>>
      %dma_start3A_2872 = arith.constant 0 : i32
      %dma_start3A_2873 = arith.constant 0 : i32
      %dma_start3A_2874 = tpu.memref_slice %arg10[%rem3A_2843, %dma_start3A_2872, %dma_start3A_2873] : memref<14x32x128xf32, #tpu.memory_space<vmem>> -> memref<1x32x128xf32, #tpu.memory_space<vmem>>
      %dma_start3A_2875 = tpu.memref_squeeze %dma_start3A_2874 : memref<1x32x128xf32, #tpu.memory_space<vmem>> -> memref<32x128xf32, #tpu.memory_space<vmem>>
      %dma_start3A_2876 = arith.constant 0 : i32
      %dma_start3A_2877 = tpu.memref_slice %arg5[%dma_start3A_2876, %multiple_of3A_2853] : memref<32x1000000xf32, #tpu.memory_space<hbm>> -> memref<32x128xf32, #tpu.memory_space<hbm>>
      tpu.enqueue_dma source(%dma_start3A_2877 : memref<32x128xf32, #tpu.memory_space<hbm>>) target(%dma_start3A_2875 : memref<32x128xf32, #tpu.memory_space<vmem>>) target_semaphore(%arg12 : memref<!tpu.dma_semaphore, #tpu.memory_space<semaphore_mem>>)
      %swap3A = arith.index_cast %mul3A_1046 : i32 to index
      %swap3A_2878 = tpu.vector_load %arg11[%swap3A] {strides = array<i32>} : memref<1024xf32, #tpu.memory_space<vmem>>, vector<16xf32>,
      tpu.vector_store %arg11[%swap3A], %select_n3A_2831 {strides = array<i32>} : memref<1024xf32, #tpu.memory_space<vmem>>, vector<16xf32>,
    }
    %scan3A_622 = arith.constant 32 : i32
    %dma_wait3A = arith.constant 0 : i32
    %dma_wait3A_623 = arith.constant 0 : i32
    %dma_wait3A_624 = arith.constant 0 : i32
    %dma_wait3A_625 = tpu.memref_slice %arg9[%dma_wait3A, %dma_wait3A_623, %dma_wait3A_624] : memref<14x32x128xf32, #tpu.memory_space<vmem>> -> memref<1x32x128xf32, #tpu.memory_space<vmem>>
    %dma_wait3A_626 = tpu.memref_squeeze %dma_wait3A_625 : memref<1x32x128xf32, #tpu.memory_space<vmem>> -> memref<32x128xf32, #tpu.memory_space<vmem>>
    %dma_wait3A_627 = arith.constant 0 : i32
    %dma_wait3A_628 = arith.constant 0 : i32
    %dma_wait3A_629 = tpu.memref_slice %arg4[%dma_wait3A_627, %dma_wait3A_628] : memref<32x1000000xf32, #tpu.memory_space<hbm>> -> memref<32x128xf32, #tpu.memory_space<hbm>>
    %dma_wait3A_630 = arith.constant 0 : i32
    %dma_wait3A_631 = arith.constant 0 : i32
    %dma_wait3A_632 = tpu.memref_slice %arg9[%dma_wait3A, %dma_wait3A_630, %dma_wait3A_631] : memref<14x32x128xf32, #tpu.memory_space<vmem>> -> memref<1x32x128xf32, #tpu.memory_space<vmem>>
    %dma_wait3A_633 = tpu.memref_squeeze %dma_wait3A_632 : memref<1x32x128xf32, #tpu.memory_space<vmem>> -> memref<32x128xf32, #tpu.memory_space<vmem>>
    %dma_wait3A_634 = arith.constant 0 : i32
    %dma_wait3A_635 = arith.constant 0 : i32
    %dma_wait3A_636 = tpu.memref_slice %arg4[%dma_wait3A_634, %dma_wait3A_635] : memref<32x1000000xf32, #tpu.memory_space<hbm>> -> memref<32x128xf32, #tpu.memory_space<hbm>>
    tpu.wait_dma2 semaphore(%arg12 : memref<!tpu.dma_semaphore, #tpu.memory_space<semaphore_mem>>) src(%dma_wait3A_636 : memref<32x128xf32, #tpu.memory_space<hbm>>) dst(%dma_wait3A_633 : memref<32x128xf32, #tpu.memory_space<vmem>>)
    %dma_wait3A_637 = arith.constant 0 : i32
    %dma_wait3A_638 = arith.constant 0 : i32
    %dma_wait3A_639 = arith.constant 0 : i32
    %dma_wait3A_640 = tpu.memref_slice %arg10[%dma_wait3A_637, %dma_wait3A_638, %dma_wait3A_639] : memref<14x32x128xf32, #tpu.memory_space<vmem>> -> memref<1x32x128xf32, #tpu.memory_space<vmem>>
    %dma_wait3A_641 = tpu.memref_squeeze %dma_wait3A_640 : memref<1x32x128xf32, #tpu.memory_space<vmem>> -> memref<32x128xf32, #tpu.memory_space<vmem>>
    %dma_wait3A_642 = arith.constant 0 : i32
    %dma_wait3A_643 = arith.constant 0 : i32
    %dma_wait3A_644 = tpu.memref_slice %arg5[%dma_wait3A_642, %dma_wait3A_643] : memref<32x1000000xf32, #tpu.memory_space<hbm>> -> memref<32x128xf32, #tpu.memory_space<hbm>>
    %dma_wait3A_645 = arith.constant 0 : i32
    %dma_wait3A_646 = arith.constant 0 : i32
    %dma_wait3A_647 = tpu.memref_slice %arg10[%dma_wait3A_637, %dma_wait3A_645, %dma_wait3A_646] : memref<14x32x128xf32, #tpu.memory_space<vmem>> -> memref<1x32x128xf32, #tpu.memory_space<vmem>>
    %dma_wait3A_648 = tpu.memref_squeeze %dma_wait3A_647 : memref<1x32x128xf32, #tpu.memory_space<vmem>> -> memref<32x128xf32, #tpu.memory_space<vmem>>
    %dma_wait3A_649 = arith.constant 0 : i32
    %dma_wait3A_650 = arith.constant 0 : i32
    %dma_wait3A_651 = tpu.memref_slice %arg5[%dma_wait3A_649, %dma_wait3A_650] : memref<32x1000000xf32, #tpu.memory_space<hbm>> -> memref<32x128xf32, #tpu.memory_space<hbm>>
    tpu.wait_dma2 semaphore(%arg12 : memref<!tpu.dma_semaphore, #tpu.memory_space<semaphore_mem>>) src(%dma_wait3A_651 : memref<32x128xf32, #tpu.memory_space<hbm>>) dst(%dma_wait3A_648 : memref<32x128xf32, #tpu.memory_space<vmem>>)
    %dma_wait3A_652 = arith.constant 0 : i32
    %dma_wait3A_653 = arith.constant 0 : i32
    %dma_wait3A_654 = arith.constant 0 : i32
    %dma_wait3A_655 = tpu.memref_slice %arg9[%dma_wait3A_652, %dma_wait3A_653, %dma_wait3A_654] : memref<14x32x128xf32, #tpu.memory_space<vmem>> -> memref<1x32x128xf32, #tpu.memory_space<vmem>>
    %dma_wait3A_656 = tpu.memref_squeeze %dma_wait3A_655 : memref<1x32x128xf32, #tpu.memory_space<vmem>> -> memref<32x128xf32, #tpu.memory_space<vmem>>
    %dma_wait3A_657 = arith.constant 0 : i32
    %dma_wait3A_658 = arith.constant 0 : i32
    %dma_wait3A_659 = tpu.memref_slice %arg4[%dma_wait3A_657, %dma_wait3A_658] : memref<32x1000000xf32, #tpu.memory_space<hbm>> -> memref<32x128xf32, #tpu.memory_space<hbm>>
    %dma_wait3A_660 = arith.constant 0 : i32
    %dma_wait3A_661 = arith.constant 0 : i32
    %dma_wait3A_662 = tpu.memref_slice %arg9[%dma_wait3A_652, %dma_wait3A_660, %dma_wait3A_661] : memref<14x32x128xf32, #tpu.memory_space<vmem>> -> memref<1x32x128xf32, #tpu.memory_space<vmem>>
    %dma_wait3A_663 = tpu.memref_squeeze %dma_wait3A_662 : memref<1x32x128xf32, #tpu.memory_space<vmem>> -> memref<32x128xf32, #tpu.memory_space<vmem>>
    %dma_wait3A_664 = arith.constant 0 : i32
    %dma_wait3A_665 = arith.constant 0 : i32
    %dma_wait3A_666 = tpu.memref_slice %arg4[%dma_wait3A_664, %dma_wait3A_665] : memref<32x1000000xf32, #tpu.memory_space<hbm>> -> memref<32x128xf32, #tpu.memory_space<hbm>>
    tpu.wait_dma2 semaphore(%arg12 : memref<!tpu.dma_semaphore, #tpu.memory_space<semaphore_mem>>) src(%dma_wait3A_666 : memref<32x128xf32, #tpu.memory_space<hbm>>) dst(%dma_wait3A_663 : memref<32x128xf32, #tpu.memory_space<vmem>>)
    %dma_wait3A_667 = arith.constant 0 : i32
    %dma_wait3A_668 = arith.constant 0 : i32
    %dma_wait3A_669 = arith.constant 0 : i32
    %dma_wait3A_670 = tpu.memref_slice %arg10[%dma_wait3A_667, %dma_wait3A_668, %dma_wait3A_669] : memref<14x32x128xf32, #tpu.memory_space<vmem>> -> memref<1x32x128xf32, #tpu.memory_space<vmem>>
    %dma_wait3A_671 = tpu.memref_squeeze %dma_wait3A_670 : memref<1x32x128xf32, #tpu.memory_space<vmem>> -> memref<32x128xf32, #tpu.memory_space<vmem>>
    %dma_wait3A_672 = arith.constant 0 : i32
    %dma_wait3A_673 = arith.constant 0 : i32
    %dma_wait3A_674 = tpu.memref_slice %arg5[%dma_wait3A_672, %dma_wait3A_673] : memref<32x1000000xf32, #tpu.memory_space<hbm>> -> memref<32x128xf32, #tpu.memory_space<hbm>>
    %dma_wait3A_675 = arith.constant 0 : i32
    %dma_wait3A_676 = arith.constant 0 : i32
    %dma_wait3A_677 = tpu.memref_slice %arg10[%dma_wait3A_667, %dma_wait3A_675, %dma_wait3A_676] : memref<14x32x128xf32, #tpu.memory_space<vmem>> -> memref<1x32x128xf32, #tpu.memory_space<vmem>>
    %dma_wait3A_678 = tpu.memref_squeeze %dma_wait3A_677 : memref<1x32x128xf32, #tpu.memory_space<vmem>> -> memref<32x128xf32, #tpu.memory_space<vmem>>
    %dma_wait3A_679 = arith.constant 0 : i32
    %dma_wait3A_680 = arith.constant 0 : i32
    %dma_wait3A_681 = tpu.memref_slice %arg5[%dma_wait3A_679, %dma_wait3A_680] : memref<32x1000000xf32, #tpu.memory_space<hbm>> -> memref<32x128xf32, #tpu.memory_space<hbm>>
    tpu.wait_dma2 semaphore(%arg12 : memref<!tpu.dma_semaphore, #tpu.memory_space<semaphore_mem>>) src(%dma_wait3A_681 : memref<32x128xf32, #tpu.memory_space<hbm>>) dst(%dma_wait3A_678 : memref<32x128xf32, #tpu.memory_space<vmem>>)
    %dma_wait3A_682 = arith.constant 0 : i32
    %dma_wait3A_683 = arith.constant 0 : i32
    %dma_wait3A_684 = arith.constant 0 : i32
    %dma_wait3A_685 = tpu.memref_slice %arg9[%dma_wait3A_682, %dma_wait3A_683, %dma_wait3A_684] : memref<14x32x128xf32, #tpu.memory_space<vmem>> -> memref<1x32x128xf32, #tpu.memory_space<vmem>>
    %dma_wait3A_686 = tpu.memref_squeeze %dma_wait3A_685 : memref<1x32x128xf32, #tpu.memory_space<vmem>> -> memref<32x128xf32, #tpu.memory_space<vmem>>
    %dma_wait3A_687 = arith.constant 0 : i32
    %dma_wait3A_688 = arith.constant 0 : i32
    %dma_wait3A_689 = tpu.memref_slice %arg4[%dma_wait3A_687, %dma_wait3A_688] : memref<32x1000000xf32, #tpu.memory_space<hbm>> -> memref<32x128xf32, #tpu.memory_space<hbm>>
    %dma_wait3A_690 = arith.constant 0 : i32
    %dma_wait3A_691 = arith.constant 0 : i32
    %dma_wait3A_692 = tpu.memref_slice %arg9[%dma_wait3A_682, %dma_wait3A_690, %dma_wait3A_691] : memref<14x32x128xf32, #tpu.memory_space<vmem>> -> memref<1x32x128xf32, #tpu.memory_space<vmem>>
    %dma_wait3A_693 = tpu.memref_squeeze %dma_wait3A_692 : memref<1x32x128xf32, #tpu.memory_space<vmem>> -> memref<32x128xf32, #tpu.memory_space<vmem>>
    %dma_wait3A_694 = arith.constant 0 : i32
    %dma_wait3A_695 = arith.constant 0 : i32
    %dma_wait3A_696 = tpu.memref_slice %arg4[%dma_wait3A_694, %dma_wait3A_695] : memref<32x1000000xf32, #tpu.memory_space<hbm>> -> memref<32x128xf32, #tpu.memory_space<hbm>>
    tpu.wait_dma2 semaphore(%arg12 : memref<!tpu.dma_semaphore, #tpu.memory_space<semaphore_mem>>) src(%dma_wait3A_696 : memref<32x128xf32, #tpu.memory_space<hbm>>) dst(%dma_wait3A_693 : memref<32x128xf32, #tpu.memory_space<vmem>>)
    %dma_wait3A_697 = arith.constant 0 : i32
    %dma_wait3A_698 = arith.constant 0 : i32
    %dma_wait3A_699 = arith.constant 0 : i32
    %dma_wait3A_700 = tpu.memref_slice %arg10[%dma_wait3A_697, %dma_wait3A_698, %dma_wait3A_699] : memref<14x32x128xf32, #tpu.memory_space<vmem>> -> memref<1x32x128xf32, #tpu.memory_space<vmem>>
    %dma_wait3A_701 = tpu.memref_squeeze %dma_wait3A_700 : memref<1x32x128xf32, #tpu.memory_space<vmem>> -> memref<32x128xf32, #tpu.memory_space<vmem>>
    %dma_wait3A_702 = arith.constant 0 : i32
    %dma_wait3A_703 = arith.constant 0 : i32
    %dma_wait3A_704 = tpu.memref_slice %arg5[%dma_wait3A_702, %dma_wait3A_703] : memref<32x1000000xf32, #tpu.memory_space<hbm>> -> memref<32x128xf32, #tpu.memory_space<hbm>>
    %dma_wait3A_705 = arith.constant 0 : i32
    %dma_wait3A_706 = arith.constant 0 : i32
    %dma_wait3A_707 = tpu.memref_slice %arg10[%dma_wait3A_697, %dma_wait3A_705, %dma_wait3A_706] : memref<14x32x128xf32, #tpu.memory_space<vmem>> -> memref<1x32x128xf32, #tpu.memory_space<vmem>>
    %dma_wait3A_708 = tpu.memref_squeeze %dma_wait3A_707 : memref<1x32x128xf32, #tpu.memory_space<vmem>> -> memref<32x128xf32, #tpu.memory_space<vmem>>
    %dma_wait3A_709 = arith.constant 0 : i32
    %dma_wait3A_710 = arith.constant 0 : i32
    %dma_wait3A_711 = tpu.memref_slice %arg5[%dma_wait3A_709, %dma_wait3A_710] : memref<32x1000000xf32, #tpu.memory_space<hbm>> -> memref<32x128xf32, #tpu.memory_space<hbm>>
    tpu.wait_dma2 semaphore(%arg12 : memref<!tpu.dma_semaphore, #tpu.memory_space<semaphore_mem>>) src(%dma_wait3A_711 : memref<32x128xf32, #tpu.memory_space<hbm>>) dst(%dma_wait3A_708 : memref<32x128xf32, #tpu.memory_space<vmem>>)
    %dma_wait3A_712 = arith.constant 0 : i32
    %dma_wait3A_713 = arith.constant 0 : i32
    %dma_wait3A_714 = arith.constant 0 : i32
    %dma_wait3A_715 = tpu.memref_slice %arg9[%dma_wait3A_712, %dma_wait3A_713, %dma_wait3A_714] : memref<14x32x128xf32, #tpu.memory_space<vmem>> -> memref<1x32x128xf32, #tpu.memory_space<vmem>>
    %dma_wait3A_716 = tpu.memref_squeeze %dma_wait3A_715 : memref<1x32x128xf32, #tpu.memory_space<vmem>> -> memref<32x128xf32, #tpu.memory_space<vmem>>
    %dma_wait3A_717 = arith.constant 0 : i32
    %dma_wait3A_718 = arith.constant 0 : i32
    %dma_wait3A_719 = tpu.memref_slice %arg4[%dma_wait3A_717, %dma_wait3A_718] : memref<32x1000000xf32, #tpu.memory_space<hbm>> -> memref<32x128xf32, #tpu.memory_space<hbm>>
    %dma_wait3A_720 = arith.constant 0 : i32
    %dma_wait3A_721 = arith.constant 0 : i32
    %dma_wait3A_722 = tpu.memref_slice %arg9[%dma_wait3A_712, %dma_wait3A_720, %dma_wait3A_721] : memref<14x32x128xf32, #tpu.memory_space<vmem>> -> memref<1x32x128xf32, #tpu.memory_space<vmem>>
    %dma_wait3A_723 = tpu.memref_squeeze %dma_wait3A_722 : memref<1x32x128xf32, #tpu.memory_space<vmem>> -> memref<32x128xf32, #tpu.memory_space<vmem>>
    %dma_wait3A_724 = arith.constant 0 : i32
    %dma_wait3A_725 = arith.constant 0 : i32
    %dma_wait3A_726 = tpu.memref_slice %arg4[%dma_wait3A_724, %dma_wait3A_725] : memref<32x1000000xf32, #tpu.memory_space<hbm>> -> memref<32x128xf32, #tpu.memory_space<hbm>>
    tpu.wait_dma2 semaphore(%arg12 : memref<!tpu.dma_semaphore, #tpu.memory_space<semaphore_mem>>) src(%dma_wait3A_726 : memref<32x128xf32, #tpu.memory_space<hbm>>) dst(%dma_wait3A_723 : memref<32x128xf32, #tpu.memory_space<vmem>>)
    %dma_wait3A_727 = arith.constant 0 : i32
    %dma_wait3A_728 = arith.constant 0 : i32
    %dma_wait3A_729 = arith.constant 0 : i32
    %dma_wait3A_730 = tpu.memref_slice %arg10[%dma_wait3A_727, %dma_wait3A_728, %dma_wait3A_729] : memref<14x32x128xf32, #tpu.memory_space<vmem>> -> memref<1x32x128xf32, #tpu.memory_space<vmem>>
    %dma_wait3A_731 = tpu.memref_squeeze %dma_wait3A_730 : memref<1x32x128xf32, #tpu.memory_space<vmem>> -> memref<32x128xf32, #tpu.memory_space<vmem>>
    %dma_wait3A_732 = arith.constant 0 : i32
    %dma_wait3A_733 = arith.constant 0 : i32
    %dma_wait3A_734 = tpu.memref_slice %arg5[%dma_wait3A_732, %dma_wait3A_733] : memref<32x1000000xf32, #tpu.memory_space<hbm>> -> memref<32x128xf32, #tpu.memory_space<hbm>>
    %dma_wait3A_735 = arith.constant 0 : i32
    %dma_wait3A_736 = arith.constant 0 : i32
    %dma_wait3A_737 = tpu.memref_slice %arg10[%dma_wait3A_727, %dma_wait3A_735, %dma_wait3A_736] : memref<14x32x128xf32, #tpu.memory_space<vmem>> -> memref<1x32x128xf32, #tpu.memory_space<vmem>>
    %dma_wait3A_738 = tpu.memref_squeeze %dma_wait3A_737 : memref<1x32x128xf32, #tpu.memory_space<vmem>> -> memref<32x128xf32, #tpu.memory_space<vmem>>
    %dma_wait3A_739 = arith.constant 0 : i32
    %dma_wait3A_740 = arith.constant 0 : i32
    %dma_wait3A_741 = tpu.memref_slice %arg5[%dma_wait3A_739, %dma_wait3A_740] : memref<32x1000000xf32, #tpu.memory_space<hbm>> -> memref<32x128xf32, #tpu.memory_space<hbm>>
    tpu.wait_dma2 semaphore(%arg12 : memref<!tpu.dma_semaphore, #tpu.memory_space<semaphore_mem>>) src(%dma_wait3A_741 : memref<32x128xf32, #tpu.memory_space<hbm>>) dst(%dma_wait3A_738 : memref<32x128xf32, #tpu.memory_space<vmem>>)
    %dma_wait3A_742 = arith.constant 0 : i32
    %dma_wait3A_743 = arith.constant 0 : i32
    %dma_wait3A_744 = arith.constant 0 : i32
    %dma_wait3A_745 = tpu.memref_slice %arg9[%dma_wait3A_742, %dma_wait3A_743, %dma_wait3A_744] : memref<14x32x128xf32, #tpu.memory_space<vmem>> -> memref<1x32x128xf32, #tpu.memory_space<vmem>>
    %dma_wait3A_746 = tpu.memref_squeeze %dma_wait3A_745 : memref<1x32x128xf32, #tpu.memory_space<vmem>> -> memref<32x128xf32, #tpu.memory_space<vmem>>
    %dma_wait3A_747 = arith.constant 0 : i32
    %dma_wait3A_748 = arith.constant 0 : i32
    %dma_wait3A_749 = tpu.memref_slice %arg4[%dma_wait3A_747, %dma_wait3A_748] : memref<32x1000000xf32, #tpu.memory_space<hbm>> -> memref<32x128xf32, #tpu.memory_space<hbm>>
    %dma_wait3A_750 = arith.constant 0 : i32
    %dma_wait3A_751 = arith.constant 0 : i32
    %dma_wait3A_752 = tpu.memref_slice %arg9[%dma_wait3A_742, %dma_wait3A_750, %dma_wait3A_751] : memref<14x32x128xf32, #tpu.memory_space<vmem>> -> memref<1x32x128xf32, #tpu.memory_space<vmem>>
    %dma_wait3A_753 = tpu.memref_squeeze %dma_wait3A_752 : memref<1x32x128xf32, #tpu.memory_space<vmem>> -> memref<32x128xf32, #tpu.memory_space<vmem>>
    %dma_wait3A_754 = arith.constant 0 : i32
    %dma_wait3A_755 = arith.constant 0 : i32
    %dma_wait3A_756 = tpu.memref_slice %arg4[%dma_wait3A_754, %dma_wait3A_755] : memref<32x1000000xf32, #tpu.memory_space<hbm>> -> memref<32x128xf32, #tpu.memory_space<hbm>>
    tpu.wait_dma2 semaphore(%arg12 : memref<!tpu.dma_semaphore, #tpu.memory_space<semaphore_mem>>) src(%dma_wait3A_756 : memref<32x128xf32, #tpu.memory_space<hbm>>) dst(%dma_wait3A_753 : memref<32x128xf32, #tpu.memory_space<vmem>>)
    %dma_wait3A_757 = arith.constant 0 : i32
    %dma_wait3A_758 = arith.constant 0 : i32
    %dma_wait3A_759 = arith.constant 0 : i32
    %dma_wait3A_760 = tpu.memref_slice %arg10[%dma_wait3A_757, %dma_wait3A_758, %dma_wait3A_759] : memref<14x32x128xf32, #tpu.memory_space<vmem>> -> memref<1x32x128xf32, #tpu.memory_space<vmem>>
    %dma_wait3A_761 = tpu.memref_squeeze %dma_wait3A_760 : memref<1x32x128xf32, #tpu.memory_space<vmem>> -> memref<32x128xf32, #tpu.memory_space<vmem>>
    %dma_wait3A_762 = arith.constant 0 : i32
    %dma_wait3A_763 = arith.constant 0 : i32
    %dma_wait3A_764 = tpu.memref_slice %arg5[%dma_wait3A_762, %dma_wait3A_763] : memref<32x1000000xf32, #tpu.memory_space<hbm>> -> memref<32x128xf32, #tpu.memory_space<hbm>>
    %dma_wait3A_765 = arith.constant 0 : i32
    %dma_wait3A_766 = arith.constant 0 : i32
    %dma_wait3A_767 = tpu.memref_slice %arg10[%dma_wait3A_757, %dma_wait3A_765, %dma_wait3A_766] : memref<14x32x128xf32, #tpu.memory_space<vmem>> -> memref<1x32x128xf32, #tpu.memory_space<vmem>>
    %dma_wait3A_768 = tpu.memref_squeeze %dma_wait3A_767 : memref<1x32x128xf32, #tpu.memory_space<vmem>> -> memref<32x128xf32, #tpu.memory_space<vmem>>
    %dma_wait3A_769 = arith.constant 0 : i32
    %dma_wait3A_770 = arith.constant 0 : i32
    %dma_wait3A_771 = tpu.memref_slice %arg5[%dma_wait3A_769, %dma_wait3A_770] : memref<32x1000000xf32, #tpu.memory_space<hbm>> -> memref<32x128xf32, #tpu.memory_space<hbm>>
    tpu.wait_dma2 semaphore(%arg12 : memref<!tpu.dma_semaphore, #tpu.memory_space<semaphore_mem>>) src(%dma_wait3A_771 : memref<32x128xf32, #tpu.memory_space<hbm>>) dst(%dma_wait3A_768 : memref<32x128xf32, #tpu.memory_space<vmem>>)
    %dma_wait3A_772 = arith.constant 0 : i32
    %dma_wait3A_773 = arith.constant 0 : i32
    %dma_wait3A_774 = arith.constant 0 : i32
    %dma_wait3A_775 = tpu.memref_slice %arg9[%dma_wait3A_772, %dma_wait3A_773, %dma_wait3A_774] : memref<14x32x128xf32, #tpu.memory_space<vmem>> -> memref<1x32x128xf32, #tpu.memory_space<vmem>>
    %dma_wait3A_776 = tpu.memref_squeeze %dma_wait3A_775 : memref<1x32x128xf32, #tpu.memory_space<vmem>> -> memref<32x128xf32, #tpu.memory_space<vmem>>
    %dma_wait3A_777 = arith.constant 0 : i32
    %dma_wait3A_778 = arith.constant 0 : i32
    %dma_wait3A_779 = tpu.memref_slice %arg4[%dma_wait3A_777, %dma_wait3A_778] : memref<32x1000000xf32, #tpu.memory_space<hbm>> -> memref<32x128xf32, #tpu.memory_space<hbm>>
    %dma_wait3A_780 = arith.constant 0 : i32
    %dma_wait3A_781 = arith.constant 0 : i32
    %dma_wait3A_782 = tpu.memref_slice %arg9[%dma_wait3A_772, %dma_wait3A_780, %dma_wait3A_781] : memref<14x32x128xf32, #tpu.memory_space<vmem>> -> memref<1x32x128xf32, #tpu.memory_space<vmem>>
    %dma_wait3A_783 = tpu.memref_squeeze %dma_wait3A_782 : memref<1x32x128xf32, #tpu.memory_space<vmem>> -> memref<32x128xf32, #tpu.memory_space<vmem>>
    %dma_wait3A_784 = arith.constant 0 : i32
    %dma_wait3A_785 = arith.constant 0 : i32
    %dma_wait3A_786 = tpu.memref_slice %arg4[%dma_wait3A_784, %dma_wait3A_785] : memref<32x1000000xf32, #tpu.memory_space<hbm>> -> memref<32x128xf32, #tpu.memory_space<hbm>>
    tpu.wait_dma2 semaphore(%arg12 : memref<!tpu.dma_semaphore, #tpu.memory_space<semaphore_mem>>) src(%dma_wait3A_786 : memref<32x128xf32, #tpu.memory_space<hbm>>) dst(%dma_wait3A_783 : memref<32x128xf32, #tpu.memory_space<vmem>>)
    %dma_wait3A_787 = arith.constant 0 : i32
    %dma_wait3A_788 = arith.constant 0 : i32
    %dma_wait3A_789 = arith.constant 0 : i32
    %dma_wait3A_790 = tpu.memref_slice %arg10[%dma_wait3A_787, %dma_wait3A_788, %dma_wait3A_789] : memref<14x32x128xf32, #tpu.memory_space<vmem>> -> memref<1x32x128xf32, #tpu.memory_space<vmem>>
    %dma_wait3A_791 = tpu.memref_squeeze %dma_wait3A_790 : memref<1x32x128xf32, #tpu.memory_space<vmem>> -> memref<32x128xf32, #tpu.memory_space<vmem>>
    %dma_wait3A_792 = arith.constant 0 : i32
    %dma_wait3A_793 = arith.constant 0 : i32
    %dma_wait3A_794 = tpu.memref_slice %arg5[%dma_wait3A_792, %dma_wait3A_793] : memref<32x1000000xf32, #tpu.memory_space<hbm>> -> memref<32x128xf32, #tpu.memory_space<hbm>>
    %dma_wait3A_795 = arith.constant 0 : i32
    %dma_wait3A_796 = arith.constant 0 : i32
    %dma_wait3A_797 = tpu.memref_slice %arg10[%dma_wait3A_787, %dma_wait3A_795, %dma_wait3A_796] : memref<14x32x128xf32, #tpu.memory_space<vmem>> -> memref<1x32x128xf32, #tpu.memory_space<vmem>>
    %dma_wait3A_798 = tpu.memref_squeeze %dma_wait3A_797 : memref<1x32x128xf32, #tpu.memory_space<vmem>> -> memref<32x128xf32, #tpu.memory_space<vmem>>
    %dma_wait3A_799 = arith.constant 0 : i32
    %dma_wait3A_800 = arith.constant 0 : i32
    %dma_wait3A_801 = tpu.memref_slice %arg5[%dma_wait3A_799, %dma_wait3A_800] : memref<32x1000000xf32, #tpu.memory_space<hbm>> -> memref<32x128xf32, #tpu.memory_space<hbm>>
    tpu.wait_dma2 semaphore(%arg12 : memref<!tpu.dma_semaphore, #tpu.memory_space<semaphore_mem>>) src(%dma_wait3A_801 : memref<32x128xf32, #tpu.memory_space<hbm>>) dst(%dma_wait3A_798 : memref<32x128xf32, #tpu.memory_space<vmem>>)
    %dma_wait3A_802 = arith.constant 0 : i32
    %dma_wait3A_803 = arith.constant 0 : i32
    %dma_wait3A_804 = arith.constant 0 : i32
    %dma_wait3A_805 = tpu.memref_slice %arg9[%dma_wait3A_802, %dma_wait3A_803, %dma_wait3A_804] : memref<14x32x128xf32, #tpu.memory_space<vmem>> -> memref<1x32x128xf32, #tpu.memory_space<vmem>>
    %dma_wait3A_806 = tpu.memref_squeeze %dma_wait3A_805 : memref<1x32x128xf32, #tpu.memory_space<vmem>> -> memref<32x128xf32, #tpu.memory_space<vmem>>
    %dma_wait3A_807 = arith.constant 0 : i32
    %dma_wait3A_808 = arith.constant 0 : i32
    %dma_wait3A_809 = tpu.memref_slice %arg4[%dma_wait3A_807, %dma_wait3A_808] : memref<32x1000000xf32, #tpu.memory_space<hbm>> -> memref<32x128xf32, #tpu.memory_space<hbm>>
    %dma_wait3A_810 = arith.constant 0 : i32
    %dma_wait3A_811 = arith.constant 0 : i32
    %dma_wait3A_812 = tpu.memref_slice %arg9[%dma_wait3A_802, %dma_wait3A_810, %dma_wait3A_811] : memref<14x32x128xf32, #tpu.memory_space<vmem>> -> memref<1x32x128xf32, #tpu.memory_space<vmem>>
    %dma_wait3A_813 = tpu.memref_squeeze %dma_wait3A_812 : memref<1x32x128xf32, #tpu.memory_space<vmem>> -> memref<32x128xf32, #tpu.memory_space<vmem>>
    %dma_wait3A_814 = arith.constant 0 : i32
    %dma_wait3A_815 = arith.constant 0 : i32
    %dma_wait3A_816 = tpu.memref_slice %arg4[%dma_wait3A_814, %dma_wait3A_815] : memref<32x1000000xf32, #tpu.memory_space<hbm>> -> memref<32x128xf32, #tpu.memory_space<hbm>>
    tpu.wait_dma2 semaphore(%arg12 : memref<!tpu.dma_semaphore, #tpu.memory_space<semaphore_mem>>) src(%dma_wait3A_816 : memref<32x128xf32, #tpu.memory_space<hbm>>) dst(%dma_wait3A_813 : memref<32x128xf32, #tpu.memory_space<vmem>>)
    %dma_wait3A_817 = arith.constant 0 : i32
    %dma_wait3A_818 = arith.constant 0 : i32
    %dma_wait3A_819 = arith.constant 0 : i32
    %dma_wait3A_820 = tpu.memref_slice %arg10[%dma_wait3A_817, %dma_wait3A_818, %dma_wait3A_819] : memref<14x32x128xf32, #tpu.memory_space<vmem>> -> memref<1x32x128xf32, #tpu.memory_space<vmem>>
    %dma_wait3A_821 = tpu.memref_squeeze %dma_wait3A_820 : memref<1x32x128xf32, #tpu.memory_space<vmem>> -> memref<32x128xf32, #tpu.memory_space<vmem>>
    %dma_wait3A_822 = arith.constant 0 : i32
    %dma_wait3A_823 = arith.constant 0 : i32
    %dma_wait3A_824 = tpu.memref_slice %arg5[%dma_wait3A_822, %dma_wait3A_823] : memref<32x1000000xf32, #tpu.memory_space<hbm>> -> memref<32x128xf32, #tpu.memory_space<hbm>>
    %dma_wait3A_825 = arith.constant 0 : i32
    %dma_wait3A_826 = arith.constant 0 : i32
    %dma_wait3A_827 = tpu.memref_slice %arg10[%dma_wait3A_817, %dma_wait3A_825, %dma_wait3A_826] : memref<14x32x128xf32, #tpu.memory_space<vmem>> -> memref<1x32x128xf32, #tpu.memory_space<vmem>>
    %dma_wait3A_828 = tpu.memref_squeeze %dma_wait3A_827 : memref<1x32x128xf32, #tpu.memory_space<vmem>> -> memref<32x128xf32, #tpu.memory_space<vmem>>
    %dma_wait3A_829 = arith.constant 0 : i32
    %dma_wait3A_830 = arith.constant 0 : i32
    %dma_wait3A_831 = tpu.memref_slice %arg5[%dma_wait3A_829, %dma_wait3A_830] : memref<32x1000000xf32, #tpu.memory_space<hbm>> -> memref<32x128xf32, #tpu.memory_space<hbm>>
    tpu.wait_dma2 semaphore(%arg12 : memref<!tpu.dma_semaphore, #tpu.memory_space<semaphore_mem>>) src(%dma_wait3A_831 : memref<32x128xf32, #tpu.memory_space<hbm>>) dst(%dma_wait3A_828 : memref<32x128xf32, #tpu.memory_space<vmem>>)
    %dma_wait3A_832 = arith.constant 0 : i32
    %dma_wait3A_833 = arith.constant 0 : i32
    %dma_wait3A_834 = arith.constant 0 : i32
    %dma_wait3A_835 = tpu.memref_slice %arg9[%dma_wait3A_832, %dma_wait3A_833, %dma_wait3A_834] : memref<14x32x128xf32, #tpu.memory_space<vmem>> -> memref<1x32x128xf32, #tpu.memory_space<vmem>>
    %dma_wait3A_836 = tpu.memref_squeeze %dma_wait3A_835 : memref<1x32x128xf32, #tpu.memory_space<vmem>> -> memref<32x128xf32, #tpu.memory_space<vmem>>
    %dma_wait3A_837 = arith.constant 0 : i32
    %dma_wait3A_838 = arith.constant 0 : i32
    %dma_wait3A_839 = tpu.memref_slice %arg4[%dma_wait3A_837, %dma_wait3A_838] : memref<32x1000000xf32, #tpu.memory_space<hbm>> -> memref<32x128xf32, #tpu.memory_space<hbm>>
    %dma_wait3A_840 = arith.constant 0 : i32
    %dma_wait3A_841 = arith.constant 0 : i32
    %dma_wait3A_842 = tpu.memref_slice %arg9[%dma_wait3A_832, %dma_wait3A_840, %dma_wait3A_841] : memref<14x32x128xf32, #tpu.memory_space<vmem>> -> memref<1x32x128xf32, #tpu.memory_space<vmem>>
    %dma_wait3A_843 = tpu.memref_squeeze %dma_wait3A_842 : memref<1x32x128xf32, #tpu.memory_space<vmem>> -> memref<32x128xf32, #tpu.memory_space<vmem>>
    %dma_wait3A_844 = arith.constant 0 : i32
    %dma_wait3A_845 = arith.constant 0 : i32
    %dma_wait3A_846 = tpu.memref_slice %arg4[%dma_wait3A_844, %dma_wait3A_845] : memref<32x1000000xf32, #tpu.memory_space<hbm>> -> memref<32x128xf32, #tpu.memory_space<hbm>>
    tpu.wait_dma2 semaphore(%arg12 : memref<!tpu.dma_semaphore, #tpu.memory_space<semaphore_mem>>) src(%dma_wait3A_846 : memref<32x128xf32, #tpu.memory_space<hbm>>) dst(%dma_wait3A_843 : memref<32x128xf32, #tpu.memory_space<vmem>>)
    %dma_wait3A_847 = arith.constant 0 : i32
    %dma_wait3A_848 = arith.constant 0 : i32
    %dma_wait3A_849 = arith.constant 0 : i32
    %dma_wait3A_850 = tpu.memref_slice %arg10[%dma_wait3A_847, %dma_wait3A_848, %dma_wait3A_849] : memref<14x32x128xf32, #tpu.memory_space<vmem>> -> memref<1x32x128xf32, #tpu.memory_space<vmem>>
    %dma_wait3A_851 = tpu.memref_squeeze %dma_wait3A_850 : memref<1x32x128xf32, #tpu.memory_space<vmem>> -> memref<32x128xf32, #tpu.memory_space<vmem>>
    %dma_wait3A_852 = arith.constant 0 : i32
    %dma_wait3A_853 = arith.constant 0 : i32
    %dma_wait3A_854 = tpu.memref_slice %arg5[%dma_wait3A_852, %dma_wait3A_853] : memref<32x1000000xf32, #tpu.memory_space<hbm>> -> memref<32x128xf32, #tpu.memory_space<hbm>>
    %dma_wait3A_855 = arith.constant 0 : i32
    %dma_wait3A_856 = arith.constant 0 : i32
    %dma_wait3A_857 = tpu.memref_slice %arg10[%dma_wait3A_847, %dma_wait3A_855, %dma_wait3A_856] : memref<14x32x128xf32, #tpu.memory_space<vmem>> -> memref<1x32x128xf32, #tpu.memory_space<vmem>>
    %dma_wait3A_858 = tpu.memref_squeeze %dma_wait3A_857 : memref<1x32x128xf32, #tpu.memory_space<vmem>> -> memref<32x128xf32, #tpu.memory_space<vmem>>
    %dma_wait3A_859 = arith.constant 0 : i32
    %dma_wait3A_860 = arith.constant 0 : i32
    %dma_wait3A_861 = tpu.memref_slice %arg5[%dma_wait3A_859, %dma_wait3A_860] : memref<32x1000000xf32, #tpu.memory_space<hbm>> -> memref<32x128xf32, #tpu.memory_space<hbm>>
    tpu.wait_dma2 semaphore(%arg12 : memref<!tpu.dma_semaphore, #tpu.memory_space<semaphore_mem>>) src(%dma_wait3A_861 : memref<32x128xf32, #tpu.memory_space<hbm>>) dst(%dma_wait3A_858 : memref<32x128xf32, #tpu.memory_space<vmem>>)
    %dma_wait3A_862 = arith.constant 0 : i32
    %dma_wait3A_863 = arith.constant 0 : i32
    %dma_wait3A_864 = arith.constant 0 : i32
    %dma_wait3A_865 = tpu.memref_slice %arg9[%dma_wait3A_862, %dma_wait3A_863, %dma_wait3A_864] : memref<14x32x128xf32, #tpu.memory_space<vmem>> -> memref<1x32x128xf32, #tpu.memory_space<vmem>>
    %dma_wait3A_866 = tpu.memref_squeeze %dma_wait3A_865 : memref<1x32x128xf32, #tpu.memory_space<vmem>> -> memref<32x128xf32, #tpu.memory_space<vmem>>
    %dma_wait3A_867 = arith.constant 0 : i32
    %dma_wait3A_868 = arith.constant 0 : i32
    %dma_wait3A_869 = tpu.memref_slice %arg4[%dma_wait3A_867, %dma_wait3A_868] : memref<32x1000000xf32, #tpu.memory_space<hbm>> -> memref<32x128xf32, #tpu.memory_space<hbm>>
    %dma_wait3A_870 = arith.constant 0 : i32
    %dma_wait3A_871 = arith.constant 0 : i32
    %dma_wait3A_872 = tpu.memref_slice %arg9[%dma_wait3A_862, %dma_wait3A_870, %dma_wait3A_871] : memref<14x32x128xf32, #tpu.memory_space<vmem>> -> memref<1x32x128xf32, #tpu.memory_space<vmem>>
    %dma_wait3A_873 = tpu.memref_squeeze %dma_wait3A_872 : memref<1x32x128xf32, #tpu.memory_space<vmem>> -> memref<32x128xf32, #tpu.memory_space<vmem>>
    %dma_wait3A_874 = arith.constant 0 : i32
    %dma_wait3A_875 = arith.constant 0 : i32
    %dma_wait3A_876 = tpu.memref_slice %arg4[%dma_wait3A_874, %dma_wait3A_875] : memref<32x1000000xf32, #tpu.memory_space<hbm>> -> memref<32x128xf32, #tpu.memory_space<hbm>>
    tpu.wait_dma2 semaphore(%arg12 : memref<!tpu.dma_semaphore, #tpu.memory_space<semaphore_mem>>) src(%dma_wait3A_876 : memref<32x128xf32, #tpu.memory_space<hbm>>) dst(%dma_wait3A_873 : memref<32x128xf32, #tpu.memory_space<vmem>>)
    %dma_wait3A_877 = arith.constant 0 : i32
    %dma_wait3A_878 = arith.constant 0 : i32
    %dma_wait3A_879 = arith.constant 0 : i32
    %dma_wait3A_880 = tpu.memref_slice %arg10[%dma_wait3A_877, %dma_wait3A_878, %dma_wait3A_879] : memref<14x32x128xf32, #tpu.memory_space<vmem>> -> memref<1x32x128xf32, #tpu.memory_space<vmem>>
    %dma_wait3A_881 = tpu.memref_squeeze %dma_wait3A_880 : memref<1x32x128xf32, #tpu.memory_space<vmem>> -> memref<32x128xf32, #tpu.memory_space<vmem>>
    %dma_wait3A_882 = arith.constant 0 : i32
    %dma_wait3A_883 = arith.constant 0 : i32
    %dma_wait3A_884 = tpu.memref_slice %arg5[%dma_wait3A_882, %dma_wait3A_883] : memref<32x1000000xf32, #tpu.memory_space<hbm>> -> memref<32x128xf32, #tpu.memory_space<hbm>>
    %dma_wait3A_885 = arith.constant 0 : i32
    %dma_wait3A_886 = arith.constant 0 : i32
    %dma_wait3A_887 = tpu.memref_slice %arg10[%dma_wait3A_877, %dma_wait3A_885, %dma_wait3A_886] : memref<14x32x128xf32, #tpu.memory_space<vmem>> -> memref<1x32x128xf32, #tpu.memory_space<vmem>>
    %dma_wait3A_888 = tpu.memref_squeeze %dma_wait3A_887 : memref<1x32x128xf32, #tpu.memory_space<vmem>> -> memref<32x128xf32, #tpu.memory_space<vmem>>
    %dma_wait3A_889 = arith.constant 0 : i32
    %dma_wait3A_890 = arith.constant 0 : i32
    %dma_wait3A_891 = tpu.memref_slice %arg5[%dma_wait3A_889, %dma_wait3A_890] : memref<32x1000000xf32, #tpu.memory_space<hbm>> -> memref<32x128xf32, #tpu.memory_space<hbm>>
    tpu.wait_dma2 semaphore(%arg12 : memref<!tpu.dma_semaphore, #tpu.memory_space<semaphore_mem>>) src(%dma_wait3A_891 : memref<32x128xf32, #tpu.memory_space<hbm>>) dst(%dma_wait3A_888 : memref<32x128xf32, #tpu.memory_space<vmem>>)
    %dma_wait3A_892 = arith.constant 0 : i32
    %dma_wait3A_893 = arith.constant 0 : i32
    %dma_wait3A_894 = arith.constant 0 : i32
    %dma_wait3A_895 = tpu.memref_slice %arg9[%dma_wait3A_892, %dma_wait3A_893, %dma_wait3A_894] : memref<14x32x128xf32, #tpu.memory_space<vmem>> -> memref<1x32x128xf32, #tpu.memory_space<vmem>>
    %dma_wait3A_896 = tpu.memref_squeeze %dma_wait3A_895 : memref<1x32x128xf32, #tpu.memory_space<vmem>> -> memref<32x128xf32, #tpu.memory_space<vmem>>
    %dma_wait3A_897 = arith.constant 0 : i32
    %dma_wait3A_898 = arith.constant 0 : i32
    %dma_wait3A_899 = tpu.memref_slice %arg4[%dma_wait3A_897, %dma_wait3A_898] : memref<32x1000000xf32, #tpu.memory_space<hbm>> -> memref<32x128xf32, #tpu.memory_space<hbm>>
    %dma_wait3A_900 = arith.constant 0 : i32
    %dma_wait3A_901 = arith.constant 0 : i32
    %dma_wait3A_902 = tpu.memref_slice %arg9[%dma_wait3A_892, %dma_wait3A_900, %dma_wait3A_901] : memref<14x32x128xf32, #tpu.memory_space<vmem>> -> memref<1x32x128xf32, #tpu.memory_space<vmem>>
    %dma_wait3A_903 = tpu.memref_squeeze %dma_wait3A_902 : memref<1x32x128xf32, #tpu.memory_space<vmem>> -> memref<32x128xf32, #tpu.memory_space<vmem>>
    %dma_wait3A_904 = arith.constant 0 : i32
    %dma_wait3A_905 = arith.constant 0 : i32
    %dma_wait3A_906 = tpu.memref_slice %arg4[%dma_wait3A_904, %dma_wait3A_905] : memref<32x1000000xf32, #tpu.memory_space<hbm>> -> memref<32x128xf32, #tpu.memory_space<hbm>>
    tpu.wait_dma2 semaphore(%arg12 : memref<!tpu.dma_semaphore, #tpu.memory_space<semaphore_mem>>) src(%dma_wait3A_906 : memref<32x128xf32, #tpu.memory_space<hbm>>) dst(%dma_wait3A_903 : memref<32x128xf32, #tpu.memory_space<vmem>>)
    %dma_wait3A_907 = arith.constant 0 : i32
    %dma_wait3A_908 = arith.constant 0 : i32
    %dma_wait3A_909 = arith.constant 0 : i32
    %dma_wait3A_910 = tpu.memref_slice %arg10[%dma_wait3A_907, %dma_wait3A_908, %dma_wait3A_909] : memref<14x32x128xf32, #tpu.memory_space<vmem>> -> memref<1x32x128xf32, #tpu.memory_space<vmem>>
    %dma_wait3A_911 = tpu.memref_squeeze %dma_wait3A_910 : memref<1x32x128xf32, #tpu.memory_space<vmem>> -> memref<32x128xf32, #tpu.memory_space<vmem>>
    %dma_wait3A_912 = arith.constant 0 : i32
    %dma_wait3A_913 = arith.constant 0 : i32
    %dma_wait3A_914 = tpu.memref_slice %arg5[%dma_wait3A_912, %dma_wait3A_913] : memref<32x1000000xf32, #tpu.memory_space<hbm>> -> memref<32x128xf32, #tpu.memory_space<hbm>>
    %dma_wait3A_915 = arith.constant 0 : i32
    %dma_wait3A_916 = arith.constant 0 : i32
    %dma_wait3A_917 = tpu.memref_slice %arg10[%dma_wait3A_907, %dma_wait3A_915, %dma_wait3A_916] : memref<14x32x128xf32, #tpu.memory_space<vmem>> -> memref<1x32x128xf32, #tpu.memory_space<vmem>>
    %dma_wait3A_918 = tpu.memref_squeeze %dma_wait3A_917 : memref<1x32x128xf32, #tpu.memory_space<vmem>> -> memref<32x128xf32, #tpu.memory_space<vmem>>
    %dma_wait3A_919 = arith.constant 0 : i32
    %dma_wait3A_920 = arith.constant 0 : i32
    %dma_wait3A_921 = tpu.memref_slice %arg5[%dma_wait3A_919, %dma_wait3A_920] : memref<32x1000000xf32, #tpu.memory_space<hbm>> -> memref<32x128xf32, #tpu.memory_space<hbm>>
    tpu.wait_dma2 semaphore(%arg12 : memref<!tpu.dma_semaphore, #tpu.memory_space<semaphore_mem>>) src(%dma_wait3A_921 : memref<32x128xf32, #tpu.memory_space<hbm>>) dst(%dma_wait3A_918 : memref<32x128xf32, #tpu.memory_space<vmem>>)
    %dma_wait3A_922 = arith.constant 0 : i32
    %dma_wait3A_923 = arith.constant 0 : i32
    %dma_wait3A_924 = arith.constant 0 : i32
    %dma_wait3A_925 = tpu.memref_slice %arg9[%dma_wait3A_922, %dma_wait3A_923, %dma_wait3A_924] : memref<14x32x128xf32, #tpu.memory_space<vmem>> -> memref<1x32x128xf32, #tpu.memory_space<vmem>>
    %dma_wait3A_926 = tpu.memref_squeeze %dma_wait3A_925 : memref<1x32x128xf32, #tpu.memory_space<vmem>> -> memref<32x128xf32, #tpu.memory_space<vmem>>
    %dma_wait3A_927 = arith.constant 0 : i32
    %dma_wait3A_928 = arith.constant 0 : i32
    %dma_wait3A_929 = tpu.memref_slice %arg4[%dma_wait3A_927, %dma_wait3A_928] : memref<32x1000000xf32, #tpu.memory_space<hbm>> -> memref<32x128xf32, #tpu.memory_space<hbm>>
    %dma_wait3A_930 = arith.constant 0 : i32
    %dma_wait3A_931 = arith.constant 0 : i32
    %dma_wait3A_932 = tpu.memref_slice %arg9[%dma_wait3A_922, %dma_wait3A_930, %dma_wait3A_931] : memref<14x32x128xf32, #tpu.memory_space<vmem>> -> memref<1x32x128xf32, #tpu.memory_space<vmem>>
    %dma_wait3A_933 = tpu.memref_squeeze %dma_wait3A_932 : memref<1x32x128xf32, #tpu.memory_space<vmem>> -> memref<32x128xf32, #tpu.memory_space<vmem>>
    %dma_wait3A_934 = arith.constant 0 : i32
    %dma_wait3A_935 = arith.constant 0 : i32
    %dma_wait3A_936 = tpu.memref_slice %arg4[%dma_wait3A_934, %dma_wait3A_935] : memref<32x1000000xf32, #tpu.memory_space<hbm>> -> memref<32x128xf32, #tpu.memory_space<hbm>>
    tpu.wait_dma2 semaphore(%arg12 : memref<!tpu.dma_semaphore, #tpu.memory_space<semaphore_mem>>) src(%dma_wait3A_936 : memref<32x128xf32, #tpu.memory_space<hbm>>) dst(%dma_wait3A_933 : memref<32x128xf32, #tpu.memory_space<vmem>>)
    %dma_wait3A_937 = arith.constant 0 : i32
    %dma_wait3A_938 = arith.constant 0 : i32
    %dma_wait3A_939 = arith.constant 0 : i32
    %dma_wait3A_940 = tpu.memref_slice %arg10[%dma_wait3A_937, %dma_wait3A_938, %dma_wait3A_939] : memref<14x32x128xf32, #tpu.memory_space<vmem>> -> memref<1x32x128xf32, #tpu.memory_space<vmem>>
    %dma_wait3A_941 = tpu.memref_squeeze %dma_wait3A_940 : memref<1x32x128xf32, #tpu.memory_space<vmem>> -> memref<32x128xf32, #tpu.memory_space<vmem>>
    %dma_wait3A_942 = arith.constant 0 : i32
    %dma_wait3A_943 = arith.constant 0 : i32
    %dma_wait3A_944 = tpu.memref_slice %arg5[%dma_wait3A_942, %dma_wait3A_943] : memref<32x1000000xf32, #tpu.memory_space<hbm>> -> memref<32x128xf32, #tpu.memory_space<hbm>>
    %dma_wait3A_945 = arith.constant 0 : i32
    %dma_wait3A_946 = arith.constant 0 : i32
    %dma_wait3A_947 = tpu.memref_slice %arg10[%dma_wait3A_937, %dma_wait3A_945, %dma_wait3A_946] : memref<14x32x128xf32, #tpu.memory_space<vmem>> -> memref<1x32x128xf32, #tpu.memory_space<vmem>>
    %dma_wait3A_948 = tpu.memref_squeeze %dma_wait3A_947 : memref<1x32x128xf32, #tpu.memory_space<vmem>> -> memref<32x128xf32, #tpu.memory_space<vmem>>
    %dma_wait3A_949 = arith.constant 0 : i32
    %dma_wait3A_950 = arith.constant 0 : i32
    %dma_wait3A_951 = tpu.memref_slice %arg5[%dma_wait3A_949, %dma_wait3A_950] : memref<32x1000000xf32, #tpu.memory_space<hbm>> -> memref<32x128xf32, #tpu.memory_space<hbm>>
    tpu.wait_dma2 semaphore(%arg12 : memref<!tpu.dma_semaphore, #tpu.memory_space<semaphore_mem>>) src(%dma_wait3A_951 : memref<32x128xf32, #tpu.memory_space<hbm>>) dst(%dma_wait3A_948 : memref<32x128xf32, #tpu.memory_space<vmem>>)
    %dma_wait3A_952 = arith.constant 0 : i32
    %dma_wait3A_953 = arith.constant 0 : i32
    %dma_wait3A_954 = arith.constant 0 : i32
    %dma_wait3A_955 = tpu.memref_slice %arg9[%dma_wait3A_952, %dma_wait3A_953, %dma_wait3A_954] : memref<14x32x128xf32, #tpu.memory_space<vmem>> -> memref<1x32x128xf32, #tpu.memory_space<vmem>>
    %dma_wait3A_956 = tpu.memref_squeeze %dma_wait3A_955 : memref<1x32x128xf32, #tpu.memory_space<vmem>> -> memref<32x128xf32, #tpu.memory_space<vmem>>
    %dma_wait3A_957 = arith.constant 0 : i32
    %dma_wait3A_958 = arith.constant 0 : i32
    %dma_wait3A_959 = tpu.memref_slice %arg4[%dma_wait3A_957, %dma_wait3A_958] : memref<32x1000000xf32, #tpu.memory_space<hbm>> -> memref<32x128xf32, #tpu.memory_space<hbm>>
    %dma_wait3A_960 = arith.constant 0 : i32
    %dma_wait3A_961 = arith.constant 0 : i32
    %dma_wait3A_962 = tpu.memref_slice %arg9[%dma_wait3A_952, %dma_wait3A_960, %dma_wait3A_961] : memref<14x32x128xf32, #tpu.memory_space<vmem>> -> memref<1x32x128xf32, #tpu.memory_space<vmem>>
    %dma_wait3A_963 = tpu.memref_squeeze %dma_wait3A_962 : memref<1x32x128xf32, #tpu.memory_space<vmem>> -> memref<32x128xf32, #tpu.memory_space<vmem>>
    %dma_wait3A_964 = arith.constant 0 : i32
    %dma_wait3A_965 = arith.constant 0 : i32
    %dma_wait3A_966 = tpu.memref_slice %arg4[%dma_wait3A_964, %dma_wait3A_965] : memref<32x1000000xf32, #tpu.memory_space<hbm>> -> memref<32x128xf32, #tpu.memory_space<hbm>>
    tpu.wait_dma2 semaphore(%arg12 : memref<!tpu.dma_semaphore, #tpu.memory_space<semaphore_mem>>) src(%dma_wait3A_966 : memref<32x128xf32, #tpu.memory_space<hbm>>) dst(%dma_wait3A_963 : memref<32x128xf32, #tpu.memory_space<vmem>>)
    %dma_wait3A_967 = arith.constant 0 : i32
    %dma_wait3A_968 = arith.constant 0 : i32
    %dma_wait3A_969 = arith.constant 0 : i32
    %dma_wait3A_970 = tpu.memref_slice %arg10[%dma_wait3A_967, %dma_wait3A_968, %dma_wait3A_969] : memref<14x32x128xf32, #tpu.memory_space<vmem>> -> memref<1x32x128xf32, #tpu.memory_space<vmem>>
    %dma_wait3A_971 = tpu.memref_squeeze %dma_wait3A_970 : memref<1x32x128xf32, #tpu.memory_space<vmem>> -> memref<32x128xf32, #tpu.memory_space<vmem>>
    %dma_wait3A_972 = arith.constant 0 : i32
    %dma_wait3A_973 = arith.constant 0 : i32
    %dma_wait3A_974 = tpu.memref_slice %arg5[%dma_wait3A_972, %dma_wait3A_973] : memref<32x1000000xf32, #tpu.memory_space<hbm>> -> memref<32x128xf32, #tpu.memory_space<hbm>>
    %dma_wait3A_975 = arith.constant 0 : i32
    %dma_wait3A_976 = arith.constant 0 : i32
    %dma_wait3A_977 = tpu.memref_slice %arg10[%dma_wait3A_967, %dma_wait3A_975, %dma_wait3A_976] : memref<14x32x128xf32, #tpu.memory_space<vmem>> -> memref<1x32x128xf32, #tpu.memory_space<vmem>>
    %dma_wait3A_978 = tpu.memref_squeeze %dma_wait3A_977 : memref<1x32x128xf32, #tpu.memory_space<vmem>> -> memref<32x128xf32, #tpu.memory_space<vmem>>
    %dma_wait3A_979 = arith.constant 0 : i32
    %dma_wait3A_980 = arith.constant 0 : i32
    %dma_wait3A_981 = tpu.memref_slice %arg5[%dma_wait3A_979, %dma_wait3A_980] : memref<32x1000000xf32, #tpu.memory_space<hbm>> -> memref<32x128xf32, #tpu.memory_space<hbm>>
    tpu.wait_dma2 semaphore(%arg12 : memref<!tpu.dma_semaphore, #tpu.memory_space<semaphore_mem>>) src(%dma_wait3A_981 : memref<32x128xf32, #tpu.memory_space<hbm>>) dst(%dma_wait3A_978 : memref<32x128xf32, #tpu.memory_space<vmem>>)
    %dma_wait3A_982 = arith.constant 0 : i32
    %dma_wait3A_983 = arith.constant 0 : i32
    %dma_wait3A_984 = arith.constant 0 : i32
    %dma_wait3A_985 = tpu.memref_slice %arg9[%dma_wait3A_982, %dma_wait3A_983, %dma_wait3A_984] : memref<14x32x128xf32, #tpu.memory_space<vmem>> -> memref<1x32x128xf32, #tpu.memory_space<vmem>>
    %dma_wait3A_986 = tpu.memref_squeeze %dma_wait3A_985 : memref<1x32x128xf32, #tpu.memory_space<vmem>> -> memref<32x128xf32, #tpu.memory_space<vmem>>
    %dma_wait3A_987 = arith.constant 0 : i32
    %dma_wait3A_988 = arith.constant 0 : i32
    %dma_wait3A_989 = tpu.memref_slice %arg4[%dma_wait3A_987, %dma_wait3A_988] : memref<32x1000000xf32, #tpu.memory_space<hbm>> -> memref<32x128xf32, #tpu.memory_space<hbm>>
    %dma_wait3A_990 = arith.constant 0 : i32
    %dma_wait3A_991 = arith.constant 0 : i32
    %dma_wait3A_992 = tpu.memref_slice %arg9[%dma_wait3A_982, %dma_wait3A_990, %dma_wait3A_991] : memref<14x32x128xf32, #tpu.memory_space<vmem>> -> memref<1x32x128xf32, #tpu.memory_space<vmem>>
    %dma_wait3A_993 = tpu.memref_squeeze %dma_wait3A_992 : memref<1x32x128xf32, #tpu.memory_space<vmem>> -> memref<32x128xf32, #tpu.memory_space<vmem>>
    %dma_wait3A_994 = arith.constant 0 : i32
    %dma_wait3A_995 = arith.constant 0 : i32
    %dma_wait3A_996 = tpu.memref_slice %arg4[%dma_wait3A_994, %dma_wait3A_995] : memref<32x1000000xf32, #tpu.memory_space<hbm>> -> memref<32x128xf32, #tpu.memory_space<hbm>>
    tpu.wait_dma2 semaphore(%arg12 : memref<!tpu.dma_semaphore, #tpu.memory_space<semaphore_mem>>) src(%dma_wait3A_996 : memref<32x128xf32, #tpu.memory_space<hbm>>) dst(%dma_wait3A_993 : memref<32x128xf32, #tpu.memory_space<vmem>>)
    %dma_wait3A_997 = arith.constant 0 : i32
    %dma_wait3A_998 = arith.constant 0 : i32
    %dma_wait3A_999 = arith.constant 0 : i32
    %dma_wait3A_1000 = tpu.memref_slice %arg10[%dma_wait3A_997, %dma_wait3A_998, %dma_wait3A_999] : memref<14x32x128xf32, #tpu.memory_space<vmem>> -> memref<1x32x128xf32, #tpu.memory_space<vmem>>
    %dma_wait3A_1001 = tpu.memref_squeeze %dma_wait3A_1000 : memref<1x32x128xf32, #tpu.memory_space<vmem>> -> memref<32x128xf32, #tpu.memory_space<vmem>>
    %dma_wait3A_1002 = arith.constant 0 : i32
    %dma_wait3A_1003 = arith.constant 0 : i32
    %dma_wait3A_1004 = tpu.memref_slice %arg5[%dma_wait3A_1002, %dma_wait3A_1003] : memref<32x1000000xf32, #tpu.memory_space<hbm>> -> memref<32x128xf32, #tpu.memory_space<hbm>>
    %dma_wait3A_1005 = arith.constant 0 : i32
    %dma_wait3A_1006 = arith.constant 0 : i32
    %dma_wait3A_1007 = tpu.memref_slice %arg10[%dma_wait3A_997, %dma_wait3A_1005, %dma_wait3A_1006] : memref<14x32x128xf32, #tpu.memory_space<vmem>> -> memref<1x32x128xf32, #tpu.memory_space<vmem>>
    %dma_wait3A_1008 = tpu.memref_squeeze %dma_wait3A_1007 : memref<1x32x128xf32, #tpu.memory_space<vmem>> -> memref<32x128xf32, #tpu.memory_space<vmem>>
    %dma_wait3A_1009 = arith.constant 0 : i32
    %dma_wait3A_1010 = arith.constant 0 : i32
    %dma_wait3A_1011 = tpu.memref_slice %arg5[%dma_wait3A_1009, %dma_wait3A_1010] : memref<32x1000000xf32, #tpu.memory_space<hbm>> -> memref<32x128xf32, #tpu.memory_space<hbm>>
    tpu.wait_dma2 semaphore(%arg12 : memref<!tpu.dma_semaphore, #tpu.memory_space<semaphore_mem>>) src(%dma_wait3A_1011 : memref<32x128xf32, #tpu.memory_space<hbm>>) dst(%dma_wait3A_1008 : memref<32x128xf32, #tpu.memory_space<vmem>>)
    %dma_wait3A_1012 = arith.constant 0 : i32
    %dma_wait3A_1013 = arith.constant 0 : i32
    %dma_wait3A_1014 = arith.constant 0 : i32
    %dma_wait3A_1015 = tpu.memref_slice %arg9[%dma_wait3A_1012, %dma_wait3A_1013, %dma_wait3A_1014] : memref<14x32x128xf32, #tpu.memory_space<vmem>> -> memref<1x32x128xf32, #tpu.memory_space<vmem>>
    %dma_wait3A_1016 = tpu.memref_squeeze %dma_wait3A_1015 : memref<1x32x128xf32, #tpu.memory_space<vmem>> -> memref<32x128xf32, #tpu.memory_space<vmem>>
    %dma_wait3A_1017 = arith.constant 0 : i32
    %dma_wait3A_1018 = arith.constant 0 : i32
    %dma_wait3A_1019 = tpu.memref_slice %arg4[%dma_wait3A_1017, %dma_wait3A_1018] : memref<32x1000000xf32, #tpu.memory_space<hbm>> -> memref<32x128xf32, #tpu.memory_space<hbm>>
    %dma_wait3A_1020 = arith.constant 0 : i32
    %dma_wait3A_1021 = arith.constant 0 : i32
    %dma_wait3A_1022 = tpu.memref_slice %arg9[%dma_wait3A_1012, %dma_wait3A_1020, %dma_wait3A_1021] : memref<14x32x128xf32, #tpu.memory_space<vmem>> -> memref<1x32x128xf32, #tpu.memory_space<vmem>>
    %dma_wait3A_1023 = tpu.memref_squeeze %dma_wait3A_1022 : memref<1x32x128xf32, #tpu.memory_space<vmem>> -> memref<32x128xf32, #tpu.memory_space<vmem>>
    %dma_wait3A_1024 = arith.constant 0 : i32
    %dma_wait3A_1025 = arith.constant 0 : i32
    %dma_wait3A_1026 = tpu.memref_slice %arg4[%dma_wait3A_1024, %dma_wait3A_1025] : memref<32x1000000xf32, #tpu.memory_space<hbm>> -> memref<32x128xf32, #tpu.memory_space<hbm>>
    tpu.wait_dma2 semaphore(%arg12 : memref<!tpu.dma_semaphore, #tpu.memory_space<semaphore_mem>>) src(%dma_wait3A_1026 : memref<32x128xf32, #tpu.memory_space<hbm>>) dst(%dma_wait3A_1023 : memref<32x128xf32, #tpu.memory_space<vmem>>)
    %dma_wait3A_1027 = arith.constant 0 : i32
    %dma_wait3A_1028 = arith.constant 0 : i32
    %dma_wait3A_1029 = arith.constant 0 : i32
    %dma_wait3A_1030 = tpu.memref_slice %arg10[%dma_wait3A_1027, %dma_wait3A_1028, %dma_wait3A_1029] : memref<14x32x128xf32, #tpu.memory_space<vmem>> -> memref<1x32x128xf32, #tpu.memory_space<vmem>>
    %dma_wait3A_1031 = tpu.memref_squeeze %dma_wait3A_1030 : memref<1x32x128xf32, #tpu.memory_space<vmem>> -> memref<32x128xf32, #tpu.memory_space<vmem>>
    %dma_wait3A_1032 = arith.constant 0 : i32
    %dma_wait3A_1033 = arith.constant 0 : i32
    %dma_wait3A_1034 = tpu.memref_slice %arg5[%dma_wait3A_1032, %dma_wait3A_1033] : memref<32x1000000xf32, #tpu.memory_space<hbm>> -> memref<32x128xf32, #tpu.memory_space<hbm>>
    %dma_wait3A_1035 = arith.constant 0 : i32
    %dma_wait3A_1036 = arith.constant 0 : i32
    %dma_wait3A_1037 = tpu.memref_slice %arg10[%dma_wait3A_1027, %dma_wait3A_1035, %dma_wait3A_1036] : memref<14x32x128xf32, #tpu.memory_space<vmem>> -> memref<1x32x128xf32, #tpu.memory_space<vmem>>
    %dma_wait3A_1038 = tpu.memref_squeeze %dma_wait3A_1037 : memref<1x32x128xf32, #tpu.memory_space<vmem>> -> memref<32x128xf32, #tpu.memory_space<vmem>>
    %dma_wait3A_1039 = arith.constant 0 : i32
    %dma_wait3A_1040 = arith.constant 0 : i32
    %dma_wait3A_1041 = tpu.memref_slice %arg5[%dma_wait3A_1039, %dma_wait3A_1040] : memref<32x1000000xf32, #tpu.memory_space<hbm>> -> memref<32x128xf32, #tpu.memory_space<hbm>>
    tpu.wait_dma2 semaphore(%arg12 : memref<!tpu.dma_semaphore, #tpu.memory_space<semaphore_mem>>) src(%dma_wait3A_1041 : memref<32x128xf32, #tpu.memory_space<hbm>>) dst(%dma_wait3A_1038 : memref<32x128xf32, #tpu.memory_space<vmem>>)
    %mul3A_1042 = arith.constant 1024 : i32
    %mul3A_1043 = arith.muli %add3A, %mul3A_1042 : i32
    "tpu.region"() ({
      %run_scoped3A = tpu.sem_alloc : memref<!tpu.dma_semaphore, #tpu.memory_space<semaphore_mem>>
      %dma_start3A_1044 = tpu.memref_slice %arg6[%mul3A_1043] : memref<32768xf32, #tpu.memory_space<hbm>> -> memref<1024xf32, #tpu.memory_space<hbm>>
      %dma_start3A_1045 = tpu.memref_slice %arg6[%mul3A_1043] : memref<32768xf32, #tpu.memory_space<hbm>> -> memref<1024xf32, #tpu.memory_space<hbm>>
      tpu.enqueue_dma source(%arg11 : memref<1024xf32, #tpu.memory_space<vmem>>) target(%dma_start3A_1045 : memref<1024xf32, #tpu.memory_space<hbm>>) target_semaphore(%run_scoped3A : memref<!tpu.dma_semaphore, #tpu.memory_space<semaphore_mem>>)
      %dma_wait3A_1046 = tpu.memref_slice %arg6[%mul3A_1043] : memref<32768xf32, #tpu.memory_space<hbm>> -> memref<1024xf32, #tpu.memory_space<hbm>>
      %dma_wait3A_1047 = tpu.memref_slice %arg6[%mul3A_1043] : memref<32768xf32, #tpu.memory_space<hbm>> -> memref<1024xf32, #tpu.memory_space<hbm>>
      tpu.wait_dma2 semaphore(%run_scoped3A : memref<!tpu.dma_semaphore, #tpu.memory_space<semaphore_mem>>) src(%arg11 : memref<1024xf32, #tpu.memory_space<vmem>>) dst(%dma_wait3A_1047 : memref<1024xf32, #tpu.memory_space<hbm>>)
      tpu.yield
    }) : () -> ()
    return
  }
}

</mosaic_0001>

<sc_bundles>
// kernel: kernel.3.cloned.1.call-start
scs
__scs_entry_jumppad:
0x0: {  	(pc) =	sbr.rel $0x88, $3  }
0x1: {  	(tag) =	ssettag $0x0;
	lr =	simm.s32 $0x1  }
0x2: {  	[smem:$0x3F9D] =	sst lr;
	_ =	strace $0xD0000000  }
0x3: {  	_ = 	snop  }
0x4: {  	_ = 	snop  }
0x5: {  	_ = 	snop  }
0x6: {  	_ = 	snop  }
0x7: {  	_ = 	snop  }
__scs_overlays_trampoline_lowered:
0x8: {  	[smem:$0x3FAC] =	sst s0  }
0x9: {  	[smem:$0x3FAD] =	sst s1  }
0xa: {  	[smem:$0x3FAE] =	sst s2  }
0xb: {  	[smem:$0x3FAF] =	sst s3  }
0xc: {  	[smem:$0x3FB0] =	sst s4  }
0xd: {  	[smem:$0x3FB1] =	sst s5  }
0xe: {  	[smem:$0x3FB2] =	sst s6  }
0xf: {  	[smem:$0x3FB3] =	sst s7  }
0x10: {  	[smem:$0x3FB4] =	sst s8  }
0x11: {  	[smem:$0x3FB5] =	sst s9;
	s0 =	simm.s32 @!p0 $0x0  }
0x12: {  	s1 =	sld [smem:$0x3F9B];
	s0 =	simm.s32 @p0 $0x1  }
0x13: {  	[smem:$0x3FB6] =	sst s0;
	s0 =	simm.s32 @!p1 $0x0  }
0x14: {  	s2 =	sld [smem:$0x3F9A];
	s0 =	simm.s32 @p1 $0x1  }
0x15: {  	[smem:$0x3FB7] =	sst s0;
	s0 =	simm.s32 @!p2 $0x0  }
0x16: {  	s3 =	sld [smem:$0x3FDB];
	s0 =	simm.s32 @p2 $0x1  }
0x17: {  	s4 =	simm.s32 $0x1BF5;
	[smem:$0x3FB9] =	sst s0  }
0x18: {  	s0 =	sld [smem:$0x3F9C];
	_ =	swait.ge [sflag:s4], $0x0  }
0x19: {  	s7 =	sld [smem:$0x3F9D]  }
0x1a: {  	s8 =	sadd.s32 $0xFFFFE003, lr  }
0x1b: {  	s9 =	sadd.s32 $0xFFFFFEF7, lr;
	s5 =	simm.s32 $0xFFFFFFFF;
	p2 =	slt.u32 s8, $0xFFFFF086  }
0x1c: {  	p1 =	slt.u32 s9, $0xF7A;
	s5 =	simm.s32 @!p2 $0x0  }
0x1d: {  	s5 =	simm.s32 @p1 $0x1;
	p0 =	seq.s32 s7, s2  }
0x1e: {  	s7 =	smul.u32 @!p0 $0xF7A, s2;
	p2 =	seq.s32 @!p0 s5, $0x0  }
0x1f: {  	s9 =	smul.u32 $0xF7A, s1;
	s8 =	simm.s32 @!p0 $0x1BF5;
	p2 =	por !p2, p0  }
0x20: {  	[sflag:s8] =	ssyncset.s32 @!p0 $0xFFFFF086;
	s6 =	sadd.s32 @!p0 s3, s7;
	s7 =	simm.s32 @!p0 $0x108  }
0x21: {  	s3 =	sadd.s32 s3, s9;
	s6 =	sadd.s32 @!p0 $0x88, s6;
	s7 =	simm.s32 @p2 $0x1082  }
0x22: {  	[simem:s7], [sflag:s8] =	dma.local @!p0 [hbm:s6], $0xF7A  }
0x23: {  	s9 =	sor.u32 $0xD0000000, s2;
	s6 =	simm.s32 $0x108;
	_ =	swait.ge @!p0 [sflag:s8], $0x0  }
0x24: {  	s3 =	sadd.s32 $0x88, s3;
	s6 =	simm.s32 @!p1 $0x1082;
	[sflag:s4] =	ssyncset.s32 $0xFFFFF086  }
0x25: {  	[simem:s6], [sflag:s4] =	dma.local [hbm:s3], $0xF7A  }
0x26: {  	[smem:$0x3F9D] =	sst s1;
	(tag) =	ssettag s2;
	_ =	strace s9  }
0x27: {  	s1 =	sld [smem:$0x3FAD]  }
0x28: {  	s2 =	sld [smem:$0x3FAE]  }
0x29: {  	s4 =	sld [smem:$0x3FB0]  }
0x2a: {  	p0 =	seq.s32 s5, $0x0;
	s5 =	sld [smem:$0x3FB1]  }
0x2b: {  	s6 =	sld [smem:$0x3FB2]  }
0x2c: {  	s7 =	sld [smem:$0x3FB3]  }
0x2d: {  	s3 =	simm.s32 $0x108;
	s8 =	sld [smem:$0x3FB4]  }
0x2e: {  	s3 =	simm.s32 @!p0 $0x1082;
	s9 =	sld [smem:$0x3FB5]  }
0x2f: {  	lr =	sadd.s32 s0, s3;
	s0 =	sld [smem:$0x3FAC]  }
0x30: {  	s3 =	sld [smem:$0x3FAF]  }
0x31: {  	[smem:$0x3FB8] =	sst s10  }
0x32: {  	s10 =	sld [smem:$0x3FB6];
	_ =	sdelay $0x3  }
0x33: {  	p0 =	seq.s32 s10, $0x1;
	s10 =	sld [smem:$0x3FB8];
	_ =	sdelay $0x3  }
0x34: {  	[smem:$0x3FB8] =	sst s10  }
0x35: {  	s10 =	sld [smem:$0x3FB7];
	_ =	sdelay $0x3  }
0x36: {  	p1 =	seq.s32 s10, $0x1;
	s10 =	sld [smem:$0x3FB8];
	_ =	sdelay $0x3  }
0x37: {  	[smem:$0x3FB8] =	sst s10  }
0x38: {  	s10 =	sld [smem:$0x3FB9]  }
0x39: {  	_ = 	snop;
	(pc) =	sbr.ind lr, $3  }
0x3a: {  	_ = 	snop  }
0x3b: {  	_ = 	snop  }
0x3c: {  	p2 =	seq.s32 s10, $0x1;
	s10 =	sld [smem:$0x3FB8]  }
0x3d: {  	_ =	shalt  }
0x3e: {  	_ =	shalt  }
0x3f: {  	_ =	shalt  }
0x40: {  	_ =	shalt  }
0x41: {  	_ =	shalt  }
0x42: {  	_ =	shalt  }
0x43: {  	_ =	shalt  }
0x44: {  	_ =	shalt  }
0x45: {  	_ =	shalt  }
0x46: {  	_ =	shalt  }
0x47: {  	_ =	shalt  }
0x48: {  	_ =	shalt  }
0x49: {  	_ =	shalt  }
0x4a: {  	_ =	shalt  }
0x4b: {  	_ =	shalt  }
0x4c: {  	_ =	shalt  }
0x4d: {  	_ =	shalt  }
0x4e: {  	_ =	shalt  }
0x4f: {  	_ =	shalt  }
0x50: {  	_ =	shalt  }
0x51: {  	_ =	shalt  }
0x52: {  	_ =	shalt  }
0x53: {  	_ =	shalt  }
0x54: {  	_ =	shalt  }
0x55: {  	_ =	shalt  }
0x56: {  	_ =	shalt  }
0x57: {  	_ =	shalt  }
0x58: {  	_ =	shalt  }
0x59: {  	_ =	shalt  }
0x5a: {  	_ =	shalt  }
0x5b: {  	_ =	shalt  }
0x5c: {  	_ =	shalt  }
0x5d: {  	_ =	shalt  }
0x5e: {  	_ =	shalt  }
0x5f: {  	_ =	shalt  }
0x60: {  	_ =	shalt  }
0x61: {  	_ =	shalt  }
0x62: {  	_ =	shalt  }
0x63: {  	_ =	shalt  }
0x64: {  	_ =	shalt  }
0x65: {  	_ =	shalt  }
0x66: {  	_ =	shalt  }
0x67: {  	_ =	shalt  }
0x68: {  	_ =	shalt  }
0x69: {  	_ =	shalt  }
0x6a: {  	_ =	shalt  }
0x6b: {  	_ =	shalt  }
0x6c: {  	_ =	shalt  }
0x6d: {  	_ =	shalt  }
0x6e: {  	_ =	shalt  }
0x6f: {  	_ =	shalt  }
0x70: {  	_ =	shalt  }
0x71: {  	_ =	shalt  }
0x72: {  	_ =	shalt  }
0x73: {  	_ =	shalt  }
0x74: {  	_ =	shalt  }
0x75: {  	_ =	shalt  }
0x76: {  	_ =	shalt  }
0x77: {  	_ =	shalt  }
0x78: {  	_ =	shalt  }
0x79: {  	_ =	shalt  }
0x7a: {  	_ =	shalt  }
0x7b: {  	_ =	shalt  }
0x7c: {  	_ =	shalt  }
0x7d: {  	_ =	shalt  }
0x7e: {  	_ =	shalt  }
0x7f: {  	_ =	shalt  }
0x80: {  	_ =	shalt  }
0x81: {  	_ =	shalt  }
0x82: {  	_ =	shalt  }
0x83: {  	_ =	shalt  }
0x84: {  	_ =	shalt  }
0x85: {  	_ =	shalt  }
0x86: {  	_ =	shalt  }
0x87: {  	_ =	shalt  }
.Lfunc_end0:
.L_simem_size_0:
called_computation_lowered:
.L_overlay_start_0:
0x88: {  	s2 =	sld [smem:$0x3FD9]  }
0x89: {  	s3 =	sld [smem:$0x3FFE];
	_ =	sdelay $0x1  }
0x8a: {  	s1 =	srdreg.scid  }
0x8b: {  	s0 =	sand.u32 $0x1, s1  }
0x8c: {  	s17 =	sshll.u32 s0, $0xA;
	s2 =	sadd.s32 s3, s2  }
0x8d: {  	s2 =	sadd.s32 s2, s17  }
0x8e: {  	[smem:$0x3FC4] =	sst s2  }
0x8f: {  	_ = 	snop  }
0x90: {  	s2 =	sld [smem:$0x3FC7]  }
0x91: {  	s18 =	sld [smem:$0x3FC6];
	(tm) =	ssettm $0x1  }
0x92: {  	s4 =	sld [smem:$0x3FFB];
	_ =	sdelay $0x3  }
0x93: {  	_ =	strace s4  }
0x94: {  	s4 =	sld [smem:$0x3FFC];
	_ =	sdelay $0x3  }
0x95: {  	_ =	strace s4  }
0x96: {  	s4 =	sld [smem:$0x3FFD];
	_ =	sdelay $0x3  }
0x97: {  	_ =	strace s4  }
0x98: {  	_ =	strace $0x8FFFFFFF  }
0x99: {  	s19 =	sld [smem:$0x3FDB];
	_ =	sdelay $0x1  }
0x9a: {  	s5 =	simm.s32 $_scs_section_size  }
0x9b: {  	s6 =	simm.s32 $_size__tile_overlayer_lowered;
	s7 =	simm.s32 $_tile_overlayer_lowered  }
0x9c: {  	s22 =	simm.s32 $0x1BFF;
	s21 =	sshll.u32 s7, $0x1;
	s4 =	sadd.s32 s5, s19  }
0x9d: {  	s8 =	simm.s32 $0x0;
	s20 =	sshll.u32 s6, $0x1;
	s6 =	sadd.s32 s21, s4  }
0x9e: {  	[timem:s8], [sflag:s22] =	dma.local [hbm:s6], s20  }
0x9f: {  	_ =	swait.ge [sflag:s22], s20  }
0xa0: {  	s5 =	ssub.s32 $0x0, s20;
	[sflag:s22] =	ssyncset.done $0x0  }
0xa1: {  	[sflag:s22] =	ssyncadd.s32 s5;
	_ =	sdelay $0x1  }
0xa2: {  	s23 =	simm.s32 $0x1B8B  }
0xa3: {  	_ =	swait.ge [sflag:s23], $0x1  }
0xa4: {  	[sflag:s23] =	ssyncset.done $0x0  }
0xa5: {  	s25 =	simm.s32 $0x1B8E;
	s24 =	sld [smem:$0x3FFE];
	[sflag:s23] =	ssyncadd.s32 $0xFFFFFFFF  }
0xa6: {  	s26 =	simm.s32 $execute0_lowered;
	[smem:$0x3FD2] =	sst s25  }
0xa7: {  	s6 =	sshll.u32 s26, $0x1;
	_ =	strace $0x80000046;
	[dreg:$0x1] =	wrdreg $0xFFFFFFFF  }
0xa8: {  	s28 =	simm.s32 $_size_execute0_lowered;
	s4 =	sadd.s32 s4, s6;
	[dreg:$0x0] =	wrdreg $0x0  }
0xa9: {  	s6 =	sshll.u32 s28, $0x1;
	[dreg:$0x2] =	wrdreg s4  }
0xaa: {  	[dreg:$0x3] =	wrdreg s6  }
0xab: {  	[dreg:$0x4] =	wrdreg $0xC0  }
0xac: {  	_ =	task [dreg:s8], $0x5FFFF  }
0xad: {  	[dreg:$0x1] =	wrdreg $0xFFFFFFFF  }
0xae: {  	[dreg:$0x0] =	wrdreg $0x60  }
0xaf: {  	[dreg:$0x2] =	wrdreg s24  }
0xb0: {  	[dreg:$0x3] =	wrdreg s2  }
0xb1: {  	[dreg:$0x4] =	wrdreg s18  }
0xb2: {  	[dreg:$0x5] =	wrdreg $0x9  }
0xb3: {  	_ =	task.clear_ibuf [dreg:s8], $0x6FFFF;
	_ =	strace $0x90000046  }
0xb4: {  	s29 =	simm.s32 $0x9;
	_ =	strace $0x80000048  }
0xb5: {  	_ =	swait.ge [sflag:s29], $0x1  }
0xb6: {  	[sflag:s29] =	ssyncadd.s32 $0xFFFFFFFF  }
0xb7: {  	_ =	strace $0x90000048  }
0xb8: {  	_ =	sfence  }
0xb9: {  	s30 =	sld [smem:$0x0];
	_ =	sdelay $0x2  }
0xba: {  	s31 =	sshll.u32 s1, $0xD;
	s1 =	sshrl.u32 s1, $0x2  }
0xbb: {  	s3 =	sand.u32 $0x4000, s31;
	s1 =	sadd.s32 s1, s30  }
0xbc: {  	s0 =	sor.u32 s3, s0;
	s1 =	sshll.u32 s1, $0x11  }
0xbd: {  	s0 =	sor.u32 s1, s0  }
0xbe: {  	s0 =	sadd.s32 $0x8F2B, s0  }
0xbf: {  	[sflag:s0] =	ssyncadd.remote.s32 $0x1  }
0xc0: {  	_ =	sfence.sel $0xFFFF  }
0xc1: {  	[dreg:$0x0] =	wrdreg $0xFFFFFFFF;
	(pc) =	sbr.abs _section_cstart, $3  }
0xc2: {  	[dreg:$0x1] =	wrdreg $0xFFFFFFFF  }
0xc3: {  	_ =	task.clear_ibuf [dreg:s8], $0x2FFFF;
	_ =	strace $0x9FFFFFFF  }
0xc4: {  	(tm) =	ssettm $0x7FFFFFFF  }
0xc5: {  	_ =	shalt  }
tec
execute0_lowered:
.L_overlay_start_1:
0x0: {  	(tag) =	ssettag $0x1  }
0x1: {  	s0 =	rddreg [dreg:$0x0]  }
0x2: {  	s2 =	rddreg [dreg:$0x1]  }
0x3: {  	s3 =	rddreg [dreg:$0x2]  }
0x4: {  	s1 =	srdreg.scid;
	s5 =	stileid.u32  }
0x5: {  	s4 =	simm.s32 $0x0;
	s9 =	simm.s32 $0x2;
	s10 =	simm.s32 $0x400  }
0x6: {  	s11 =	simm.s32 $0x7A1400;
	s12 =	simm.s32 $0x800;
	s1 =	sand.u32 $0x1, s1  }
0x7: {  	s13 =	simm.s32 $0xE800;
	v0 =	vlaneseq.u32;
	vm0 =	vmmov $0x1;
	vm1 =	vmmov $0x3;
	s5 =	sshll.u32 s5, $0x8;
	s6 =	sshll.u32 s1, $0x7  }
0x8: {  	vm2 =	vmmov $0x7;
	vm3 =	vmmov $0xf;
	vm4 =	vmmov $0x1f;
	s21 =	simm.s32 $0x1;
	s23 =	simm.s32 $0x0;
	s5 =	sor.u32 s6, s5  }
0x9: {  	vm5 =	vmmov $0x3f;
	vm6 =	vmmov $0x7f;
	vm7 =	vmmov $0xff;
	[smem:$0x7FF] =	sst s4;
	s1 =	ssub.s32 $0x2, s1;
	s0 =	sadd.s32 s5, s0  }
0xa: {  	vm8 =	vmmov $0x1ff;
	vm9 =	vmmov $0x3ff;
	v0 =	vmul.u32 $0x80, v0;
	_ =	strace $0x80000047;
	s29 =	sshrl.u32 s1, $0x1;
	s30 =	sadd.s32 $0x400, s0  }
0xb: {  	vm10 =	vmmov $0x7ff;
	vm11 =	vmmov $0xfff;
	vm12 =	vmmov $0x1fff;
	s1 =	ssub.s32 s1, s29;
	s31 =	sadd.s32 $0x1400, s0;
	[dreg:$0x4] =	wrdreg s30  }
0xc: {  	vm13 =	vmmov $0x3fff;
	vm14 =	vmmov $0x7fff;
	v1 =	vor.u32 $0x800, v0;
	s7 =	sadd.s32 $0x2400, s0;
	s8 =	smax.u32 s1, $0x1;
	[dreg:$0x5] =	wrdreg s31  }
.LBB2_1:
0xd: {  	s0 =	rddreg [dreg:$0x4]  }
0xe: {  	[tilespmem:s4], [sflag:$0x2] =	stream.linear.gather [hbm4b:s0+s4], $0x400, $0x38;
	[tilespmem:$0x1CC00] =	vst v63  }
0xf: {  	_ =	swait.ge [sflag:s9], $0x400  }
0x10: {  	[sflag:s9] =	ssyncset.done $0x0  }
0x11: {  	s5 =	rddreg [dreg:$0x5];
	[sflag:s9] =	ssyncadd.s32 $0xFFFFFC00  }
0x12: {  	[tilespmem:s10], [sflag:$0x2] =	stream.linear.gather [hbm4b:s5+s4], $0x400, $0x38;
	[tilespmem:$0x1CC00] =	vst v63  }
0x13: {  	_ =	swait.ge [sflag:s9], $0x400  }
0x14: {  	[sflag:s9] =	ssyncset.done $0x0  }
0x15: {  	[sflag:s9] =	ssyncadd.s32 $0xFFFFFC00  }
0x16: {  	v2 =	vld [tilespmem:$0x0];
	_ =	sdelay $0x4  }
0x17: {  	v2 =	vadd.s32 $0xFFFFFFFF, v2  }
0x18: {  	(v2sf) =	vpush v2, $0x1;
	_ =	sdelay $0x4  }
0x19: {  	(v2sf) =	vpush v2, $0x0;
	_ =	sdelay $0x1  }
0x1a: {  	v3 =	vld [tilespmem:$0x400];
	_ =	sdelay $0x4  }
0x1b: {  	v3 =	vadd.s32 $0xFFFFFFFF, v3  }
0x1c: {  	(v2sf) =	vpush v3, $0x1  }
0x1d: {  	(v2sf) =	vpush v3, $0x0  }
0x1e: {  	s6 =	spop (v2sf);
	(v2sf) =	vpush v2, $0x3;
	_ =	sdelay $0x4  }
0x1f: {  	s1 =	spop (v2sf);
	(v2sf) =	vpush v2, $0x2;
	_ =	sdelay $0x5  }
0x20: {  	(v2sf) =	vpush v3, $0x3;
	_ =	sdelay $0x1  }
0x21: {  	s15 =	spop (v2sf);
	(v2sf) =	vpush v3, $0x2  }
0x22: {  	s14 =	spop (v2sf)  }
0x23: {  	s18 =	spop (v2sf);
	(v2sf) =	vpush v2, $0x5;
	_ =	sdelay $0x4  }
0x24: {  	s19 =	spop (v2sf);
	(v2sf) =	vpush v2, $0x4;
	_ =	sdelay $0x2  }
0x25: {  	s1 =	sand.u32 $0x1FFFFF80, s1  }
0x26: {  	s1 =	sadd.s32 s2, s1  }
0x27: {  	[tilespmem:s12], [sflag:$0x1] =	stream.strided.gather [hbm4b:s1+s10], $0x1000, s11, s10, $0x38;
	[tilespmem:$0x1CC00] =	vst v63  }
0x28: {  	s22 =	spop (v2sf);
	(v2sf) =	vpush v3, $0x5  }
0x29: {  	s14 =	sand.u32 $0x1FFFFF80, s14  }
0x2a: {  	s14 =	sadd.s32 s3, s14;
	s24 =	spop (v2sf);
	(v2sf) =	vpush v3, $0x4  }
0x2b: {  	[tilespmem:s13], [sflag:$0x1] =	stream.strided.gather [hbm4b:s14+s10], $0x1000, s11, s10, $0x38;
	[tilespmem:$0x1CC00] =	vst v63  }
0x2c: {  	s0 =	sand.u32 $0x1FFFFF80, s6;
	s31 =	spop (v2sf);
	(v2sf) =	vpush v2, $0x7  }
0x2d: {  	s5 =	simm.s32 $0x1800;
	s0 =	sadd.s32 s2, s0;
	s16 =	sand.u32 $0x1FFFFF80, s15  }
0x2e: {  	[tilespmem:s5], [sflag:$0x1] =	stream.strided.gather [hbm4b:s0+s10], $0x1000, s11, s10, $0x38;
	[tilespmem:$0x1CC00] =	vst v63  }
0x2f: {  	s17 =	simm.s32 $0xF800;
	s0 =	sadd.s32 s3, s16  }
0x30: {  	[tilespmem:s17], [sflag:$0x1] =	stream.strided.gather [hbm4b:s0+s10], $0x1000, s11, s10, $0x38;
	[tilespmem:$0x1CC00] =	vst v63  }
0x31: {  	s1 =	sand.u32 $0x1FFFFF80, s19;
	s6 =	spop (v2sf);
	(v2sf) =	vpush v2, $0x6  }
0x32: {  	s20 =	simm.s32 $0x2800;
	s1 =	sadd.s32 s2, s1  }
0x33: {  	[tilespmem:s20], [sflag:$0x1] =	stream.strided.gather [hbm4b:s1+s10], $0x1000, s11, s10, $0x38;
	[tilespmem:$0x1CC00] =	vst v63  }
0x34: {  	s25 =	simm.s32 $0x10800;
	s14 =	sand.u32 $0x1FFFFF80, s24  }
0x35: {  	s26 =	simm.s32 $0x3800;
	s0 =	sand.u32 $0x1FFFFF80, s18;
	s14 =	sadd.s32 s3, s14  }
0x36: {  	[tilespmem:s25], [sflag:$0x1] =	stream.strided.gather [hbm4b:s14+s10], $0x1000, s11, s10, $0x38;
	[tilespmem:$0x1CC00] =	vst v63  }
0x37: {  	s0 =	sadd.s32 s2, s0;
	s29 =	sand.u32 $0x1FFFFF80, s22;
	s15 =	spop (v2sf);
	(v2sf) =	vpush v3, $0x7  }
0x38: {  	[tilespmem:s26], [sflag:$0x1] =	stream.strided.gather [hbm4b:s0+s10], $0x1000, s11, s10, $0x38;
	[tilespmem:$0x1CC00] =	vst v63  }
0x39: {  	s30 =	simm.s32 $0x11800;
	s0 =	sadd.s32 s3, s29;
	s16 =	spop (v2sf);
	(v2sf) =	vpush v3, $0x6  }
0x3a: {  	[tilespmem:s30], [sflag:$0x1] =	stream.strided.gather [hbm4b:s0+s10], $0x1000, s11, s10, $0x38;
	[tilespmem:$0x1CC00] =	vst v63  }
0x3b: {  	s22 =	spop (v2sf);
	(v2sf) =	vpush v2, $0x9  }
0x3c: {  	s1 =	sand.u32 $0x1FFFFF80, s6  }
0x3d: {  	s14 =	simm.s32 $0x4800;
	s1 =	sadd.s32 s2, s1  }
0x3e: {  	[tilespmem:s14], [sflag:$0x1] =	stream.strided.gather [hbm4b:s1+s10], $0x1000, s11, s10, $0x38;
	[tilespmem:$0x1CC00] =	vst v63  }
0x3f: {  	s17 =	simm.s32 $0x12800;
	s14 =	sand.u32 $0x1FFFFF80, s16  }
0x40: {  	s0 =	sand.u32 $0x1FFFFF80, s31;
	s14 =	sadd.s32 s3, s14;
	s24 =	spop (v2sf);
	(v2sf) =	vpush v2, $0x8  }
0x41: {  	[tilespmem:s17], [sflag:$0x1] =	stream.strided.gather [hbm4b:s14+s10], $0x1000, s11, s10, $0x38;
	[tilespmem:$0x1CC00] =	vst v63  }
0x42: {  	s18 =	simm.s32 $0x5800;
	s0 =	sadd.s32 s2, s0;
	s19 =	sand.u32 $0x1FFFFF80, s15;
	(v2sf) =	vpush v3, $0x9  }
0x43: {  	[tilespmem:s18], [sflag:$0x1] =	stream.strided.gather [hbm4b:s0+s10], $0x1000, s11, s10, $0x38;
	(v2sf) =	vpush v3, $0x8;
	[tilespmem:$0x1CC00] =	vst v63  }
0x44: {  	s20 =	simm.s32 $0x13800;
	s0 =	sadd.s32 s3, s19  }
0x45: {  	[tilespmem:s20], [sflag:$0x1] =	stream.strided.gather [hbm4b:s0+s10], $0x1000, s11, s10, $0x38;
	[tilespmem:$0x1CC00] =	vst v63  }
0x46: {  	s26 =	spop (v2sf);
	(v2sf) =	vpush v2, $0xB  }
0x47: {  	s1 =	sand.u32 $0x1FFFFF80, s24  }
0x48: {  	s25 =	simm.s32 $0x6800;
	s1 =	sadd.s32 s2, s1;
	s29 =	spop (v2sf);
	(v2sf) =	vpush v2, $0xA  }
0x49: {  	[tilespmem:s25], [sflag:$0x1] =	stream.strided.gather [hbm4b:s1+s10], $0x1000, s11, s10, $0x38;
	[tilespmem:$0x1CC00] =	vst v63  }
0x4a: {  	s14 =	sand.u32 $0x1FFFFF80, s29;
	s15 =	spop (v2sf);
	(v2sf) =	vpush v3, $0xB  }
0x4b: {  	s30 =	simm.s32 $0x14800;
	s0 =	sand.u32 $0x1FFFFF80, s22;
	s14 =	sadd.s32 s3, s14  }
0x4c: {  	[tilespmem:s30], [sflag:$0x1] =	stream.strided.gather [hbm4b:s14+s10], $0x1000, s11, s10, $0x38;
	[tilespmem:$0x1CC00] =	vst v63  }
0x4d: {  	s31 =	simm.s32 $0x7800;
	s0 =	sadd.s32 s2, s0;
	s6 =	sand.u32 $0x1FFFFF80, s26  }
0x4e: {  	[tilespmem:s31], [sflag:$0x1] =	stream.strided.gather [hbm4b:s0+s10], $0x1000, s11, s10, $0x38;
	[tilespmem:$0x1CC00] =	vst v63  }
0x4f: {  	s14 =	simm.s32 $0x15800;
	s0 =	sadd.s32 s3, s6;
	s16 =	spop (v2sf);
	(v2sf) =	vpush v3, $0xA  }
0x50: {  	[tilespmem:s14], [sflag:$0x1] =	stream.strided.gather [hbm4b:s0+s10], $0x1000, s11, s10, $0x38;
	[tilespmem:$0x1CC00] =	vst v63  }
0x51: {  	s1 =	sand.u32 $0x1FFFFF80, s16;
	s18 =	spop (v2sf);
	(v2sf) =	vpush v2, $0xD  }
0x52: {  	s17 =	simm.s32 $0x8800;
	s1 =	sadd.s32 s2, s1;
	s19 =	spop (v2sf)  }
0x53: {  	(v2sf) =	vpush v2, $0xC;
	[tilespmem:s17], [sflag:$0x1] =	stream.strided.gather [hbm4b:s1+s10], $0x1000, s11, s10, $0x38;
	[tilespmem:$0x1CC00] =	vst v63  }
0x54: {  	s20 =	simm.s32 $0x16800;
	s14 =	sand.u32 $0x1FFFFF80, s19  }
0x55: {  	s0 =	sand.u32 $0x1FFFFF80, s15;
	s24 =	spop (v2sf);
	s14 =	sadd.s32 s3, s14  }
0x56: {  	[tilespmem:s20], [sflag:$0x1] =	stream.strided.gather [hbm4b:s14+s10], $0x1000, s11, s10, $0x38;
	[tilespmem:$0x1CC00] =	vst v63  }
0x57: {  	s22 =	simm.s32 $0x9800;
	s0 =	sadd.s32 s2, s0;
	(v2sf) =	vpush v3, $0xD;
	s25 =	spop (v2sf)  }
0x58: {  	[tilespmem:s22], [sflag:$0x1] =	stream.strided.gather [hbm4b:s0+s10], $0x1000, s11, s10, $0x38;
	[tilespmem:$0x1CC00] =	vst v63  }
0x59: {  	s1 =	sand.u32 $0x1FFFFF80, s18;
	s30 =	spop (v2sf);
	(v2sf) =	vpush v3, $0xC  }
0x5a: {  	s26 =	simm.s32 $0x17800;
	s1 =	sadd.s32 s3, s1;
	s29 =	sand.u32 $0x1FFFFF80, s25  }
0x5b: {  	[tilespmem:s26], [sflag:$0x1] =	stream.strided.gather [hbm4b:s1+s10], $0x1000, s11, s10, $0x38;
	[tilespmem:$0x1CC00] =	vst v63  }
0x5c: {  	s31 =	simm.s32 $0xA800;
	s1 =	sadd.s32 s2, s29  }
0x5d: {  	[tilespmem:s31], [sflag:$0x1] =	stream.strided.gather [hbm4b:s1+s10], $0x1000, s11, s10, $0x38;
	[tilespmem:$0x1CC00] =	vst v63  }
0x5e: {  	s15 =	spop (v2sf)  }
0x5f: {  	s6 =	simm.s32 $0x18800;
	s0 =	sand.u32 $0x1FFFFF80, s24;
	s5 =	sand.u32 $0x1FFFFF80, s15  }
0x60: {  	s0 =	sadd.s32 s2, s0;
	s16 =	spop (v2sf);
	s1 =	sadd.s32 s3, s5  }
0x61: {  	[tilespmem:s6], [sflag:$0x1] =	stream.strided.gather [hbm4b:s1+s10], $0x1000, s11, s10, $0x38;
	[tilespmem:$0x1CC00] =	vst v63  }
0x62: {  	s17 =	sand.u32 $0x1FFFFF80, s30;
	s15 =	simm.s32 $0xB800;
	s18 =	spop (v2sf)  }
0x63: {  	[tilespmem:s15], [sflag:$0x1] =	stream.strided.gather [hbm4b:s0+s10], $0x1000, s11, s10, $0x38;
	[tilespmem:$0x1CC00] =	vst v63  }
0x64: {  	s19 =	simm.s32 $0x19800;
	s1 =	sadd.s32 s3, s17;
	s20 =	sand.u32 $0x1FFFFF80, s18  }
0x65: {  	[tilespmem:s19], [sflag:$0x1] =	stream.strided.gather [hbm4b:s1+s10], $0x1000, s11, s10, $0x38;
	[tilespmem:$0x1CC00] =	vst v63  }
0x66: {  	s24 =	simm.s32 $0xC800;
	s22 =	spop (v2sf);
	s1 =	sadd.s32 s2, s20  }
0x67: {  	[tilespmem:s24], [sflag:$0x1] =	stream.strided.gather [hbm4b:s1+s10], $0x1000, s11, s10, $0x38;
	[tilespmem:$0x1CC00] =	vst v63  }
0x68: {  	s28 =	simm.s32 $0x0;
	s25 =	spop (v2sf)  }
0x69: {  	s26 =	simm.s32 $0x1A800;
	s29 =	simm.s32 $0xD800;
	s1 =	sand.u32 $0x1FFFFF80, s25  }
0x6a: {  	s31 =	simm.s32 $0x1B800;
	s0 =	sand.u32 $0x1FFFFF80, s16;
	s1 =	sadd.s32 s3, s1  }
0x6b: {  	[tilespmem:s26], [sflag:$0x1] =	stream.strided.gather [hbm4b:s1+s10], $0x1000, s11, s10, $0x38;
	[tilespmem:$0x1CC00] =	vst v63  }
0x6c: {  	s30 =	sand.u32 $0x1FFFFF80, s22;
	s0 =	sadd.s32 s2, s0;
	s24 =	simm.s32 $0x10  }
0x6d: {  	[tilespmem:s29], [sflag:$0x1] =	stream.strided.gather [hbm4b:s0+s10], $0x1000, s11, s10, $0x38;
	[tilespmem:$0x1CC00] =	vst v63  }
0x6e: {  	s25 =	simm.s32 $0x410;
	s26 =	simm.s32 $0x1C800;
	s0 =	sadd.s32 s3, s30  }
0x6f: {  	[tilespmem:s31], [sflag:$0x1] =	stream.strided.gather [hbm4b:s0+s10], $0x1000, s11, s10, $0x38;
	[tilespmem:$0x1CC00] =	vst v63  }
.LBB2_2:
0x70: {  	v2 =	vld [tilespmem:s24+$0xFFFFFFF0]  }
0x71: {  	v3 =	vld [tilespmem:s25+$0xFFFFFFF0]  }
0x72: {  	v7 =	vld [tilespmem:s24+$0x0]  }
0x73: {  	v6 =	vld [tilespmem:s25+$0x0];
	_ =	swait.ge [sflag:s21], $0x1000  }
0x74: {  	[sflag:s21] =	ssyncset.done $0x0  }
0x75: {  	[sflag:s21] =	ssyncadd.s32 $0xFFFFF000  }
0x76: {  	_ =	swait.ge [sflag:s21], $0x1000  }
0x77: {  	(v2sf) =	vpush v2, $0x0;
	_ =	sdelay $0x1  }
0x78: {  	(v2sf) =	vpush v3, $0x0;
	_ =	sdelay $0x4  }
0x79: {  	s0 =	sand.u32 $0xFFFE, s28  }
0x7a: {  	s0 =	sshrl.u32 s0, $0x1  }
0x7b: {  	s0 =	smul.u32 $0x4925, s0;
	_ =	sdelay $0x1  }
0x7c: {  	s0 =	sshrl.u32 s0, $0x11  }
0x7d: {  	s1 =	smul.u32 $0xE, s0;
	_ =	sdelay $0x1  }
0x7e: {  	s0 =	ssub.s32 s28, s1  }
0x7f: {  	s0 =	sand.u32 $0xFFFF, s0;
	s14 =	spop (v2sf)  }
0x80: {  	s0 =	sshll.u32 s0, $0xC;
	s14 =	sadd.s32 $0xFFFFFFFF, s14  }
0x81: {  	v4 =	vor.u32 s0, v0;
	s15 =	spop (v2sf);
	s14 =	sand.u32 $0x7F, s14  }
0x82: {  	v8 =	vor.u32 s0, v1;
	s15 =	sadd.s32 $0xFFFFFFFF, s15;
	v5 =	vor.u32 s14, v4  }
0x83: {  	s16 =	sand.u32 $0x7F, s15;
	v9 =	vor.u32 s14, v8  }
0x84: {  	v10 =	vor.u32 s16, v4  }
0x85: {  	[sflag:s21] =	ssyncset.done $0x0;
	v8 =	vor.u32 s16, v8  }
0x86: {  	[sflag:s21] =	ssyncadd.s32 $0xFFFFF000;
	v4 =	vadd.s32 $0xFFFFFFFF, v2  }
0x87: {  	(v2sf) =	vpush v4, $0xE;
	v2 =	vld.idx.msk [tilespmem:v5+s12+$0x0], $0xffff  }
0x88: {  	v9 =	vld.idx.msk [tilespmem:v9+s12+$0x0], $0xffff  }
0x89: {  	v10 =	vld.idx.msk [tilespmem:v10+s13+$0x0], $0xffff  }
0x8a: {  	v5 =	vadd.s32 $0xFFFFFFFF, v3;
	v8 =	vld.idx.msk [tilespmem:v8+s13+$0x0], $0xffff  }
0x8b: {  	(v2sf) =	vpush v5, $0xE;
	_ =	sdelay $0x1  }
0x8c: {  	s17 =	sor.u32 $0xE, s28  }
0x8d: {  	s18 =	sand.u32 $0xFFFE, s17  }
0x8e: {  	s14 =	sshrl.u32 s18, $0x1;
	v2 =	vmul.f32 v10, v2;
	v3 =	vmul.f32 v8, v9  }
0x8f: {  	s14 =	smul.u32 $0x4925, s14  }
0x90: {  	v2 =	vadd.f32 v3, v2  }
0x91: {  	s14 =	sshrl.u32 s14, $0x11  }
0x92: {  	s14 =	smul.u32 $0xE, s14;
	(xrf2) =	vadd.scan.msk.f32 $0xffff, v2;
	_ =	sdelay $0x1  }
0x93: {  	s0 =	ssub.s32 s17, s14  }
0x94: {  	s0 =	sand.u32 $0xFFFF, s0;
	s31 =	spop (v2sf)  }
0x95: {  	s30 =	sshll.u32 s0, $0xC;
	s19 =	sand.u32 $0xFFFFF80, s31  }
0x96: {  	s0 =	sor.u32 $0x800, s30;
	s14 =	sadd.s32 s2, s19  }
0x97: {  	[tilespmem:s0], [sflag:$0x1] =	stream.strided.gather [hbm4b:s14+s10], $0x1000, s11, s10, $0x38;
	[tilespmem:$0x1CC00] =	vst v63  }
0x98: {  	s0 =	spop (v2sf)  }
0x99: {  	s20 =	sand.u32 $0xFFFFF80, s0  }
0x9a: {  	s22 =	sadd.s32 $0xE800, s30;
	s14 =	sadd.s32 s3, s20  }
0x9b: {  	[tilespmem:s22], [sflag:$0x1] =	stream.strided.gather [hbm4b:s14+s10], $0x1000, s11, s10, $0x38;
	v2, _, _ =	vpop (xrf2);
	[tilespmem:$0x1CC00] =	vst v63  }
0x9c: {  	_ =	swait.ge [sflag:s21], $0x1000  }
0x9d: {  	[sflag:s21] =	ssyncset.done $0x0  }
0x9e: {  	[sflag:s21] =	ssyncadd.s32 $0xFFFFF000  }
0x9f: {  	_ =	swait.ge [sflag:s21], $0x1000  }
0xa0: {  	(v2sf) =	vpush v4, $0x2  }
0xa1: {  	(v2sf) =	vpush v4, $0x1  }
0xa2: {  	(v2sf) =	vpush v5, $0x2  }
0xa3: {  	(v2sf) =	vpush v5, $0x1;
	_ =	sdelay $0x9  }
0xa4: {  	s29 =	sor.u32 $0x1, s28  }
0xa5: {  	s1 =	ssub.s32 s29, s1  }
0xa6: {  	s1 =	sand.u32 $0xFFFF, s1;
	s16 =	spop (v2sf)  }
0xa7: {  	s1 =	sshll.u32 s1, $0xC;
	s5 =	spop (v2sf)  }
0xa8: {  	v3 =	vor.u32 s1, v0;
	s17 =	spop (v2sf);
	s14 =	sand.u32 $0x7F, s5  }
0xa9: {  	v37 =	vor.u32 s1, v1;
	(v2sf) =	vpush v4, $0xF;
	s6 =	spop (v2sf);
	v36 =	vor.u32 s14, v3  }
0xaa: {  	v38 =	vor.u32 s14, v37;
	s18 =	sand.u32 $0x7F, s6  }
0xab: {  	v3 =	vor.u32 s18, v3  }
0xac: {  	[sflag:s21] =	ssyncset.done $0x0;
	v9 =	vor.u32 s18, v37  }
0xad: {  	[sflag:s21] =	ssyncadd.s32 $0xFFFFF000  }
0xae: {  	v8 =	vld.idx.msk [tilespmem:v36+s12+$0x0], $0xffff  }
0xaf: {  	s19 =	sor.u32 $0xF, s28;
	(v2sf) =	vpush v5, $0xF;
	v10 =	vld.idx.msk [tilespmem:v38+s12+$0x0], $0xffff  }
0xb0: {  	s20 =	sand.u32 $0xFFFE, s19;
	v3 =	vld.idx.msk [tilespmem:v3+s13+$0x0], $0xffff  }
0xb1: {  	s14 =	sshrl.u32 s20, $0x1;
	v9 =	vld.idx.msk [tilespmem:v9+s13+$0x0], $0xffff  }
0xb2: {  	s14 =	smul.u32 $0x4925, s14;
	_ =	sdelay $0x1  }
0xb3: {  	s14 =	sshrl.u32 s14, $0x11  }
0xb4: {  	s14 =	smul.u32 $0xE, s14  }
0xb5: {  	v3 =	vmul.f32 v3, v8;
	v39 =	vmul.f32 v9, v10  }
0xb6: {  	s1 =	ssub.s32 s19, s14  }
0xb7: {  	s1 =	sand.u32 $0xFFFF, s1;
	s14 =	spop (v2sf);
	v3 =	vadd.f32 v39, v3  }
0xb8: {  	s5 =	sor.u32 $0x2, s28;
	s1 =	sshll.u32 s1, $0xC;
	s22 =	sand.u32 $0xFFFFF80, s14  }
0xb9: {  	s6 =	sand.u32 $0xFFFE, s5;
	s29 =	sor.u32 $0x800, s1;
	s15 =	sadd.s32 s2, s22;
	(xrf2) =	vadd.scan.msk.f32 $0xffff, v3  }
0xba: {  	[tilespmem:s29], [sflag:$0x1] =	stream.strided.gather [hbm4b:s15+s10], $0x1000, s11, s10, $0x38;
	[tilespmem:$0x1CC00] =	vst v63  }
0xbb: {  	s15 =	sshrl.u32 s6, $0x1  }
0xbc: {  	s18 =	smul.u32 $0x4925, s15  }
0xbd: {  	s15 =	spop (v2sf)  }
0xbe: {  	s19 =	sand.u32 $0xFFFFF80, s15;
	s18 =	sshrl.u32 s18, $0x11  }
0xbf: {  	s20 =	sadd.s32 $0xE800, s1;
	s19 =	sadd.s32 s3, s19;
	s18 =	smul.u32 $0xE, s18  }
0xc0: {  	[tilespmem:s20], [sflag:$0x1] =	stream.strided.gather [hbm4b:s19+s10], $0x1000, s11, s10, $0x38;
	[tilespmem:$0x1CC00] =	vst v63  }
0xc1: {  	s18 =	ssub.s32 s5, s18  }
0xc2: {  	s18 =	sand.u32 $0xFFFF, s18  }
0xc3: {  	s18 =	sshll.u32 s18, $0xC;
	v3, _, _ =	vpop (xrf2)  }
0xc4: {  	s16 =	sand.u32 $0x7F, s16;
	v40 =	vor.u32 s18, v0;
	_ =	swait.ge [sflag:s21], $0x1000  }
0xc5: {  	v42 =	vor.u32 s18, v1;
	v41 =	vor.u32 s16, v40;
	[sflag:s21] =	ssyncset.done $0x0  }
0xc6: {  	s17 =	sand.u32 $0x7F, s17;
	v11 =	vor.u32 s16, v42;
	[sflag:s21] =	ssyncadd.s32 $0xFFFFF000  }
0xc7: {  	v7 =	vadd.s32 $0xFFFFFFFF, v7;
	v8 =	vor.u32 s17, v40;
	_ =	swait.ge [sflag:s21], $0x1000  }
0xc8: {  	v10 =	vor.u32 s17, v42;
	[sflag:s21] =	ssyncset.done $0x0;
	(v2sf) =	vpush v7, $0x1  }
0xc9: {  	[sflag:s21] =	ssyncadd.s32 $0xFFFFF000;
	(v2sf) =	vpush v7, $0x0  }
0xca: {  	v9 =	vld.idx.msk [tilespmem:v41+s12+$0x0], $0xffff  }
0xcb: {  	v11 =	vld.idx.msk [tilespmem:v11+s12+$0x0], $0xffff  }
0xcc: {  	v12 =	vld.idx.msk [tilespmem:v8+s13+$0x0], $0xffff;
	v8 =	vadd.s32 $0xFFFFFFFF, v6  }
0xcd: {  	v43 =	vld.idx.msk [tilespmem:v10+s13+$0x0], $0xffff;
	(v2sf) =	vpush v8, $0x1  }
0xce: {  	(v2sf) =	vpush v8, $0x0;
	_ =	sdelay $0x1  }
0xcf: {  	s29 =	sadd.s32 $0x10, s28  }
0xd0: {  	s17 =	sand.u32 $0xFFFE, s29  }
0xd1: {  	s16 =	sshrl.u32 s17, $0x1;
	v9 =	vmul.f32 v12, v9;
	v6 =	vmul.f32 v43, v11  }
0xd2: {  	s16 =	smul.u32 $0x4925, s16  }
0xd3: {  	v6 =	vadd.f32 v6, v9  }
0xd4: {  	s16 =	sshrl.u32 s16, $0x10  }
0xd5: {  	s16 =	sand.u32 $0xE, s16;
	(xrf2) =	vadd.scan.msk.f32 $0xffff, v6  }
0xd6: {  	s18 =	sadd.s32 s16, s29;
	s16 =	spop (v2sf)  }
0xd7: {  	s17 =	sshll.u32 s18, $0xC;
	s19 =	spop (v2sf)  }
0xd8: {  	s20 =	sand.u32 $0xF000, s17;
	s22 =	sand.u32 $0x1FFFFF80, s19  }
0xd9: {  	s5 =	sor.u32 $0x800, s20;
	s17 =	sadd.s32 s2, s22  }
0xda: {  	[tilespmem:s5], [sflag:$0x1] =	stream.strided.gather [hbm4b:s17+s10], $0x1000, s11, s10, $0x38;
	[tilespmem:$0x1CC00] =	vst v63  }
0xdb: {  	s17 =	spop (v2sf)  }
0xdc: {  	s6 =	spop (v2sf)  }
0xdd: {  	s18 =	sand.u32 $0x1FFFFF80, s6  }
0xde: {  	s19 =	sadd.s32 $0xE800, s20;
	s18 =	sadd.s32 s3, s18  }
0xdf: {  	v6, _, _ =	vpop (xrf2);
	[tilespmem:s19], [sflag:$0x1] =	stream.strided.gather [hbm4b:s18+s10], $0x1000, s11, s10, $0x38;
	[tilespmem:$0x1CC00] =	vst v63  }
0xe0: {  	_ =	swait.ge [sflag:s21], $0x1000  }
0xe1: {  	[sflag:s21] =	ssyncset.done $0x0  }
0xe2: {  	[sflag:s21] =	ssyncadd.s32 $0xFFFFF000  }
0xe3: {  	_ =	swait.ge [sflag:s21], $0x1000  }
0xe4: {  	(v2sf) =	vpush v4, $0x4  }
0xe5: {  	(v2sf) =	vpush v4, $0x3  }
0xe6: {  	(v2sf) =	vpush v5, $0x4  }
0xe7: {  	(v2sf) =	vpush v5, $0x3;
	_ =	sdelay $0x2  }
0xe8: {  	s20 =	sor.u32 $0x3, s28  }
0xe9: {  	s22 =	sand.u32 $0xFFFE, s20  }
0xea: {  	s19 =	sshrl.u32 s22, $0x1  }
0xeb: {  	s19 =	smul.u32 $0x4925, s19;
	_ =	sdelay $0x1  }
0xec: {  	s19 =	sshrl.u32 s19, $0x11  }
0xed: {  	s19 =	smul.u32 $0xE, s19;
	_ =	sdelay $0x1  }
0xee: {  	s18 =	ssub.s32 s20, s19  }
0xef: {  	s18 =	sand.u32 $0xFFFF, s18;
	s19 =	spop (v2sf)  }
0xf0: {  	s18 =	sshll.u32 s18, $0xC;
	s5 =	spop (v2sf)  }
0xf1: {  	v44 =	vor.u32 s18, v0;
	s22 =	spop (v2sf);
	s20 =	sand.u32 $0x7F, s5  }
0xf2: {  	v46 =	vor.u32 s18, v1;
	s5 =	spop (v2sf);
	v45 =	vor.u32 s20, v44  }
0xf3: {  	v47 =	vor.u32 s20, v46;
	s5 =	sand.u32 $0x7F, s5  }
0xf4: {  	v9 =	vor.u32 s5, v44  }
0xf5: {  	[sflag:s21] =	ssyncset.done $0x0;
	v11 =	vor.u32 s5, v46  }
0xf6: {  	[sflag:s21] =	ssyncadd.s32 $0xFFFFF000  }
0xf7: {  	v10 =	vld.idx.msk [tilespmem:v45+s12+$0x0], $0xffff  }
0xf8: {  	v12 =	vld.idx.msk [tilespmem:v47+s12+$0x0], $0xffff  }
0xf9: {  	v9 =	vld.idx.msk [tilespmem:v9+s13+$0x0], $0xffff  }
0xfa: {  	v11 =	vld.idx.msk [tilespmem:v11+s13+$0x0], $0xffff;
	_ =	sdelay $0x1  }
0xfb: {  	s6 =	sadd.s32 $0x11, s28  }
0xfc: {  	s20 =	sand.u32 $0xFFFE, s6  }
0xfd: {  	s18 =	sshrl.u32 s20, $0x1  }
0xfe: {  	s18 =	smul.u32 $0x4925, s18;
	v9 =	vmul.f32 v9, v10;
	v48 =	vmul.f32 v11, v12;
	_ =	sdelay $0x1  }
0xff: {  	s18 =	sshrl.u32 s18, $0x10;
	v9 =	vadd.f32 v48, v9  }
0x100: {  	s18 =	sand.u32 $0xE, s18  }
0x101: {  	s5 =	sadd.s32 s18, s6;
	s18 =	sor.u32 $0x4, s28;
	(xrf2) =	vadd.scan.msk.f32 $0xffff, v9  }
0x102: {  	s5 =	sshll.u32 s5, $0xC;
	s6 =	sand.u32 $0xFFFE, s18  }
0x103: {  	s16 =	sand.u32 $0x1FFFFF80, s16;
	s5 =	sand.u32 $0xF000, s5;
	s20 =	sshrl.u32 s6, $0x1  }
0x104: {  	s16 =	sadd.s32 s2, s16;
	s6 =	sor.u32 $0x800, s5;
	s20 =	smul.u32 $0x4925, s20  }
0x105: {  	[tilespmem:s6], [sflag:$0x1] =	stream.strided.gather [hbm4b:s16+s10], $0x1000, s11, s10, $0x38;
	[tilespmem:$0x1CC00] =	vst v63  }
0x106: {  	s16 =	sand.u32 $0x1FFFFF80, s17;
	s17 =	sshrl.u32 s20, $0x11  }
0x107: {  	s5 =	sadd.s32 $0xE800, s5;
	s6 =	sadd.s32 s3, s16;
	s16 =	smul.u32 $0xE, s17  }
0x108: {  	[tilespmem:s5], [sflag:$0x1] =	stream.strided.gather [hbm4b:s6+s10], $0x1000, s11, s10, $0x38;
	[tilespmem:$0x1CC00] =	vst v63  }
0x109: {  	s18 =	ssub.s32 s18, s16  }
0x10a: {  	s5 =	sand.u32 $0xFFFF, s18  }
0x10b: {  	s5 =	sshll.u32 s5, $0xC;
	v9, _, _ =	vpop (xrf2)  }
0x10c: {  	s20 =	sand.u32 $0x7F, s19;
	v49 =	vor.u32 s5, v0;
	_ =	swait.ge [sflag:s21], $0x1000  }
0x10d: {  	v51 =	vor.u32 s5, v1;
	v50 =	vor.u32 s20, v49;
	[sflag:s21] =	ssyncset.done $0x0  }
0x10e: {  	s16 =	sand.u32 $0x7F, s22;
	v13 =	vor.u32 s20, v51;
	[sflag:s21] =	ssyncadd.s32 $0xFFFFF000  }
0x10f: {  	v10 =	vor.u32 s16, v49;
	_ =	swait.ge [sflag:s21], $0x1000  }
0x110: {  	v12 =	vor.u32 s16, v51;
	[sflag:s21] =	ssyncset.done $0x0  }
0x111: {  	[sflag:s21] =	ssyncadd.s32 $0xFFFFF000  }
0x112: {  	(v2sf) =	vpush v7, $0x3;
	v11 =	vld.idx.msk [tilespmem:v50+s12+$0x0], $0xffff  }
0x113: {  	(v2sf) =	vpush v7, $0x2;
	v13 =	vld.idx.msk [tilespmem:v13+s12+$0x0], $0xffff  }
0x114: {  	v10 =	vld.idx.msk [tilespmem:v10+s13+$0x0], $0xffff;
	(v2sf) =	vpush v8, $0x3  }
0x115: {  	v12 =	vld.idx.msk [tilespmem:v12+s13+$0x0], $0xffff;
	(v2sf) =	vpush v8, $0x2;
	_ =	sdelay $0x4  }
0x116: {  	s17 =	sadd.s32 $0x12, s28;
	v10 =	vmul.f32 v10, v11;
	v52 =	vmul.f32 v12, v13  }
0x117: {  	s18 =	sand.u32 $0xFFFE, s17  }
0x118: {  	s6 =	sshrl.u32 s18, $0x1;
	v10 =	vadd.f32 v52, v10  }
0x119: {  	s6 =	smul.u32 $0x4925, s6  }
0x11a: {  	(xrf2) =	vadd.scan.msk.f32 $0xffff, v10  }
0x11b: {  	s6 =	sshrl.u32 s6, $0x10  }
0x11c: {  	s6 =	sand.u32 $0xE, s6  }
0x11d: {  	s5 =	sadd.s32 s6, s17;
	s16 =	spop (v2sf)  }
0x11e: {  	s5 =	sshll.u32 s5, $0xC;
	s19 =	spop (v2sf)  }
0x11f: {  	s5 =	sand.u32 $0xF000, s5;
	s6 =	sand.u32 $0x1FFFFF80, s19;
	s17 =	spop (v2sf)  }
0x120: {  	s20 =	sor.u32 $0x800, s5;
	s6 =	sadd.s32 s2, s6;
	s22 =	spop (v2sf)  }
0x121: {  	[tilespmem:s20], [sflag:$0x1] =	stream.strided.gather [hbm4b:s6+s10], $0x1000, s11, s10, $0x38;
	[tilespmem:$0x1CC00] =	vst v63  }
0x122: {  	s6 =	sand.u32 $0x1FFFFF80, s22  }
0x123: {  	s5 =	sadd.s32 $0xE800, s5;
	s6 =	sadd.s32 s3, s6  }
0x124: {  	v10, _, _ =	vpop (xrf2);
	[tilespmem:s5], [sflag:$0x1] =	stream.strided.gather [hbm4b:s6+s10], $0x1000, s11, s10, $0x38;
	[tilespmem:$0x1CC00] =	vst v63  }
0x125: {  	_ =	swait.ge [sflag:s21], $0x1000  }
0x126: {  	[sflag:s21] =	ssyncset.done $0x0  }
0x127: {  	[sflag:s21] =	ssyncadd.s32 $0xFFFFF000  }
0x128: {  	_ =	swait.ge [sflag:s21], $0x1000  }
0x129: {  	(v2sf) =	vpush v4, $0x6  }
0x12a: {  	(v2sf) =	vpush v4, $0x5  }
0x12b: {  	(v2sf) =	vpush v5, $0x6  }
0x12c: {  	(v2sf) =	vpush v5, $0x5;
	_ =	sdelay $0x2  }
0x12d: {  	s18 =	sor.u32 $0x5, s28  }
0x12e: {  	s19 =	sand.u32 $0xFFFE, s18  }
0x12f: {  	s6 =	sshrl.u32 s19, $0x1  }
0x130: {  	s6 =	smul.u32 $0x4925, s6;
	_ =	sdelay $0x1  }
0x131: {  	s6 =	sshrl.u32 s6, $0x11  }
0x132: {  	s6 =	smul.u32 $0xE, s6;
	_ =	sdelay $0x1  }
0x133: {  	s5 =	ssub.s32 s18, s6  }
0x134: {  	s5 =	sand.u32 $0xFFFF, s5;
	s6 =	spop (v2sf)  }
0x135: {  	s5 =	sshll.u32 s5, $0xC;
	s20 =	spop (v2sf)  }
0x136: {  	v53 =	vor.u32 s5, v0;
	s19 =	spop (v2sf);
	s18 =	sand.u32 $0x7F, s20  }
0x137: {  	v55 =	vor.u32 s5, v1;
	s22 =	spop (v2sf);
	v54 =	vor.u32 s18, v53  }
0x138: {  	v14 =	vor.u32 s18, v55;
	s20 =	sand.u32 $0x7F, s22  }
0x139: {  	v11 =	vor.u32 s20, v53  }
0x13a: {  	[sflag:s21] =	ssyncset.done $0x0;
	v13 =	vor.u32 s20, v55  }
0x13b: {  	[sflag:s21] =	ssyncadd.s32 $0xFFFFF000  }
0x13c: {  	v12 =	vld.idx.msk [tilespmem:v54+s12+$0x0], $0xffff  }
0x13d: {  	v14 =	vld.idx.msk [tilespmem:v14+s12+$0x0], $0xffff  }
0x13e: {  	v11 =	vld.idx.msk [tilespmem:v11+s13+$0x0], $0xffff  }
0x13f: {  	v13 =	vld.idx.msk [tilespmem:v13+s13+$0x0], $0xffff;
	_ =	sdelay $0x1  }
0x140: {  	s22 =	sadd.s32 $0x13, s28  }
0x141: {  	s20 =	sand.u32 $0xFFFE, s22  }
0x142: {  	s18 =	sshrl.u32 s20, $0x1  }
0x143: {  	s18 =	smul.u32 $0x4925, s18;
	v11 =	vmul.f32 v11, v12;
	v56 =	vmul.f32 v13, v14;
	_ =	sdelay $0x1  }
0x144: {  	s18 =	sshrl.u32 s18, $0x10;
	v11 =	vadd.f32 v56, v11  }
0x145: {  	s18 =	sand.u32 $0xE, s18  }
0x146: {  	s5 =	sadd.s32 s18, s22;
	s18 =	sor.u32 $0x6, s28;
	(xrf2) =	vadd.scan.msk.f32 $0xffff, v11  }
0x147: {  	s5 =	sshll.u32 s5, $0xC;
	s22 =	sand.u32 $0xFFFE, s18  }
0x148: {  	s16 =	sand.u32 $0x1FFFFF80, s16;
	s5 =	sand.u32 $0xF000, s5;
	s20 =	sshrl.u32 s22, $0x1  }
0x149: {  	s16 =	sadd.s32 s2, s16;
	s22 =	sor.u32 $0x800, s5;
	s20 =	smul.u32 $0x4925, s20  }
0x14a: {  	[tilespmem:s22], [sflag:$0x1] =	stream.strided.gather [hbm4b:s16+s10], $0x1000, s11, s10, $0x38;
	[tilespmem:$0x1CC00] =	vst v63  }
0x14b: {  	s17 =	sand.u32 $0x1FFFFF80, s17;
	s20 =	sshrl.u32 s20, $0x11  }
0x14c: {  	s5 =	sadd.s32 $0xE800, s5;
	s16 =	sadd.s32 s3, s17;
	s17 =	smul.u32 $0xE, s20  }
0x14d: {  	[tilespmem:s5], [sflag:$0x1] =	stream.strided.gather [hbm4b:s16+s10], $0x1000, s11, s10, $0x38;
	[tilespmem:$0x1CC00] =	vst v63  }
0x14e: {  	s22 =	ssub.s32 s18, s17  }
0x14f: {  	s5 =	sand.u32 $0xFFFF, s22  }
0x150: {  	s5 =	sshll.u32 s5, $0xC;
	v11, _, _ =	vpop (xrf2)  }
0x151: {  	s6 =	sand.u32 $0x7F, s6;
	v57 =	vor.u32 s5, v0;
	_ =	swait.ge [sflag:s21], $0x1000  }
0x152: {  	v59 =	vor.u32 s5, v1;
	v58 =	vor.u32 s6, v57;
	[sflag:s21] =	ssyncset.done $0x0  }
0x153: {  	s16 =	sand.u32 $0x7F, s19;
	v15 =	vor.u32 s6, v59;
	[sflag:s21] =	ssyncadd.s32 $0xFFFFF000  }
0x154: {  	v12 =	vor.u32 s16, v57;
	_ =	swait.ge [sflag:s21], $0x1000  }
0x155: {  	v14 =	vor.u32 s16, v59;
	[sflag:s21] =	ssyncset.done $0x0  }
0x156: {  	[sflag:s21] =	ssyncadd.s32 $0xFFFFF000  }
0x157: {  	(v2sf) =	vpush v7, $0x5;
	v13 =	vld.idx.msk [tilespmem:v58+s12+$0x0], $0xffff  }
0x158: {  	(v2sf) =	vpush v7, $0x4;
	v15 =	vld.idx.msk [tilespmem:v15+s12+$0x0], $0xffff  }
0x159: {  	v12 =	vld.idx.msk [tilespmem:v12+s13+$0x0], $0xffff;
	(v2sf) =	vpush v8, $0x5  }
0x15a: {  	v14 =	vld.idx.msk [tilespmem:v14+s13+$0x0], $0xffff;
	(v2sf) =	vpush v8, $0x4;
	_ =	sdelay $0x4  }
0x15b: {  	s17 =	sadd.s32 $0x14, s28;
	v12 =	vmul.f32 v12, v13;
	v60 =	vmul.f32 v14, v15  }
0x15c: {  	s18 =	sand.u32 $0xFFFE, s17  }
0x15d: {  	s6 =	sshrl.u32 s18, $0x1;
	v12 =	vadd.f32 v60, v12  }
0x15e: {  	s6 =	smul.u32 $0x4925, s6  }
0x15f: {  	(xrf2) =	vadd.scan.msk.f32 $0xffff, v12  }
0x160: {  	s6 =	sshrl.u32 s6, $0x10  }
0x161: {  	s6 =	sand.u32 $0xE, s6  }
0x162: {  	s5 =	sadd.s32 s6, s17;
	s16 =	spop (v2sf)  }
0x163: {  	s5 =	sshll.u32 s5, $0xC;
	s19 =	spop (v2sf)  }
0x164: {  	s5 =	sand.u32 $0xF000, s5;
	s6 =	sand.u32 $0x1FFFFF80, s19;
	s17 =	spop (v2sf)  }
0x165: {  	s20 =	sor.u32 $0x800, s5;
	s6 =	sadd.s32 s2, s6;
	s22 =	spop (v2sf)  }
0x166: {  	[tilespmem:s20], [sflag:$0x1] =	stream.strided.gather [hbm4b:s6+s10], $0x1000, s11, s10, $0x38;
	[tilespmem:$0x1CC00] =	vst v63  }
0x167: {  	s6 =	sand.u32 $0x1FFFFF80, s22  }
0x168: {  	s5 =	sadd.s32 $0xE800, s5;
	s6 =	sadd.s32 s3, s6  }
0x169: {  	v12, _, _ =	vpop (xrf2);
	[tilespmem:s5], [sflag:$0x1] =	stream.strided.gather [hbm4b:s6+s10], $0x1000, s11, s10, $0x38;
	[tilespmem:$0x1CC00] =	vst v63  }
0x16a: {  	_ =	swait.ge [sflag:s21], $0x1000  }
0x16b: {  	[sflag:s21] =	ssyncset.done $0x0  }
0x16c: {  	[sflag:s21] =	ssyncadd.s32 $0xFFFFF000  }
0x16d: {  	_ =	swait.ge [sflag:s21], $0x1000  }
0x16e: {  	(v2sf) =	vpush v4, $0x8  }
0x16f: {  	(v2sf) =	vpush v4, $0x7  }
0x170: {  	(v2sf) =	vpush v5, $0x8  }
0x171: {  	(v2sf) =	vpush v5, $0x7;
	_ =	sdelay $0x2  }
0x172: {  	s18 =	sor.u32 $0x7, s28  }
0x173: {  	s19 =	sand.u32 $0xFFFE, s18  }
0x174: {  	s6 =	sshrl.u32 s19, $0x1  }
0x175: {  	s6 =	smul.u32 $0x4925, s6;
	_ =	sdelay $0x1  }
0x176: {  	s6 =	sshrl.u32 s6, $0x11  }
0x177: {  	s6 =	smul.u32 $0xE, s6;
	_ =	sdelay $0x1  }
0x178: {  	s5 =	ssub.s32 s18, s6  }
0x179: {  	s5 =	sand.u32 $0xFFFF, s5;
	s6 =	spop (v2sf)  }
0x17a: {  	s5 =	sshll.u32 s5, $0xC;
	s20 =	spop (v2sf)  }
0x17b: {  	v61 =	vor.u32 s5, v0;
	s19 =	spop (v2sf);
	s18 =	sand.u32 $0x7F, s20  }
0x17c: {  	v63 =	vor.u32 s5, v1;
	s22 =	spop (v2sf);
	v62 =	vor.u32 s18, v61  }
0x17d: {  	v16 =	vor.u32 s18, v63;
	s20 =	sand.u32 $0x7F, s22  }
0x17e: {  	v13 =	vor.u32 s20, v61  }
0x17f: {  	[sflag:s21] =	ssyncset.done $0x0;
	v15 =	vor.u32 s20, v63  }
0x180: {  	[sflag:s21] =	ssyncadd.s32 $0xFFFFF000  }
0x181: {  	v14 =	vld.idx.msk [tilespmem:v62+s12+$0x0], $0xffff  }
0x182: {  	v16 =	vld.idx.msk [tilespmem:v16+s12+$0x0], $0xffff  }
0x183: {  	v13 =	vld.idx.msk [tilespmem:v13+s13+$0x0], $0xffff  }
0x184: {  	v15 =	vld.idx.msk [tilespmem:v15+s13+$0x0], $0xffff;
	_ =	sdelay $0x1  }
0x185: {  	s22 =	sadd.s32 $0x15, s28  }
0x186: {  	s20 =	sand.u32 $0xFFFE, s22  }
0x187: {  	s18 =	sshrl.u32 s20, $0x1  }
0x188: {  	s18 =	smul.u32 $0x4925, s18;
	v13 =	vmul.f32 v13, v14;
	v19 =	vmul.f32 v15, v16;
	_ =	sdelay $0x1  }
0x189: {  	s18 =	sshrl.u32 s18, $0x10;
	v13 =	vadd.f32 v19, v13  }
0x18a: {  	s18 =	sand.u32 $0xE, s18  }
0x18b: {  	s5 =	sadd.s32 s18, s22;
	s18 =	sor.u32 $0x8, s28;
	(xrf2) =	vadd.scan.msk.f32 $0xffff, v13  }
0x18c: {  	s5 =	sshll.u32 s5, $0xC;
	s22 =	sand.u32 $0xFFFE, s18  }
0x18d: {  	s16 =	sand.u32 $0x1FFFFF80, s16;
	s5 =	sand.u32 $0xF000, s5;
	s20 =	sshrl.u32 s22, $0x1  }
0x18e: {  	s16 =	sadd.s32 s2, s16;
	s22 =	sor.u32 $0x800, s5;
	s20 =	smul.u32 $0x4925, s20  }
0x18f: {  	[tilespmem:s22], [sflag:$0x1] =	stream.strided.gather [hbm4b:s16+s10], $0x1000, s11, s10, $0x38;
	[tilespmem:$0x1CC00] =	vst v63  }
0x190: {  	s17 =	sand.u32 $0x1FFFFF80, s17;
	s20 =	sshrl.u32 s20, $0x11  }
0x191: {  	s5 =	sadd.s32 $0xE800, s5;
	s16 =	sadd.s32 s3, s17;
	s17 =	smul.u32 $0xE, s20  }
0x192: {  	[tilespmem:s5], [sflag:$0x1] =	stream.strided.gather [hbm4b:s16+s10], $0x1000, s11, s10, $0x38;
	[tilespmem:$0x1CC00] =	vst v63  }
0x193: {  	s22 =	ssub.s32 s18, s17  }
0x194: {  	s5 =	sand.u32 $0xFFFF, s22  }
0x195: {  	s5 =	sshll.u32 s5, $0xC;
	v13, _, _ =	vpop (xrf2)  }
0x196: {  	s6 =	sand.u32 $0x7F, s6;
	v20 =	vor.u32 s5, v0;
	_ =	swait.ge [sflag:s21], $0x1000  }
0x197: {  	v22 =	vor.u32 s5, v1;
	v21 =	vor.u32 s6, v20;
	[sflag:s21] =	ssyncset.done $0x0  }
0x198: {  	s16 =	sand.u32 $0x7F, s19;
	v17 =	vor.u32 s6, v22;
	[sflag:s21] =	ssyncadd.s32 $0xFFFFF000  }
0x199: {  	v14 =	vor.u32 s16, v20;
	_ =	swait.ge [sflag:s21], $0x1000  }
0x19a: {  	v16 =	vor.u32 s16, v22;
	[sflag:s21] =	ssyncset.done $0x0  }
0x19b: {  	[sflag:s21] =	ssyncadd.s32 $0xFFFFF000  }
0x19c: {  	(v2sf) =	vpush v7, $0x7;
	v15 =	vld.idx.msk [tilespmem:v21+s12+$0x0], $0xffff  }
0x19d: {  	(v2sf) =	vpush v7, $0x6;
	v17 =	vld.idx.msk [tilespmem:v17+s12+$0x0], $0xffff  }
0x19e: {  	v14 =	vld.idx.msk [tilespmem:v14+s13+$0x0], $0xffff;
	(v2sf) =	vpush v8, $0x7  }
0x19f: {  	v16 =	vld.idx.msk [tilespmem:v16+s13+$0x0], $0xffff;
	(v2sf) =	vpush v8, $0x6;
	_ =	sdelay $0x4  }
0x1a0: {  	s17 =	sadd.s32 $0x16, s28;
	v14 =	vmul.f32 v14, v15;
	v23 =	vmul.f32 v16, v17  }
0x1a1: {  	s18 =	sand.u32 $0xFFFE, s17  }
0x1a2: {  	s6 =	sshrl.u32 s18, $0x1;
	v14 =	vadd.f32 v23, v14  }
0x1a3: {  	s6 =	smul.u32 $0x4925, s6  }
0x1a4: {  	(xrf2) =	vadd.scan.msk.f32 $0xffff, v14  }
0x1a5: {  	s6 =	sshrl.u32 s6, $0x10  }
0x1a6: {  	s6 =	sand.u32 $0xE, s6  }
0x1a7: {  	s5 =	sadd.s32 s6, s17;
	s16 =	spop (v2sf)  }
0x1a8: {  	s5 =	sshll.u32 s5, $0xC;
	s19 =	spop (v2sf)  }
0x1a9: {  	s5 =	sand.u32 $0xF000, s5;
	s6 =	sand.u32 $0x1FFFFF80, s19;
	s17 =	spop (v2sf)  }
0x1aa: {  	s20 =	sor.u32 $0x800, s5;
	s6 =	sadd.s32 s2, s6;
	s22 =	spop (v2sf)  }
0x1ab: {  	[tilespmem:s20], [sflag:$0x1] =	stream.strided.gather [hbm4b:s6+s10], $0x1000, s11, s10, $0x38;
	[tilespmem:$0x1CC00] =	vst v63  }
0x1ac: {  	s6 =	sand.u32 $0x1FFFFF80, s22  }
0x1ad: {  	s5 =	sadd.s32 $0xE800, s5;
	s6 =	sadd.s32 s3, s6  }
0x1ae: {  	v14, _, _ =	vpop (xrf2);
	[tilespmem:s5], [sflag:$0x1] =	stream.strided.gather [hbm4b:s6+s10], $0x1000, s11, s10, $0x38;
	[tilespmem:$0x1CC00] =	vst v63  }
0x1af: {  	_ =	swait.ge [sflag:s21], $0x1000  }
0x1b0: {  	[sflag:s21] =	ssyncset.done $0x0  }
0x1b1: {  	[sflag:s21] =	ssyncadd.s32 $0xFFFFF000  }
0x1b2: {  	_ =	swait.ge [sflag:s21], $0x1000  }
0x1b3: {  	(v2sf) =	vpush v4, $0xA  }
0x1b4: {  	(v2sf) =	vpush v4, $0x9  }
0x1b5: {  	(v2sf) =	vpush v5, $0xA  }
0x1b6: {  	(v2sf) =	vpush v5, $0x9;
	_ =	sdelay $0x2  }
0x1b7: {  	s18 =	sor.u32 $0x9, s28  }
0x1b8: {  	s19 =	sand.u32 $0xFFFE, s18  }
0x1b9: {  	s6 =	sshrl.u32 s19, $0x1  }
0x1ba: {  	s6 =	smul.u32 $0x4925, s6;
	_ =	sdelay $0x1  }
0x1bb: {  	s6 =	sshrl.u32 s6, $0x11  }
0x1bc: {  	s6 =	smul.u32 $0xE, s6;
	_ =	sdelay $0x1  }
0x1bd: {  	s5 =	ssub.s32 s18, s6  }
0x1be: {  	s5 =	sand.u32 $0xFFFF, s5;
	s6 =	spop (v2sf)  }
0x1bf: {  	s5 =	sshll.u32 s5, $0xC;
	s20 =	spop (v2sf)  }
0x1c0: {  	v24 =	vor.u32 s5, v0;
	s19 =	spop (v2sf);
	s18 =	sand.u32 $0x7F, s20  }
0x1c1: {  	v26 =	vor.u32 s5, v1;
	s22 =	spop (v2sf);
	v25 =	vor.u32 s18, v24  }
0x1c2: {  	v18 =	vor.u32 s18, v26;
	s20 =	sand.u32 $0x7F, s22  }
0x1c3: {  	v15 =	vor.u32 s20, v24  }
0x1c4: {  	[sflag:s21] =	ssyncset.done $0x0;
	v17 =	vor.u32 s20, v26  }
0x1c5: {  	[sflag:s21] =	ssyncadd.s32 $0xFFFFF000  }
0x1c6: {  	v16 =	vld.idx.msk [tilespmem:v25+s12+$0x0], $0xffff  }
0x1c7: {  	v18 =	vld.idx.msk [tilespmem:v18+s12+$0x0], $0xffff  }
0x1c8: {  	v15 =	vld.idx.msk [tilespmem:v15+s13+$0x0], $0xffff  }
0x1c9: {  	v17 =	vld.idx.msk [tilespmem:v17+s13+$0x0], $0xffff;
	_ =	sdelay $0x1  }
0x1ca: {  	s22 =	sadd.s32 $0x17, s28  }
0x1cb: {  	s20 =	sand.u32 $0xFFFE, s22  }
0x1cc: {  	s18 =	sshrl.u32 s20, $0x1  }
0x1cd: {  	s18 =	smul.u32 $0x4925, s18;
	v15 =	vmul.f32 v15, v16;
	v27 =	vmul.f32 v17, v18;
	_ =	sdelay $0x1  }
0x1ce: {  	s18 =	sshrl.u32 s18, $0x10;
	v15 =	vadd.f32 v27, v15  }
0x1cf: {  	s18 =	sand.u32 $0xE, s18  }
0x1d0: {  	s5 =	sadd.s32 s18, s22;
	s18 =	sor.u32 $0xA, s28;
	(xrf2) =	vadd.scan.msk.f32 $0xffff, v15  }
0x1d1: {  	s5 =	sshll.u32 s5, $0xC;
	s22 =	sand.u32 $0xFFFE, s18  }
0x1d2: {  	s16 =	sand.u32 $0x1FFFFF80, s16;
	s5 =	sand.u32 $0xF000, s5;
	s20 =	sshrl.u32 s22, $0x1  }
0x1d3: {  	s16 =	sadd.s32 s2, s16;
	s22 =	sor.u32 $0x800, s5;
	s20 =	smul.u32 $0x4925, s20  }
0x1d4: {  	[tilespmem:s22], [sflag:$0x1] =	stream.strided.gather [hbm4b:s16+s10], $0x1000, s11, s10, $0x38;
	[tilespmem:$0x1CC00] =	vst v63  }
0x1d5: {  	s17 =	sand.u32 $0x1FFFFF80, s17;
	s20 =	sshrl.u32 s20, $0x11  }
0x1d6: {  	s5 =	sadd.s32 $0xE800, s5;
	s16 =	sadd.s32 s3, s17;
	s17 =	smul.u32 $0xE, s20  }
0x1d7: {  	[tilespmem:s5], [sflag:$0x1] =	stream.strided.gather [hbm4b:s16+s10], $0x1000, s11, s10, $0x38;
	[tilespmem:$0x1CC00] =	vst v63  }
0x1d8: {  	s22 =	ssub.s32 s18, s17  }
0x1d9: {  	s5 =	sand.u32 $0xFFFF, s22  }
0x1da: {  	s5 =	sshll.u32 s5, $0xC;
	v15, _, _ =	vpop (xrf2)  }
0x1db: {  	s6 =	sand.u32 $0x7F, s6;
	v28 =	vor.u32 s5, v0;
	_ =	swait.ge [sflag:s21], $0x1000  }
0x1dc: {  	v30 =	vor.u32 s5, v1;
	v29 =	vor.u32 s6, v28;
	[sflag:s21] =	ssyncset.done $0x0  }
0x1dd: {  	s16 =	sand.u32 $0x7F, s19;
	v19 =	vor.u32 s6, v30;
	[sflag:s21] =	ssyncadd.s32 $0xFFFFF000  }
0x1de: {  	v16 =	vor.u32 s16, v28;
	_ =	swait.ge [sflag:s21], $0x1000  }
0x1df: {  	v18 =	vor.u32 s16, v30;
	[sflag:s21] =	ssyncset.done $0x0  }
0x1e0: {  	[sflag:s21] =	ssyncadd.s32 $0xFFFFF000  }
0x1e1: {  	(v2sf) =	vpush v7, $0x9;
	v17 =	vld.idx.msk [tilespmem:v29+s12+$0x0], $0xffff  }
0x1e2: {  	(v2sf) =	vpush v7, $0x8;
	v19 =	vld.idx.msk [tilespmem:v19+s12+$0x0], $0xffff  }
0x1e3: {  	v16 =	vld.idx.msk [tilespmem:v16+s13+$0x0], $0xffff;
	(v2sf) =	vpush v8, $0x9  }
0x1e4: {  	v18 =	vld.idx.msk [tilespmem:v18+s13+$0x0], $0xffff;
	(v2sf) =	vpush v8, $0x8;
	_ =	sdelay $0x4  }
0x1e5: {  	s17 =	sadd.s32 $0x18, s28;
	v16 =	vmul.f32 v16, v17;
	v31 =	vmul.f32 v18, v19  }
0x1e6: {  	s18 =	sand.u32 $0xFFFE, s17  }
0x1e7: {  	s6 =	sshrl.u32 s18, $0x1;
	v16 =	vadd.f32 v31, v16  }
0x1e8: {  	s6 =	smul.u32 $0x4925, s6  }
0x1e9: {  	(xrf2) =	vadd.scan.msk.f32 $0xffff, v16  }
0x1ea: {  	s6 =	sshrl.u32 s6, $0x10  }
0x1eb: {  	s6 =	sand.u32 $0xE, s6  }
0x1ec: {  	s5 =	sadd.s32 s6, s17;
	s16 =	spop (v2sf)  }
0x1ed: {  	s5 =	sshll.u32 s5, $0xC;
	s19 =	spop (v2sf)  }
0x1ee: {  	s5 =	sand.u32 $0xF000, s5;
	s6 =	sand.u32 $0x1FFFFF80, s19;
	s17 =	spop (v2sf)  }
0x1ef: {  	s20 =	sor.u32 $0x800, s5;
	s6 =	sadd.s32 s2, s6;
	s22 =	spop (v2sf)  }
0x1f0: {  	[tilespmem:s20], [sflag:$0x1] =	stream.strided.gather [hbm4b:s6+s10], $0x1000, s11, s10, $0x38;
	[tilespmem:$0x1CC00] =	vst v63  }
0x1f1: {  	s6 =	sand.u32 $0x1FFFFF80, s22  }
0x1f2: {  	s5 =	sadd.s32 $0xE800, s5;
	s6 =	sadd.s32 s3, s6  }
0x1f3: {  	v16, _, _ =	vpop (xrf2);
	[tilespmem:s5], [sflag:$0x1] =	stream.strided.gather [hbm4b:s6+s10], $0x1000, s11, s10, $0x38;
	[tilespmem:$0x1CC00] =	vst v63  }
0x1f4: {  	_ =	swait.ge [sflag:s21], $0x1000  }
0x1f5: {  	[sflag:s21] =	ssyncset.done $0x0  }
0x1f6: {  	[sflag:s21] =	ssyncadd.s32 $0xFFFFF000  }
0x1f7: {  	_ =	swait.ge [sflag:s21], $0x1000  }
0x1f8: {  	(v2sf) =	vpush v4, $0xC  }
0x1f9: {  	(v2sf) =	vpush v4, $0xB  }
0x1fa: {  	(v2sf) =	vpush v5, $0xC  }
0x1fb: {  	(v2sf) =	vpush v5, $0xB;
	_ =	sdelay $0x2  }
0x1fc: {  	s18 =	sor.u32 $0xB, s28  }
0x1fd: {  	s19 =	sand.u32 $0xFFFE, s18  }
0x1fe: {  	s6 =	sshrl.u32 s19, $0x1  }
0x1ff: {  	s6 =	smul.u32 $0x4925, s6;
	_ =	sdelay $0x1  }
0x200: {  	s6 =	sshrl.u32 s6, $0x11  }
0x201: {  	s6 =	smul.u32 $0xE, s6;
	_ =	sdelay $0x1  }
0x202: {  	s5 =	ssub.s32 s18, s6  }
0x203: {  	s5 =	sand.u32 $0xFFFF, s5;
	s6 =	spop (v2sf)  }
0x204: {  	s5 =	sshll.u32 s5, $0xC;
	s20 =	spop (v2sf)  }
0x205: {  	v32 =	vor.u32 s5, v0;
	s19 =	spop (v2sf);
	s18 =	sand.u32 $0x7F, s20  }
0x206: {  	v34 =	vor.u32 s5, v1;
	s22 =	spop (v2sf);
	v33 =	vor.u32 s18, v32  }
0x207: {  	v20 =	vor.u32 s18, v34;
	s20 =	sand.u32 $0x7F, s22  }
0x208: {  	v17 =	vor.u32 s20, v32  }
0x209: {  	[sflag:s21] =	ssyncset.done $0x0;
	v19 =	vor.u32 s20, v34  }
0x20a: {  	[sflag:s21] =	ssyncadd.s32 $0xFFFFF000  }
0x20b: {  	v18 =	vld.idx.msk [tilespmem:v33+s12+$0x0], $0xffff  }
0x20c: {  	v20 =	vld.idx.msk [tilespmem:v20+s12+$0x0], $0xffff  }
0x20d: {  	v17 =	vld.idx.msk [tilespmem:v17+s13+$0x0], $0xffff  }
0x20e: {  	v19 =	vld.idx.msk [tilespmem:v19+s13+$0x0], $0xffff;
	_ =	sdelay $0x1  }
0x20f: {  	s22 =	sadd.s32 $0x19, s28  }
0x210: {  	s20 =	sand.u32 $0xFFFE, s22  }
0x211: {  	s18 =	sshrl.u32 s20, $0x1  }
0x212: {  	s18 =	smul.u32 $0x4925, s18;
	v17 =	vmul.f32 v17, v18;
	v35 =	vmul.f32 v19, v20;
	_ =	sdelay $0x1  }
0x213: {  	s18 =	sshrl.u32 s18, $0x10;
	v17 =	vadd.f32 v35, v17  }
0x214: {  	s18 =	sand.u32 $0xE, s18  }
0x215: {  	s5 =	sadd.s32 s18, s22;
	s18 =	sor.u32 $0xC, s28;
	(xrf2) =	vadd.scan.msk.f32 $0xffff, v17  }
0x216: {  	s5 =	sshll.u32 s5, $0xC;
	s22 =	sand.u32 $0xFFFE, s18  }
0x217: {  	s16 =	sand.u32 $0x1FFFFF80, s16;
	s5 =	sand.u32 $0xF000, s5;
	s20 =	sshrl.u32 s22, $0x1  }
0x218: {  	s16 =	sadd.s32 s2, s16;
	s22 =	sor.u32 $0x800, s5;
	s20 =	smul.u32 $0x4925, s20  }
0x219: {  	[tilespmem:s22], [sflag:$0x1] =	stream.strided.gather [hbm4b:s16+s10], $0x1000, s11, s10, $0x38;
	[tilespmem:$0x1CC00] =	vst v63  }
0x21a: {  	s17 =	sand.u32 $0x1FFFFF80, s17;
	s20 =	sshrl.u32 s20, $0x11  }
0x21b: {  	s5 =	sadd.s32 $0xE800, s5;
	s16 =	sadd.s32 s3, s17;
	s17 =	smul.u32 $0xE, s20  }
0x21c: {  	[tilespmem:s5], [sflag:$0x1] =	stream.strided.gather [hbm4b:s16+s10], $0x1000, s11, s10, $0x38;
	[tilespmem:$0x1CC00] =	vst v63  }
0x21d: {  	s22 =	ssub.s32 s18, s17  }
0x21e: {  	s5 =	sand.u32 $0xFFFF, s22  }
0x21f: {  	s5 =	sshll.u32 s5, $0xC;
	v17, _, _ =	vpop (xrf2)  }
0x220: {  	s6 =	sand.u32 $0x7F, s6;
	v36 =	vor.u32 s5, v0;
	_ =	swait.ge [sflag:s21], $0x1000  }
0x221: {  	v38 =	vor.u32 s5, v1;
	v37 =	vor.u32 s6, v36;
	[sflag:s21] =	ssyncset.done $0x0  }
0x222: {  	s16 =	sand.u32 $0x7F, s19;
	v21 =	vor.u32 s6, v38;
	[sflag:s21] =	ssyncadd.s32 $0xFFFFF000  }
0x223: {  	v18 =	vor.u32 s16, v36;
	_ =	swait.ge [sflag:s21], $0x1000  }
0x224: {  	v20 =	vor.u32 s16, v38;
	[sflag:s21] =	ssyncset.done $0x0;
	(v2sf) =	vpush v7, $0xB  }
0x225: {  	[sflag:s21] =	ssyncadd.s32 $0xFFFFF000;
	(v2sf) =	vpush v7, $0xA  }
0x226: {  	v19 =	vld.idx.msk [tilespmem:v37+s12+$0x0], $0xffff  }
0x227: {  	v21 =	vld.idx.msk [tilespmem:v21+s12+$0x0], $0xffff  }
0x228: {  	v18 =	vld.idx.msk [tilespmem:v18+s13+$0x0], $0xffff  }
0x229: {  	v20 =	vld.idx.msk [tilespmem:v20+s13+$0x0], $0xffff;
	(v2sf) =	vpush v8, $0xB  }
0x22a: {  	(v2sf) =	vpush v8, $0xA;
	_ =	sdelay $0x1  }
0x22b: {  	s17 =	sadd.s32 $0x1A, s28  }
0x22c: {  	s18 =	sand.u32 $0xFFFE, s17  }
0x22d: {  	s6 =	sshrl.u32 s18, $0x1;
	v18 =	vmul.f32 v18, v19;
	v39 =	vmul.f32 v20, v21  }
0x22e: {  	s6 =	smul.u32 $0x4925, s6  }
0x22f: {  	v18 =	vadd.f32 v39, v18  }
0x230: {  	s6 =	sshrl.u32 s6, $0x10  }
0x231: {  	s6 =	sand.u32 $0xE, s6;
	(xrf2) =	vadd.scan.msk.f32 $0xffff, v18  }
0x232: {  	s5 =	sadd.s32 s6, s17;
	s6 =	spop (v2sf)  }
0x233: {  	s5 =	sshll.u32 s5, $0xC;
	s19 =	spop (v2sf)  }
0x234: {  	s5 =	sand.u32 $0xF000, s5;
	s16 =	sand.u32 $0x1FFFFF80, s19  }
0x235: {  	s20 =	sor.u32 $0x800, s5;
	s16 =	sadd.s32 s2, s16  }
0x236: {  	[tilespmem:s20], [sflag:$0x1] =	stream.strided.gather [hbm4b:s16+s10], $0x1000, s11, s10, $0x38;
	[tilespmem:$0x1CC00] =	vst v63  }
0x237: {  	s16 =	spop (v2sf)  }
0x238: {  	s22 =	spop (v2sf)  }
0x239: {  	s17 =	sand.u32 $0x1FFFFF80, s22  }
0x23a: {  	s5 =	sadd.s32 $0xE800, s5;
	s17 =	sadd.s32 s3, s17  }
0x23b: {  	v18, _, _ =	vpop (xrf2);
	[tilespmem:s5], [sflag:$0x1] =	stream.strided.gather [hbm4b:s17+s10], $0x1000, s11, s10, $0x38;
	[tilespmem:$0x1CC00] =	vst v63  }
0x23c: {  	_ =	swait.ge [sflag:s21], $0x1000  }
0x23d: {  	[sflag:s21] =	ssyncset.done $0x0  }
0x23e: {  	[sflag:s21] =	ssyncadd.s32 $0xFFFFF000  }
0x23f: {  	_ =	swait.ge [sflag:s21], $0x1000  }
0x240: {  	(v2sf) =	vpush v4, $0xD;
	_ =	sdelay $0x1  }
0x241: {  	(v2sf) =	vpush v5, $0xD;
	_ =	sdelay $0x2  }
0x242: {  	s18 =	sor.u32 $0xD, s28  }
0x243: {  	s19 =	sand.u32 $0xFFFE, s18  }
0x244: {  	s17 =	sshrl.u32 s19, $0x1  }
0x245: {  	s17 =	smul.u32 $0x4925, s17;
	_ =	sdelay $0x1  }
0x246: {  	s17 =	sshrl.u32 s17, $0x11  }
0x247: {  	s17 =	smul.u32 $0xE, s17;
	_ =	sdelay $0x1  }
0x248: {  	s5 =	ssub.s32 s18, s17  }
0x249: {  	s5 =	sand.u32 $0xFFFF, s5  }
0x24a: {  	s5 =	sshll.u32 s5, $0xC;
	s20 =	spop (v2sf)  }
0x24b: {  	v40 =	vor.u32 s5, v0;
	s17 =	sand.u32 $0x7F, s20  }
0x24c: {  	v42 =	vor.u32 s5, v1;
	s22 =	spop (v2sf);
	v41 =	vor.u32 s17, v40  }
0x24d: {  	s18 =	sand.u32 $0x7F, s22;
	v43 =	vor.u32 s17, v42  }
0x24e: {  	v4 =	vor.u32 s18, v40  }
0x24f: {  	[sflag:s21] =	ssyncset.done $0x0;
	v19 =	vor.u32 s18, v42  }
0x250: {  	[sflag:s21] =	ssyncadd.s32 $0xFFFFF000  }
0x251: {  	v5 =	vld.idx.msk [tilespmem:v41+s12+$0x0], $0xffff  }
0x252: {  	v20 =	vld.idx.msk [tilespmem:v43+s12+$0x0], $0xffff  }
0x253: {  	v4 =	vld.idx.msk [tilespmem:v4+s13+$0x0], $0xffff  }
0x254: {  	v19 =	vld.idx.msk [tilespmem:v19+s13+$0x0], $0xffff;
	_ =	sdelay $0x4  }
0x255: {  	v4 =	vmul.f32 v4, v5;
	v44 =	vmul.f32 v19, v20  }
0x256: {  	s19 =	sadd.s32 $0x1B, s28  }
0x257: {  	s20 =	sand.u32 $0xFFFE, s19;
	v4 =	vadd.f32 v44, v4  }
0x258: {  	s17 =	sshrl.u32 s20, $0x1  }
0x259: {  	s17 =	smul.u32 $0x4925, s17;
	(xrf2) =	vadd.scan.msk.f32 $0xffff, v4;
	_ =	sdelay $0x1  }
0x25a: {  	s17 =	sshrl.u32 s17, $0x10  }
0x25b: {  	s17 =	sand.u32 $0xE, s17  }
0x25c: {  	s5 =	sadd.s32 s17, s19  }
0x25d: {  	s5 =	sshll.u32 s5, $0xC  }
0x25e: {  	s6 =	sand.u32 $0x1FFFFF80, s6;
	s5 =	sand.u32 $0xF000, s5  }
0x25f: {  	s6 =	sadd.s32 s2, s6;
	s16 =	sand.u32 $0x1FFFFF80, s16;
	s22 =	sor.u32 $0x800, s5  }
0x260: {  	[tilespmem:s22], [sflag:$0x1] =	stream.strided.gather [hbm4b:s6+s10], $0x1000, s11, s10, $0x38;
	[tilespmem:$0x1CC00] =	vst v63  }
0x261: {  	s5 =	sadd.s32 $0xE800, s5;
	s6 =	sadd.s32 s3, s16  }
0x262: {  	[tilespmem:s5], [sflag:$0x1] =	stream.strided.gather [hbm4b:s6+s10], $0x1000, s11, s10, $0x38;
	v4, _, _ =	vpop (xrf2);
	[tilespmem:$0x1CC00] =	vst v63  }
0x263: {  	v45 =	vor.u32 s30, v0;
	s17 =	sand.u32 $0x7F, s31;
	_ =	swait.ge [sflag:s21], $0x1000  }
0x264: {  	v47 =	vor.u32 s30, v1;
	v46 =	vor.u32 s17, v45;
	[sflag:s21] =	ssyncset.done $0x0  }
0x265: {  	s0 =	sand.u32 $0x7F, s0;
	v48 =	vor.u32 s17, v47;
	[sflag:s21] =	ssyncadd.s32 $0xFFFFF000  }
0x266: {  	v5 =	vor.u32 s0, v45;
	_ =	swait.ge [sflag:s21], $0x1000  }
0x267: {  	v20 =	vor.u32 s0, v47;
	[sflag:s21] =	ssyncset.done $0x0  }
0x268: {  	[sflag:s21] =	ssyncadd.s32 $0xFFFFF000  }
0x269: {  	(v2sf) =	vpush v7, $0xD;
	v49 =	vld.idx.msk [tilespmem:v46+s12+$0x0], $0xffff  }
0x26a: {  	(v2sf) =	vpush v7, $0xC;
	v50 =	vld.idx.msk [tilespmem:v48+s12+$0x0], $0xffff  }
0x26b: {  	v5 =	vld.idx.msk [tilespmem:v5+s13+$0x0], $0xffff;
	(v2sf) =	vpush v8, $0xD  }
0x26c: {  	v20 =	vld.idx.msk [tilespmem:v20+s13+$0x0], $0xffff;
	(v2sf) =	vpush v8, $0xC;
	_ =	sdelay $0x4  }
0x26d: {  	s18 =	sadd.s32 $0x1C, s28;
	v5 =	vmul.f32 v5, v49;
	v51 =	vmul.f32 v20, v50  }
0x26e: {  	s19 =	sand.u32 $0xFFFE, s18  }
0x26f: {  	s5 =	sshrl.u32 s19, $0x1;
	v5 =	vadd.f32 v51, v5  }
0x270: {  	s5 =	smul.u32 $0x4925, s5  }
0x271: {  	(xrf2) =	vadd.scan.msk.f32 $0xffff, v5  }
0x272: {  	s5 =	sshrl.u32 s5, $0x10  }
0x273: {  	s5 =	sand.u32 $0xE, s5  }
0x274: {  	s0 =	sadd.s32 s5, s18;
	s30 =	spop (v2sf)  }
0x275: {  	s0 =	sshll.u32 s0, $0xC;
	s20 =	spop (v2sf)  }
0x276: {  	s22 =	sand.u32 $0xF000, s0;
	s5 =	sand.u32 $0x1FFFFF80, s20;
	s0 =	spop (v2sf)  }
0x277: {  	s31 =	sor.u32 $0x800, s22;
	s5 =	sadd.s32 s2, s5;
	s17 =	spop (v2sf)  }
0x278: {  	[tilespmem:s31], [sflag:$0x1] =	stream.strided.gather [hbm4b:s5+s10], $0x1000, s11, s10, $0x38;
	[tilespmem:$0x1CC00] =	vst v63  }
0x279: {  	s5 =	sand.u32 $0x1FFFFF80, s17  }
0x27a: {  	s6 =	sadd.s32 $0xE800, s22;
	s5 =	sadd.s32 s3, s5  }
0x27b: {  	v5, _, _ =	vpop (xrf2);
	[tilespmem:s6], [sflag:$0x1] =	stream.strided.gather [hbm4b:s5+s10], $0x1000, s11, s10, $0x38;
	[tilespmem:$0x1CC00] =	vst v63  }
0x27c: {  	v52 =	vor.u32 s1, v0;
	s18 =	sand.u32 $0x7F, s14;
	_ =	swait.ge [sflag:s21], $0x1000  }
0x27d: {  	s19 =	sand.u32 $0x7F, s15;
	v53 =	vor.u32 s18, v52;
	[sflag:s21] =	ssyncset.done $0x0  }
0x27e: {  	v54 =	vor.u32 s1, v1;
	v7 =	vor.u32 s19, v52;
	[sflag:s21] =	ssyncadd.s32 $0xFFFFF000  }
0x27f: {  	v55 =	vor.u32 s18, v54;
	_ =	swait.ge [sflag:s21], $0x1000  }
0x280: {  	v19 =	vor.u32 s19, v54;
	[sflag:s21] =	ssyncset.done $0x0  }
0x281: {  	[sflag:s21] =	ssyncadd.s32 $0xFFFFF000  }
0x282: {  	v8 =	vld.idx.msk [tilespmem:v53+s12+$0x0], $0xffff  }
0x283: {  	v7 =	vld.idx.msk [tilespmem:v7+s13+$0x0], $0xffff  }
0x284: {  	v20 =	vld.idx.msk [tilespmem:v55+s12+$0x0], $0xffff  }
0x285: {  	v19 =	vld.idx.msk [tilespmem:v19+s13+$0x0], $0xffff;
	_ =	sdelay $0x1  }
0x286: {  	v2 =	vbroadcast v2, $0xF;
	v3 =	vbroadcast v3, $0xF;
	_ =	sdelay $0x1  }
0x287: {  	v2 =	vsel vm0, v2, v3;
	v6 =	vbroadcast v6, $0xF;
	v3 =	vbroadcast v9, $0xF  }
0x288: {  	v7 =	vmul.f32 v7, v8;
	v56 =	vmul.f32 v19, v20  }
0x289: {  	v2 =	vsel vm1, v2, v6;
	v58 =	vbroadcast v10, $0xF  }
0x28a: {  	v2 =	vsel vm2, v2, v3;
	v3 =	vbroadcast v11, $0xF;
	s20 =	sadd.s32 $0x1D, s28;
	v57 =	vadd.f32 v56, v7  }
0x28b: {  	v2 =	vsel vm3, v2, v58;
	v59 =	vbroadcast v12, $0xF;
	s22 =	sand.u32 $0xFFFE, s20  }
0x28c: {  	v2 =	vsel vm4, v2, v3;
	v3 =	vbroadcast v13, $0xF;
	s5 =	sshrl.u32 s22, $0x1;
	(xrf2) =	vadd.scan.msk.f32 $0xffff, v57  }
0x28d: {  	v2 =	vsel vm5, v2, v59;
	v60 =	vbroadcast v14, $0xF;
	s5 =	smul.u32 $0x4925, s5  }
0x28e: {  	v2 =	vsel vm6, v2, v3;
	v3 =	vbroadcast v15, $0xF  }
0x28f: {  	v2 =	vsel vm7, v2, v60;
	v61 =	vbroadcast v16, $0xF;
	s5 =	sshrl.u32 s5, $0x10  }
0x290: {  	v2 =	vsel vm8, v2, v3;
	v3 =	vbroadcast v17, $0xF;
	s5 =	sand.u32 $0xE, s5  }
0x291: {  	v2 =	vsel vm9, v2, v61;
	s1 =	sadd.s32 s5, s20  }
0x292: {  	p0 =	sne.s32 s28, $0x1F0;
	v2 =	vsel vm10, v2, v3;
	v62 =	vbroadcast v18, $0xF;
	v3 =	vbroadcast v4, $0xF;
	s1 =	sshll.u32 s1, $0xC  }
0x293: {  	s30 =	sand.u32 $0x1FFFFF80, s30;
	s0 =	sand.u32 $0x1FFFFF80, s0;
	s1 =	sand.u32 $0xF000, s1  }
.Ltmp0:
0x294: {  	v2 =	vsel vm11, v2, v62;
	v63 =	vbroadcast v5, $0xF;
	s5 =	sadd.s32 s2, s30;
	s31 =	sor.u32 $0x800, s1;
	(pc) =	sbr.rel @p0 .LBB2_2-.Ltmp0, $4  }
0x295: {  	v2 =	vsel vm12, v2, v3;
	[tilespmem:s31], [sflag:$0x1] =	stream.strided.gather [hbm4b:s5+s10], $0x1000, s11, s10, $0x38;
	[tilespmem:$0x1CC00] =	vst v63  }
0x296: {  	s24 =	sadd.s32 $0x10, s24;
	s0 =	sadd.s32 s3, s0;
	v2 =	vsel vm13, v2, v63;
	s1 =	sadd.s32 $0xE800, s1;
	v3, _, _ =	vpop (xrf2)  }
0x297: {  	[tilespmem:s1], [sflag:$0x1] =	stream.strided.gather [hbm4b:s0+s10], $0x1000, s11, s10, $0x38;
	v2 =	vsel vm14, v2, v3;
	[tilespmem:$0x1CC00] =	vst v63  }
0x298: {  	s25 =	sadd.s32 $0x10, s25;
	s28 =	smov.u32 s29;
	[tilespmem:s26+$0x0] =	vst v2;
	s26 =	sadd.s32 $0x10, s26  }
0x299: {  	_ =	swait.ge [sflag:s21], $0x1000  }
0x29a: {  	[sflag:s21] =	ssyncset.done $0x0  }
0x29b: {  	[sflag:s21] =	ssyncadd.s32 $0xFFFFF000  }
0x29c: {  	_ =	swait.ge [sflag:s21], $0x1000  }
0x29d: {  	[sflag:s21] =	ssyncset.done $0x0  }
0x29e: {  	[sflag:s21] =	ssyncadd.s32 $0xFFFFF000  }
0x29f: {  	_ =	swait.ge [sflag:s21], $0x1000  }
0x2a0: {  	[sflag:s21] =	ssyncset.done $0x0  }
0x2a1: {  	[sflag:s21] =	ssyncadd.s32 $0xFFFFF000  }
0x2a2: {  	_ =	swait.ge [sflag:s21], $0x1000  }
0x2a3: {  	[sflag:s21] =	ssyncset.done $0x0  }
0x2a4: {  	[sflag:s21] =	ssyncadd.s32 $0xFFFFF000  }
0x2a5: {  	_ =	swait.ge [sflag:s21], $0x1000  }
0x2a6: {  	[sflag:s21] =	ssyncset.done $0x0  }
0x2a7: {  	[sflag:s21] =	ssyncadd.s32 $0xFFFFF000  }
0x2a8: {  	_ =	swait.ge [sflag:s21], $0x1000  }
0x2a9: {  	[sflag:s21] =	ssyncset.done $0x0  }
0x2aa: {  	[sflag:s21] =	ssyncadd.s32 $0xFFFFF000  }
0x2ab: {  	_ =	swait.ge [sflag:s21], $0x1000  }
0x2ac: {  	[sflag:s21] =	ssyncset.done $0x0  }
0x2ad: {  	[sflag:s21] =	ssyncadd.s32 $0xFFFFF000  }
0x2ae: {  	_ =	swait.ge [sflag:s21], $0x1000  }
0x2af: {  	[sflag:s21] =	ssyncset.done $0x0  }
0x2b0: {  	[sflag:s21] =	ssyncadd.s32 $0xFFFFF000  }
0x2b1: {  	_ =	swait.ge [sflag:s21], $0x1000  }
0x2b2: {  	[sflag:s21] =	ssyncset.done $0x0  }
0x2b3: {  	[sflag:s21] =	ssyncadd.s32 $0xFFFFF000  }
0x2b4: {  	_ =	swait.ge [sflag:s21], $0x1000  }
0x2b5: {  	[sflag:s21] =	ssyncset.done $0x0  }
0x2b6: {  	[sflag:s21] =	ssyncadd.s32 $0xFFFFF000  }
0x2b7: {  	_ =	swait.ge [sflag:s21], $0x1000  }
0x2b8: {  	[sflag:s21] =	ssyncset.done $0x0  }
0x2b9: {  	[sflag:s21] =	ssyncadd.s32 $0xFFFFF000  }
0x2ba: {  	_ =	swait.ge [sflag:s21], $0x1000  }
0x2bb: {  	[sflag:s21] =	ssyncset.done $0x0  }
0x2bc: {  	[sflag:s21] =	ssyncadd.s32 $0xFFFFF000  }
0x2bd: {  	_ =	swait.ge [sflag:s21], $0x1000  }
0x2be: {  	[sflag:s21] =	ssyncset.done $0x0  }
0x2bf: {  	[sflag:s21] =	ssyncadd.s32 $0xFFFFF000  }
0x2c0: {  	_ =	swait.ge [sflag:s21], $0x1000  }
0x2c1: {  	[sflag:s21] =	ssyncset.done $0x0  }
0x2c2: {  	[sflag:s21] =	ssyncadd.s32 $0xFFFFF000  }
0x2c3: {  	_ =	swait.ge [sflag:s21], $0x1000  }
0x2c4: {  	[sflag:s21] =	ssyncset.done $0x0  }
0x2c5: {  	[sflag:s21] =	ssyncadd.s32 $0xFFFFF000  }
0x2c6: {  	_ =	swait.ge [sflag:s21], $0x1000  }
0x2c7: {  	[sflag:s21] =	ssyncset.done $0x0  }
0x2c8: {  	[sflag:s21] =	ssyncadd.s32 $0xFFFFF000  }
0x2c9: {  	_ =	swait.ge [sflag:s21], $0x1000  }
0x2ca: {  	[sflag:s21] =	ssyncset.done $0x0  }
0x2cb: {  	[sflag:s21] =	ssyncadd.s32 $0xFFFFF000  }
0x2cc: {  	_ =	swait.ge [sflag:s21], $0x1000  }
0x2cd: {  	[sflag:s21] =	ssyncset.done $0x0  }
0x2ce: {  	[sflag:s21] =	ssyncadd.s32 $0xFFFFF000  }
0x2cf: {  	_ =	swait.ge [sflag:s21], $0x1000  }
0x2d0: {  	[sflag:s21] =	ssyncset.done $0x0  }
0x2d1: {  	[sflag:s21] =	ssyncadd.s32 $0xFFFFF000  }
0x2d2: {  	_ =	swait.ge [sflag:s21], $0x1000  }
0x2d3: {  	[sflag:s21] =	ssyncset.done $0x0  }
0x2d4: {  	[sflag:s21] =	ssyncadd.s32 $0xFFFFF000  }
0x2d5: {  	_ =	swait.ge [sflag:s21], $0x1000  }
0x2d6: {  	[sflag:s21] =	ssyncset.done $0x0  }
0x2d7: {  	[sflag:s21] =	ssyncadd.s32 $0xFFFFF000  }
0x2d8: {  	_ =	swait.ge [sflag:s21], $0x1000  }
0x2d9: {  	[sflag:s21] =	ssyncset.done $0x0  }
0x2da: {  	[sflag:s21] =	ssyncadd.s32 $0xFFFFF000  }
0x2db: {  	_ =	swait.ge [sflag:s21], $0x1000  }
0x2dc: {  	[sflag:s21] =	ssyncset.done $0x0  }
0x2dd: {  	[sflag:s21] =	ssyncadd.s32 $0xFFFFF000  }
0x2de: {  	_ =	swait.ge [sflag:s21], $0x1000  }
0x2df: {  	[sflag:s21] =	ssyncset.done $0x0  }
0x2e0: {  	[sflag:s21] =	ssyncadd.s32 $0xFFFFF000  }
0x2e1: {  	_ =	swait.ge [sflag:s21], $0x1000  }
0x2e2: {  	[sflag:s21] =	ssyncset.done $0x0  }
0x2e3: {  	[sflag:s21] =	ssyncadd.s32 $0xFFFFF000  }
0x2e4: {  	_ =	swait.ge [sflag:s21], $0x1000  }
0x2e5: {  	[sflag:s21] =	ssyncset.done $0x0  }
0x2e6: {  	[sflag:s21] =	ssyncadd.s32 $0xFFFFF000  }
0x2e7: {  	_ =	swait.ge [sflag:s21], $0x1000  }
0x2e8: {  	[sflag:s21] =	ssyncset.done $0x0  }
0x2e9: {  	[sflag:s21] =	ssyncadd.s32 $0xFFFFF000  }
0x2ea: {  	s23 =	sadd.s32 $0x1, s23;
	_ =	swait.ge [sflag:s21], $0x1000  }
0x2eb: {  	p0 =	sne.s32 s23, s8;
	[sflag:s21] =	ssyncset.done $0x0  }
.Ltmp1:
0x2ec: {  	s0 =	simm.s32 $0x1C800;
	[sflag:s21] =	ssyncadd.s32 $0xFFFFF000;
	(pc) =	sbr.rel @p0 .LBB2_1-.Ltmp1, $4  }
0x2ed: {  	[hbm4b:s7+s4] =	stream.linear.scatter [tilespmem:s0], [sflag:$0x2], $0x400, $0x38;
	[tilespmem:$0x1CC00] =	vst v63  }
0x2ee: {  	_ =	swait.ge [sflag:s9], $0x400  }
0x2ef: {  	[sflag:s9] =	ssyncset.done $0x0  }
0x2f0: {  	[sflag:s9] =	ssyncadd.s32 $0xFFFFFC00  }
0x2f1: {  	_ =	sfence.sel $0x180000  }
0x2f2: {  	[bflag:$0x0] =	sbarrier.arrive $0xFFFF  }
0x2f3: {  	_ =	strace $0x90000047  }
0x2f4: {  	s0 =	stileid.u32;
	[bflag:$0x2] =	sbarrier.arrive $0xFFFF  }
0x2f5: {  	p0 =	sne.s32 s0, $0x0;
	s0 =	rddreg [dreg:$0x3]  }
0x2f6: {  	s0 =	sadd.s32 @!p0 $0x100000, s0  }
0x2f7: {  	[sflag:s0] =	ssyncadd.tile.s32 @!p0 $0x1;
	_ =	shalt  }
.Lfunc_end2:
_tile_overlayer_lowered:
.L_overlay_start_2:
0x2f8: {  	(tag) =	ssettag $0x2  }
0x2f9: {  	s0 =	rddreg [dreg:$0x0];
	s2 =	stileid.u32  }
0x2fa: {  	s1 =	rddreg [dreg:$0x1];
	p0 =	sne.s32 s2, $0x0  }
0x2fb: {  	s3 =	rddreg [dreg:$0x2];
	[bflag:$0x3] =	sbarrier.arrive $0xFFFF;
	s2 =	simm.s32 @!p0 $0x1C02  }
0x2fc: {  	[timem:s3], [sflag:s2] =	dma.local @!p0 [hbm:s0], s1  }
0x2fd: {  	s0 =	simm.s32 @!p0 $0x2  }
0x2fe: {  	_ =	swait.ge @!p0 [sflag:s0], s1  }
0x2ff: {  	s1 =	ssub.s32 @!p0 $0x0, s1;
	[sflag:s0] =	ssyncset.done @!p0 $0x0  }
0x300: {  	[sflag:s0] =	ssyncadd.s32 @!p0 s1  }
0x301: {  	[bflag:$0x3] =	sbarrier.arrive $0xFFFF  }
0x302: {  	_ =	shalt  }

</sc_bundles>
